<compile_context>
chip_gen: v7x
topology: tpu7x:2x2x1
jax: 0.10.2.dev20260603
libtpu: 0.0.44.dev20260713+nightly
codegen_flags: <defaults>
</compile_context>

<pallas_src>
import functools

import jax
import jax.numpy as jnp
from jax import lax
from jax.experimental import pallas as pl
from jax.experimental.pallas import tpu as pltpu
from jax.experimental.pallas import tpu_sc as plsc

NUM_ENTITIES = 50000
NUM_RELATIONS = 1000
EMBED_DIM = 64
MAX_ACTIONS = 256
BATCH = 1024

NUM_WORKERS = 32
BPW = BATCH // NUM_WORKERS
QTR = 64
UNITS = BPW * 4
PAD_D = 128
GRP = 8
NGRP = BPW // GRP
UPG = 4 * GRP
AHEAD = 3


def _body(ent_hbm, relf_hbm, mask_hbm, head_hbm, rsp_hbm, esp_hbm, out_hbm,
          rel_v, head_v, rsp_v, esp_v, msk_v, eemb_v, out_v,
          gsem, hsem, wsem0, wsem1):
    cid = lax.axis_index("c")
    sid = lax.axis_index("s")
    wid = sid * 2 + cid
    base = wid * BPW
    wsems = (wsem0, wsem1)

    pltpu.sync_copy(relf_hbm, rel_v)
    pltpu.sync_copy(head_hbm.at[pl.ds(base, BPW)], head_v)

    def issue_rows(k):
        kb = lax.rem(k, 2)
        idx = head_v.at[pl.ds(pl.multiple_of(k * GRP, GRP), GRP)]
        pltpu.async_copy(rsp_hbm.at[idx], rsp_v.at[kb], hsem)
        pltpu.async_copy(esp_hbm.at[idx], esp_v.at[kb], hsem)
        pltpu.async_copy(mask_hbm.at[idx], msk_v.at[kb], hsem)

    def wait_rows():
        for _ in range(3):
            pltpu.make_async_copy(rsp_hbm.at[head_v.at[pl.ds(0, GRP)]],
                                  rsp_v.at[0], hsem).wait()

    def issue_ent(u):
        i = u // 4
        q = lax.rem(u, 4)
        kb = lax.rem(i // GRP, 2)
        j = lax.rem(i, GRP)
        pltpu.async_copy(
            ent_hbm.at[esp_v.at[kb, j, pl.ds(q * QTR, QTR)]],
            eemb_v.at[lax.rem(u, 4)], gsem)

    def wait_ent(eb):
        pltpu.make_async_copy(ent_hbm.at[esp_v.at[0, 0, pl.ds(0, QTR)]],
                              eemb_v.at[eb], gsem).wait()

    def compute_qtr(kb, j, q, eb, ob):
        def grp_body(g, _):
            a0 = pl.multiple_of(q * QTR + g * 16, 16)
            mvec = msk_v[kb, j, pl.ds(a0, 16)]
            rvec = rsp_v[kb, j, pl.ds(a0, 16)] * EMBED_DIM
            for l in range(16):
                row = g * 16 + l
                mv = jnp.full((16,), mvec[l], dtype=jnp.float32)
                r64 = rvec[l]
                for c in range(4):
                    rr = rel_v[pl.ds(r64 + c * 16, 16)]
                    ee = eemb_v[eb, row, pl.ds(c * 16, 16)]
                    out_v[ob, row, pl.ds(c * 16, 16)] = rr * mv
                    out_v[ob, row, pl.ds(EMBED_DIM + c * 16, 16)] = ee * mv
            return _

        lax.fori_loop(0, QTR // 16, grp_body, None)

    def start_write(i, q, ob):
        pltpu.async_copy(
            out_v.at[ob],
            out_hbm.at[base + i, pl.ds(q * QTR, QTR)],
            wsems[ob])

    def wait_write(ob):
        pltpu.make_async_copy(out_v.at[ob], out_hbm.at[0, pl.ds(0, QTR)],
                              wsems[ob]).wait()

    issue_rows(0)
    wait_rows()
    issue_rows(1)
    for u in range(AHEAD):
        issue_ent(u)

    def step(t, carry):
        for ob in range(2):
            u = 2 * t + ob
            i = u // 4
            q = lax.rem(u, 4)
            kb = lax.rem(i // GRP, 2)
            j = lax.rem(i, GRP)

            nu = u + AHEAD

            @pl.when(nu < UNITS)
            def _():
                r = lax.rem(nu, UPG)

                @pl.when(jnp.logical_and(r == 0, nu >= UPG))
                def _():
                    wait_rows()

                @pl.when(jnp.logical_and(r == UPG // 2,
                                         nu // UPG + 1 < NGRP))
                def _():
                    issue_rows(nu // UPG + 1)

                issue_ent(nu)

            wait_ent(lax.rem(u, 4))

            @pl.when(u >= 2)
            def _():
                wait_write(ob)

            compute_qtr(kb, j, q, lax.rem(u, 4), ob)
            start_write(i, q, ob)
        return carry

    lax.fori_loop(0, UNITS // 2, step, None)
    wait_write(0)
    wait_write(1)


@jax.jit
def _sc_call(ent_pad, rel_flat, action_mask, head, r_space, e_space):
    mesh = plsc.VectorSubcoreMesh(core_axis_name="c", subcore_axis_name="s")
    run = pl.kernel(
        _body,
        out_type=jax.ShapeDtypeStruct((BATCH, MAX_ACTIONS, 2 * EMBED_DIM),
                                      jnp.float32),
        mesh=mesh,
        scratch_types=[
            pltpu.VMEM((NUM_RELATIONS * EMBED_DIM,), jnp.float32),
            pltpu.VMEM((BPW,), jnp.int32),
            pltpu.VMEM((2, GRP, MAX_ACTIONS), jnp.int32),
            pltpu.VMEM((2, GRP, MAX_ACTIONS), jnp.int32),
            pltpu.VMEM((2, GRP, MAX_ACTIONS), jnp.float32),
            pltpu.VMEM((4, QTR, PAD_D), jnp.float32),
            pltpu.VMEM((2, QTR, 2 * EMBED_DIM), jnp.float32),
            pltpu.SemaphoreType.DMA,
            pltpu.SemaphoreType.DMA,
            pltpu.SemaphoreType.DMA,
            pltpu.SemaphoreType.DMA,
        ],
    )
    return run(ent_pad, rel_flat, action_mask, head, r_space, e_space)


def kernel(entity_table, relation_table, action_mask, head, r_space, e_space):
    head = head.astype(jnp.int32)
    ent_pad = jnp.pad(entity_table, ((0, 0), (0, PAD_D - EMBED_DIM)))
    rel_flat = relation_table.reshape(-1)
    return _sc_call(ent_pad, rel_flat, action_mask, head, r_space, e_space)

# --- scband reference (transcript-rebuilt; emitter-appended) ---
"""Pipeline reference for scband-kgenvironment-44753559224737 (READ-ONLY COPY).

The authoritative reference and input builder live on the scoring server;
editing this copy changes nothing except your own understanding.
"""

import jax, jax.numpy as jnp
import numpy as np

NUM_ENTITIES = 50000
NUM_RELATIONS = 1000
EMBED_DIM = 64
MAX_ACTIONS = 256
BATCH = 1024


def setup_inputs(seed: int = 0) -> dict:
    key = jax.random.key(seed)
    k1, k2, k3, k4, k5, k6 = jax.random.split(key, 6)
    entity_table = jax.random.normal(k1, (NUM_ENTITIES, EMBED_DIM), dtype=jnp.float32)
    relation_table = jax.random.normal(k2, (NUM_RELATIONS, EMBED_DIM), dtype=jnp.float32)
    # padded per-entity action space buffers (as built by vectorize_action_space)
    action_mask = jax.random.uniform(k3, (NUM_ENTITIES, MAX_ACTIONS), dtype=jnp.float32)
    head = jax.random.randint(k4, (BATCH,), 0, NUM_ENTITIES, dtype=jnp.int64) if jax.config.jax_enable_x64 else jax.random.randint(k4, (BATCH,), 0, NUM_ENTITIES, dtype=jnp.int32)
    r_space = jax.random.randint(k5, (NUM_ENTITIES, MAX_ACTIONS), 0, NUM_RELATIONS, dtype=jnp.int32)
    e_space = jax.random.randint(k6, (NUM_ENTITIES, MAX_ACTIONS), 0, NUM_ENTITIES, dtype=jnp.int32)
    return {
        "entity_table": entity_table,
        "relation_table": relation_table,
        "action_mask": action_mask,
        "head": head,
        "r_space": r_space,
        "e_space": e_space,
    }


def reference(entity_table, relation_table, action_mask, head, r_space, e_space):
    # KGEnvironment.get_action_space: gather padded action space rows for batch heads
    r_b = jnp.take(r_space, head, axis=0)            # [B, A] relation ids
    e_b = jnp.take(e_space, head, axis=0)            # [B, A] tail entity ids
    m_b = jnp.take(action_mask, head, axis=0)        # [B, A] padding mask
    # get_relation_embeddings / get_entity_embeddings: embedding lookups
    r_emb = jnp.take(relation_table, r_b, axis=0)    # [B, A, D]
    e_emb = jnp.take(entity_table, e_b, axis=0)      # [B, A, D]
    # mask out padded action slots
    out = jnp.concatenate([r_emb, e_emb], axis=-1) * m_b[..., None]  # [B, A, 2D]
    return out

if __name__ == "__main__":
    import jax
    _d = setup_inputs()
    print(jax.jit(kernel)(*tuple(_d.values())))

</pallas_src>

<mosaic_0001>
#map = affine_map<(d0, d1) -> (0, 0)>
#map1 = affine_map<(d0, d1) -> (0)>
#map2 = affine_map<(d0, d1) -> (0, 0, 0)>
module attributes {stable_mosaic.version = 14 : i64} {
  func.func @_body(%arg0: i32, %arg1: i32, %arg2: memref<50000x128xf32, #tpu.memory_space<hbm>>, %arg3: memref<64000xf32, #tpu.memory_space<hbm>>, %arg4: memref<50000x256xf32, #tpu.memory_space<hbm>>, %arg5: memref<1024xi32, #tpu.memory_space<hbm>>, %arg6: memref<50000x256xi32, #tpu.memory_space<hbm>>, %arg7: memref<50000x256xi32, #tpu.memory_space<hbm>>, %arg8: memref<1024x256x128xf32, #tpu.memory_space<hbm>>, %arg9: memref<64000xf32, #tpu.memory_space<vmem>>, %arg10: memref<32xi32, #tpu.memory_space<vmem>>, %arg11: memref<2x8x256xi32, #tpu.memory_space<vmem>>, %arg12: memref<2x8x256xi32, #tpu.memory_space<vmem>>, %arg13: memref<2x8x256xf32, #tpu.memory_space<vmem>>, %arg14: memref<4x64x128xf32, #tpu.memory_space<vmem>>, %arg15: memref<2x64x128xf32, #tpu.memory_space<vmem>>, %arg16: memref<!tpu.dma_semaphore, #tpu.memory_space<semaphore_mem>>, %arg17: memref<!tpu.dma_semaphore, #tpu.memory_space<semaphore_mem>>, %arg18: memref<!tpu.dma_semaphore, #tpu.memory_space<semaphore_mem>>, %arg19: memref<!tpu.dma_semaphore, #tpu.memory_space<semaphore_mem>>) attributes {dimension_semantics = [#tpu.dimension_semantics<core_parallel>, #tpu.dimension_semantics<subcore_parallel>], iteration_bounds = array<i64: 2, 16>, scalar_prefetch = 0 : i64, scratch_operands = 11 : i64, tpu.core_type = #tpu.core_type<sc_vector_subcore>, window_params = [{transform_indices = #map}, {transform_indices = #map1}, {transform_indices = #map}, {transform_indices = #map1}, {transform_indices = #map}, {transform_indices = #map}, {transform_indices = #map2}]} {
    %mul3A = arith.constant 2 : i32
    %mul3A_0 = arith.muli %arg1, %mul3A : i32
    %add3A = arith.addi %mul3A_0, %arg0 : i32
    %mul3A_1 = arith.constant 32 : i32
    %mul3A_2 = arith.muli %add3A, %mul3A_1 : i32
    "tpu.region"() ({
      %run_scoped3A = tpu.sem_alloc : memref<!tpu.dma_semaphore, #tpu.memory_space<semaphore_mem>>
      tpu.enqueue_dma source(%arg3 : memref<64000xf32, #tpu.memory_space<hbm>>) target(%arg9 : memref<64000xf32, #tpu.memory_space<vmem>>) target_semaphore(%run_scoped3A : memref<!tpu.dma_semaphore, #tpu.memory_space<semaphore_mem>>)
      tpu.wait_dma2 semaphore(%run_scoped3A : memref<!tpu.dma_semaphore, #tpu.memory_space<semaphore_mem>>) src(%arg3 : memref<64000xf32, #tpu.memory_space<hbm>>) dst(%arg9 : memref<64000xf32, #tpu.memory_space<vmem>>)
      tpu.yield
    }) : () -> ()
    "tpu.region"() ({
      %run_scoped3A = tpu.sem_alloc : memref<!tpu.dma_semaphore, #tpu.memory_space<semaphore_mem>>
      %dma_start3A_196 = tpu.memref_slice %arg5[%mul3A_2] : memref<1024xi32, #tpu.memory_space<hbm>> -> memref<32xi32, #tpu.memory_space<hbm>>
      %dma_start3A_197 = tpu.memref_slice %arg5[%mul3A_2] : memref<1024xi32, #tpu.memory_space<hbm>> -> memref<32xi32, #tpu.memory_space<hbm>>
      tpu.enqueue_dma source(%dma_start3A_197 : memref<32xi32, #tpu.memory_space<hbm>>) target(%arg10 : memref<32xi32, #tpu.memory_space<vmem>>) target_semaphore(%run_scoped3A : memref<!tpu.dma_semaphore, #tpu.memory_space<semaphore_mem>>)
      %dma_wait3A_198 = tpu.memref_slice %arg5[%mul3A_2] : memref<1024xi32, #tpu.memory_space<hbm>> -> memref<32xi32, #tpu.memory_space<hbm>>
      %dma_wait3A_199 = tpu.memref_slice %arg5[%mul3A_2] : memref<1024xi32, #tpu.memory_space<hbm>> -> memref<32xi32, #tpu.memory_space<hbm>>
      tpu.wait_dma2 semaphore(%run_scoped3A : memref<!tpu.dma_semaphore, #tpu.memory_space<semaphore_mem>>) src(%dma_wait3A_199 : memref<32xi32, #tpu.memory_space<hbm>>) dst(%arg10 : memref<32xi32, #tpu.memory_space<vmem>>)
      tpu.yield
    }) : () -> ()
    %rem3A = arith.constant 0 : i32
    %rem3A_3 = arith.constant 2 : i32
    %rem3A_4 = arith.remsi %rem3A, %rem3A_3 : i32
    %multiple_of3A = arith.constant 0 : i32
    %multiple_of3A_5 = tpu.assume_multiple %multiple_of3A, 8 : i32
    %dma_start3A = arith.constant 0 : i32
    %dma_start3A_6 = arith.constant 0 : i32
    %dma_start3A_7 = tpu.memref_slice %arg11[%rem3A_4, %dma_start3A, %dma_start3A_6] : memref<2x8x256xi32, #tpu.memory_space<vmem>> -> memref<1x8x256xi32, #tpu.memory_space<vmem>>
    %dma_start3A_8 = tpu.memref_squeeze %dma_start3A_7 : memref<1x8x256xi32, #tpu.memory_space<vmem>> -> memref<8x256xi32, #tpu.memory_space<vmem>>
    %dma_start3A_9 = tpu.memref_slice %arg10[%multiple_of3A_5] : memref<32xi32, #tpu.memory_space<vmem>> -> memref<8xi32, #tpu.memory_space<vmem>>
    %dma_start3A_10 = arith.constant 0 : i32
    %dma_start3A_11 = arith.constant 0 : i32
    %dma_start3A_12 = tpu.memref_slice %arg6[%dma_start3A_10, %dma_start3A_11] : memref<50000x256xi32, #tpu.memory_space<hbm>> -> memref<50000x256xi32, #tpu.memory_space<hbm>>
    tpu.enqueue_indirect_dma source(%dma_start3A_12 : memref<50000x256xi32, #tpu.memory_space<hbm>>) target(%dma_start3A_8 : memref<8x256xi32, #tpu.memory_space<vmem>>) offsets(%dma_start3A_9 : memref<8xi32, #tpu.memory_space<vmem>>) semaphore(%arg17 : memref<!tpu.dma_semaphore, #tpu.memory_space<semaphore_mem>>)
    %dma_start3A_13 = arith.constant 0 : i32
    %dma_start3A_14 = arith.constant 0 : i32
    %dma_start3A_15 = tpu.memref_slice %arg12[%rem3A_4, %dma_start3A_13, %dma_start3A_14] : memref<2x8x256xi32, #tpu.memory_space<vmem>> -> memref<1x8x256xi32, #tpu.memory_space<vmem>>
    %dma_start3A_16 = tpu.memref_squeeze %dma_start3A_15 : memref<1x8x256xi32, #tpu.memory_space<vmem>> -> memref<8x256xi32, #tpu.memory_space<vmem>>
    %dma_start3A_17 = tpu.memref_slice %arg10[%multiple_of3A_5] : memref<32xi32, #tpu.memory_space<vmem>> -> memref<8xi32, #tpu.memory_space<vmem>>
    %dma_start3A_18 = arith.constant 0 : i32
    %dma_start3A_19 = arith.constant 0 : i32
    %dma_start3A_20 = tpu.memref_slice %arg7[%dma_start3A_18, %dma_start3A_19] : memref<50000x256xi32, #tpu.memory_space<hbm>> -> memref<50000x256xi32, #tpu.memory_space<hbm>>
    tpu.enqueue_indirect_dma source(%dma_start3A_20 : memref<50000x256xi32, #tpu.memory_space<hbm>>) target(%dma_start3A_16 : memref<8x256xi32, #tpu.memory_space<vmem>>) offsets(%dma_start3A_17 : memref<8xi32, #tpu.memory_space<vmem>>) semaphore(%arg17 : memref<!tpu.dma_semaphore, #tpu.memory_space<semaphore_mem>>)
    %dma_start3A_21 = arith.constant 0 : i32
    %dma_start3A_22 = arith.constant 0 : i32
    %dma_start3A_23 = tpu.memref_slice %arg13[%rem3A_4, %dma_start3A_21, %dma_start3A_22] : memref<2x8x256xf32, #tpu.memory_space<vmem>> -> memref<1x8x256xf32, #tpu.memory_space<vmem>>
    %dma_start3A_24 = tpu.memref_squeeze %dma_start3A_23 : memref<1x8x256xf32, #tpu.memory_space<vmem>> -> memref<8x256xf32, #tpu.memory_space<vmem>>
    %dma_start3A_25 = tpu.memref_slice %arg10[%multiple_of3A_5] : memref<32xi32, #tpu.memory_space<vmem>> -> memref<8xi32, #tpu.memory_space<vmem>>
    %dma_start3A_26 = arith.constant 0 : i32
    %dma_start3A_27 = arith.constant 0 : i32
    %dma_start3A_28 = tpu.memref_slice %arg4[%dma_start3A_26, %dma_start3A_27] : memref<50000x256xf32, #tpu.memory_space<hbm>> -> memref<50000x256xf32, #tpu.memory_space<hbm>>
    tpu.enqueue_indirect_dma source(%dma_start3A_28 : memref<50000x256xf32, #tpu.memory_space<hbm>>) target(%dma_start3A_24 : memref<8x256xf32, #tpu.memory_space<vmem>>) offsets(%dma_start3A_25 : memref<8xi32, #tpu.memory_space<vmem>>) semaphore(%arg17 : memref<!tpu.dma_semaphore, #tpu.memory_space<semaphore_mem>>)
    %dma_wait3A = arith.constant 0 : i32
    %dma_wait3A_29 = arith.constant 0 : i32
    %dma_wait3A_30 = arith.constant 0 : i32
    %dma_wait3A_31 = tpu.memref_slice %arg11[%dma_wait3A, %dma_wait3A_29, %dma_wait3A_30] : memref<2x8x256xi32, #tpu.memory_space<vmem>> -> memref<1x8x256xi32, #tpu.memory_space<vmem>>
    %dma_wait3A_32 = tpu.memref_squeeze %dma_wait3A_31 : memref<1x8x256xi32, #tpu.memory_space<vmem>> -> memref<8x256xi32, #tpu.memory_space<vmem>>
    %dma_wait3A_33 = arith.constant 0 : i32
    %dma_wait3A_34 = tpu.memref_slice %arg10[%dma_wait3A_33] : memref<32xi32, #tpu.memory_space<vmem>> -> memref<8xi32, #tpu.memory_space<vmem>>
    %dma_wait3A_35 = arith.constant 0 : i32
    %dma_wait3A_36 = arith.constant 0 : i32
    %dma_wait3A_37 = tpu.memref_slice %arg6[%dma_wait3A_35, %dma_wait3A_36] : memref<50000x256xi32, #tpu.memory_space<hbm>> -> memref<50000x256xi32, #tpu.memory_space<hbm>>
    tpu.wait_indirect_dma semaphore(%arg17 : memref<!tpu.dma_semaphore, #tpu.memory_space<semaphore_mem>>) src(%dma_wait3A_37 : memref<50000x256xi32, #tpu.memory_space<hbm>>) dst(%dma_wait3A_32 : memref<8x256xi32, #tpu.memory_space<vmem>>)
    %dma_wait3A_38 = arith.constant 0 : i32
    %dma_wait3A_39 = arith.constant 0 : i32
    %dma_wait3A_40 = arith.constant 0 : i32
    %dma_wait3A_41 = tpu.memref_slice %arg11[%dma_wait3A_38, %dma_wait3A_39, %dma_wait3A_40] : memref<2x8x256xi32, #tpu.memory_space<vmem>> -> memref<1x8x256xi32, #tpu.memory_space<vmem>>
    %dma_wait3A_42 = tpu.memref_squeeze %dma_wait3A_41 : memref<1x8x256xi32, #tpu.memory_space<vmem>> -> memref<8x256xi32, #tpu.memory_space<vmem>>
    %dma_wait3A_43 = arith.constant 0 : i32
    %dma_wait3A_44 = tpu.memref_slice %arg10[%dma_wait3A_43] : memref<32xi32, #tpu.memory_space<vmem>> -> memref<8xi32, #tpu.memory_space<vmem>>
    %dma_wait3A_45 = arith.constant 0 : i32
    %dma_wait3A_46 = arith.constant 0 : i32
    %dma_wait3A_47 = tpu.memref_slice %arg6[%dma_wait3A_45, %dma_wait3A_46] : memref<50000x256xi32, #tpu.memory_space<hbm>> -> memref<50000x256xi32, #tpu.memory_space<hbm>>
    tpu.wait_indirect_dma semaphore(%arg17 : memref<!tpu.dma_semaphore, #tpu.memory_space<semaphore_mem>>) src(%dma_wait3A_47 : memref<50000x256xi32, #tpu.memory_space<hbm>>) dst(%dma_wait3A_42 : memref<8x256xi32, #tpu.memory_space<vmem>>)
    %dma_wait3A_48 = arith.constant 0 : i32
    %dma_wait3A_49 = arith.constant 0 : i32
    %dma_wait3A_50 = arith.constant 0 : i32
    %dma_wait3A_51 = tpu.memref_slice %arg11[%dma_wait3A_48, %dma_wait3A_49, %dma_wait3A_50] : memref<2x8x256xi32, #tpu.memory_space<vmem>> -> memref<1x8x256xi32, #tpu.memory_space<vmem>>
    %dma_wait3A_52 = tpu.memref_squeeze %dma_wait3A_51 : memref<1x8x256xi32, #tpu.memory_space<vmem>> -> memref<8x256xi32, #tpu.memory_space<vmem>>
    %dma_wait3A_53 = arith.constant 0 : i32
    %dma_wait3A_54 = tpu.memref_slice %arg10[%dma_wait3A_53] : memref<32xi32, #tpu.memory_space<vmem>> -> memref<8xi32, #tpu.memory_space<vmem>>
    %dma_wait3A_55 = arith.constant 0 : i32
    %dma_wait3A_56 = arith.constant 0 : i32
    %dma_wait3A_57 = tpu.memref_slice %arg6[%dma_wait3A_55, %dma_wait3A_56] : memref<50000x256xi32, #tpu.memory_space<hbm>> -> memref<50000x256xi32, #tpu.memory_space<hbm>>
    tpu.wait_indirect_dma semaphore(%arg17 : memref<!tpu.dma_semaphore, #tpu.memory_space<semaphore_mem>>) src(%dma_wait3A_57 : memref<50000x256xi32, #tpu.memory_space<hbm>>) dst(%dma_wait3A_52 : memref<8x256xi32, #tpu.memory_space<vmem>>)
    %rem3A_58 = arith.constant 1 : i32
    %rem3A_59 = arith.constant 2 : i32
    %rem3A_60 = arith.remsi %rem3A_58, %rem3A_59 : i32
    %multiple_of3A_61 = arith.constant 8 : i32
    %multiple_of3A_62 = tpu.assume_multiple %multiple_of3A_61, 8 : i32
    %dma_start3A_63 = arith.constant 0 : i32
    %dma_start3A_64 = arith.constant 0 : i32
    %dma_start3A_65 = tpu.memref_slice %arg11[%rem3A_60, %dma_start3A_63, %dma_start3A_64] : memref<2x8x256xi32, #tpu.memory_space<vmem>> -> memref<1x8x256xi32, #tpu.memory_space<vmem>>
    %dma_start3A_66 = tpu.memref_squeeze %dma_start3A_65 : memref<1x8x256xi32, #tpu.memory_space<vmem>> -> memref<8x256xi32, #tpu.memory_space<vmem>>
    %dma_start3A_67 = tpu.memref_slice %arg10[%multiple_of3A_62] : memref<32xi32, #tpu.memory_space<vmem>> -> memref<8xi32, #tpu.memory_space<vmem>>
    %dma_start3A_68 = arith.constant 0 : i32
    %dma_start3A_69 = arith.constant 0 : i32
    %dma_start3A_70 = tpu.memref_slice %arg6[%dma_start3A_68, %dma_start3A_69] : memref<50000x256xi32, #tpu.memory_space<hbm>> -> memref<50000x256xi32, #tpu.memory_space<hbm>>
    tpu.enqueue_indirect_dma source(%dma_start3A_70 : memref<50000x256xi32, #tpu.memory_space<hbm>>) target(%dma_start3A_66 : memref<8x256xi32, #tpu.memory_space<vmem>>) offsets(%dma_start3A_67 : memref<8xi32, #tpu.memory_space<vmem>>) semaphore(%arg17 : memref<!tpu.dma_semaphore, #tpu.memory_space<semaphore_mem>>)
    %dma_start3A_71 = arith.constant 0 : i32
    %dma_start3A_72 = arith.constant 0 : i32
    %dma_start3A_73 = tpu.memref_slice %arg12[%rem3A_60, %dma_start3A_71, %dma_start3A_72] : memref<2x8x256xi32, #tpu.memory_space<vmem>> -> memref<1x8x256xi32, #tpu.memory_space<vmem>>
    %dma_start3A_74 = tpu.memref_squeeze %dma_start3A_73 : memref<1x8x256xi32, #tpu.memory_space<vmem>> -> memref<8x256xi32, #tpu.memory_space<vmem>>
    %dma_start3A_75 = tpu.memref_slice %arg10[%multiple_of3A_62] : memref<32xi32, #tpu.memory_space<vmem>> -> memref<8xi32, #tpu.memory_space<vmem>>
    %dma_start3A_76 = arith.constant 0 : i32
    %dma_start3A_77 = arith.constant 0 : i32
    %dma_start3A_78 = tpu.memref_slice %arg7[%dma_start3A_76, %dma_start3A_77] : memref<50000x256xi32, #tpu.memory_space<hbm>> -> memref<50000x256xi32, #tpu.memory_space<hbm>>
    tpu.enqueue_indirect_dma source(%dma_start3A_78 : memref<50000x256xi32, #tpu.memory_space<hbm>>) target(%dma_start3A_74 : memref<8x256xi32, #tpu.memory_space<vmem>>) offsets(%dma_start3A_75 : memref<8xi32, #tpu.memory_space<vmem>>) semaphore(%arg17 : memref<!tpu.dma_semaphore, #tpu.memory_space<semaphore_mem>>)
    %dma_start3A_79 = arith.constant 0 : i32
    %dma_start3A_80 = arith.constant 0 : i32
    %dma_start3A_81 = tpu.memref_slice %arg13[%rem3A_60, %dma_start3A_79, %dma_start3A_80] : memref<2x8x256xf32, #tpu.memory_space<vmem>> -> memref<1x8x256xf32, #tpu.memory_space<vmem>>
    %dma_start3A_82 = tpu.memref_squeeze %dma_start3A_81 : memref<1x8x256xf32, #tpu.memory_space<vmem>> -> memref<8x256xf32, #tpu.memory_space<vmem>>
    %dma_start3A_83 = tpu.memref_slice %arg10[%multiple_of3A_62] : memref<32xi32, #tpu.memory_space<vmem>> -> memref<8xi32, #tpu.memory_space<vmem>>
    %dma_start3A_84 = arith.constant 0 : i32
    %dma_start3A_85 = arith.constant 0 : i32
    %dma_start3A_86 = tpu.memref_slice %arg4[%dma_start3A_84, %dma_start3A_85] : memref<50000x256xf32, #tpu.memory_space<hbm>> -> memref<50000x256xf32, #tpu.memory_space<hbm>>
    tpu.enqueue_indirect_dma source(%dma_start3A_86 : memref<50000x256xf32, #tpu.memory_space<hbm>>) target(%dma_start3A_82 : memref<8x256xf32, #tpu.memory_space<vmem>>) offsets(%dma_start3A_83 : memref<8xi32, #tpu.memory_space<vmem>>) semaphore(%arg17 : memref<!tpu.dma_semaphore, #tpu.memory_space<semaphore_mem>>)
    %rem3A_87 = arith.constant 0 : i32
    %rem3A_88 = arith.constant 4 : i32
    %rem3A_89 = arith.remsi %rem3A_87, %rem3A_88 : i32
    %rem3A_90 = arith.constant 0 : i32
    %rem3A_91 = arith.constant 2 : i32
    %rem3A_92 = arith.remsi %rem3A_90, %rem3A_91 : i32
    %rem3A_93 = arith.constant 0 : i32
    %rem3A_94 = arith.constant 8 : i32
    %rem3A_95 = arith.remsi %rem3A_93, %rem3A_94 : i32
    %mul3A_96 = arith.constant 64 : i32
    %mul3A_97 = arith.muli %rem3A_89, %mul3A_96 : i32
    %rem3A_98 = arith.constant 0 : i32
    %rem3A_99 = arith.constant 4 : i32
    %rem3A_100 = arith.remsi %rem3A_98, %rem3A_99 : i32
    %dma_start3A_101 = arith.constant 0 : i32
    %dma_start3A_102 = arith.constant 0 : i32
    %dma_start3A_103 = tpu.memref_slice %arg14[%rem3A_100, %dma_start3A_101, %dma_start3A_102] : memref<4x64x128xf32, #tpu.memory_space<vmem>> -> memref<1x64x128xf32, #tpu.memory_space<vmem>>
    %dma_start3A_104 = tpu.memref_squeeze %dma_start3A_103 : memref<1x64x128xf32, #tpu.memory_space<vmem>> -> memref<64x128xf32, #tpu.memory_space<vmem>>
    %dma_start3A_105 = tpu.memref_slice %arg12[%rem3A_92, %rem3A_95, %mul3A_97] : memref<2x8x256xi32, #tpu.memory_space<vmem>> -> memref<1x1x64xi32, #tpu.memory_space<vmem>>
    %dma_start3A_106 = tpu.memref_squeeze %dma_start3A_105 : memref<1x1x64xi32, #tpu.memory_space<vmem>> -> memref<64xi32, #tpu.memory_space<vmem>>
    %dma_start3A_107 = arith.constant 0 : i32
    %dma_start3A_108 = arith.constant 0 : i32
    %dma_start3A_109 = tpu.memref_slice %arg2[%dma_start3A_107, %dma_start3A_108] : memref<50000x128xf32, #tpu.memory_space<hbm>> -> memref<50000x128xf32, #tpu.memory_space<hbm>>
    tpu.enqueue_indirect_dma source(%dma_start3A_109 : memref<50000x128xf32, #tpu.memory_space<hbm>>) target(%dma_start3A_104 : memref<64x128xf32, #tpu.memory_space<vmem>>) offsets(%dma_start3A_106 : memref<64xi32, #tpu.memory_space<vmem>>) semaphore(%arg16 : memref<!tpu.dma_semaphore, #tpu.memory_space<semaphore_mem>>)
    %rem3A_110 = arith.constant 1 : i32
    %rem3A_111 = arith.constant 4 : i32
    %rem3A_112 = arith.remsi %rem3A_110, %rem3A_111 : i32
    %rem3A_113 = arith.constant 0 : i32
    %rem3A_114 = arith.constant 2 : i32
    %rem3A_115 = arith.remsi %rem3A_113, %rem3A_114 : i32
    %rem3A_116 = arith.constant 0 : i32
    %rem3A_117 = arith.constant 8 : i32
    %rem3A_118 = arith.remsi %rem3A_116, %rem3A_117 : i32
    %mul3A_119 = arith.constant 64 : i32
    %mul3A_120 = arith.muli %rem3A_112, %mul3A_119 : i32
    %rem3A_121 = arith.constant 1 : i32
    %rem3A_122 = arith.constant 4 : i32
    %rem3A_123 = arith.remsi %rem3A_121, %rem3A_122 : i32
    %dma_start3A_124 = arith.constant 0 : i32
    %dma_start3A_125 = arith.constant 0 : i32
    %dma_start3A_126 = tpu.memref_slice %arg14[%rem3A_123, %dma_start3A_124, %dma_start3A_125] : memref<4x64x128xf32, #tpu.memory_space<vmem>> -> memref<1x64x128xf32, #tpu.memory_space<vmem>>
    %dma_start3A_127 = tpu.memref_squeeze %dma_start3A_126 : memref<1x64x128xf32, #tpu.memory_space<vmem>> -> memref<64x128xf32, #tpu.memory_space<vmem>>
    %dma_start3A_128 = tpu.memref_slice %arg12[%rem3A_115, %rem3A_118, %mul3A_120] : memref<2x8x256xi32, #tpu.memory_space<vmem>> -> memref<1x1x64xi32, #tpu.memory_space<vmem>>
    %dma_start3A_129 = tpu.memref_squeeze %dma_start3A_128 : memref<1x1x64xi32, #tpu.memory_space<vmem>> -> memref<64xi32, #tpu.memory_space<vmem>>
    %dma_start3A_130 = arith.constant 0 : i32
    %dma_start3A_131 = arith.constant 0 : i32
    %dma_start3A_132 = tpu.memref_slice %arg2[%dma_start3A_130, %dma_start3A_131] : memref<50000x128xf32, #tpu.memory_space<hbm>> -> memref<50000x128xf32, #tpu.memory_space<hbm>>
    tpu.enqueue_indirect_dma source(%dma_start3A_132 : memref<50000x128xf32, #tpu.memory_space<hbm>>) target(%dma_start3A_127 : memref<64x128xf32, #tpu.memory_space<vmem>>) offsets(%dma_start3A_129 : memref<64xi32, #tpu.memory_space<vmem>>) semaphore(%arg16 : memref<!tpu.dma_semaphore, #tpu.memory_space<semaphore_mem>>)
    %rem3A_133 = arith.constant 2 : i32
    %rem3A_134 = arith.constant 4 : i32
    %rem3A_135 = arith.remsi %rem3A_133, %rem3A_134 : i32
    %rem3A_136 = arith.constant 0 : i32
    %rem3A_137 = arith.constant 2 : i32
    %rem3A_138 = arith.remsi %rem3A_136, %rem3A_137 : i32
    %rem3A_139 = arith.constant 0 : i32
    %rem3A_140 = arith.constant 8 : i32
    %rem3A_141 = arith.remsi %rem3A_139, %rem3A_140 : i32
    %mul3A_142 = arith.constant 64 : i32
    %mul3A_143 = arith.muli %rem3A_135, %mul3A_142 : i32
    %rem3A_144 = arith.constant 2 : i32
    %rem3A_145 = arith.constant 4 : i32
    %rem3A_146 = arith.remsi %rem3A_144, %rem3A_145 : i32
    %dma_start3A_147 = arith.constant 0 : i32
    %dma_start3A_148 = arith.constant 0 : i32
    %dma_start3A_149 = tpu.memref_slice %arg14[%rem3A_146, %dma_start3A_147, %dma_start3A_148] : memref<4x64x128xf32, #tpu.memory_space<vmem>> -> memref<1x64x128xf32, #tpu.memory_space<vmem>>
    %dma_start3A_150 = tpu.memref_squeeze %dma_start3A_149 : memref<1x64x128xf32, #tpu.memory_space<vmem>> -> memref<64x128xf32, #tpu.memory_space<vmem>>
    %dma_start3A_151 = tpu.memref_slice %arg12[%rem3A_138, %rem3A_141, %mul3A_143] : memref<2x8x256xi32, #tpu.memory_space<vmem>> -> memref<1x1x64xi32, #tpu.memory_space<vmem>>
    %dma_start3A_152 = tpu.memref_squeeze %dma_start3A_151 : memref<1x1x64xi32, #tpu.memory_space<vmem>> -> memref<64xi32, #tpu.memory_space<vmem>>
    %dma_start3A_153 = arith.constant 0 : i32
    %dma_start3A_154 = arith.constant 0 : i32
    %dma_start3A_155 = tpu.memref_slice %arg2[%dma_start3A_153, %dma_start3A_154] : memref<50000x128xf32, #tpu.memory_space<hbm>> -> memref<50000x128xf32, #tpu.memory_space<hbm>>
    tpu.enqueue_indirect_dma source(%dma_start3A_155 : memref<50000x128xf32, #tpu.memory_space<hbm>>) target(%dma_start3A_150 : memref<64x128xf32, #tpu.memory_space<vmem>>) offsets(%dma_start3A_152 : memref<64xi32, #tpu.memory_space<vmem>>) semaphore(%arg16 : memref<!tpu.dma_semaphore, #tpu.memory_space<semaphore_mem>>)
    %scan3A = arith.constant 0 : i32
    %scan3A_156 = arith.constant 64 : i32
    %scan3A_157 = arith.addi %scan3A, %scan3A_156 : i32
    %scan3A_158 = arith.constant 1 : i32
    scf.for %scan3A_196 = %scan3A to %scan3A_157 step %scan3A_158  : i32 {
      %mul3A_197 = arith.constant 2 : i32
      %mul3A_198 = arith.muli %mul3A_197, %scan3A_196 : i32
      %add3A_199 = arith.constant 0 : i32
      %add3A_200 = arith.addi %mul3A_198, %add3A_199 : i32
      %jit3A = arith.constant 4 : i32
      %div3A = arith.divsi %add3A_200, %jit3A : i32
      %sign3A = arith.constant 0 : i32
      %sign3A_201 = arith.cmpi sgt, %add3A_200, %sign3A : i32
      %sign3A_202 = arith.extui %sign3A_201 : i1 to i32
      %sign3A_203 = arith.constant 0 : i32
      %sign3A_204 = arith.cmpi slt, %add3A_200, %sign3A_203 : i32
      %sign3A_205 = arith.extui %sign3A_204 : i1 to i32
      %sign3A_206 = arith.subi %sign3A_202, %sign3A_205 : i32
      %sign3A_207 = arith.constant 0 : i32
      %sign3A_208 = arith.cmpi sgt, %jit3A, %sign3A_207 : i32
      %sign3A_209 = arith.extui %sign3A_208 : i1 to i32
      %sign3A_210 = arith.constant 0 : i32
      %sign3A_211 = arith.cmpi slt, %jit3A, %sign3A_210 : i32
      %sign3A_212 = arith.extui %sign3A_211 : i1 to i32
      %sign3A_213 = arith.subi %sign3A_209, %sign3A_212 : i32
      %ne3A = arith.cmpi ne, %sign3A_206, %sign3A_213 : i32
      %rem3A_214 = arith.remsi %add3A_200, %jit3A : i32
      %ne3A_215 = arith.constant 0 : i32
      %ne3A_216 = arith.cmpi ne, %rem3A_214, %ne3A_215 : i32
      %and3A = arith.andi %ne3A, %ne3A_216 : i1
      %sub3A = arith.constant 1 : i32
      %sub3A_217 = arith.subi %div3A, %sub3A : i32
      %select_n3A = arith.select %and3A, %sub3A_217, %div3A : i32
      %rem3A_218 = arith.constant 4 : i32
      %rem3A_219 = arith.remsi %add3A_200, %rem3A_218 : i32
      %jit3A_220 = arith.constant 8 : i32
      %div3A_221 = arith.divsi %select_n3A, %jit3A_220 : i32
      %sign3A_222 = arith.constant 0 : i32
      %sign3A_223 = arith.cmpi sgt, %select_n3A, %sign3A_222 : i32
      %sign3A_224 = arith.extui %sign3A_223 : i1 to i32
      %sign3A_225 = arith.constant 0 : i32
      %sign3A_226 = arith.cmpi slt, %select_n3A, %sign3A_225 : i32
      %sign3A_227 = arith.extui %sign3A_226 : i1 to i32
      %sign3A_228 = arith.subi %sign3A_224, %sign3A_227 : i32
      %sign3A_229 = arith.constant 0 : i32
      %sign3A_230 = arith.cmpi sgt, %jit3A_220, %sign3A_229 : i32
      %sign3A_231 = arith.extui %sign3A_230 : i1 to i32
      %sign3A_232 = arith.constant 0 : i32
      %sign3A_233 = arith.cmpi slt, %jit3A_220, %sign3A_232 : i32
      %sign3A_234 = arith.extui %sign3A_233 : i1 to i32
      %sign3A_235 = arith.subi %sign3A_231, %sign3A_234 : i32
      %ne3A_236 = arith.cmpi ne, %sign3A_228, %sign3A_235 : i32
      %rem3A_237 = arith.remsi %select_n3A, %jit3A_220 : i32
      %ne3A_238 = arith.constant 0 : i32
      %ne3A_239 = arith.cmpi ne, %rem3A_237, %ne3A_238 : i32
      %and3A_240 = arith.andi %ne3A_236, %ne3A_239 : i1
      %sub3A_241 = arith.constant 1 : i32
      %sub3A_242 = arith.subi %div3A_221, %sub3A_241 : i32
      %select_n3A_243 = arith.select %and3A_240, %sub3A_242, %div3A_221 : i32
      %rem3A_244 = arith.constant 2 : i32
      %rem3A_245 = arith.remsi %select_n3A_243, %rem3A_244 : i32
      %rem3A_246 = arith.constant 8 : i32
      %rem3A_247 = arith.remsi %select_n3A, %rem3A_246 : i32
      %add3A_248 = arith.constant 3 : i32
      %add3A_249 = arith.addi %add3A_200, %add3A_248 : i32
      %lt3A = arith.constant 128 : i32
      %lt3A_250 = arith.cmpi slt, %add3A_249, %lt3A : i32
      %convert_element_type3A = arith.extui %lt3A_250 : i1 to i32
      %cond3A = arith.constant 0 : i32
      %cond3A_251 = arith.cmpi ne, %convert_element_type3A, %cond3A : i32
      scf.if %cond3A_251 {
        %rem3A_404 = arith.constant 32 : i32
        %rem3A_405 = arith.remsi %add3A_249, %rem3A_404 : i32
        %eq3A = arith.constant 0 : i32
        %eq3A_406 = arith.cmpi eq, %rem3A_405, %eq3A : i32
        %ge3A_407 = arith.constant 32 : i32
        %ge3A_408 = arith.cmpi sge, %add3A_249, %ge3A_407 : i32
        %and3A_409 = arith.andi %eq3A_406, %ge3A_408 : i1
        %convert_element_type3A_410 = arith.extui %and3A_409 : i1 to i32
        %cond3A_411 = arith.constant 0 : i32
        %cond3A_412 = arith.cmpi ne, %convert_element_type3A_410, %cond3A_411 : i32
        scf.if %cond3A_412 {
          %dma_wait3A_514 = arith.constant 0 : i32
          %dma_wait3A_515 = arith.constant 0 : i32
          %dma_wait3A_516 = arith.constant 0 : i32
          %dma_wait3A_517 = tpu.memref_slice %arg11[%dma_wait3A_514, %dma_wait3A_515, %dma_wait3A_516] : memref<2x8x256xi32, #tpu.memory_space<vmem>> -> memref<1x8x256xi32, #tpu.memory_space<vmem>>
          %dma_wait3A_518 = tpu.memref_squeeze %dma_wait3A_517 : memref<1x8x256xi32, #tpu.memory_space<vmem>> -> memref<8x256xi32, #tpu.memory_space<vmem>>
          %dma_wait3A_519 = arith.constant 0 : i32
          %dma_wait3A_520 = tpu.memref_slice %arg10[%dma_wait3A_519] : memref<32xi32, #tpu.memory_space<vmem>> -> memref<8xi32, #tpu.memory_space<vmem>>
          %dma_wait3A_521 = arith.constant 0 : i32
          %dma_wait3A_522 = arith.constant 0 : i32
          %dma_wait3A_523 = tpu.memref_slice %arg6[%dma_wait3A_521, %dma_wait3A_522] : memref<50000x256xi32, #tpu.memory_space<hbm>> -> memref<50000x256xi32, #tpu.memory_space<hbm>>
          tpu.wait_indirect_dma semaphore(%arg17 : memref<!tpu.dma_semaphore, #tpu.memory_space<semaphore_mem>>) src(%dma_wait3A_523 : memref<50000x256xi32, #tpu.memory_space<hbm>>) dst(%dma_wait3A_518 : memref<8x256xi32, #tpu.memory_space<vmem>>)
          %dma_wait3A_524 = arith.constant 0 : i32
          %dma_wait3A_525 = arith.constant 0 : i32
          %dma_wait3A_526 = arith.constant 0 : i32
          %dma_wait3A_527 = tpu.memref_slice %arg11[%dma_wait3A_524, %dma_wait3A_525, %dma_wait3A_526] : memref<2x8x256xi32, #tpu.memory_space<vmem>> -> memref<1x8x256xi32, #tpu.memory_space<vmem>>
          %dma_wait3A_528 = tpu.memref_squeeze %dma_wait3A_527 : memref<1x8x256xi32, #tpu.memory_space<vmem>> -> memref<8x256xi32, #tpu.memory_space<vmem>>
          %dma_wait3A_529 = arith.constant 0 : i32
          %dma_wait3A_530 = tpu.memref_slice %arg10[%dma_wait3A_529] : memref<32xi32, #tpu.memory_space<vmem>> -> memref<8xi32, #tpu.memory_space<vmem>>
          %dma_wait3A_531 = arith.constant 0 : i32
          %dma_wait3A_532 = arith.constant 0 : i32
          %dma_wait3A_533 = tpu.memref_slice %arg6[%dma_wait3A_531, %dma_wait3A_532] : memref<50000x256xi32, #tpu.memory_space<hbm>> -> memref<50000x256xi32, #tpu.memory_space<hbm>>
          tpu.wait_indirect_dma semaphore(%arg17 : memref<!tpu.dma_semaphore, #tpu.memory_space<semaphore_mem>>) src(%dma_wait3A_533 : memref<50000x256xi32, #tpu.memory_space<hbm>>) dst(%dma_wait3A_528 : memref<8x256xi32, #tpu.memory_space<vmem>>)
          %dma_wait3A_534 = arith.constant 0 : i32
          %dma_wait3A_535 = arith.constant 0 : i32
          %dma_wait3A_536 = arith.constant 0 : i32
          %dma_wait3A_537 = tpu.memref_slice %arg11[%dma_wait3A_534, %dma_wait3A_535, %dma_wait3A_536] : memref<2x8x256xi32, #tpu.memory_space<vmem>> -> memref<1x8x256xi32, #tpu.memory_space<vmem>>
          %dma_wait3A_538 = tpu.memref_squeeze %dma_wait3A_537 : memref<1x8x256xi32, #tpu.memory_space<vmem>> -> memref<8x256xi32, #tpu.memory_space<vmem>>
          %dma_wait3A_539 = arith.constant 0 : i32
          %dma_wait3A_540 = tpu.memref_slice %arg10[%dma_wait3A_539] : memref<32xi32, #tpu.memory_space<vmem>> -> memref<8xi32, #tpu.memory_space<vmem>>
          %dma_wait3A_541 = arith.constant 0 : i32
          %dma_wait3A_542 = arith.constant 0 : i32
          %dma_wait3A_543 = tpu.memref_slice %arg6[%dma_wait3A_541, %dma_wait3A_542] : memref<50000x256xi32, #tpu.memory_space<hbm>> -> memref<50000x256xi32, #tpu.memory_space<hbm>>
          tpu.wait_indirect_dma semaphore(%arg17 : memref<!tpu.dma_semaphore, #tpu.memory_space<semaphore_mem>>) src(%dma_wait3A_543 : memref<50000x256xi32, #tpu.memory_space<hbm>>) dst(%dma_wait3A_538 : memref<8x256xi32, #tpu.memory_space<vmem>>)
        } else {
        }
        %eq3A_413 = arith.constant 16 : i32
        %eq3A_414 = arith.cmpi eq, %rem3A_405, %eq3A_413 : i32
        %jit3A_415 = arith.constant 32 : i32
        %div3A_416 = arith.divsi %add3A_249, %jit3A_415 : i32
        %sign3A_417 = arith.constant 0 : i32
        %sign3A_418 = arith.cmpi sgt, %add3A_249, %sign3A_417 : i32
        %sign3A_419 = arith.extui %sign3A_418 : i1 to i32
        %sign3A_420 = arith.constant 0 : i32
        %sign3A_421 = arith.cmpi slt, %add3A_249, %sign3A_420 : i32
        %sign3A_422 = arith.extui %sign3A_421 : i1 to i32
        %sign3A_423 = arith.subi %sign3A_419, %sign3A_422 : i32
        %sign3A_424 = arith.constant 0 : i32
        %sign3A_425 = arith.cmpi sgt, %jit3A_415, %sign3A_424 : i32
        %sign3A_426 = arith.extui %sign3A_425 : i1 to i32
        %sign3A_427 = arith.constant 0 : i32
        %sign3A_428 = arith.cmpi slt, %jit3A_415, %sign3A_427 : i32
        %sign3A_429 = arith.extui %sign3A_428 : i1 to i32
        %sign3A_430 = arith.subi %sign3A_426, %sign3A_429 : i32
        %ne3A_431 = arith.cmpi ne, %sign3A_423, %sign3A_430 : i32
        %rem3A_432 = arith.remsi %add3A_249, %jit3A_415 : i32
        %ne3A_433 = arith.constant 0 : i32
        %ne3A_434 = arith.cmpi ne, %rem3A_432, %ne3A_433 : i32
        %and3A_435 = arith.andi %ne3A_431, %ne3A_434 : i1
        %sub3A_436 = arith.constant 1 : i32
        %sub3A_437 = arith.subi %div3A_416, %sub3A_436 : i32
        %select_n3A_438 = arith.select %and3A_435, %sub3A_437, %div3A_416 : i32
        %add3A_439 = arith.constant 1 : i32
        %add3A_440 = arith.addi %select_n3A_438, %add3A_439 : i32
        %lt3A_441 = arith.constant 4 : i32
        %lt3A_442 = arith.cmpi slt, %add3A_440, %lt3A_441 : i32
        %and3A_443 = arith.andi %eq3A_414, %lt3A_442 : i1
        %convert_element_type3A_444 = arith.extui %and3A_443 : i1 to i32
        %cond3A_445 = arith.constant 0 : i32
        %cond3A_446 = arith.cmpi ne, %convert_element_type3A_444, %cond3A_445 : i32
        scf.if %cond3A_446 {
          %jit3A_514 = arith.constant 32 : i32
          %div3A_515 = arith.divsi %add3A_249, %jit3A_514 : i32
          %sign3A_516 = arith.constant 0 : i32
          %sign3A_517 = arith.cmpi sgt, %add3A_249, %sign3A_516 : i32
          %sign3A_518 = arith.extui %sign3A_517 : i1 to i32
          %sign3A_519 = arith.constant 0 : i32
          %sign3A_520 = arith.cmpi slt, %add3A_249, %sign3A_519 : i32
          %sign3A_521 = arith.extui %sign3A_520 : i1 to i32
          %sign3A_522 = arith.subi %sign3A_518, %sign3A_521 : i32
          %sign3A_523 = arith.constant 0 : i32
          %sign3A_524 = arith.cmpi sgt, %jit3A_514, %sign3A_523 : i32
          %sign3A_525 = arith.extui %sign3A_524 : i1 to i32
          %sign3A_526 = arith.constant 0 : i32
          %sign3A_527 = arith.cmpi slt, %jit3A_514, %sign3A_526 : i32
          %sign3A_528 = arith.extui %sign3A_527 : i1 to i32
          %sign3A_529 = arith.subi %sign3A_525, %sign3A_528 : i32
          %ne3A_530 = arith.cmpi ne, %sign3A_522, %sign3A_529 : i32
          %rem3A_531 = arith.remsi %add3A_249, %jit3A_514 : i32
          %ne3A_532 = arith.constant 0 : i32
          %ne3A_533 = arith.cmpi ne, %rem3A_531, %ne3A_532 : i32
          %and3A_534 = arith.andi %ne3A_530, %ne3A_533 : i1
          %sub3A_535 = arith.constant 1 : i32
          %sub3A_536 = arith.subi %div3A_515, %sub3A_535 : i32
          %select_n3A_537 = arith.select %and3A_534, %sub3A_536, %div3A_515 : i32
          %add3A_538 = arith.constant 1 : i32
          %add3A_539 = arith.addi %select_n3A_537, %add3A_538 : i32
          %rem3A_540 = arith.constant 2 : i32
          %rem3A_541 = arith.remsi %add3A_539, %rem3A_540 : i32
          %mul3A_542 = arith.constant 8 : i32
          %mul3A_543 = arith.muli %add3A_539, %mul3A_542 : i32
          %multiple_of3A_544 = tpu.assume_multiple %mul3A_543, 8 : i32
          %dma_start3A_545 = arith.constant 0 : i32
          %dma_start3A_546 = arith.constant 0 : i32
          %dma_start3A_547 = tpu.memref_slice %arg11[%rem3A_541, %dma_start3A_545, %dma_start3A_546] : memref<2x8x256xi32, #tpu.memory_space<vmem>> -> memref<1x8x256xi32, #tpu.memory_space<vmem>>
          %dma_start3A_548 = tpu.memref_squeeze %dma_start3A_547 : memref<1x8x256xi32, #tpu.memory_space<vmem>> -> memref<8x256xi32, #tpu.memory_space<vmem>>
          %dma_start3A_549 = tpu.memref_slice %arg10[%multiple_of3A_544] : memref<32xi32, #tpu.memory_space<vmem>> -> memref<8xi32, #tpu.memory_space<vmem>>
          %dma_start3A_550 = arith.constant 0 : i32
          %dma_start3A_551 = arith.constant 0 : i32
          %dma_start3A_552 = tpu.memref_slice %arg6[%dma_start3A_550, %dma_start3A_551] : memref<50000x256xi32, #tpu.memory_space<hbm>> -> memref<50000x256xi32, #tpu.memory_space<hbm>>
          tpu.enqueue_indirect_dma source(%dma_start3A_552 : memref<50000x256xi32, #tpu.memory_space<hbm>>) target(%dma_start3A_548 : memref<8x256xi32, #tpu.memory_space<vmem>>) offsets(%dma_start3A_549 : memref<8xi32, #tpu.memory_space<vmem>>) semaphore(%arg17 : memref<!tpu.dma_semaphore, #tpu.memory_space<semaphore_mem>>)
          %dma_start3A_553 = arith.constant 0 : i32
          %dma_start3A_554 = arith.constant 0 : i32
          %dma_start3A_555 = tpu.memref_slice %arg12[%rem3A_541, %dma_start3A_553, %dma_start3A_554] : memref<2x8x256xi32, #tpu.memory_space<vmem>> -> memref<1x8x256xi32, #tpu.memory_space<vmem>>
          %dma_start3A_556 = tpu.memref_squeeze %dma_start3A_555 : memref<1x8x256xi32, #tpu.memory_space<vmem>> -> memref<8x256xi32, #tpu.memory_space<vmem>>
          %dma_start3A_557 = tpu.memref_slice %arg10[%multiple_of3A_544] : memref<32xi32, #tpu.memory_space<vmem>> -> memref<8xi32, #tpu.memory_space<vmem>>
          %dma_start3A_558 = arith.constant 0 : i32
          %dma_start3A_559 = arith.constant 0 : i32
          %dma_start3A_560 = tpu.memref_slice %arg7[%dma_start3A_558, %dma_start3A_559] : memref<50000x256xi32, #tpu.memory_space<hbm>> -> memref<50000x256xi32, #tpu.memory_space<hbm>>
          tpu.enqueue_indirect_dma source(%dma_start3A_560 : memref<50000x256xi32, #tpu.memory_space<hbm>>) target(%dma_start3A_556 : memref<8x256xi32, #tpu.memory_space<vmem>>) offsets(%dma_start3A_557 : memref<8xi32, #tpu.memory_space<vmem>>) semaphore(%arg17 : memref<!tpu.dma_semaphore, #tpu.memory_space<semaphore_mem>>)
          %dma_start3A_561 = arith.constant 0 : i32
          %dma_start3A_562 = arith.constant 0 : i32
          %dma_start3A_563 = tpu.memref_slice %arg13[%rem3A_541, %dma_start3A_561, %dma_start3A_562] : memref<2x8x256xf32, #tpu.memory_space<vmem>> -> memref<1x8x256xf32, #tpu.memory_space<vmem>>
          %dma_start3A_564 = tpu.memref_squeeze %dma_start3A_563 : memref<1x8x256xf32, #tpu.memory_space<vmem>> -> memref<8x256xf32, #tpu.memory_space<vmem>>
          %dma_start3A_565 = tpu.memref_slice %arg10[%multiple_of3A_544] : memref<32xi32, #tpu.memory_space<vmem>> -> memref<8xi32, #tpu.memory_space<vmem>>
          %dma_start3A_566 = arith.constant 0 : i32
          %dma_start3A_567 = arith.constant 0 : i32
          %dma_start3A_568 = tpu.memref_slice %arg4[%dma_start3A_566, %dma_start3A_567] : memref<50000x256xf32, #tpu.memory_space<hbm>> -> memref<50000x256xf32, #tpu.memory_space<hbm>>
          tpu.enqueue_indirect_dma source(%dma_start3A_568 : memref<50000x256xf32, #tpu.memory_space<hbm>>) target(%dma_start3A_564 : memref<8x256xf32, #tpu.memory_space<vmem>>) offsets(%dma_start3A_565 : memref<8xi32, #tpu.memory_space<vmem>>) semaphore(%arg17 : memref<!tpu.dma_semaphore, #tpu.memory_space<semaphore_mem>>)
        } else {
        }
        %jit3A_447 = arith.constant 4 : i32
        %div3A_448 = arith.divsi %add3A_249, %jit3A_447 : i32
        %sign3A_449 = arith.constant 0 : i32
        %sign3A_450 = arith.cmpi sgt, %add3A_249, %sign3A_449 : i32
        %sign3A_451 = arith.extui %sign3A_450 : i1 to i32
        %sign3A_452 = arith.constant 0 : i32
        %sign3A_453 = arith.cmpi slt, %add3A_249, %sign3A_452 : i32
        %sign3A_454 = arith.extui %sign3A_453 : i1 to i32
        %sign3A_455 = arith.subi %sign3A_451, %sign3A_454 : i32
        %sign3A_456 = arith.constant 0 : i32
        %sign3A_457 = arith.cmpi sgt, %jit3A_447, %sign3A_456 : i32
        %sign3A_458 = arith.extui %sign3A_457 : i1 to i32
        %sign3A_459 = arith.constant 0 : i32
        %sign3A_460 = arith.cmpi slt, %jit3A_447, %sign3A_459 : i32
        %sign3A_461 = arith.extui %sign3A_460 : i1 to i32
        %sign3A_462 = arith.subi %sign3A_458, %sign3A_461 : i32
        %ne3A_463 = arith.cmpi ne, %sign3A_455, %sign3A_462 : i32
        %rem3A_464 = arith.remsi %add3A_249, %jit3A_447 : i32
        %ne3A_465 = arith.constant 0 : i32
        %ne3A_466 = arith.cmpi ne, %rem3A_464, %ne3A_465 : i32
        %and3A_467 = arith.andi %ne3A_463, %ne3A_466 : i1
        %sub3A_468 = arith.constant 1 : i32
        %sub3A_469 = arith.subi %div3A_448, %sub3A_468 : i32
        %select_n3A_470 = arith.select %and3A_467, %sub3A_469, %div3A_448 : i32
        %rem3A_471 = arith.constant 4 : i32
        %rem3A_472 = arith.remsi %add3A_249, %rem3A_471 : i32
        %jit3A_473 = arith.constant 8 : i32
        %div3A_474 = arith.divsi %select_n3A_470, %jit3A_473 : i32
        %sign3A_475 = arith.constant 0 : i32
        %sign3A_476 = arith.cmpi sgt, %select_n3A_470, %sign3A_475 : i32
        %sign3A_477 = arith.extui %sign3A_476 : i1 to i32
        %sign3A_478 = arith.constant 0 : i32
        %sign3A_479 = arith.cmpi slt, %select_n3A_470, %sign3A_478 : i32
        %sign3A_480 = arith.extui %sign3A_479 : i1 to i32
        %sign3A_481 = arith.subi %sign3A_477, %sign3A_480 : i32
        %sign3A_482 = arith.constant 0 : i32
        %sign3A_483 = arith.cmpi sgt, %jit3A_473, %sign3A_482 : i32
        %sign3A_484 = arith.extui %sign3A_483 : i1 to i32
        %sign3A_485 = arith.constant 0 : i32
        %sign3A_486 = arith.cmpi slt, %jit3A_473, %sign3A_485 : i32
        %sign3A_487 = arith.extui %sign3A_486 : i1 to i32
        %sign3A_488 = arith.subi %sign3A_484, %sign3A_487 : i32
        %ne3A_489 = arith.cmpi ne, %sign3A_481, %sign3A_488 : i32
        %rem3A_490 = arith.remsi %select_n3A_470, %jit3A_473 : i32
        %ne3A_491 = arith.constant 0 : i32
        %ne3A_492 = arith.cmpi ne, %rem3A_490, %ne3A_491 : i32
        %and3A_493 = arith.andi %ne3A_489, %ne3A_492 : i1
        %sub3A_494 = arith.constant 1 : i32
        %sub3A_495 = arith.subi %div3A_474, %sub3A_494 : i32
        %select_n3A_496 = arith.select %and3A_493, %sub3A_495, %div3A_474 : i32
        %rem3A_497 = arith.constant 2 : i32
        %rem3A_498 = arith.remsi %select_n3A_496, %rem3A_497 : i32
        %rem3A_499 = arith.constant 8 : i32
        %rem3A_500 = arith.remsi %select_n3A_470, %rem3A_499 : i32
        %mul3A_501 = arith.constant 64 : i32
        %mul3A_502 = arith.muli %rem3A_472, %mul3A_501 : i32
        %rem3A_503 = arith.constant 4 : i32
        %rem3A_504 = arith.remsi %add3A_249, %rem3A_503 : i32
        %dma_start3A_505 = arith.constant 0 : i32
        %dma_start3A_506 = arith.constant 0 : i32
        %dma_start3A_507 = tpu.memref_slice %arg14[%rem3A_504, %dma_start3A_505, %dma_start3A_506] : memref<4x64x128xf32, #tpu.memory_space<vmem>> -> memref<1x64x128xf32, #tpu.memory_space<vmem>>
        %dma_start3A_508 = tpu.memref_squeeze %dma_start3A_507 : memref<1x64x128xf32, #tpu.memory_space<vmem>> -> memref<64x128xf32, #tpu.memory_space<vmem>>
        %dma_start3A_509 = tpu.memref_slice %arg12[%rem3A_498, %rem3A_500, %mul3A_502] : memref<2x8x256xi32, #tpu.memory_space<vmem>> -> memref<1x1x64xi32, #tpu.memory_space<vmem>>
        %dma_start3A_510 = tpu.memref_squeeze %dma_start3A_509 : memref<1x1x64xi32, #tpu.memory_space<vmem>> -> memref<64xi32, #tpu.memory_space<vmem>>
        %dma_start3A_511 = arith.constant 0 : i32
        %dma_start3A_512 = arith.constant 0 : i32
        %dma_start3A_513 = tpu.memref_slice %arg2[%dma_start3A_511, %dma_start3A_512] : memref<50000x128xf32, #tpu.memory_space<hbm>> -> memref<50000x128xf32, #tpu.memory_space<hbm>>
        tpu.enqueue_indirect_dma source(%dma_start3A_513 : memref<50000x128xf32, #tpu.memory_space<hbm>>) target(%dma_start3A_508 : memref<64x128xf32, #tpu.memory_space<vmem>>) offsets(%dma_start3A_510 : memref<64xi32, #tpu.memory_space<vmem>>) semaphore(%arg16 : memref<!tpu.dma_semaphore, #tpu.memory_space<semaphore_mem>>)
      } else {
      }
      %rem3A_252 = arith.constant 4 : i32
      %rem3A_253 = arith.remsi %add3A_200, %rem3A_252 : i32
      %dma_wait3A_254 = arith.constant 0 : i32
      %dma_wait3A_255 = arith.constant 0 : i32
      %dma_wait3A_256 = arith.constant 0 : i32
      %dma_wait3A_257 = arith.constant 0 : i32
      %dma_wait3A_258 = tpu.memref_slice %arg14[%rem3A_253, %dma_wait3A_256, %dma_wait3A_257] : memref<4x64x128xf32, #tpu.memory_space<vmem>> -> memref<1x64x128xf32, #tpu.memory_space<vmem>>
      %dma_wait3A_259 = tpu.memref_squeeze %dma_wait3A_258 : memref<1x64x128xf32, #tpu.memory_space<vmem>> -> memref<64x128xf32, #tpu.memory_space<vmem>>
      %dma_wait3A_260 = arith.constant 0 : i32
      %dma_wait3A_261 = tpu.memref_slice %arg12[%dma_wait3A_254, %dma_wait3A_255, %dma_wait3A_260] : memref<2x8x256xi32, #tpu.memory_space<vmem>> -> memref<1x1x64xi32, #tpu.memory_space<vmem>>
      %dma_wait3A_262 = tpu.memref_squeeze %dma_wait3A_261 : memref<1x1x64xi32, #tpu.memory_space<vmem>> -> memref<64xi32, #tpu.memory_space<vmem>>
      %dma_wait3A_263 = arith.constant 0 : i32
      %dma_wait3A_264 = arith.constant 0 : i32
      %dma_wait3A_265 = tpu.memref_slice %arg2[%dma_wait3A_263, %dma_wait3A_264] : memref<50000x128xf32, #tpu.memory_space<hbm>> -> memref<50000x128xf32, #tpu.memory_space<hbm>>
      tpu.wait_indirect_dma semaphore(%arg16 : memref<!tpu.dma_semaphore, #tpu.memory_space<semaphore_mem>>) src(%dma_wait3A_265 : memref<50000x128xf32, #tpu.memory_space<hbm>>) dst(%dma_wait3A_259 : memref<64x128xf32, #tpu.memory_space<vmem>>)
      %ge3A = arith.constant 2 : i32
      %ge3A_266 = arith.cmpi sge, %add3A_200, %ge3A : i32
      %convert_element_type3A_267 = arith.extui %ge3A_266 : i1 to i32
      %cond3A_268 = arith.constant 0 : i32
      %cond3A_269 = arith.cmpi ne, %convert_element_type3A_267, %cond3A_268 : i32
      scf.if %cond3A_269 {
        %dma_wait3A_404 = arith.constant 0 : i32
        %dma_wait3A_405 = arith.constant 0 : i32
        %dma_wait3A_406 = arith.constant 0 : i32
        %dma_wait3A_407 = arith.constant 0 : i32
        %dma_wait3A_408 = tpu.memref_slice %arg15[%dma_wait3A_404, %dma_wait3A_406, %dma_wait3A_407] : memref<2x64x128xf32, #tpu.memory_space<vmem>> -> memref<1x64x128xf32, #tpu.memory_space<vmem>>
        %dma_wait3A_409 = tpu.memref_squeeze %dma_wait3A_408 : memref<1x64x128xf32, #tpu.memory_space<vmem>> -> memref<64x128xf32, #tpu.memory_space<vmem>>
        %dma_wait3A_410 = arith.constant 0 : i32
        %dma_wait3A_411 = arith.constant 0 : i32
        %dma_wait3A_412 = tpu.memref_slice %arg8[%dma_wait3A_405, %dma_wait3A_410, %dma_wait3A_411] : memref<1024x256x128xf32, #tpu.memory_space<hbm>> -> memref<1x64x128xf32, #tpu.memory_space<hbm>>
        %dma_wait3A_413 = tpu.memref_squeeze %dma_wait3A_412 : memref<1x64x128xf32, #tpu.memory_space<hbm>> -> memref<64x128xf32, #tpu.memory_space<hbm>>
        %dma_wait3A_414 = arith.constant 0 : i32
        %dma_wait3A_415 = arith.constant 0 : i32
        %dma_wait3A_416 = tpu.memref_slice %arg8[%dma_wait3A_405, %dma_wait3A_414, %dma_wait3A_415] : memref<1024x256x128xf32, #tpu.memory_space<hbm>> -> memref<1x64x128xf32, #tpu.memory_space<hbm>>
        %dma_wait3A_417 = tpu.memref_squeeze %dma_wait3A_416 : memref<1x64x128xf32, #tpu.memory_space<hbm>> -> memref<64x128xf32, #tpu.memory_space<hbm>>
        %dma_wait3A_418 = arith.constant 0 : i32
        %dma_wait3A_419 = arith.constant 0 : i32
        %dma_wait3A_420 = tpu.memref_slice %arg15[%dma_wait3A_404, %dma_wait3A_418, %dma_wait3A_419] : memref<2x64x128xf32, #tpu.memory_space<vmem>> -> memref<1x64x128xf32, #tpu.memory_space<vmem>>
        %dma_wait3A_421 = tpu.memref_squeeze %dma_wait3A_420 : memref<1x64x128xf32, #tpu.memory_space<vmem>> -> memref<64x128xf32, #tpu.memory_space<vmem>>
        tpu.wait_dma2 semaphore(%arg18 : memref<!tpu.dma_semaphore, #tpu.memory_space<semaphore_mem>>) src(%dma_wait3A_421 : memref<64x128xf32, #tpu.memory_space<vmem>>) dst(%dma_wait3A_417 : memref<64x128xf32, #tpu.memory_space<hbm>>)
      } else {
      }
      %rem3A_270 = arith.constant 4 : i32
      %rem3A_271 = arith.remsi %add3A_200, %rem3A_270 : i32
      %scan3A_272 = arith.constant 0 : i32
      %scan3A_273 = arith.constant 4 : i32
      %scan3A_274 = arith.addi %scan3A_272, %scan3A_273 : i32
      %scan3A_275 = arith.constant 1 : i32
      scf.for %scan3A_404 = %scan3A_272 to %scan3A_274 step %scan3A_275  : i32 {
        %mul3A_405 = arith.constant 64 : i32
        %mul3A_406 = arith.muli %rem3A_219, %mul3A_405 : i32
        %mul3A_407 = arith.constant 16 : i32
        %mul3A_408 = arith.muli %scan3A_404, %mul3A_407 : i32
        %add3A_409 = arith.addi %mul3A_406, %mul3A_408 : i32
        %multiple_of3A_410 = tpu.assume_multiple %add3A_409, 16 : i32
        %get3A = arith.index_cast %rem3A_245 : i32 to index
        %get3A_411 = arith.index_cast %rem3A_247 : i32 to index
        %get3A_412 = arith.index_cast %multiple_of3A_410 : i32 to index
        %get3A_413 = tpu.vector_load %arg13[%get3A, %get3A_411, %get3A_412] {strides = array<i32>} : memref<2x8x256xf32, #tpu.memory_space<vmem>>, vector<1x1x16xf32>,
        %get3A_414 = vector.shape_cast %get3A_413 : vector<1x1x16xf32> to vector<16xf32>
        %get3A_415 = arith.index_cast %rem3A_245 : i32 to index
        %get3A_416 = arith.index_cast %rem3A_247 : i32 to index
        %get3A_417 = arith.index_cast %multiple_of3A_410 : i32 to index
        %get3A_418 = tpu.vector_load %arg11[%get3A_415, %get3A_416, %get3A_417] {strides = array<i32>} : memref<2x8x256xi32, #tpu.memory_space<vmem>>, vector<1x1x16xi32>,
        %get3A_419 = vector.shape_cast %get3A_418 : vector<1x1x16xi32> to vector<16xi32>
        %mul3A_420 = arith.constant 64 : i32
        %mul3A_421 = vector.broadcast %mul3A_420 : i32 to vector<16xi32>
        %mul3A_422 = arith.muli %get3A_419, %mul3A_421 : vector<16xi32>
        %mul3A_423 = arith.constant 16 : i32
        %mul3A_424 = arith.muli %scan3A_404, %mul3A_423 : i32
        %add3A_425 = arith.constant 0 : i32
        %add3A_426 = arith.addi %mul3A_424, %add3A_425 : i32
        %slice3A = vector.extract_strided_slice %get3A_414 {offsets = [0], sizes = [1], strides = [1]} : vector<16xf32> to vector<1xf32>
        %squeeze3A = vector.extract %slice3A[0] : f32 from vector<1xf32>
        %broadcast_in_dim3A = vector.broadcast %squeeze3A : f32 to vector<16xf32>
        %slice3A_427 = vector.extract_strided_slice %mul3A_422 {offsets = [0], sizes = [1], strides = [1]} : vector<16xi32> to vector<1xi32>
        %squeeze3A_428 = vector.extract %slice3A_427[0] : i32 from vector<1xi32>
        %add3A_429 = arith.constant 0 : i32
        %add3A_430 = arith.addi %squeeze3A_428, %add3A_429 : i32
        %get3A_431 = arith.index_cast %add3A_430 : i32 to index
        %get3A_432 = tpu.vector_load %arg9[%get3A_431] {strides = array<i32>} : memref<64000xf32, #tpu.memory_space<vmem>>, vector<16xf32>,
        %get3A_433 = vector.shape_cast %get3A_432 : vector<16xf32> to vector<16xf32>
        %get3A_434 = arith.index_cast %rem3A_271 : i32 to index
        %get3A_435 = arith.index_cast %add3A_426 : i32 to index
        %get3A_436 = arith.constant 0 : index
        %get3A_437 = tpu.vector_load %arg14[%get3A_434, %get3A_435, %get3A_436] {strides = array<i32>} : memref<4x64x128xf32, #tpu.memory_space<vmem>>, vector<1x1x16xf32>,
        %get3A_438 = vector.shape_cast %get3A_437 : vector<1x1x16xf32> to vector<16xf32>
        %mul3A_439 = arith.mulf %get3A_433, %broadcast_in_dim3A : vector<16xf32>
        %swap3A = arith.constant 0 : i32
        %swap3A_440 = arith.index_cast %swap3A : i32 to index
        %swap3A_441 = arith.index_cast %add3A_426 : i32 to index
        %swap3A_442 = arith.constant 0 : index
        %swap3A_443 = tpu.vector_load %arg15[%swap3A_440, %swap3A_441, %swap3A_442] {strides = array<i32>} : memref<2x64x128xf32, #tpu.memory_space<vmem>>, vector<1x1x16xf32>,
        %swap3A_444 = vector.shape_cast %swap3A_443 : vector<1x1x16xf32> to vector<16xf32>
        %swap3A_445 = vector.shape_cast %mul3A_439 : vector<16xf32> to vector<1x1x16xf32>
        tpu.vector_store %arg15[%swap3A_440, %swap3A_441, %swap3A_442], %swap3A_445 {strides = array<i32>} : memref<2x64x128xf32, #tpu.memory_space<vmem>>, vector<1x1x16xf32>,
        %mul3A_446 = arith.mulf %get3A_438, %broadcast_in_dim3A : vector<16xf32>
        %swap3A_447 = arith.constant 0 : i32
        %swap3A_448 = arith.index_cast %swap3A_447 : i32 to index
        %swap3A_449 = arith.index_cast %add3A_426 : i32 to index
        %swap3A_450 = arith.constant 64 : index
        %swap3A_451 = tpu.vector_load %arg15[%swap3A_448, %swap3A_449, %swap3A_450] {strides = array<i32>} : memref<2x64x128xf32, #tpu.memory_space<vmem>>, vector<1x1x16xf32>,
        %swap3A_452 = vector.shape_cast %swap3A_451 : vector<1x1x16xf32> to vector<16xf32>
        %swap3A_453 = vector.shape_cast %mul3A_446 : vector<16xf32> to vector<1x1x16xf32>
        tpu.vector_store %arg15[%swap3A_448, %swap3A_449, %swap3A_450], %swap3A_453 {strides = array<i32>} : memref<2x64x128xf32, #tpu.memory_space<vmem>>, vector<1x1x16xf32>,
        %add3A_454 = arith.constant 16 : i32
        %add3A_455 = arith.addi %squeeze3A_428, %add3A_454 : i32
        %get3A_456 = arith.index_cast %add3A_455 : i32 to index
        %get3A_457 = tpu.vector_load %arg9[%get3A_456] {strides = array<i32>} : memref<64000xf32, #tpu.memory_space<vmem>>, vector<16xf32>,
        %get3A_458 = vector.shape_cast %get3A_457 : vector<16xf32> to vector<16xf32>
        %get3A_459 = arith.index_cast %rem3A_271 : i32 to index
        %get3A_460 = arith.index_cast %add3A_426 : i32 to index
        %get3A_461 = arith.constant 16 : index
        %get3A_462 = tpu.vector_load %arg14[%get3A_459, %get3A_460, %get3A_461] {strides = array<i32>} : memref<4x64x128xf32, #tpu.memory_space<vmem>>, vector<1x1x16xf32>,
        %get3A_463 = vector.shape_cast %get3A_462 : vector<1x1x16xf32> to vector<16xf32>
        %mul3A_464 = arith.mulf %get3A_458, %broadcast_in_dim3A : vector<16xf32>
        %swap3A_465 = arith.constant 0 : i32
        %swap3A_466 = arith.index_cast %swap3A_465 : i32 to index
        %swap3A_467 = arith.index_cast %add3A_426 : i32 to index
        %swap3A_468 = arith.constant 16 : index
        %swap3A_469 = tpu.vector_load %arg15[%swap3A_466, %swap3A_467, %swap3A_468] {strides = array<i32>} : memref<2x64x128xf32, #tpu.memory_space<vmem>>, vector<1x1x16xf32>,
        %swap3A_470 = vector.shape_cast %swap3A_469 : vector<1x1x16xf32> to vector<16xf32>
        %swap3A_471 = vector.shape_cast %mul3A_464 : vector<16xf32> to vector<1x1x16xf32>
        tpu.vector_store %arg15[%swap3A_466, %swap3A_467, %swap3A_468], %swap3A_471 {strides = array<i32>} : memref<2x64x128xf32, #tpu.memory_space<vmem>>, vector<1x1x16xf32>,
        %mul3A_472 = arith.mulf %get3A_463, %broadcast_in_dim3A : vector<16xf32>
        %swap3A_473 = arith.constant 0 : i32
        %swap3A_474 = arith.index_cast %swap3A_473 : i32 to index
        %swap3A_475 = arith.index_cast %add3A_426 : i32 to index
        %swap3A_476 = arith.constant 80 : index
        %swap3A_477 = tpu.vector_load %arg15[%swap3A_474, %swap3A_475, %swap3A_476] {strides = array<i32>} : memref<2x64x128xf32, #tpu.memory_space<vmem>>, vector<1x1x16xf32>,
        %swap3A_478 = vector.shape_cast %swap3A_477 : vector<1x1x16xf32> to vector<16xf32>
        %swap3A_479 = vector.shape_cast %mul3A_472 : vector<16xf32> to vector<1x1x16xf32>
        tpu.vector_store %arg15[%swap3A_474, %swap3A_475, %swap3A_476], %swap3A_479 {strides = array<i32>} : memref<2x64x128xf32, #tpu.memory_space<vmem>>, vector<1x1x16xf32>,
        %add3A_480 = arith.constant 32 : i32
        %add3A_481 = arith.addi %squeeze3A_428, %add3A_480 : i32
        %get3A_482 = arith.index_cast %add3A_481 : i32 to index
        %get3A_483 = tpu.vector_load %arg9[%get3A_482] {strides = array<i32>} : memref<64000xf32, #tpu.memory_space<vmem>>, vector<16xf32>,
        %get3A_484 = vector.shape_cast %get3A_483 : vector<16xf32> to vector<16xf32>
        %get3A_485 = arith.index_cast %rem3A_271 : i32 to index
        %get3A_486 = arith.index_cast %add3A_426 : i32 to index
        %get3A_487 = arith.constant 32 : index
        %get3A_488 = tpu.vector_load %arg14[%get3A_485, %get3A_486, %get3A_487] {strides = array<i32>} : memref<4x64x128xf32, #tpu.memory_space<vmem>>, vector<1x1x16xf32>,
        %get3A_489 = vector.shape_cast %get3A_488 : vector<1x1x16xf32> to vector<16xf32>
        %mul3A_490 = arith.mulf %get3A_484, %broadcast_in_dim3A : vector<16xf32>
        %swap3A_491 = arith.constant 0 : i32
        %swap3A_492 = arith.index_cast %swap3A_491 : i32 to index
        %swap3A_493 = arith.index_cast %add3A_426 : i32 to index
        %swap3A_494 = arith.constant 32 : index
        %swap3A_495 = tpu.vector_load %arg15[%swap3A_492, %swap3A_493, %swap3A_494] {strides = array<i32>} : memref<2x64x128xf32, #tpu.memory_space<vmem>>, vector<1x1x16xf32>,
        %swap3A_496 = vector.shape_cast %swap3A_495 : vector<1x1x16xf32> to vector<16xf32>
        %swap3A_497 = vector.shape_cast %mul3A_490 : vector<16xf32> to vector<1x1x16xf32>
        tpu.vector_store %arg15[%swap3A_492, %swap3A_493, %swap3A_494], %swap3A_497 {strides = array<i32>} : memref<2x64x128xf32, #tpu.memory_space<vmem>>, vector<1x1x16xf32>,
        %mul3A_498 = arith.mulf %get3A_489, %broadcast_in_dim3A : vector<16xf32>
        %swap3A_499 = arith.constant 0 : i32
        %swap3A_500 = arith.index_cast %swap3A_499 : i32 to index
        %swap3A_501 = arith.index_cast %add3A_426 : i32 to index
        %swap3A_502 = arith.constant 96 : index
        %swap3A_503 = tpu.vector_load %arg15[%swap3A_500, %swap3A_501, %swap3A_502] {strides = array<i32>} : memref<2x64x128xf32, #tpu.memory_space<vmem>>, vector<1x1x16xf32>,
        %swap3A_504 = vector.shape_cast %swap3A_503 : vector<1x1x16xf32> to vector<16xf32>
        %swap3A_505 = vector.shape_cast %mul3A_498 : vector<16xf32> to vector<1x1x16xf32>
        tpu.vector_store %arg15[%swap3A_500, %swap3A_501, %swap3A_502], %swap3A_505 {strides = array<i32>} : memref<2x64x128xf32, #tpu.memory_space<vmem>>, vector<1x1x16xf32>,
        %add3A_506 = arith.constant 48 : i32
        %add3A_507 = arith.addi %squeeze3A_428, %add3A_506 : i32
        %get3A_508 = arith.index_cast %add3A_507 : i32 to index
        %get3A_509 = tpu.vector_load %arg9[%get3A_508] {strides = array<i32>} : memref<64000xf32, #tpu.memory_space<vmem>>, vector<16xf32>,
        %get3A_510 = vector.shape_cast %get3A_509 : vector<16xf32> to vector<16xf32>
        %get3A_511 = arith.index_cast %rem3A_271 : i32 to index
        %get3A_512 = arith.index_cast %add3A_426 : i32 to index
        %get3A_513 = arith.constant 48 : index
        %get3A_514 = tpu.vector_load %arg14[%get3A_511, %get3A_512, %get3A_513] {strides = array<i32>} : memref<4x64x128xf32, #tpu.memory_space<vmem>>, vector<1x1x16xf32>,
        %get3A_515 = vector.shape_cast %get3A_514 : vector<1x1x16xf32> to vector<16xf32>
        %mul3A_516 = arith.mulf %get3A_510, %broadcast_in_dim3A : vector<16xf32>
        %swap3A_517 = arith.constant 0 : i32
        %swap3A_518 = arith.index_cast %swap3A_517 : i32 to index
        %swap3A_519 = arith.index_cast %add3A_426 : i32 to index
        %swap3A_520 = arith.constant 48 : index
        %swap3A_521 = tpu.vector_load %arg15[%swap3A_518, %swap3A_519, %swap3A_520] {strides = array<i32>} : memref<2x64x128xf32, #tpu.memory_space<vmem>>, vector<1x1x16xf32>,
        %swap3A_522 = vector.shape_cast %swap3A_521 : vector<1x1x16xf32> to vector<16xf32>
        %swap3A_523 = vector.shape_cast %mul3A_516 : vector<16xf32> to vector<1x1x16xf32>
        tpu.vector_store %arg15[%swap3A_518, %swap3A_519, %swap3A_520], %swap3A_523 {strides = array<i32>} : memref<2x64x128xf32, #tpu.memory_space<vmem>>, vector<1x1x16xf32>,
        %mul3A_524 = arith.mulf %get3A_515, %broadcast_in_dim3A : vector<16xf32>
        %swap3A_525 = arith.constant 0 : i32
        %swap3A_526 = arith.index_cast %swap3A_525 : i32 to index
        %swap3A_527 = arith.index_cast %add3A_426 : i32 to index
        %swap3A_528 = arith.constant 112 : index
        %swap3A_529 = tpu.vector_load %arg15[%swap3A_526, %swap3A_527, %swap3A_528] {strides = array<i32>} : memref<2x64x128xf32, #tpu.memory_space<vmem>>, vector<1x1x16xf32>,
        %swap3A_530 = vector.shape_cast %swap3A_529 : vector<1x1x16xf32> to vector<16xf32>
        %swap3A_531 = vector.shape_cast %mul3A_524 : vector<16xf32> to vector<1x1x16xf32>
        tpu.vector_store %arg15[%swap3A_526, %swap3A_527, %swap3A_528], %swap3A_531 {strides = array<i32>} : memref<2x64x128xf32, #tpu.memory_space<vmem>>, vector<1x1x16xf32>,
        %mul3A_532 = arith.constant 16 : i32
        %mul3A_533 = arith.muli %scan3A_404, %mul3A_532 : i32
        %add3A_534 = arith.constant 1 : i32
        %add3A_535 = arith.addi %mul3A_533, %add3A_534 : i32
        %slice3A_536 = vector.extract_strided_slice %get3A_414 {offsets = [1], sizes = [1], strides = [1]} : vector<16xf32> to vector<1xf32>
        %squeeze3A_537 = vector.extract %slice3A_536[0] : f32 from vector<1xf32>
        %broadcast_in_dim3A_538 = vector.broadcast %squeeze3A_537 : f32 to vector<16xf32>
        %slice3A_539 = vector.extract_strided_slice %mul3A_422 {offsets = [1], sizes = [1], strides = [1]} : vector<16xi32> to vector<1xi32>
        %squeeze3A_540 = vector.extract %slice3A_539[0] : i32 from vector<1xi32>
        %add3A_541 = arith.constant 0 : i32
        %add3A_542 = arith.addi %squeeze3A_540, %add3A_541 : i32
        %get3A_543 = arith.index_cast %add3A_542 : i32 to index
        %get3A_544 = tpu.vector_load %arg9[%get3A_543] {strides = array<i32>} : memref<64000xf32, #tpu.memory_space<vmem>>, vector<16xf32>,
        %get3A_545 = vector.shape_cast %get3A_544 : vector<16xf32> to vector<16xf32>
        %get3A_546 = arith.index_cast %rem3A_271 : i32 to index
        %get3A_547 = arith.index_cast %add3A_535 : i32 to index
        %get3A_548 = arith.constant 0 : index
        %get3A_549 = tpu.vector_load %arg14[%get3A_546, %get3A_547, %get3A_548] {strides = array<i32>} : memref<4x64x128xf32, #tpu.memory_space<vmem>>, vector<1x1x16xf32>,
        %get3A_550 = vector.shape_cast %get3A_549 : vector<1x1x16xf32> to vector<16xf32>
        %mul3A_551 = arith.mulf %get3A_545, %broadcast_in_dim3A_538 : vector<16xf32>
        %swap3A_552 = arith.constant 0 : i32
        %swap3A_553 = arith.index_cast %swap3A_552 : i32 to index
        %swap3A_554 = arith.index_cast %add3A_535 : i32 to index
        %swap3A_555 = arith.constant 0 : index
        %swap3A_556 = tpu.vector_load %arg15[%swap3A_553, %swap3A_554, %swap3A_555] {strides = array<i32>} : memref<2x64x128xf32, #tpu.memory_space<vmem>>, vector<1x1x16xf32>,
        %swap3A_557 = vector.shape_cast %swap3A_556 : vector<1x1x16xf32> to vector<16xf32>
        %swap3A_558 = vector.shape_cast %mul3A_551 : vector<16xf32> to vector<1x1x16xf32>
        tpu.vector_store %arg15[%swap3A_553, %swap3A_554, %swap3A_555], %swap3A_558 {strides = array<i32>} : memref<2x64x128xf32, #tpu.memory_space<vmem>>, vector<1x1x16xf32>,
        %mul3A_559 = arith.mulf %get3A_550, %broadcast_in_dim3A_538 : vector<16xf32>
        %swap3A_560 = arith.constant 0 : i32
        %swap3A_561 = arith.index_cast %swap3A_560 : i32 to index
        %swap3A_562 = arith.index_cast %add3A_535 : i32 to index
        %swap3A_563 = arith.constant 64 : index
        %swap3A_564 = tpu.vector_load %arg15[%swap3A_561, %swap3A_562, %swap3A_563] {strides = array<i32>} : memref<2x64x128xf32, #tpu.memory_space<vmem>>, vector<1x1x16xf32>,
        %swap3A_565 = vector.shape_cast %swap3A_564 : vector<1x1x16xf32> to vector<16xf32>
        %swap3A_566 = vector.shape_cast %mul3A_559 : vector<16xf32> to vector<1x1x16xf32>
        tpu.vector_store %arg15[%swap3A_561, %swap3A_562, %swap3A_563], %swap3A_566 {strides = array<i32>} : memref<2x64x128xf32, #tpu.memory_space<vmem>>, vector<1x1x16xf32>,
        %add3A_567 = arith.constant 16 : i32
        %add3A_568 = arith.addi %squeeze3A_540, %add3A_567 : i32
        %get3A_569 = arith.index_cast %add3A_568 : i32 to index
        %get3A_570 = tpu.vector_load %arg9[%get3A_569] {strides = array<i32>} : memref<64000xf32, #tpu.memory_space<vmem>>, vector<16xf32>,
        %get3A_571 = vector.shape_cast %get3A_570 : vector<16xf32> to vector<16xf32>
        %get3A_572 = arith.index_cast %rem3A_271 : i32 to index
        %get3A_573 = arith.index_cast %add3A_535 : i32 to index
        %get3A_574 = arith.constant 16 : index
        %get3A_575 = tpu.vector_load %arg14[%get3A_572, %get3A_573, %get3A_574] {strides = array<i32>} : memref<4x64x128xf32, #tpu.memory_space<vmem>>, vector<1x1x16xf32>,
        %get3A_576 = vector.shape_cast %get3A_575 : vector<1x1x16xf32> to vector<16xf32>
        %mul3A_577 = arith.mulf %get3A_571, %broadcast_in_dim3A_538 : vector<16xf32>
        %swap3A_578 = arith.constant 0 : i32
        %swap3A_579 = arith.index_cast %swap3A_578 : i32 to index
        %swap3A_580 = arith.index_cast %add3A_535 : i32 to index
        %swap3A_581 = arith.constant 16 : index
        %swap3A_582 = tpu.vector_load %arg15[%swap3A_579, %swap3A_580, %swap3A_581] {strides = array<i32>} : memref<2x64x128xf32, #tpu.memory_space<vmem>>, vector<1x1x16xf32>,
        %swap3A_583 = vector.shape_cast %swap3A_582 : vector<1x1x16xf32> to vector<16xf32>
        %swap3A_584 = vector.shape_cast %mul3A_577 : vector<16xf32> to vector<1x1x16xf32>
        tpu.vector_store %arg15[%swap3A_579, %swap3A_580, %swap3A_581], %swap3A_584 {strides = array<i32>} : memref<2x64x128xf32, #tpu.memory_space<vmem>>, vector<1x1x16xf32>,
        %mul3A_585 = arith.mulf %get3A_576, %broadcast_in_dim3A_538 : vector<16xf32>
        %swap3A_586 = arith.constant 0 : i32
        %swap3A_587 = arith.index_cast %swap3A_586 : i32 to index
        %swap3A_588 = arith.index_cast %add3A_535 : i32 to index
        %swap3A_589 = arith.constant 80 : index
        %swap3A_590 = tpu.vector_load %arg15[%swap3A_587, %swap3A_588, %swap3A_589] {strides = array<i32>} : memref<2x64x128xf32, #tpu.memory_space<vmem>>, vector<1x1x16xf32>,
        %swap3A_591 = vector.shape_cast %swap3A_590 : vector<1x1x16xf32> to vector<16xf32>
        %swap3A_592 = vector.shape_cast %mul3A_585 : vector<16xf32> to vector<1x1x16xf32>
        tpu.vector_store %arg15[%swap3A_587, %swap3A_588, %swap3A_589], %swap3A_592 {strides = array<i32>} : memref<2x64x128xf32, #tpu.memory_space<vmem>>, vector<1x1x16xf32>,
        %add3A_593 = arith.constant 32 : i32
        %add3A_594 = arith.addi %squeeze3A_540, %add3A_593 : i32
        %get3A_595 = arith.index_cast %add3A_594 : i32 to index
        %get3A_596 = tpu.vector_load %arg9[%get3A_595] {strides = array<i32>} : memref<64000xf32, #tpu.memory_space<vmem>>, vector<16xf32>,
        %get3A_597 = vector.shape_cast %get3A_596 : vector<16xf32> to vector<16xf32>
        %get3A_598 = arith.index_cast %rem3A_271 : i32 to index
        %get3A_599 = arith.index_cast %add3A_535 : i32 to index
        %get3A_600 = arith.constant 32 : index
        %get3A_601 = tpu.vector_load %arg14[%get3A_598, %get3A_599, %get3A_600] {strides = array<i32>} : memref<4x64x128xf32, #tpu.memory_space<vmem>>, vector<1x1x16xf32>,
        %get3A_602 = vector.shape_cast %get3A_601 : vector<1x1x16xf32> to vector<16xf32>
        %mul3A_603 = arith.mulf %get3A_597, %broadcast_in_dim3A_538 : vector<16xf32>
        %swap3A_604 = arith.constant 0 : i32
        %swap3A_605 = arith.index_cast %swap3A_604 : i32 to index
        %swap3A_606 = arith.index_cast %add3A_535 : i32 to index
        %swap3A_607 = arith.constant 32 : index
        %swap3A_608 = tpu.vector_load %arg15[%swap3A_605, %swap3A_606, %swap3A_607] {strides = array<i32>} : memref<2x64x128xf32, #tpu.memory_space<vmem>>, vector<1x1x16xf32>,
        %swap3A_609 = vector.shape_cast %swap3A_608 : vector<1x1x16xf32> to vector<16xf32>
        %swap3A_610 = vector.shape_cast %mul3A_603 : vector<16xf32> to vector<1x1x16xf32>
        tpu.vector_store %arg15[%swap3A_605, %swap3A_606, %swap3A_607], %swap3A_610 {strides = array<i32>} : memref<2x64x128xf32, #tpu.memory_space<vmem>>, vector<1x1x16xf32>,
        %mul3A_611 = arith.mulf %get3A_602, %broadcast_in_dim3A_538 : vector<16xf32>
        %swap3A_612 = arith.constant 0 : i32
        %swap3A_613 = arith.index_cast %swap3A_612 : i32 to index
        %swap3A_614 = arith.index_cast %add3A_535 : i32 to index
        %swap3A_615 = arith.constant 96 : index
        %swap3A_616 = tpu.vector_load %arg15[%swap3A_613, %swap3A_614, %swap3A_615] {strides = array<i32>} : memref<2x64x128xf32, #tpu.memory_space<vmem>>, vector<1x1x16xf32>,
        %swap3A_617 = vector.shape_cast %swap3A_616 : vector<1x1x16xf32> to vector<16xf32>
        %swap3A_618 = vector.shape_cast %mul3A_611 : vector<16xf32> to vector<1x1x16xf32>
        tpu.vector_store %arg15[%swap3A_613, %swap3A_614, %swap3A_615], %swap3A_618 {strides = array<i32>} : memref<2x64x128xf32, #tpu.memory_space<vmem>>, vector<1x1x16xf32>,
        %add3A_619 = arith.constant 48 : i32
        %add3A_620 = arith.addi %squeeze3A_540, %add3A_619 : i32
        %get3A_621 = arith.index_cast %add3A_620 : i32 to index
        %get3A_622 = tpu.vector_load %arg9[%get3A_621] {strides = array<i32>} : memref<64000xf32, #tpu.memory_space<vmem>>, vector<16xf32>,
        %get3A_623 = vector.shape_cast %get3A_622 : vector<16xf32> to vector<16xf32>
        %get3A_624 = arith.index_cast %rem3A_271 : i32 to index
        %get3A_625 = arith.index_cast %add3A_535 : i32 to index
        %get3A_626 = arith.constant 48 : index
        %get3A_627 = tpu.vector_load %arg14[%get3A_624, %get3A_625, %get3A_626] {strides = array<i32>} : memref<4x64x128xf32, #tpu.memory_space<vmem>>, vector<1x1x16xf32>,
        %get3A_628 = vector.shape_cast %get3A_627 : vector<1x1x16xf32> to vector<16xf32>
        %mul3A_629 = arith.mulf %get3A_623, %broadcast_in_dim3A_538 : vector<16xf32>
        %swap3A_630 = arith.constant 0 : i32
        %swap3A_631 = arith.index_cast %swap3A_630 : i32 to index
        %swap3A_632 = arith.index_cast %add3A_535 : i32 to index
        %swap3A_633 = arith.constant 48 : index
        %swap3A_634 = tpu.vector_load %arg15[%swap3A_631, %swap3A_632, %swap3A_633] {strides = array<i32>} : memref<2x64x128xf32, #tpu.memory_space<vmem>>, vector<1x1x16xf32>,
        %swap3A_635 = vector.shape_cast %swap3A_634 : vector<1x1x16xf32> to vector<16xf32>
        %swap3A_636 = vector.shape_cast %mul3A_629 : vector<16xf32> to vector<1x1x16xf32>
        tpu.vector_store %arg15[%swap3A_631, %swap3A_632, %swap3A_633], %swap3A_636 {strides = array<i32>} : memref<2x64x128xf32, #tpu.memory_space<vmem>>, vector<1x1x16xf32>,
        %mul3A_637 = arith.mulf %get3A_628, %broadcast_in_dim3A_538 : vector<16xf32>
        %swap3A_638 = arith.constant 0 : i32
        %swap3A_639 = arith.index_cast %swap3A_638 : i32 to index
        %swap3A_640 = arith.index_cast %add3A_535 : i32 to index
        %swap3A_641 = arith.constant 112 : index
        %swap3A_642 = tpu.vector_load %arg15[%swap3A_639, %swap3A_640, %swap3A_641] {strides = array<i32>} : memref<2x64x128xf32, #tpu.memory_space<vmem>>, vector<1x1x16xf32>,
        %swap3A_643 = vector.shape_cast %swap3A_642 : vector<1x1x16xf32> to vector<16xf32>
        %swap3A_644 = vector.shape_cast %mul3A_637 : vector<16xf32> to vector<1x1x16xf32>
        tpu.vector_store %arg15[%swap3A_639, %swap3A_640, %swap3A_641], %swap3A_644 {strides = array<i32>} : memref<2x64x128xf32, #tpu.memory_space<vmem>>, vector<1x1x16xf32>,
        %mul3A_645 = arith.constant 16 : i32
        %mul3A_646 = arith.muli %scan3A_404, %mul3A_645 : i32
        %add3A_647 = arith.constant 2 : i32
        %add3A_648 = arith.addi %mul3A_646, %add3A_647 : i32
        %slice3A_649 = vector.extract_strided_slice %get3A_414 {offsets = [2], sizes = [1], strides = [1]} : vector<16xf32> to vector<1xf32>
        %squeeze3A_650 = vector.extract %slice3A_649[0] : f32 from vector<1xf32>
        %broadcast_in_dim3A_651 = vector.broadcast %squeeze3A_650 : f32 to vector<16xf32>
        %slice3A_652 = vector.extract_strided_slice %mul3A_422 {offsets = [2], sizes = [1], strides = [1]} : vector<16xi32> to vector<1xi32>
        %squeeze3A_653 = vector.extract %slice3A_652[0] : i32 from vector<1xi32>
        %add3A_654 = arith.constant 0 : i32
        %add3A_655 = arith.addi %squeeze3A_653, %add3A_654 : i32
        %get3A_656 = arith.index_cast %add3A_655 : i32 to index
        %get3A_657 = tpu.vector_load %arg9[%get3A_656] {strides = array<i32>} : memref<64000xf32, #tpu.memory_space<vmem>>, vector<16xf32>,
        %get3A_658 = vector.shape_cast %get3A_657 : vector<16xf32> to vector<16xf32>
        %get3A_659 = arith.index_cast %rem3A_271 : i32 to index
        %get3A_660 = arith.index_cast %add3A_648 : i32 to index
        %get3A_661 = arith.constant 0 : index
        %get3A_662 = tpu.vector_load %arg14[%get3A_659, %get3A_660, %get3A_661] {strides = array<i32>} : memref<4x64x128xf32, #tpu.memory_space<vmem>>, vector<1x1x16xf32>,
        %get3A_663 = vector.shape_cast %get3A_662 : vector<1x1x16xf32> to vector<16xf32>
        %mul3A_664 = arith.mulf %get3A_658, %broadcast_in_dim3A_651 : vector<16xf32>
        %swap3A_665 = arith.constant 0 : i32
        %swap3A_666 = arith.index_cast %swap3A_665 : i32 to index
        %swap3A_667 = arith.index_cast %add3A_648 : i32 to index
        %swap3A_668 = arith.constant 0 : index
        %swap3A_669 = tpu.vector_load %arg15[%swap3A_666, %swap3A_667, %swap3A_668] {strides = array<i32>} : memref<2x64x128xf32, #tpu.memory_space<vmem>>, vector<1x1x16xf32>,
        %swap3A_670 = vector.shape_cast %swap3A_669 : vector<1x1x16xf32> to vector<16xf32>
        %swap3A_671 = vector.shape_cast %mul3A_664 : vector<16xf32> to vector<1x1x16xf32>
        tpu.vector_store %arg15[%swap3A_666, %swap3A_667, %swap3A_668], %swap3A_671 {strides = array<i32>} : memref<2x64x128xf32, #tpu.memory_space<vmem>>, vector<1x1x16xf32>,
        %mul3A_672 = arith.mulf %get3A_663, %broadcast_in_dim3A_651 : vector<16xf32>
        %swap3A_673 = arith.constant 0 : i32
        %swap3A_674 = arith.index_cast %swap3A_673 : i32 to index
        %swap3A_675 = arith.index_cast %add3A_648 : i32 to index
        %swap3A_676 = arith.constant 64 : index
        %swap3A_677 = tpu.vector_load %arg15[%swap3A_674, %swap3A_675, %swap3A_676] {strides = array<i32>} : memref<2x64x128xf32, #tpu.memory_space<vmem>>, vector<1x1x16xf32>,
        %swap3A_678 = vector.shape_cast %swap3A_677 : vector<1x1x16xf32> to vector<16xf32>
        %swap3A_679 = vector.shape_cast %mul3A_672 : vector<16xf32> to vector<1x1x16xf32>
        tpu.vector_store %arg15[%swap3A_674, %swap3A_675, %swap3A_676], %swap3A_679 {strides = array<i32>} : memref<2x64x128xf32, #tpu.memory_space<vmem>>, vector<1x1x16xf32>,
        %add3A_680 = arith.constant 16 : i32
        %add3A_681 = arith.addi %squeeze3A_653, %add3A_680 : i32
        %get3A_682 = arith.index_cast %add3A_681 : i32 to index
        %get3A_683 = tpu.vector_load %arg9[%get3A_682] {strides = array<i32>} : memref<64000xf32, #tpu.memory_space<vmem>>, vector<16xf32>,
        %get3A_684 = vector.shape_cast %get3A_683 : vector<16xf32> to vector<16xf32>
        %get3A_685 = arith.index_cast %rem3A_271 : i32 to index
        %get3A_686 = arith.index_cast %add3A_648 : i32 to index
        %get3A_687 = arith.constant 16 : index
        %get3A_688 = tpu.vector_load %arg14[%get3A_685, %get3A_686, %get3A_687] {strides = array<i32>} : memref<4x64x128xf32, #tpu.memory_space<vmem>>, vector<1x1x16xf32>,
        %get3A_689 = vector.shape_cast %get3A_688 : vector<1x1x16xf32> to vector<16xf32>
        %mul3A_690 = arith.mulf %get3A_684, %broadcast_in_dim3A_651 : vector<16xf32>
        %swap3A_691 = arith.constant 0 : i32
        %swap3A_692 = arith.index_cast %swap3A_691 : i32 to index
        %swap3A_693 = arith.index_cast %add3A_648 : i32 to index
        %swap3A_694 = arith.constant 16 : index
        %swap3A_695 = tpu.vector_load %arg15[%swap3A_692, %swap3A_693, %swap3A_694] {strides = array<i32>} : memref<2x64x128xf32, #tpu.memory_space<vmem>>, vector<1x1x16xf32>,
        %swap3A_696 = vector.shape_cast %swap3A_695 : vector<1x1x16xf32> to vector<16xf32>
        %swap3A_697 = vector.shape_cast %mul3A_690 : vector<16xf32> to vector<1x1x16xf32>
        tpu.vector_store %arg15[%swap3A_692, %swap3A_693, %swap3A_694], %swap3A_697 {strides = array<i32>} : memref<2x64x128xf32, #tpu.memory_space<vmem>>, vector<1x1x16xf32>,
        %mul3A_698 = arith.mulf %get3A_689, %broadcast_in_dim3A_651 : vector<16xf32>
        %swap3A_699 = arith.constant 0 : i32
        %swap3A_700 = arith.index_cast %swap3A_699 : i32 to index
        %swap3A_701 = arith.index_cast %add3A_648 : i32 to index
        %swap3A_702 = arith.constant 80 : index
        %swap3A_703 = tpu.vector_load %arg15[%swap3A_700, %swap3A_701, %swap3A_702] {strides = array<i32>} : memref<2x64x128xf32, #tpu.memory_space<vmem>>, vector<1x1x16xf32>,
        %swap3A_704 = vector.shape_cast %swap3A_703 : vector<1x1x16xf32> to vector<16xf32>
        %swap3A_705 = vector.shape_cast %mul3A_698 : vector<16xf32> to vector<1x1x16xf32>
        tpu.vector_store %arg15[%swap3A_700, %swap3A_701, %swap3A_702], %swap3A_705 {strides = array<i32>} : memref<2x64x128xf32, #tpu.memory_space<vmem>>, vector<1x1x16xf32>,
        %add3A_706 = arith.constant 32 : i32
        %add3A_707 = arith.addi %squeeze3A_653, %add3A_706 : i32
        %get3A_708 = arith.index_cast %add3A_707 : i32 to index
        %get3A_709 = tpu.vector_load %arg9[%get3A_708] {strides = array<i32>} : memref<64000xf32, #tpu.memory_space<vmem>>, vector<16xf32>,
        %get3A_710 = vector.shape_cast %get3A_709 : vector<16xf32> to vector<16xf32>
        %get3A_711 = arith.index_cast %rem3A_271 : i32 to index
        %get3A_712 = arith.index_cast %add3A_648 : i32 to index
        %get3A_713 = arith.constant 32 : index
        %get3A_714 = tpu.vector_load %arg14[%get3A_711, %get3A_712, %get3A_713] {strides = array<i32>} : memref<4x64x128xf32, #tpu.memory_space<vmem>>, vector<1x1x16xf32>,
        %get3A_715 = vector.shape_cast %get3A_714 : vector<1x1x16xf32> to vector<16xf32>
        %mul3A_716 = arith.mulf %get3A_710, %broadcast_in_dim3A_651 : vector<16xf32>
        %swap3A_717 = arith.constant 0 : i32
        %swap3A_718 = arith.index_cast %swap3A_717 : i32 to index
        %swap3A_719 = arith.index_cast %add3A_648 : i32 to index
        %swap3A_720 = arith.constant 32 : index
        %swap3A_721 = tpu.vector_load %arg15[%swap3A_718, %swap3A_719, %swap3A_720] {strides = array<i32>} : memref<2x64x128xf32, #tpu.memory_space<vmem>>, vector<1x1x16xf32>,
        %swap3A_722 = vector.shape_cast %swap3A_721 : vector<1x1x16xf32> to vector<16xf32>
        %swap3A_723 = vector.shape_cast %mul3A_716 : vector<16xf32> to vector<1x1x16xf32>
        tpu.vector_store %arg15[%swap3A_718, %swap3A_719, %swap3A_720], %swap3A_723 {strides = array<i32>} : memref<2x64x128xf32, #tpu.memory_space<vmem>>, vector<1x1x16xf32>,
        %mul3A_724 = arith.mulf %get3A_715, %broadcast_in_dim3A_651 : vector<16xf32>
        %swap3A_725 = arith.constant 0 : i32
        %swap3A_726 = arith.index_cast %swap3A_725 : i32 to index
        %swap3A_727 = arith.index_cast %add3A_648 : i32 to index
        %swap3A_728 = arith.constant 96 : index
        %swap3A_729 = tpu.vector_load %arg15[%swap3A_726, %swap3A_727, %swap3A_728] {strides = array<i32>} : memref<2x64x128xf32, #tpu.memory_space<vmem>>, vector<1x1x16xf32>,
        %swap3A_730 = vector.shape_cast %swap3A_729 : vector<1x1x16xf32> to vector<16xf32>
        %swap3A_731 = vector.shape_cast %mul3A_724 : vector<16xf32> to vector<1x1x16xf32>
        tpu.vector_store %arg15[%swap3A_726, %swap3A_727, %swap3A_728], %swap3A_731 {strides = array<i32>} : memref<2x64x128xf32, #tpu.memory_space<vmem>>, vector<1x1x16xf32>,
        %add3A_732 = arith.constant 48 : i32
        %add3A_733 = arith.addi %squeeze3A_653, %add3A_732 : i32
        %get3A_734 = arith.index_cast %add3A_733 : i32 to index
        %get3A_735 = tpu.vector_load %arg9[%get3A_734] {strides = array<i32>} : memref<64000xf32, #tpu.memory_space<vmem>>, vector<16xf32>,
        %get3A_736 = vector.shape_cast %get3A_735 : vector<16xf32> to vector<16xf32>
        %get3A_737 = arith.index_cast %rem3A_271 : i32 to index
        %get3A_738 = arith.index_cast %add3A_648 : i32 to index
        %get3A_739 = arith.constant 48 : index
        %get3A_740 = tpu.vector_load %arg14[%get3A_737, %get3A_738, %get3A_739] {strides = array<i32>} : memref<4x64x128xf32, #tpu.memory_space<vmem>>, vector<1x1x16xf32>,
        %get3A_741 = vector.shape_cast %get3A_740 : vector<1x1x16xf32> to vector<16xf32>
        %mul3A_742 = arith.mulf %get3A_736, %broadcast_in_dim3A_651 : vector<16xf32>
        %swap3A_743 = arith.constant 0 : i32
        %swap3A_744 = arith.index_cast %swap3A_743 : i32 to index
        %swap3A_745 = arith.index_cast %add3A_648 : i32 to index
        %swap3A_746 = arith.constant 48 : index
        %swap3A_747 = tpu.vector_load %arg15[%swap3A_744, %swap3A_745, %swap3A_746] {strides = array<i32>} : memref<2x64x128xf32, #tpu.memory_space<vmem>>, vector<1x1x16xf32>,
        %swap3A_748 = vector.shape_cast %swap3A_747 : vector<1x1x16xf32> to vector<16xf32>
        %swap3A_749 = vector.shape_cast %mul3A_742 : vector<16xf32> to vector<1x1x16xf32>
        tpu.vector_store %arg15[%swap3A_744, %swap3A_745, %swap3A_746], %swap3A_749 {strides = array<i32>} : memref<2x64x128xf32, #tpu.memory_space<vmem>>, vector<1x1x16xf32>,
        %mul3A_750 = arith.mulf %get3A_741, %broadcast_in_dim3A_651 : vector<16xf32>
        %swap3A_751 = arith.constant 0 : i32
        %swap3A_752 = arith.index_cast %swap3A_751 : i32 to index
        %swap3A_753 = arith.index_cast %add3A_648 : i32 to index
        %swap3A_754 = arith.constant 112 : index
        %swap3A_755 = tpu.vector_load %arg15[%swap3A_752, %swap3A_753, %swap3A_754] {strides = array<i32>} : memref<2x64x128xf32, #tpu.memory_space<vmem>>, vector<1x1x16xf32>,
        %swap3A_756 = vector.shape_cast %swap3A_755 : vector<1x1x16xf32> to vector<16xf32>
        %swap3A_757 = vector.shape_cast %mul3A_750 : vector<16xf32> to vector<1x1x16xf32>
        tpu.vector_store %arg15[%swap3A_752, %swap3A_753, %swap3A_754], %swap3A_757 {strides = array<i32>} : memref<2x64x128xf32, #tpu.memory_space<vmem>>, vector<1x1x16xf32>,
        %mul3A_758 = arith.constant 16 : i32
        %mul3A_759 = arith.muli %scan3A_404, %mul3A_758 : i32
        %add3A_760 = arith.constant 3 : i32
        %add3A_761 = arith.addi %mul3A_759, %add3A_760 : i32
        %slice3A_762 = vector.extract_strided_slice %get3A_414 {offsets = [3], sizes = [1], strides = [1]} : vector<16xf32> to vector<1xf32>
        %squeeze3A_763 = vector.extract %slice3A_762[0] : f32 from vector<1xf32>
        %broadcast_in_dim3A_764 = vector.broadcast %squeeze3A_763 : f32 to vector<16xf32>
        %slice3A_765 = vector.extract_strided_slice %mul3A_422 {offsets = [3], sizes = [1], strides = [1]} : vector<16xi32> to vector<1xi32>
        %squeeze3A_766 = vector.extract %slice3A_765[0] : i32 from vector<1xi32>
        %add3A_767 = arith.constant 0 : i32
        %add3A_768 = arith.addi %squeeze3A_766, %add3A_767 : i32
        %get3A_769 = arith.index_cast %add3A_768 : i32 to index
        %get3A_770 = tpu.vector_load %arg9[%get3A_769] {strides = array<i32>} : memref<64000xf32, #tpu.memory_space<vmem>>, vector<16xf32>,
        %get3A_771 = vector.shape_cast %get3A_770 : vector<16xf32> to vector<16xf32>
        %get3A_772 = arith.index_cast %rem3A_271 : i32 to index
        %get3A_773 = arith.index_cast %add3A_761 : i32 to index
        %get3A_774 = arith.constant 0 : index
        %get3A_775 = tpu.vector_load %arg14[%get3A_772, %get3A_773, %get3A_774] {strides = array<i32>} : memref<4x64x128xf32, #tpu.memory_space<vmem>>, vector<1x1x16xf32>,
        %get3A_776 = vector.shape_cast %get3A_775 : vector<1x1x16xf32> to vector<16xf32>
        %mul3A_777 = arith.mulf %get3A_771, %broadcast_in_dim3A_764 : vector<16xf32>
        %swap3A_778 = arith.constant 0 : i32
        %swap3A_779 = arith.index_cast %swap3A_778 : i32 to index
        %swap3A_780 = arith.index_cast %add3A_761 : i32 to index
        %swap3A_781 = arith.constant 0 : index
        %swap3A_782 = tpu.vector_load %arg15[%swap3A_779, %swap3A_780, %swap3A_781] {strides = array<i32>} : memref<2x64x128xf32, #tpu.memory_space<vmem>>, vector<1x1x16xf32>,
        %swap3A_783 = vector.shape_cast %swap3A_782 : vector<1x1x16xf32> to vector<16xf32>
        %swap3A_784 = vector.shape_cast %mul3A_777 : vector<16xf32> to vector<1x1x16xf32>
        tpu.vector_store %arg15[%swap3A_779, %swap3A_780, %swap3A_781], %swap3A_784 {strides = array<i32>} : memref<2x64x128xf32, #tpu.memory_space<vmem>>, vector<1x1x16xf32>,
        %mul3A_785 = arith.mulf %get3A_776, %broadcast_in_dim3A_764 : vector<16xf32>
        %swap3A_786 = arith.constant 0 : i32
        %swap3A_787 = arith.index_cast %swap3A_786 : i32 to index
        %swap3A_788 = arith.index_cast %add3A_761 : i32 to index
        %swap3A_789 = arith.constant 64 : index
        %swap3A_790 = tpu.vector_load %arg15[%swap3A_787, %swap3A_788, %swap3A_789] {strides = array<i32>} : memref<2x64x128xf32, #tpu.memory_space<vmem>>, vector<1x1x16xf32>,
        %swap3A_791 = vector.shape_cast %swap3A_790 : vector<1x1x16xf32> to vector<16xf32>
        %swap3A_792 = vector.shape_cast %mul3A_785 : vector<16xf32> to vector<1x1x16xf32>
        tpu.vector_store %arg15[%swap3A_787, %swap3A_788, %swap3A_789], %swap3A_792 {strides = array<i32>} : memref<2x64x128xf32, #tpu.memory_space<vmem>>, vector<1x1x16xf32>,
        %add3A_793 = arith.constant 16 : i32
        %add3A_794 = arith.addi %squeeze3A_766, %add3A_793 : i32
        %get3A_795 = arith.index_cast %add3A_794 : i32 to index
        %get3A_796 = tpu.vector_load %arg9[%get3A_795] {strides = array<i32>} : memref<64000xf32, #tpu.memory_space<vmem>>, vector<16xf32>,
        %get3A_797 = vector.shape_cast %get3A_796 : vector<16xf32> to vector<16xf32>
        %get3A_798 = arith.index_cast %rem3A_271 : i32 to index
        %get3A_799 = arith.index_cast %add3A_761 : i32 to index
        %get3A_800 = arith.constant 16 : index
        %get3A_801 = tpu.vector_load %arg14[%get3A_798, %get3A_799, %get3A_800] {strides = array<i32>} : memref<4x64x128xf32, #tpu.memory_space<vmem>>, vector<1x1x16xf32>,
        %get3A_802 = vector.shape_cast %get3A_801 : vector<1x1x16xf32> to vector<16xf32>
        %mul3A_803 = arith.mulf %get3A_797, %broadcast_in_dim3A_764 : vector<16xf32>
        %swap3A_804 = arith.constant 0 : i32
        %swap3A_805 = arith.index_cast %swap3A_804 : i32 to index
        %swap3A_806 = arith.index_cast %add3A_761 : i32 to index
        %swap3A_807 = arith.constant 16 : index
        %swap3A_808 = tpu.vector_load %arg15[%swap3A_805, %swap3A_806, %swap3A_807] {strides = array<i32>} : memref<2x64x128xf32, #tpu.memory_space<vmem>>, vector<1x1x16xf32>,
        %swap3A_809 = vector.shape_cast %swap3A_808 : vector<1x1x16xf32> to vector<16xf32>
        %swap3A_810 = vector.shape_cast %mul3A_803 : vector<16xf32> to vector<1x1x16xf32>
        tpu.vector_store %arg15[%swap3A_805, %swap3A_806, %swap3A_807], %swap3A_810 {strides = array<i32>} : memref<2x64x128xf32, #tpu.memory_space<vmem>>, vector<1x1x16xf32>,
        %mul3A_811 = arith.mulf %get3A_802, %broadcast_in_dim3A_764 : vector<16xf32>
        %swap3A_812 = arith.constant 0 : i32
        %swap3A_813 = arith.index_cast %swap3A_812 : i32 to index
        %swap3A_814 = arith.index_cast %add3A_761 : i32 to index
        %swap3A_815 = arith.constant 80 : index
        %swap3A_816 = tpu.vector_load %arg15[%swap3A_813, %swap3A_814, %swap3A_815] {strides = array<i32>} : memref<2x64x128xf32, #tpu.memory_space<vmem>>, vector<1x1x16xf32>,
        %swap3A_817 = vector.shape_cast %swap3A_816 : vector<1x1x16xf32> to vector<16xf32>
        %swap3A_818 = vector.shape_cast %mul3A_811 : vector<16xf32> to vector<1x1x16xf32>
        tpu.vector_store %arg15[%swap3A_813, %swap3A_814, %swap3A_815], %swap3A_818 {strides = array<i32>} : memref<2x64x128xf32, #tpu.memory_space<vmem>>, vector<1x1x16xf32>,
        %add3A_819 = arith.constant 32 : i32
        %add3A_820 = arith.addi %squeeze3A_766, %add3A_819 : i32
        %get3A_821 = arith.index_cast %add3A_820 : i32 to index
        %get3A_822 = tpu.vector_load %arg9[%get3A_821] {strides = array<i32>} : memref<64000xf32, #tpu.memory_space<vmem>>, vector<16xf32>,
        %get3A_823 = vector.shape_cast %get3A_822 : vector<16xf32> to vector<16xf32>
        %get3A_824 = arith.index_cast %rem3A_271 : i32 to index
        %get3A_825 = arith.index_cast %add3A_761 : i32 to index
        %get3A_826 = arith.constant 32 : index
        %get3A_827 = tpu.vector_load %arg14[%get3A_824, %get3A_825, %get3A_826] {strides = array<i32>} : memref<4x64x128xf32, #tpu.memory_space<vmem>>, vector<1x1x16xf32>,
        %get3A_828 = vector.shape_cast %get3A_827 : vector<1x1x16xf32> to vector<16xf32>
        %mul3A_829 = arith.mulf %get3A_823, %broadcast_in_dim3A_764 : vector<16xf32>
        %swap3A_830 = arith.constant 0 : i32
        %swap3A_831 = arith.index_cast %swap3A_830 : i32 to index
        %swap3A_832 = arith.index_cast %add3A_761 : i32 to index
        %swap3A_833 = arith.constant 32 : index
        %swap3A_834 = tpu.vector_load %arg15[%swap3A_831, %swap3A_832, %swap3A_833] {strides = array<i32>} : memref<2x64x128xf32, #tpu.memory_space<vmem>>, vector<1x1x16xf32>,
        %swap3A_835 = vector.shape_cast %swap3A_834 : vector<1x1x16xf32> to vector<16xf32>
        %swap3A_836 = vector.shape_cast %mul3A_829 : vector<16xf32> to vector<1x1x16xf32>
        tpu.vector_store %arg15[%swap3A_831, %swap3A_832, %swap3A_833], %swap3A_836 {strides = array<i32>} : memref<2x64x128xf32, #tpu.memory_space<vmem>>, vector<1x1x16xf32>,
        %mul3A_837 = arith.mulf %get3A_828, %broadcast_in_dim3A_764 : vector<16xf32>
        %swap3A_838 = arith.constant 0 : i32
        %swap3A_839 = arith.index_cast %swap3A_838 : i32 to index
        %swap3A_840 = arith.index_cast %add3A_761 : i32 to index
        %swap3A_841 = arith.constant 96 : index
        %swap3A_842 = tpu.vector_load %arg15[%swap3A_839, %swap3A_840, %swap3A_841] {strides = array<i32>} : memref<2x64x128xf32, #tpu.memory_space<vmem>>, vector<1x1x16xf32>,
        %swap3A_843 = vector.shape_cast %swap3A_842 : vector<1x1x16xf32> to vector<16xf32>
        %swap3A_844 = vector.shape_cast %mul3A_837 : vector<16xf32> to vector<1x1x16xf32>
        tpu.vector_store %arg15[%swap3A_839, %swap3A_840, %swap3A_841], %swap3A_844 {strides = array<i32>} : memref<2x64x128xf32, #tpu.memory_space<vmem>>, vector<1x1x16xf32>,
        %add3A_845 = arith.constant 48 : i32
        %add3A_846 = arith.addi %squeeze3A_766, %add3A_845 : i32
        %get3A_847 = arith.index_cast %add3A_846 : i32 to index
        %get3A_848 = tpu.vector_load %arg9[%get3A_847] {strides = array<i32>} : memref<64000xf32, #tpu.memory_space<vmem>>, vector<16xf32>,
        %get3A_849 = vector.shape_cast %get3A_848 : vector<16xf32> to vector<16xf32>
        %get3A_850 = arith.index_cast %rem3A_271 : i32 to index
        %get3A_851 = arith.index_cast %add3A_761 : i32 to index
        %get3A_852 = arith.constant 48 : index
        %get3A_853 = tpu.vector_load %arg14[%get3A_850, %get3A_851, %get3A_852] {strides = array<i32>} : memref<4x64x128xf32, #tpu.memory_space<vmem>>, vector<1x1x16xf32>,
        %get3A_854 = vector.shape_cast %get3A_853 : vector<1x1x16xf32> to vector<16xf32>
        %mul3A_855 = arith.mulf %get3A_849, %broadcast_in_dim3A_764 : vector<16xf32>
        %swap3A_856 = arith.constant 0 : i32
        %swap3A_857 = arith.index_cast %swap3A_856 : i32 to index
        %swap3A_858 = arith.index_cast %add3A_761 : i32 to index
        %swap3A_859 = arith.constant 48 : index
        %swap3A_860 = tpu.vector_load %arg15[%swap3A_857, %swap3A_858, %swap3A_859] {strides = array<i32>} : memref<2x64x128xf32, #tpu.memory_space<vmem>>, vector<1x1x16xf32>,
        %swap3A_861 = vector.shape_cast %swap3A_860 : vector<1x1x16xf32> to vector<16xf32>
        %swap3A_862 = vector.shape_cast %mul3A_855 : vector<16xf32> to vector<1x1x16xf32>
        tpu.vector_store %arg15[%swap3A_857, %swap3A_858, %swap3A_859], %swap3A_862 {strides = array<i32>} : memref<2x64x128xf32, #tpu.memory_space<vmem>>, vector<1x1x16xf32>,
        %mul3A_863 = arith.mulf %get3A_854, %broadcast_in_dim3A_764 : vector<16xf32>
        %swap3A_864 = arith.constant 0 : i32
        %swap3A_865 = arith.index_cast %swap3A_864 : i32 to index
        %swap3A_866 = arith.index_cast %add3A_761 : i32 to index
        %swap3A_867 = arith.constant 112 : index
        %swap3A_868 = tpu.vector_load %arg15[%swap3A_865, %swap3A_866, %swap3A_867] {strides = array<i32>} : memref<2x64x128xf32, #tpu.memory_space<vmem>>, vector<1x1x16xf32>,
        %swap3A_869 = vector.shape_cast %swap3A_868 : vector<1x1x16xf32> to vector<16xf32>
        %swap3A_870 = vector.shape_cast %mul3A_863 : vector<16xf32> to vector<1x1x16xf32>
        tpu.vector_store %arg15[%swap3A_865, %swap3A_866, %swap3A_867], %swap3A_870 {strides = array<i32>} : memref<2x64x128xf32, #tpu.memory_space<vmem>>, vector<1x1x16xf32>,
        %mul3A_871 = arith.constant 16 : i32
        %mul3A_872 = arith.muli %scan3A_404, %mul3A_871 : i32
        %add3A_873 = arith.constant 4 : i32
        %add3A_874 = arith.addi %mul3A_872, %add3A_873 : i32
        %slice3A_875 = vector.extract_strided_slice %get3A_414 {offsets = [4], sizes = [1], strides = [1]} : vector<16xf32> to vector<1xf32>
        %squeeze3A_876 = vector.extract %slice3A_875[0] : f32 from vector<1xf32>
        %broadcast_in_dim3A_877 = vector.broadcast %squeeze3A_876 : f32 to vector<16xf32>
        %slice3A_878 = vector.extract_strided_slice %mul3A_422 {offsets = [4], sizes = [1], strides = [1]} : vector<16xi32> to vector<1xi32>
        %squeeze3A_879 = vector.extract %slice3A_878[0] : i32 from vector<1xi32>
        %add3A_880 = arith.constant 0 : i32
        %add3A_881 = arith.addi %squeeze3A_879, %add3A_880 : i32
        %get3A_882 = arith.index_cast %add3A_881 : i32 to index
        %get3A_883 = tpu.vector_load %arg9[%get3A_882] {strides = array<i32>} : memref<64000xf32, #tpu.memory_space<vmem>>, vector<16xf32>,
        %get3A_884 = vector.shape_cast %get3A_883 : vector<16xf32> to vector<16xf32>
        %get3A_885 = arith.index_cast %rem3A_271 : i32 to index
        %get3A_886 = arith.index_cast %add3A_874 : i32 to index
        %get3A_887 = arith.constant 0 : index
        %get3A_888 = tpu.vector_load %arg14[%get3A_885, %get3A_886, %get3A_887] {strides = array<i32>} : memref<4x64x128xf32, #tpu.memory_space<vmem>>, vector<1x1x16xf32>,
        %get3A_889 = vector.shape_cast %get3A_888 : vector<1x1x16xf32> to vector<16xf32>
        %mul3A_890 = arith.mulf %get3A_884, %broadcast_in_dim3A_877 : vector<16xf32>
        %swap3A_891 = arith.constant 0 : i32
        %swap3A_892 = arith.index_cast %swap3A_891 : i32 to index
        %swap3A_893 = arith.index_cast %add3A_874 : i32 to index
        %swap3A_894 = arith.constant 0 : index
        %swap3A_895 = tpu.vector_load %arg15[%swap3A_892, %swap3A_893, %swap3A_894] {strides = array<i32>} : memref<2x64x128xf32, #tpu.memory_space<vmem>>, vector<1x1x16xf32>,
        %swap3A_896 = vector.shape_cast %swap3A_895 : vector<1x1x16xf32> to vector<16xf32>
        %swap3A_897 = vector.shape_cast %mul3A_890 : vector<16xf32> to vector<1x1x16xf32>
        tpu.vector_store %arg15[%swap3A_892, %swap3A_893, %swap3A_894], %swap3A_897 {strides = array<i32>} : memref<2x64x128xf32, #tpu.memory_space<vmem>>, vector<1x1x16xf32>,
        %mul3A_898 = arith.mulf %get3A_889, %broadcast_in_dim3A_877 : vector<16xf32>
        %swap3A_899 = arith.constant 0 : i32
        %swap3A_900 = arith.index_cast %swap3A_899 : i32 to index
        %swap3A_901 = arith.index_cast %add3A_874 : i32 to index
        %swap3A_902 = arith.constant 64 : index
        %swap3A_903 = tpu.vector_load %arg15[%swap3A_900, %swap3A_901, %swap3A_902] {strides = array<i32>} : memref<2x64x128xf32, #tpu.memory_space<vmem>>, vector<1x1x16xf32>,
        %swap3A_904 = vector.shape_cast %swap3A_903 : vector<1x1x16xf32> to vector<16xf32>
        %swap3A_905 = vector.shape_cast %mul3A_898 : vector<16xf32> to vector<1x1x16xf32>
        tpu.vector_store %arg15[%swap3A_900, %swap3A_901, %swap3A_902], %swap3A_905 {strides = array<i32>} : memref<2x64x128xf32, #tpu.memory_space<vmem>>, vector<1x1x16xf32>,
        %add3A_906 = arith.constant 16 : i32
        %add3A_907 = arith.addi %squeeze3A_879, %add3A_906 : i32
        %get3A_908 = arith.index_cast %add3A_907 : i32 to index
        %get3A_909 = tpu.vector_load %arg9[%get3A_908] {strides = array<i32>} : memref<64000xf32, #tpu.memory_space<vmem>>, vector<16xf32>,
        %get3A_910 = vector.shape_cast %get3A_909 : vector<16xf32> to vector<16xf32>
        %get3A_911 = arith.index_cast %rem3A_271 : i32 to index
        %get3A_912 = arith.index_cast %add3A_874 : i32 to index
        %get3A_913 = arith.constant 16 : index
        %get3A_914 = tpu.vector_load %arg14[%get3A_911, %get3A_912, %get3A_913] {strides = array<i32>} : memref<4x64x128xf32, #tpu.memory_space<vmem>>, vector<1x1x16xf32>,
        %get3A_915 = vector.shape_cast %get3A_914 : vector<1x1x16xf32> to vector<16xf32>
        %mul3A_916 = arith.mulf %get3A_910, %broadcast_in_dim3A_877 : vector<16xf32>
        %swap3A_917 = arith.constant 0 : i32
        %swap3A_918 = arith.index_cast %swap3A_917 : i32 to index
        %swap3A_919 = arith.index_cast %add3A_874 : i32 to index
        %swap3A_920 = arith.constant 16 : index
        %swap3A_921 = tpu.vector_load %arg15[%swap3A_918, %swap3A_919, %swap3A_920] {strides = array<i32>} : memref<2x64x128xf32, #tpu.memory_space<vmem>>, vector<1x1x16xf32>,
        %swap3A_922 = vector.shape_cast %swap3A_921 : vector<1x1x16xf32> to vector<16xf32>
        %swap3A_923 = vector.shape_cast %mul3A_916 : vector<16xf32> to vector<1x1x16xf32>
        tpu.vector_store %arg15[%swap3A_918, %swap3A_919, %swap3A_920], %swap3A_923 {strides = array<i32>} : memref<2x64x128xf32, #tpu.memory_space<vmem>>, vector<1x1x16xf32>,
        %mul3A_924 = arith.mulf %get3A_915, %broadcast_in_dim3A_877 : vector<16xf32>
        %swap3A_925 = arith.constant 0 : i32
        %swap3A_926 = arith.index_cast %swap3A_925 : i32 to index
        %swap3A_927 = arith.index_cast %add3A_874 : i32 to index
        %swap3A_928 = arith.constant 80 : index
        %swap3A_929 = tpu.vector_load %arg15[%swap3A_926, %swap3A_927, %swap3A_928] {strides = array<i32>} : memref<2x64x128xf32, #tpu.memory_space<vmem>>, vector<1x1x16xf32>,
        %swap3A_930 = vector.shape_cast %swap3A_929 : vector<1x1x16xf32> to vector<16xf32>
        %swap3A_931 = vector.shape_cast %mul3A_924 : vector<16xf32> to vector<1x1x16xf32>
        tpu.vector_store %arg15[%swap3A_926, %swap3A_927, %swap3A_928], %swap3A_931 {strides = array<i32>} : memref<2x64x128xf32, #tpu.memory_space<vmem>>, vector<1x1x16xf32>,
        %add3A_932 = arith.constant 32 : i32
        %add3A_933 = arith.addi %squeeze3A_879, %add3A_932 : i32
        %get3A_934 = arith.index_cast %add3A_933 : i32 to index
        %get3A_935 = tpu.vector_load %arg9[%get3A_934] {strides = array<i32>} : memref<64000xf32, #tpu.memory_space<vmem>>, vector<16xf32>,
        %get3A_936 = vector.shape_cast %get3A_935 : vector<16xf32> to vector<16xf32>
        %get3A_937 = arith.index_cast %rem3A_271 : i32 to index
        %get3A_938 = arith.index_cast %add3A_874 : i32 to index
        %get3A_939 = arith.constant 32 : index
        %get3A_940 = tpu.vector_load %arg14[%get3A_937, %get3A_938, %get3A_939] {strides = array<i32>} : memref<4x64x128xf32, #tpu.memory_space<vmem>>, vector<1x1x16xf32>,
        %get3A_941 = vector.shape_cast %get3A_940 : vector<1x1x16xf32> to vector<16xf32>
        %mul3A_942 = arith.mulf %get3A_936, %broadcast_in_dim3A_877 : vector<16xf32>
        %swap3A_943 = arith.constant 0 : i32
        %swap3A_944 = arith.index_cast %swap3A_943 : i32 to index
        %swap3A_945 = arith.index_cast %add3A_874 : i32 to index
        %swap3A_946 = arith.constant 32 : index
        %swap3A_947 = tpu.vector_load %arg15[%swap3A_944, %swap3A_945, %swap3A_946] {strides = array<i32>} : memref<2x64x128xf32, #tpu.memory_space<vmem>>, vector<1x1x16xf32>,
        %swap3A_948 = vector.shape_cast %swap3A_947 : vector<1x1x16xf32> to vector<16xf32>
        %swap3A_949 = vector.shape_cast %mul3A_942 : vector<16xf32> to vector<1x1x16xf32>
        tpu.vector_store %arg15[%swap3A_944, %swap3A_945, %swap3A_946], %swap3A_949 {strides = array<i32>} : memref<2x64x128xf32, #tpu.memory_space<vmem>>, vector<1x1x16xf32>,
        %mul3A_950 = arith.mulf %get3A_941, %broadcast_in_dim3A_877 : vector<16xf32>
        %swap3A_951 = arith.constant 0 : i32
        %swap3A_952 = arith.index_cast %swap3A_951 : i32 to index
        %swap3A_953 = arith.index_cast %add3A_874 : i32 to index
        %swap3A_954 = arith.constant 96 : index
        %swap3A_955 = tpu.vector_load %arg15[%swap3A_952, %swap3A_953, %swap3A_954] {strides = array<i32>} : memref<2x64x128xf32, #tpu.memory_space<vmem>>, vector<1x1x16xf32>,
        %swap3A_956 = vector.shape_cast %swap3A_955 : vector<1x1x16xf32> to vector<16xf32>
        %swap3A_957 = vector.shape_cast %mul3A_950 : vector<16xf32> to vector<1x1x16xf32>
        tpu.vector_store %arg15[%swap3A_952, %swap3A_953, %swap3A_954], %swap3A_957 {strides = array<i32>} : memref<2x64x128xf32, #tpu.memory_space<vmem>>, vector<1x1x16xf32>,
        %add3A_958 = arith.constant 48 : i32
        %add3A_959 = arith.addi %squeeze3A_879, %add3A_958 : i32
        %get3A_960 = arith.index_cast %add3A_959 : i32 to index
        %get3A_961 = tpu.vector_load %arg9[%get3A_960] {strides = array<i32>} : memref<64000xf32, #tpu.memory_space<vmem>>, vector<16xf32>,
        %get3A_962 = vector.shape_cast %get3A_961 : vector<16xf32> to vector<16xf32>
        %get3A_963 = arith.index_cast %rem3A_271 : i32 to index
        %get3A_964 = arith.index_cast %add3A_874 : i32 to index
        %get3A_965 = arith.constant 48 : index
        %get3A_966 = tpu.vector_load %arg14[%get3A_963, %get3A_964, %get3A_965] {strides = array<i32>} : memref<4x64x128xf32, #tpu.memory_space<vmem>>, vector<1x1x16xf32>,
        %get3A_967 = vector.shape_cast %get3A_966 : vector<1x1x16xf32> to vector<16xf32>
        %mul3A_968 = arith.mulf %get3A_962, %broadcast_in_dim3A_877 : vector<16xf32>
        %swap3A_969 = arith.constant 0 : i32
        %swap3A_970 = arith.index_cast %swap3A_969 : i32 to index
        %swap3A_971 = arith.index_cast %add3A_874 : i32 to index
        %swap3A_972 = arith.constant 48 : index
        %swap3A_973 = tpu.vector_load %arg15[%swap3A_970, %swap3A_971, %swap3A_972] {strides = array<i32>} : memref<2x64x128xf32, #tpu.memory_space<vmem>>, vector<1x1x16xf32>,
        %swap3A_974 = vector.shape_cast %swap3A_973 : vector<1x1x16xf32> to vector<16xf32>
        %swap3A_975 = vector.shape_cast %mul3A_968 : vector<16xf32> to vector<1x1x16xf32>
        tpu.vector_store %arg15[%swap3A_970, %swap3A_971, %swap3A_972], %swap3A_975 {strides = array<i32>} : memref<2x64x128xf32, #tpu.memory_space<vmem>>, vector<1x1x16xf32>,
        %mul3A_976 = arith.mulf %get3A_967, %broadcast_in_dim3A_877 : vector<16xf32>
        %swap3A_977 = arith.constant 0 : i32
        %swap3A_978 = arith.index_cast %swap3A_977 : i32 to index
        %swap3A_979 = arith.index_cast %add3A_874 : i32 to index
        %swap3A_980 = arith.constant 112 : index
        %swap3A_981 = tpu.vector_load %arg15[%swap3A_978, %swap3A_979, %swap3A_980] {strides = array<i32>} : memref<2x64x128xf32, #tpu.memory_space<vmem>>, vector<1x1x16xf32>,
        %swap3A_982 = vector.shape_cast %swap3A_981 : vector<1x1x16xf32> to vector<16xf32>
        %swap3A_983 = vector.shape_cast %mul3A_976 : vector<16xf32> to vector<1x1x16xf32>
        tpu.vector_store %arg15[%swap3A_978, %swap3A_979, %swap3A_980], %swap3A_983 {strides = array<i32>} : memref<2x64x128xf32, #tpu.memory_space<vmem>>, vector<1x1x16xf32>,
        %mul3A_984 = arith.constant 16 : i32
        %mul3A_985 = arith.muli %scan3A_404, %mul3A_984 : i32
        %add3A_986 = arith.constant 5 : i32
        %add3A_987 = arith.addi %mul3A_985, %add3A_986 : i32
        %slice3A_988 = vector.extract_strided_slice %get3A_414 {offsets = [5], sizes = [1], strides = [1]} : vector<16xf32> to vector<1xf32>
        %squeeze3A_989 = vector.extract %slice3A_988[0] : f32 from vector<1xf32>
        %broadcast_in_dim3A_990 = vector.broadcast %squeeze3A_989 : f32 to vector<16xf32>
        %slice3A_991 = vector.extract_strided_slice %mul3A_422 {offsets = [5], sizes = [1], strides = [1]} : vector<16xi32> to vector<1xi32>
        %squeeze3A_992 = vector.extract %slice3A_991[0] : i32 from vector<1xi32>
        %add3A_993 = arith.constant 0 : i32
        %add3A_994 = arith.addi %squeeze3A_992, %add3A_993 : i32
        %get3A_995 = arith.index_cast %add3A_994 : i32 to index
        %get3A_996 = tpu.vector_load %arg9[%get3A_995] {strides = array<i32>} : memref<64000xf32, #tpu.memory_space<vmem>>, vector<16xf32>,
        %get3A_997 = vector.shape_cast %get3A_996 : vector<16xf32> to vector<16xf32>
        %get3A_998 = arith.index_cast %rem3A_271 : i32 to index
        %get3A_999 = arith.index_cast %add3A_987 : i32 to index
        %get3A_1000 = arith.constant 0 : index
        %get3A_1001 = tpu.vector_load %arg14[%get3A_998, %get3A_999, %get3A_1000] {strides = array<i32>} : memref<4x64x128xf32, #tpu.memory_space<vmem>>, vector<1x1x16xf32>,
        %get3A_1002 = vector.shape_cast %get3A_1001 : vector<1x1x16xf32> to vector<16xf32>
        %mul3A_1003 = arith.mulf %get3A_997, %broadcast_in_dim3A_990 : vector<16xf32>
        %swap3A_1004 = arith.constant 0 : i32
        %swap3A_1005 = arith.index_cast %swap3A_1004 : i32 to index
        %swap3A_1006 = arith.index_cast %add3A_987 : i32 to index
        %swap3A_1007 = arith.constant 0 : index
        %swap3A_1008 = tpu.vector_load %arg15[%swap3A_1005, %swap3A_1006, %swap3A_1007] {strides = array<i32>} : memref<2x64x128xf32, #tpu.memory_space<vmem>>, vector<1x1x16xf32>,
        %swap3A_1009 = vector.shape_cast %swap3A_1008 : vector<1x1x16xf32> to vector<16xf32>
        %swap3A_1010 = vector.shape_cast %mul3A_1003 : vector<16xf32> to vector<1x1x16xf32>
        tpu.vector_store %arg15[%swap3A_1005, %swap3A_1006, %swap3A_1007], %swap3A_1010 {strides = array<i32>} : memref<2x64x128xf32, #tpu.memory_space<vmem>>, vector<1x1x16xf32>,
        %mul3A_1011 = arith.mulf %get3A_1002, %broadcast_in_dim3A_990 : vector<16xf32>
        %swap3A_1012 = arith.constant 0 : i32
        %swap3A_1013 = arith.index_cast %swap3A_1012 : i32 to index
        %swap3A_1014 = arith.index_cast %add3A_987 : i32 to index
        %swap3A_1015 = arith.constant 64 : index
        %swap3A_1016 = tpu.vector_load %arg15[%swap3A_1013, %swap3A_1014, %swap3A_1015] {strides = array<i32>} : memref<2x64x128xf32, #tpu.memory_space<vmem>>, vector<1x1x16xf32>,
        %swap3A_1017 = vector.shape_cast %swap3A_1016 : vector<1x1x16xf32> to vector<16xf32>
        %swap3A_1018 = vector.shape_cast %mul3A_1011 : vector<16xf32> to vector<1x1x16xf32>
        tpu.vector_store %arg15[%swap3A_1013, %swap3A_1014, %swap3A_1015], %swap3A_1018 {strides = array<i32>} : memref<2x64x128xf32, #tpu.memory_space<vmem>>, vector<1x1x16xf32>,
        %add3A_1019 = arith.constant 16 : i32
        %add3A_1020 = arith.addi %squeeze3A_992, %add3A_1019 : i32
        %get3A_1021 = arith.index_cast %add3A_1020 : i32 to index
        %get3A_1022 = tpu.vector_load %arg9[%get3A_1021] {strides = array<i32>} : memref<64000xf32, #tpu.memory_space<vmem>>, vector<16xf32>,
        %get3A_1023 = vector.shape_cast %get3A_1022 : vector<16xf32> to vector<16xf32>
        %get3A_1024 = arith.index_cast %rem3A_271 : i32 to index
        %get3A_1025 = arith.index_cast %add3A_987 : i32 to index
        %get3A_1026 = arith.constant 16 : index
        %get3A_1027 = tpu.vector_load %arg14[%get3A_1024, %get3A_1025, %get3A_1026] {strides = array<i32>} : memref<4x64x128xf32, #tpu.memory_space<vmem>>, vector<1x1x16xf32>,
        %get3A_1028 = vector.shape_cast %get3A_1027 : vector<1x1x16xf32> to vector<16xf32>
        %mul3A_1029 = arith.mulf %get3A_1023, %broadcast_in_dim3A_990 : vector<16xf32>
        %swap3A_1030 = arith.constant 0 : i32
        %swap3A_1031 = arith.index_cast %swap3A_1030 : i32 to index
        %swap3A_1032 = arith.index_cast %add3A_987 : i32 to index
        %swap3A_1033 = arith.constant 16 : index
        %swap3A_1034 = tpu.vector_load %arg15[%swap3A_1031, %swap3A_1032, %swap3A_1033] {strides = array<i32>} : memref<2x64x128xf32, #tpu.memory_space<vmem>>, vector<1x1x16xf32>,
        %swap3A_1035 = vector.shape_cast %swap3A_1034 : vector<1x1x16xf32> to vector<16xf32>
        %swap3A_1036 = vector.shape_cast %mul3A_1029 : vector<16xf32> to vector<1x1x16xf32>
        tpu.vector_store %arg15[%swap3A_1031, %swap3A_1032, %swap3A_1033], %swap3A_1036 {strides = array<i32>} : memref<2x64x128xf32, #tpu.memory_space<vmem>>, vector<1x1x16xf32>,
        %mul3A_1037 = arith.mulf %get3A_1028, %broadcast_in_dim3A_990 : vector<16xf32>
        %swap3A_1038 = arith.constant 0 : i32
        %swap3A_1039 = arith.index_cast %swap3A_1038 : i32 to index
        %swap3A_1040 = arith.index_cast %add3A_987 : i32 to index
        %swap3A_1041 = arith.constant 80 : index
        %swap3A_1042 = tpu.vector_load %arg15[%swap3A_1039, %swap3A_1040, %swap3A_1041] {strides = array<i32>} : memref<2x64x128xf32, #tpu.memory_space<vmem>>, vector<1x1x16xf32>,
        %swap3A_1043 = vector.shape_cast %swap3A_1042 : vector<1x1x16xf32> to vector<16xf32>
        %swap3A_1044 = vector.shape_cast %mul3A_1037 : vector<16xf32> to vector<1x1x16xf32>
        tpu.vector_store %arg15[%swap3A_1039, %swap3A_1040, %swap3A_1041], %swap3A_1044 {strides = array<i32>} : memref<2x64x128xf32, #tpu.memory_space<vmem>>, vector<1x1x16xf32>,
        %add3A_1045 = arith.constant 32 : i32
        %add3A_1046 = arith.addi %squeeze3A_992, %add3A_1045 : i32
        %get3A_1047 = arith.index_cast %add3A_1046 : i32 to index
        %get3A_1048 = tpu.vector_load %arg9[%get3A_1047] {strides = array<i32>} : memref<64000xf32, #tpu.memory_space<vmem>>, vector<16xf32>,
        %get3A_1049 = vector.shape_cast %get3A_1048 : vector<16xf32> to vector<16xf32>
        %get3A_1050 = arith.index_cast %rem3A_271 : i32 to index
        %get3A_1051 = arith.index_cast %add3A_987 : i32 to index
        %get3A_1052 = arith.constant 32 : index
        %get3A_1053 = tpu.vector_load %arg14[%get3A_1050, %get3A_1051, %get3A_1052] {strides = array<i32>} : memref<4x64x128xf32, #tpu.memory_space<vmem>>, vector<1x1x16xf32>,
        %get3A_1054 = vector.shape_cast %get3A_1053 : vector<1x1x16xf32> to vector<16xf32>
        %mul3A_1055 = arith.mulf %get3A_1049, %broadcast_in_dim3A_990 : vector<16xf32>
        %swap3A_1056 = arith.constant 0 : i32
        %swap3A_1057 = arith.index_cast %swap3A_1056 : i32 to index
        %swap3A_1058 = arith.index_cast %add3A_987 : i32 to index
        %swap3A_1059 = arith.constant 32 : index
        %swap3A_1060 = tpu.vector_load %arg15[%swap3A_1057, %swap3A_1058, %swap3A_1059] {strides = array<i32>} : memref<2x64x128xf32, #tpu.memory_space<vmem>>, vector<1x1x16xf32>,
        %swap3A_1061 = vector.shape_cast %swap3A_1060 : vector<1x1x16xf32> to vector<16xf32>
        %swap3A_1062 = vector.shape_cast %mul3A_1055 : vector<16xf32> to vector<1x1x16xf32>
        tpu.vector_store %arg15[%swap3A_1057, %swap3A_1058, %swap3A_1059], %swap3A_1062 {strides = array<i32>} : memref<2x64x128xf32, #tpu.memory_space<vmem>>, vector<1x1x16xf32>,
        %mul3A_1063 = arith.mulf %get3A_1054, %broadcast_in_dim3A_990 : vector<16xf32>
        %swap3A_1064 = arith.constant 0 : i32
        %swap3A_1065 = arith.index_cast %swap3A_1064 : i32 to index
        %swap3A_1066 = arith.index_cast %add3A_987 : i32 to index
        %swap3A_1067 = arith.constant 96 : index
        %swap3A_1068 = tpu.vector_load %arg15[%swap3A_1065, %swap3A_1066, %swap3A_1067] {strides = array<i32>} : memref<2x64x128xf32, #tpu.memory_space<vmem>>, vector<1x1x16xf32>,
        %swap3A_1069 = vector.shape_cast %swap3A_1068 : vector<1x1x16xf32> to vector<16xf32>
        %swap3A_1070 = vector.shape_cast %mul3A_1063 : vector<16xf32> to vector<1x1x16xf32>
        tpu.vector_store %arg15[%swap3A_1065, %swap3A_1066, %swap3A_1067], %swap3A_1070 {strides = array<i32>} : memref<2x64x128xf32, #tpu.memory_space<vmem>>, vector<1x1x16xf32>,
        %add3A_1071 = arith.constant 48 : i32
        %add3A_1072 = arith.addi %squeeze3A_992, %add3A_1071 : i32
        %get3A_1073 = arith.index_cast %add3A_1072 : i32 to index
        %get3A_1074 = tpu.vector_load %arg9[%get3A_1073] {strides = array<i32>} : memref<64000xf32, #tpu.memory_space<vmem>>, vector<16xf32>,
        %get3A_1075 = vector.shape_cast %get3A_1074 : vector<16xf32> to vector<16xf32>
        %get3A_1076 = arith.index_cast %rem3A_271 : i32 to index
        %get3A_1077 = arith.index_cast %add3A_987 : i32 to index
        %get3A_1078 = arith.constant 48 : index
        %get3A_1079 = tpu.vector_load %arg14[%get3A_1076, %get3A_1077, %get3A_1078] {strides = array<i32>} : memref<4x64x128xf32, #tpu.memory_space<vmem>>, vector<1x1x16xf32>,
        %get3A_1080 = vector.shape_cast %get3A_1079 : vector<1x1x16xf32> to vector<16xf32>
        %mul3A_1081 = arith.mulf %get3A_1075, %broadcast_in_dim3A_990 : vector<16xf32>
        %swap3A_1082 = arith.constant 0 : i32
        %swap3A_1083 = arith.index_cast %swap3A_1082 : i32 to index
        %swap3A_1084 = arith.index_cast %add3A_987 : i32 to index
        %swap3A_1085 = arith.constant 48 : index
        %swap3A_1086 = tpu.vector_load %arg15[%swap3A_1083, %swap3A_1084, %swap3A_1085] {strides = array<i32>} : memref<2x64x128xf32, #tpu.memory_space<vmem>>, vector<1x1x16xf32>,
        %swap3A_1087 = vector.shape_cast %swap3A_1086 : vector<1x1x16xf32> to vector<16xf32>
        %swap3A_1088 = vector.shape_cast %mul3A_1081 : vector<16xf32> to vector<1x1x16xf32>
        tpu.vector_store %arg15[%swap3A_1083, %swap3A_1084, %swap3A_1085], %swap3A_1088 {strides = array<i32>} : memref<2x64x128xf32, #tpu.memory_space<vmem>>, vector<1x1x16xf32>,
        %mul3A_1089 = arith.mulf %get3A_1080, %broadcast_in_dim3A_990 : vector<16xf32>
        %swap3A_1090 = arith.constant 0 : i32
        %swap3A_1091 = arith.index_cast %swap3A_1090 : i32 to index
        %swap3A_1092 = arith.index_cast %add3A_987 : i32 to index
        %swap3A_1093 = arith.constant 112 : index
        %swap3A_1094 = tpu.vector_load %arg15[%swap3A_1091, %swap3A_1092, %swap3A_1093] {strides = array<i32>} : memref<2x64x128xf32, #tpu.memory_space<vmem>>, vector<1x1x16xf32>,
        %swap3A_1095 = vector.shape_cast %swap3A_1094 : vector<1x1x16xf32> to vector<16xf32>
        %swap3A_1096 = vector.shape_cast %mul3A_1089 : vector<16xf32> to vector<1x1x16xf32>
        tpu.vector_store %arg15[%swap3A_1091, %swap3A_1092, %swap3A_1093], %swap3A_1096 {strides = array<i32>} : memref<2x64x128xf32, #tpu.memory_space<vmem>>, vector<1x1x16xf32>,
        %mul3A_1097 = arith.constant 16 : i32
        %mul3A_1098 = arith.muli %scan3A_404, %mul3A_1097 : i32
        %add3A_1099 = arith.constant 6 : i32
        %add3A_1100 = arith.addi %mul3A_1098, %add3A_1099 : i32
        %slice3A_1101 = vector.extract_strided_slice %get3A_414 {offsets = [6], sizes = [1], strides = [1]} : vector<16xf32> to vector<1xf32>
        %squeeze3A_1102 = vector.extract %slice3A_1101[0] : f32 from vector<1xf32>
        %broadcast_in_dim3A_1103 = vector.broadcast %squeeze3A_1102 : f32 to vector<16xf32>
        %slice3A_1104 = vector.extract_strided_slice %mul3A_422 {offsets = [6], sizes = [1], strides = [1]} : vector<16xi32> to vector<1xi32>
        %squeeze3A_1105 = vector.extract %slice3A_1104[0] : i32 from vector<1xi32>
        %add3A_1106 = arith.constant 0 : i32
        %add3A_1107 = arith.addi %squeeze3A_1105, %add3A_1106 : i32
        %get3A_1108 = arith.index_cast %add3A_1107 : i32 to index
        %get3A_1109 = tpu.vector_load %arg9[%get3A_1108] {strides = array<i32>} : memref<64000xf32, #tpu.memory_space<vmem>>, vector<16xf32>,
        %get3A_1110 = vector.shape_cast %get3A_1109 : vector<16xf32> to vector<16xf32>
        %get3A_1111 = arith.index_cast %rem3A_271 : i32 to index
        %get3A_1112 = arith.index_cast %add3A_1100 : i32 to index
        %get3A_1113 = arith.constant 0 : index
        %get3A_1114 = tpu.vector_load %arg14[%get3A_1111, %get3A_1112, %get3A_1113] {strides = array<i32>} : memref<4x64x128xf32, #tpu.memory_space<vmem>>, vector<1x1x16xf32>,
        %get3A_1115 = vector.shape_cast %get3A_1114 : vector<1x1x16xf32> to vector<16xf32>
        %mul3A_1116 = arith.mulf %get3A_1110, %broadcast_in_dim3A_1103 : vector<16xf32>
        %swap3A_1117 = arith.constant 0 : i32
        %swap3A_1118 = arith.index_cast %swap3A_1117 : i32 to index
        %swap3A_1119 = arith.index_cast %add3A_1100 : i32 to index
        %swap3A_1120 = arith.constant 0 : index
        %swap3A_1121 = tpu.vector_load %arg15[%swap3A_1118, %swap3A_1119, %swap3A_1120] {strides = array<i32>} : memref<2x64x128xf32, #tpu.memory_space<vmem>>, vector<1x1x16xf32>,
        %swap3A_1122 = vector.shape_cast %swap3A_1121 : vector<1x1x16xf32> to vector<16xf32>
        %swap3A_1123 = vector.shape_cast %mul3A_1116 : vector<16xf32> to vector<1x1x16xf32>
        tpu.vector_store %arg15[%swap3A_1118, %swap3A_1119, %swap3A_1120], %swap3A_1123 {strides = array<i32>} : memref<2x64x128xf32, #tpu.memory_space<vmem>>, vector<1x1x16xf32>,
        %mul3A_1124 = arith.mulf %get3A_1115, %broadcast_in_dim3A_1103 : vector<16xf32>
        %swap3A_1125 = arith.constant 0 : i32
        %swap3A_1126 = arith.index_cast %swap3A_1125 : i32 to index
        %swap3A_1127 = arith.index_cast %add3A_1100 : i32 to index
        %swap3A_1128 = arith.constant 64 : index
        %swap3A_1129 = tpu.vector_load %arg15[%swap3A_1126, %swap3A_1127, %swap3A_1128] {strides = array<i32>} : memref<2x64x128xf32, #tpu.memory_space<vmem>>, vector<1x1x16xf32>,
        %swap3A_1130 = vector.shape_cast %swap3A_1129 : vector<1x1x16xf32> to vector<16xf32>
        %swap3A_1131 = vector.shape_cast %mul3A_1124 : vector<16xf32> to vector<1x1x16xf32>
        tpu.vector_store %arg15[%swap3A_1126, %swap3A_1127, %swap3A_1128], %swap3A_1131 {strides = array<i32>} : memref<2x64x128xf32, #tpu.memory_space<vmem>>, vector<1x1x16xf32>,
        %add3A_1132 = arith.constant 16 : i32
        %add3A_1133 = arith.addi %squeeze3A_1105, %add3A_1132 : i32
        %get3A_1134 = arith.index_cast %add3A_1133 : i32 to index
        %get3A_1135 = tpu.vector_load %arg9[%get3A_1134] {strides = array<i32>} : memref<64000xf32, #tpu.memory_space<vmem>>, vector<16xf32>,
        %get3A_1136 = vector.shape_cast %get3A_1135 : vector<16xf32> to vector<16xf32>
        %get3A_1137 = arith.index_cast %rem3A_271 : i32 to index
        %get3A_1138 = arith.index_cast %add3A_1100 : i32 to index
        %get3A_1139 = arith.constant 16 : index
        %get3A_1140 = tpu.vector_load %arg14[%get3A_1137, %get3A_1138, %get3A_1139] {strides = array<i32>} : memref<4x64x128xf32, #tpu.memory_space<vmem>>, vector<1x1x16xf32>,
        %get3A_1141 = vector.shape_cast %get3A_1140 : vector<1x1x16xf32> to vector<16xf32>
        %mul3A_1142 = arith.mulf %get3A_1136, %broadcast_in_dim3A_1103 : vector<16xf32>
        %swap3A_1143 = arith.constant 0 : i32
        %swap3A_1144 = arith.index_cast %swap3A_1143 : i32 to index
        %swap3A_1145 = arith.index_cast %add3A_1100 : i32 to index
        %swap3A_1146 = arith.constant 16 : index
        %swap3A_1147 = tpu.vector_load %arg15[%swap3A_1144, %swap3A_1145, %swap3A_1146] {strides = array<i32>} : memref<2x64x128xf32, #tpu.memory_space<vmem>>, vector<1x1x16xf32>,
        %swap3A_1148 = vector.shape_cast %swap3A_1147 : vector<1x1x16xf32> to vector<16xf32>
        %swap3A_1149 = vector.shape_cast %mul3A_1142 : vector<16xf32> to vector<1x1x16xf32>
        tpu.vector_store %arg15[%swap3A_1144, %swap3A_1145, %swap3A_1146], %swap3A_1149 {strides = array<i32>} : memref<2x64x128xf32, #tpu.memory_space<vmem>>, vector<1x1x16xf32>,
        %mul3A_1150 = arith.mulf %get3A_1141, %broadcast_in_dim3A_1103 : vector<16xf32>
        %swap3A_1151 = arith.constant 0 : i32
        %swap3A_1152 = arith.index_cast %swap3A_1151 : i32 to index
        %swap3A_1153 = arith.index_cast %add3A_1100 : i32 to index
        %swap3A_1154 = arith.constant 80 : index
        %swap3A_1155 = tpu.vector_load %arg15[%swap3A_1152, %swap3A_1153, %swap3A_1154] {strides = array<i32>} : memref<2x64x128xf32, #tpu.memory_space<vmem>>, vector<1x1x16xf32>,
        %swap3A_1156 = vector.shape_cast %swap3A_1155 : vector<1x1x16xf32> to vector<16xf32>
        %swap3A_1157 = vector.shape_cast %mul3A_1150 : vector<16xf32> to vector<1x1x16xf32>
        tpu.vector_store %arg15[%swap3A_1152, %swap3A_1153, %swap3A_1154], %swap3A_1157 {strides = array<i32>} : memref<2x64x128xf32, #tpu.memory_space<vmem>>, vector<1x1x16xf32>,
        %add3A_1158 = arith.constant 32 : i32
        %add3A_1159 = arith.addi %squeeze3A_1105, %add3A_1158 : i32
        %get3A_1160 = arith.index_cast %add3A_1159 : i32 to index
        %get3A_1161 = tpu.vector_load %arg9[%get3A_1160] {strides = array<i32>} : memref<64000xf32, #tpu.memory_space<vmem>>, vector<16xf32>,
        %get3A_1162 = vector.shape_cast %get3A_1161 : vector<16xf32> to vector<16xf32>
        %get3A_1163 = arith.index_cast %rem3A_271 : i32 to index
        %get3A_1164 = arith.index_cast %add3A_1100 : i32 to index
        %get3A_1165 = arith.constant 32 : index
        %get3A_1166 = tpu.vector_load %arg14[%get3A_1163, %get3A_1164, %get3A_1165] {strides = array<i32>} : memref<4x64x128xf32, #tpu.memory_space<vmem>>, vector<1x1x16xf32>,
        %get3A_1167 = vector.shape_cast %get3A_1166 : vector<1x1x16xf32> to vector<16xf32>
        %mul3A_1168 = arith.mulf %get3A_1162, %broadcast_in_dim3A_1103 : vector<16xf32>
        %swap3A_1169 = arith.constant 0 : i32
        %swap3A_1170 = arith.index_cast %swap3A_1169 : i32 to index
        %swap3A_1171 = arith.index_cast %add3A_1100 : i32 to index
        %swap3A_1172 = arith.constant 32 : index
        %swap3A_1173 = tpu.vector_load %arg15[%swap3A_1170, %swap3A_1171, %swap3A_1172] {strides = array<i32>} : memref<2x64x128xf32, #tpu.memory_space<vmem>>, vector<1x1x16xf32>,
        %swap3A_1174 = vector.shape_cast %swap3A_1173 : vector<1x1x16xf32> to vector<16xf32>
        %swap3A_1175 = vector.shape_cast %mul3A_1168 : vector<16xf32> to vector<1x1x16xf32>
        tpu.vector_store %arg15[%swap3A_1170, %swap3A_1171, %swap3A_1172], %swap3A_1175 {strides = array<i32>} : memref<2x64x128xf32, #tpu.memory_space<vmem>>, vector<1x1x16xf32>,
        %mul3A_1176 = arith.mulf %get3A_1167, %broadcast_in_dim3A_1103 : vector<16xf32>
        %swap3A_1177 = arith.constant 0 : i32
        %swap3A_1178 = arith.index_cast %swap3A_1177 : i32 to index
        %swap3A_1179 = arith.index_cast %add3A_1100 : i32 to index
        %swap3A_1180 = arith.constant 96 : index
        %swap3A_1181 = tpu.vector_load %arg15[%swap3A_1178, %swap3A_1179, %swap3A_1180] {strides = array<i32>} : memref<2x64x128xf32, #tpu.memory_space<vmem>>, vector<1x1x16xf32>,
        %swap3A_1182 = vector.shape_cast %swap3A_1181 : vector<1x1x16xf32> to vector<16xf32>
        %swap3A_1183 = vector.shape_cast %mul3A_1176 : vector<16xf32> to vector<1x1x16xf32>
        tpu.vector_store %arg15[%swap3A_1178, %swap3A_1179, %swap3A_1180], %swap3A_1183 {strides = array<i32>} : memref<2x64x128xf32, #tpu.memory_space<vmem>>, vector<1x1x16xf32>,
        %add3A_1184 = arith.constant 48 : i32
        %add3A_1185 = arith.addi %squeeze3A_1105, %add3A_1184 : i32
        %get3A_1186 = arith.index_cast %add3A_1185 : i32 to index
        %get3A_1187 = tpu.vector_load %arg9[%get3A_1186] {strides = array<i32>} : memref<64000xf32, #tpu.memory_space<vmem>>, vector<16xf32>,
        %get3A_1188 = vector.shape_cast %get3A_1187 : vector<16xf32> to vector<16xf32>
        %get3A_1189 = arith.index_cast %rem3A_271 : i32 to index
        %get3A_1190 = arith.index_cast %add3A_1100 : i32 to index
        %get3A_1191 = arith.constant 48 : index
        %get3A_1192 = tpu.vector_load %arg14[%get3A_1189, %get3A_1190, %get3A_1191] {strides = array<i32>} : memref<4x64x128xf32, #tpu.memory_space<vmem>>, vector<1x1x16xf32>,
        %get3A_1193 = vector.shape_cast %get3A_1192 : vector<1x1x16xf32> to vector<16xf32>
        %mul3A_1194 = arith.mulf %get3A_1188, %broadcast_in_dim3A_1103 : vector<16xf32>
        %swap3A_1195 = arith.constant 0 : i32
        %swap3A_1196 = arith.index_cast %swap3A_1195 : i32 to index
        %swap3A_1197 = arith.index_cast %add3A_1100 : i32 to index
        %swap3A_1198 = arith.constant 48 : index
        %swap3A_1199 = tpu.vector_load %arg15[%swap3A_1196, %swap3A_1197, %swap3A_1198] {strides = array<i32>} : memref<2x64x128xf32, #tpu.memory_space<vmem>>, vector<1x1x16xf32>,
        %swap3A_1200 = vector.shape_cast %swap3A_1199 : vector<1x1x16xf32> to vector<16xf32>
        %swap3A_1201 = vector.shape_cast %mul3A_1194 : vector<16xf32> to vector<1x1x16xf32>
        tpu.vector_store %arg15[%swap3A_1196, %swap3A_1197, %swap3A_1198], %swap3A_1201 {strides = array<i32>} : memref<2x64x128xf32, #tpu.memory_space<vmem>>, vector<1x1x16xf32>,
        %mul3A_1202 = arith.mulf %get3A_1193, %broadcast_in_dim3A_1103 : vector<16xf32>
        %swap3A_1203 = arith.constant 0 : i32
        %swap3A_1204 = arith.index_cast %swap3A_1203 : i32 to index
        %swap3A_1205 = arith.index_cast %add3A_1100 : i32 to index
        %swap3A_1206 = arith.constant 112 : index
        %swap3A_1207 = tpu.vector_load %arg15[%swap3A_1204, %swap3A_1205, %swap3A_1206] {strides = array<i32>} : memref<2x64x128xf32, #tpu.memory_space<vmem>>, vector<1x1x16xf32>,
        %swap3A_1208 = vector.shape_cast %swap3A_1207 : vector<1x1x16xf32> to vector<16xf32>
        %swap3A_1209 = vector.shape_cast %mul3A_1202 : vector<16xf32> to vector<1x1x16xf32>
        tpu.vector_store %arg15[%swap3A_1204, %swap3A_1205, %swap3A_1206], %swap3A_1209 {strides = array<i32>} : memref<2x64x128xf32, #tpu.memory_space<vmem>>, vector<1x1x16xf32>,
        %mul3A_1210 = arith.constant 16 : i32
        %mul3A_1211 = arith.muli %scan3A_404, %mul3A_1210 : i32
        %add3A_1212 = arith.constant 7 : i32
        %add3A_1213 = arith.addi %mul3A_1211, %add3A_1212 : i32
        %slice3A_1214 = vector.extract_strided_slice %get3A_414 {offsets = [7], sizes = [1], strides = [1]} : vector<16xf32> to vector<1xf32>
        %squeeze3A_1215 = vector.extract %slice3A_1214[0] : f32 from vector<1xf32>
        %broadcast_in_dim3A_1216 = vector.broadcast %squeeze3A_1215 : f32 to vector<16xf32>
        %slice3A_1217 = vector.extract_strided_slice %mul3A_422 {offsets = [7], sizes = [1], strides = [1]} : vector<16xi32> to vector<1xi32>
        %squeeze3A_1218 = vector.extract %slice3A_1217[0] : i32 from vector<1xi32>
        %add3A_1219 = arith.constant 0 : i32
        %add3A_1220 = arith.addi %squeeze3A_1218, %add3A_1219 : i32
        %get3A_1221 = arith.index_cast %add3A_1220 : i32 to index
        %get3A_1222 = tpu.vector_load %arg9[%get3A_1221] {strides = array<i32>} : memref<64000xf32, #tpu.memory_space<vmem>>, vector<16xf32>,
        %get3A_1223 = vector.shape_cast %get3A_1222 : vector<16xf32> to vector<16xf32>
        %get3A_1224 = arith.index_cast %rem3A_271 : i32 to index
        %get3A_1225 = arith.index_cast %add3A_1213 : i32 to index
        %get3A_1226 = arith.constant 0 : index
        %get3A_1227 = tpu.vector_load %arg14[%get3A_1224, %get3A_1225, %get3A_1226] {strides = array<i32>} : memref<4x64x128xf32, #tpu.memory_space<vmem>>, vector<1x1x16xf32>,
        %get3A_1228 = vector.shape_cast %get3A_1227 : vector<1x1x16xf32> to vector<16xf32>
        %mul3A_1229 = arith.mulf %get3A_1223, %broadcast_in_dim3A_1216 : vector<16xf32>
        %swap3A_1230 = arith.constant 0 : i32
        %swap3A_1231 = arith.index_cast %swap3A_1230 : i32 to index
        %swap3A_1232 = arith.index_cast %add3A_1213 : i32 to index
        %swap3A_1233 = arith.constant 0 : index
        %swap3A_1234 = tpu.vector_load %arg15[%swap3A_1231, %swap3A_1232, %swap3A_1233] {strides = array<i32>} : memref<2x64x128xf32, #tpu.memory_space<vmem>>, vector<1x1x16xf32>,
        %swap3A_1235 = vector.shape_cast %swap3A_1234 : vector<1x1x16xf32> to vector<16xf32>
        %swap3A_1236 = vector.shape_cast %mul3A_1229 : vector<16xf32> to vector<1x1x16xf32>
        tpu.vector_store %arg15[%swap3A_1231, %swap3A_1232, %swap3A_1233], %swap3A_1236 {strides = array<i32>} : memref<2x64x128xf32, #tpu.memory_space<vmem>>, vector<1x1x16xf32>,
        %mul3A_1237 = arith.mulf %get3A_1228, %broadcast_in_dim3A_1216 : vector<16xf32>
        %swap3A_1238 = arith.constant 0 : i32
        %swap3A_1239 = arith.index_cast %swap3A_1238 : i32 to index
        %swap3A_1240 = arith.index_cast %add3A_1213 : i32 to index
        %swap3A_1241 = arith.constant 64 : index
        %swap3A_1242 = tpu.vector_load %arg15[%swap3A_1239, %swap3A_1240, %swap3A_1241] {strides = array<i32>} : memref<2x64x128xf32, #tpu.memory_space<vmem>>, vector<1x1x16xf32>,
        %swap3A_1243 = vector.shape_cast %swap3A_1242 : vector<1x1x16xf32> to vector<16xf32>
        %swap3A_1244 = vector.shape_cast %mul3A_1237 : vector<16xf32> to vector<1x1x16xf32>
        tpu.vector_store %arg15[%swap3A_1239, %swap3A_1240, %swap3A_1241], %swap3A_1244 {strides = array<i32>} : memref<2x64x128xf32, #tpu.memory_space<vmem>>, vector<1x1x16xf32>,
        %add3A_1245 = arith.constant 16 : i32
        %add3A_1246 = arith.addi %squeeze3A_1218, %add3A_1245 : i32
        %get3A_1247 = arith.index_cast %add3A_1246 : i32 to index
        %get3A_1248 = tpu.vector_load %arg9[%get3A_1247] {strides = array<i32>} : memref<64000xf32, #tpu.memory_space<vmem>>, vector<16xf32>,
        %get3A_1249 = vector.shape_cast %get3A_1248 : vector<16xf32> to vector<16xf32>
        %get3A_1250 = arith.index_cast %rem3A_271 : i32 to index
        %get3A_1251 = arith.index_cast %add3A_1213 : i32 to index
        %get3A_1252 = arith.constant 16 : index
        %get3A_1253 = tpu.vector_load %arg14[%get3A_1250, %get3A_1251, %get3A_1252] {strides = array<i32>} : memref<4x64x128xf32, #tpu.memory_space<vmem>>, vector<1x1x16xf32>,
        %get3A_1254 = vector.shape_cast %get3A_1253 : vector<1x1x16xf32> to vector<16xf32>
        %mul3A_1255 = arith.mulf %get3A_1249, %broadcast_in_dim3A_1216 : vector<16xf32>
        %swap3A_1256 = arith.constant 0 : i32
        %swap3A_1257 = arith.index_cast %swap3A_1256 : i32 to index
        %swap3A_1258 = arith.index_cast %add3A_1213 : i32 to index
        %swap3A_1259 = arith.constant 16 : index
        %swap3A_1260 = tpu.vector_load %arg15[%swap3A_1257, %swap3A_1258, %swap3A_1259] {strides = array<i32>} : memref<2x64x128xf32, #tpu.memory_space<vmem>>, vector<1x1x16xf32>,
        %swap3A_1261 = vector.shape_cast %swap3A_1260 : vector<1x1x16xf32> to vector<16xf32>
        %swap3A_1262 = vector.shape_cast %mul3A_1255 : vector<16xf32> to vector<1x1x16xf32>
        tpu.vector_store %arg15[%swap3A_1257, %swap3A_1258, %swap3A_1259], %swap3A_1262 {strides = array<i32>} : memref<2x64x128xf32, #tpu.memory_space<vmem>>, vector<1x1x16xf32>,
        %mul3A_1263 = arith.mulf %get3A_1254, %broadcast_in_dim3A_1216 : vector<16xf32>
        %swap3A_1264 = arith.constant 0 : i32
        %swap3A_1265 = arith.index_cast %swap3A_1264 : i32 to index
        %swap3A_1266 = arith.index_cast %add3A_1213 : i32 to index
        %swap3A_1267 = arith.constant 80 : index
        %swap3A_1268 = tpu.vector_load %arg15[%swap3A_1265, %swap3A_1266, %swap3A_1267] {strides = array<i32>} : memref<2x64x128xf32, #tpu.memory_space<vmem>>, vector<1x1x16xf32>,
        %swap3A_1269 = vector.shape_cast %swap3A_1268 : vector<1x1x16xf32> to vector<16xf32>
        %swap3A_1270 = vector.shape_cast %mul3A_1263 : vector<16xf32> to vector<1x1x16xf32>
        tpu.vector_store %arg15[%swap3A_1265, %swap3A_1266, %swap3A_1267], %swap3A_1270 {strides = array<i32>} : memref<2x64x128xf32, #tpu.memory_space<vmem>>, vector<1x1x16xf32>,
        %add3A_1271 = arith.constant 32 : i32
        %add3A_1272 = arith.addi %squeeze3A_1218, %add3A_1271 : i32
        %get3A_1273 = arith.index_cast %add3A_1272 : i32 to index
        %get3A_1274 = tpu.vector_load %arg9[%get3A_1273] {strides = array<i32>} : memref<64000xf32, #tpu.memory_space<vmem>>, vector<16xf32>,
        %get3A_1275 = vector.shape_cast %get3A_1274 : vector<16xf32> to vector<16xf32>
        %get3A_1276 = arith.index_cast %rem3A_271 : i32 to index
        %get3A_1277 = arith.index_cast %add3A_1213 : i32 to index
        %get3A_1278 = arith.constant 32 : index
        %get3A_1279 = tpu.vector_load %arg14[%get3A_1276, %get3A_1277, %get3A_1278] {strides = array<i32>} : memref<4x64x128xf32, #tpu.memory_space<vmem>>, vector<1x1x16xf32>,
        %get3A_1280 = vector.shape_cast %get3A_1279 : vector<1x1x16xf32> to vector<16xf32>
        %mul3A_1281 = arith.mulf %get3A_1275, %broadcast_in_dim3A_1216 : vector<16xf32>
        %swap3A_1282 = arith.constant 0 : i32
        %swap3A_1283 = arith.index_cast %swap3A_1282 : i32 to index
        %swap3A_1284 = arith.index_cast %add3A_1213 : i32 to index
        %swap3A_1285 = arith.constant 32 : index
        %swap3A_1286 = tpu.vector_load %arg15[%swap3A_1283, %swap3A_1284, %swap3A_1285] {strides = array<i32>} : memref<2x64x128xf32, #tpu.memory_space<vmem>>, vector<1x1x16xf32>,
        %swap3A_1287 = vector.shape_cast %swap3A_1286 : vector<1x1x16xf32> to vector<16xf32>
        %swap3A_1288 = vector.shape_cast %mul3A_1281 : vector<16xf32> to vector<1x1x16xf32>
        tpu.vector_store %arg15[%swap3A_1283, %swap3A_1284, %swap3A_1285], %swap3A_1288 {strides = array<i32>} : memref<2x64x128xf32, #tpu.memory_space<vmem>>, vector<1x1x16xf32>,
        %mul3A_1289 = arith.mulf %get3A_1280, %broadcast_in_dim3A_1216 : vector<16xf32>
        %swap3A_1290 = arith.constant 0 : i32
        %swap3A_1291 = arith.index_cast %swap3A_1290 : i32 to index
        %swap3A_1292 = arith.index_cast %add3A_1213 : i32 to index
        %swap3A_1293 = arith.constant 96 : index
        %swap3A_1294 = tpu.vector_load %arg15[%swap3A_1291, %swap3A_1292, %swap3A_1293] {strides = array<i32>} : memref<2x64x128xf32, #tpu.memory_space<vmem>>, vector<1x1x16xf32>,
        %swap3A_1295 = vector.shape_cast %swap3A_1294 : vector<1x1x16xf32> to vector<16xf32>
        %swap3A_1296 = vector.shape_cast %mul3A_1289 : vector<16xf32> to vector<1x1x16xf32>
        tpu.vector_store %arg15[%swap3A_1291, %swap3A_1292, %swap3A_1293], %swap3A_1296 {strides = array<i32>} : memref<2x64x128xf32, #tpu.memory_space<vmem>>, vector<1x1x16xf32>,
        %add3A_1297 = arith.constant 48 : i32
        %add3A_1298 = arith.addi %squeeze3A_1218, %add3A_1297 : i32
        %get3A_1299 = arith.index_cast %add3A_1298 : i32 to index
        %get3A_1300 = tpu.vector_load %arg9[%get3A_1299] {strides = array<i32>} : memref<64000xf32, #tpu.memory_space<vmem>>, vector<16xf32>,
        %get3A_1301 = vector.shape_cast %get3A_1300 : vector<16xf32> to vector<16xf32>
        %get3A_1302 = arith.index_cast %rem3A_271 : i32 to index
        %get3A_1303 = arith.index_cast %add3A_1213 : i32 to index
        %get3A_1304 = arith.constant 48 : index
        %get3A_1305 = tpu.vector_load %arg14[%get3A_1302, %get3A_1303, %get3A_1304] {strides = array<i32>} : memref<4x64x128xf32, #tpu.memory_space<vmem>>, vector<1x1x16xf32>,
        %get3A_1306 = vector.shape_cast %get3A_1305 : vector<1x1x16xf32> to vector<16xf32>
        %mul3A_1307 = arith.mulf %get3A_1301, %broadcast_in_dim3A_1216 : vector<16xf32>
        %swap3A_1308 = arith.constant 0 : i32
        %swap3A_1309 = arith.index_cast %swap3A_1308 : i32 to index
        %swap3A_1310 = arith.index_cast %add3A_1213 : i32 to index
        %swap3A_1311 = arith.constant 48 : index
        %swap3A_1312 = tpu.vector_load %arg15[%swap3A_1309, %swap3A_1310, %swap3A_1311] {strides = array<i32>} : memref<2x64x128xf32, #tpu.memory_space<vmem>>, vector<1x1x16xf32>,
        %swap3A_1313 = vector.shape_cast %swap3A_1312 : vector<1x1x16xf32> to vector<16xf32>
        %swap3A_1314 = vector.shape_cast %mul3A_1307 : vector<16xf32> to vector<1x1x16xf32>
        tpu.vector_store %arg15[%swap3A_1309, %swap3A_1310, %swap3A_1311], %swap3A_1314 {strides = array<i32>} : memref<2x64x128xf32, #tpu.memory_space<vmem>>, vector<1x1x16xf32>,
        %mul3A_1315 = arith.mulf %get3A_1306, %broadcast_in_dim3A_1216 : vector<16xf32>
        %swap3A_1316 = arith.constant 0 : i32
        %swap3A_1317 = arith.index_cast %swap3A_1316 : i32 to index
        %swap3A_1318 = arith.index_cast %add3A_1213 : i32 to index
        %swap3A_1319 = arith.constant 112 : index
        %swap3A_1320 = tpu.vector_load %arg15[%swap3A_1317, %swap3A_1318, %swap3A_1319] {strides = array<i32>} : memref<2x64x128xf32, #tpu.memory_space<vmem>>, vector<1x1x16xf32>,
        %swap3A_1321 = vector.shape_cast %swap3A_1320 : vector<1x1x16xf32> to vector<16xf32>
        %swap3A_1322 = vector.shape_cast %mul3A_1315 : vector<16xf32> to vector<1x1x16xf32>
        tpu.vector_store %arg15[%swap3A_1317, %swap3A_1318, %swap3A_1319], %swap3A_1322 {strides = array<i32>} : memref<2x64x128xf32, #tpu.memory_space<vmem>>, vector<1x1x16xf32>,
        %mul3A_1323 = arith.constant 16 : i32
        %mul3A_1324 = arith.muli %scan3A_404, %mul3A_1323 : i32
        %add3A_1325 = arith.constant 8 : i32
        %add3A_1326 = arith.addi %mul3A_1324, %add3A_1325 : i32
        %slice3A_1327 = vector.extract_strided_slice %get3A_414 {offsets = [8], sizes = [1], strides = [1]} : vector<16xf32> to vector<1xf32>
        %squeeze3A_1328 = vector.extract %slice3A_1327[0] : f32 from vector<1xf32>
        %broadcast_in_dim3A_1329 = vector.broadcast %squeeze3A_1328 : f32 to vector<16xf32>
        %slice3A_1330 = vector.extract_strided_slice %mul3A_422 {offsets = [8], sizes = [1], strides = [1]} : vector<16xi32> to vector<1xi32>
        %squeeze3A_1331 = vector.extract %slice3A_1330[0] : i32 from vector<1xi32>
        %add3A_1332 = arith.constant 0 : i32
        %add3A_1333 = arith.addi %squeeze3A_1331, %add3A_1332 : i32
        %get3A_1334 = arith.index_cast %add3A_1333 : i32 to index
        %get3A_1335 = tpu.vector_load %arg9[%get3A_1334] {strides = array<i32>} : memref<64000xf32, #tpu.memory_space<vmem>>, vector<16xf32>,
        %get3A_1336 = vector.shape_cast %get3A_1335 : vector<16xf32> to vector<16xf32>
        %get3A_1337 = arith.index_cast %rem3A_271 : i32 to index
        %get3A_1338 = arith.index_cast %add3A_1326 : i32 to index
        %get3A_1339 = arith.constant 0 : index
        %get3A_1340 = tpu.vector_load %arg14[%get3A_1337, %get3A_1338, %get3A_1339] {strides = array<i32>} : memref<4x64x128xf32, #tpu.memory_space<vmem>>, vector<1x1x16xf32>,
        %get3A_1341 = vector.shape_cast %get3A_1340 : vector<1x1x16xf32> to vector<16xf32>
        %mul3A_1342 = arith.mulf %get3A_1336, %broadcast_in_dim3A_1329 : vector<16xf32>
        %swap3A_1343 = arith.constant 0 : i32
        %swap3A_1344 = arith.index_cast %swap3A_1343 : i32 to index
        %swap3A_1345 = arith.index_cast %add3A_1326 : i32 to index
        %swap3A_1346 = arith.constant 0 : index
        %swap3A_1347 = tpu.vector_load %arg15[%swap3A_1344, %swap3A_1345, %swap3A_1346] {strides = array<i32>} : memref<2x64x128xf32, #tpu.memory_space<vmem>>, vector<1x1x16xf32>,
        %swap3A_1348 = vector.shape_cast %swap3A_1347 : vector<1x1x16xf32> to vector<16xf32>
        %swap3A_1349 = vector.shape_cast %mul3A_1342 : vector<16xf32> to vector<1x1x16xf32>
        tpu.vector_store %arg15[%swap3A_1344, %swap3A_1345, %swap3A_1346], %swap3A_1349 {strides = array<i32>} : memref<2x64x128xf32, #tpu.memory_space<vmem>>, vector<1x1x16xf32>,
        %mul3A_1350 = arith.mulf %get3A_1341, %broadcast_in_dim3A_1329 : vector<16xf32>
        %swap3A_1351 = arith.constant 0 : i32
        %swap3A_1352 = arith.index_cast %swap3A_1351 : i32 to index
        %swap3A_1353 = arith.index_cast %add3A_1326 : i32 to index
        %swap3A_1354 = arith.constant 64 : index
        %swap3A_1355 = tpu.vector_load %arg15[%swap3A_1352, %swap3A_1353, %swap3A_1354] {strides = array<i32>} : memref<2x64x128xf32, #tpu.memory_space<vmem>>, vector<1x1x16xf32>,
        %swap3A_1356 = vector.shape_cast %swap3A_1355 : vector<1x1x16xf32> to vector<16xf32>
        %swap3A_1357 = vector.shape_cast %mul3A_1350 : vector<16xf32> to vector<1x1x16xf32>
        tpu.vector_store %arg15[%swap3A_1352, %swap3A_1353, %swap3A_1354], %swap3A_1357 {strides = array<i32>} : memref<2x64x128xf32, #tpu.memory_space<vmem>>, vector<1x1x16xf32>,
        %add3A_1358 = arith.constant 16 : i32
        %add3A_1359 = arith.addi %squeeze3A_1331, %add3A_1358 : i32
        %get3A_1360 = arith.index_cast %add3A_1359 : i32 to index
        %get3A_1361 = tpu.vector_load %arg9[%get3A_1360] {strides = array<i32>} : memref<64000xf32, #tpu.memory_space<vmem>>, vector<16xf32>,
        %get3A_1362 = vector.shape_cast %get3A_1361 : vector<16xf32> to vector<16xf32>
        %get3A_1363 = arith.index_cast %rem3A_271 : i32 to index
        %get3A_1364 = arith.index_cast %add3A_1326 : i32 to index
        %get3A_1365 = arith.constant 16 : index
        %get3A_1366 = tpu.vector_load %arg14[%get3A_1363, %get3A_1364, %get3A_1365] {strides = array<i32>} : memref<4x64x128xf32, #tpu.memory_space<vmem>>, vector<1x1x16xf32>,
        %get3A_1367 = vector.shape_cast %get3A_1366 : vector<1x1x16xf32> to vector<16xf32>
        %mul3A_1368 = arith.mulf %get3A_1362, %broadcast_in_dim3A_1329 : vector<16xf32>
        %swap3A_1369 = arith.constant 0 : i32
        %swap3A_1370 = arith.index_cast %swap3A_1369 : i32 to index
        %swap3A_1371 = arith.index_cast %add3A_1326 : i32 to index
        %swap3A_1372 = arith.constant 16 : index
        %swap3A_1373 = tpu.vector_load %arg15[%swap3A_1370, %swap3A_1371, %swap3A_1372] {strides = array<i32>} : memref<2x64x128xf32, #tpu.memory_space<vmem>>, vector<1x1x16xf32>,
        %swap3A_1374 = vector.shape_cast %swap3A_1373 : vector<1x1x16xf32> to vector<16xf32>
        %swap3A_1375 = vector.shape_cast %mul3A_1368 : vector<16xf32> to vector<1x1x16xf32>
        tpu.vector_store %arg15[%swap3A_1370, %swap3A_1371, %swap3A_1372], %swap3A_1375 {strides = array<i32>} : memref<2x64x128xf32, #tpu.memory_space<vmem>>, vector<1x1x16xf32>,
        %mul3A_1376 = arith.mulf %get3A_1367, %broadcast_in_dim3A_1329 : vector<16xf32>
        %swap3A_1377 = arith.constant 0 : i32
        %swap3A_1378 = arith.index_cast %swap3A_1377 : i32 to index
        %swap3A_1379 = arith.index_cast %add3A_1326 : i32 to index
        %swap3A_1380 = arith.constant 80 : index
        %swap3A_1381 = tpu.vector_load %arg15[%swap3A_1378, %swap3A_1379, %swap3A_1380] {strides = array<i32>} : memref<2x64x128xf32, #tpu.memory_space<vmem>>, vector<1x1x16xf32>,
        %swap3A_1382 = vector.shape_cast %swap3A_1381 : vector<1x1x16xf32> to vector<16xf32>
        %swap3A_1383 = vector.shape_cast %mul3A_1376 : vector<16xf32> to vector<1x1x16xf32>
        tpu.vector_store %arg15[%swap3A_1378, %swap3A_1379, %swap3A_1380], %swap3A_1383 {strides = array<i32>} : memref<2x64x128xf32, #tpu.memory_space<vmem>>, vector<1x1x16xf32>,
        %add3A_1384 = arith.constant 32 : i32
        %add3A_1385 = arith.addi %squeeze3A_1331, %add3A_1384 : i32
        %get3A_1386 = arith.index_cast %add3A_1385 : i32 to index
        %get3A_1387 = tpu.vector_load %arg9[%get3A_1386] {strides = array<i32>} : memref<64000xf32, #tpu.memory_space<vmem>>, vector<16xf32>,
        %get3A_1388 = vector.shape_cast %get3A_1387 : vector<16xf32> to vector<16xf32>
        %get3A_1389 = arith.index_cast %rem3A_271 : i32 to index
        %get3A_1390 = arith.index_cast %add3A_1326 : i32 to index
        %get3A_1391 = arith.constant 32 : index
        %get3A_1392 = tpu.vector_load %arg14[%get3A_1389, %get3A_1390, %get3A_1391] {strides = array<i32>} : memref<4x64x128xf32, #tpu.memory_space<vmem>>, vector<1x1x16xf32>,
        %get3A_1393 = vector.shape_cast %get3A_1392 : vector<1x1x16xf32> to vector<16xf32>
        %mul3A_1394 = arith.mulf %get3A_1388, %broadcast_in_dim3A_1329 : vector<16xf32>
        %swap3A_1395 = arith.constant 0 : i32
        %swap3A_1396 = arith.index_cast %swap3A_1395 : i32 to index
        %swap3A_1397 = arith.index_cast %add3A_1326 : i32 to index
        %swap3A_1398 = arith.constant 32 : index
        %swap3A_1399 = tpu.vector_load %arg15[%swap3A_1396, %swap3A_1397, %swap3A_1398] {strides = array<i32>} : memref<2x64x128xf32, #tpu.memory_space<vmem>>, vector<1x1x16xf32>,
        %swap3A_1400 = vector.shape_cast %swap3A_1399 : vector<1x1x16xf32> to vector<16xf32>
        %swap3A_1401 = vector.shape_cast %mul3A_1394 : vector<16xf32> to vector<1x1x16xf32>
        tpu.vector_store %arg15[%swap3A_1396, %swap3A_1397, %swap3A_1398], %swap3A_1401 {strides = array<i32>} : memref<2x64x128xf32, #tpu.memory_space<vmem>>, vector<1x1x16xf32>,
        %mul3A_1402 = arith.mulf %get3A_1393, %broadcast_in_dim3A_1329 : vector<16xf32>
        %swap3A_1403 = arith.constant 0 : i32
        %swap3A_1404 = arith.index_cast %swap3A_1403 : i32 to index
        %swap3A_1405 = arith.index_cast %add3A_1326 : i32 to index
        %swap3A_1406 = arith.constant 96 : index
        %swap3A_1407 = tpu.vector_load %arg15[%swap3A_1404, %swap3A_1405, %swap3A_1406] {strides = array<i32>} : memref<2x64x128xf32, #tpu.memory_space<vmem>>, vector<1x1x16xf32>,
        %swap3A_1408 = vector.shape_cast %swap3A_1407 : vector<1x1x16xf32> to vector<16xf32>
        %swap3A_1409 = vector.shape_cast %mul3A_1402 : vector<16xf32> to vector<1x1x16xf32>
        tpu.vector_store %arg15[%swap3A_1404, %swap3A_1405, %swap3A_1406], %swap3A_1409 {strides = array<i32>} : memref<2x64x128xf32, #tpu.memory_space<vmem>>, vector<1x1x16xf32>,
        %add3A_1410 = arith.constant 48 : i32
        %add3A_1411 = arith.addi %squeeze3A_1331, %add3A_1410 : i32
        %get3A_1412 = arith.index_cast %add3A_1411 : i32 to index
        %get3A_1413 = tpu.vector_load %arg9[%get3A_1412] {strides = array<i32>} : memref<64000xf32, #tpu.memory_space<vmem>>, vector<16xf32>,
        %get3A_1414 = vector.shape_cast %get3A_1413 : vector<16xf32> to vector<16xf32>
        %get3A_1415 = arith.index_cast %rem3A_271 : i32 to index
        %get3A_1416 = arith.index_cast %add3A_1326 : i32 to index
        %get3A_1417 = arith.constant 48 : index
        %get3A_1418 = tpu.vector_load %arg14[%get3A_1415, %get3A_1416, %get3A_1417] {strides = array<i32>} : memref<4x64x128xf32, #tpu.memory_space<vmem>>, vector<1x1x16xf32>,
        %get3A_1419 = vector.shape_cast %get3A_1418 : vector<1x1x16xf32> to vector<16xf32>
        %mul3A_1420 = arith.mulf %get3A_1414, %broadcast_in_dim3A_1329 : vector<16xf32>
        %swap3A_1421 = arith.constant 0 : i32
        %swap3A_1422 = arith.index_cast %swap3A_1421 : i32 to index
        %swap3A_1423 = arith.index_cast %add3A_1326 : i32 to index
        %swap3A_1424 = arith.constant 48 : index
        %swap3A_1425 = tpu.vector_load %arg15[%swap3A_1422, %swap3A_1423, %swap3A_1424] {strides = array<i32>} : memref<2x64x128xf32, #tpu.memory_space<vmem>>, vector<1x1x16xf32>,
        %swap3A_1426 = vector.shape_cast %swap3A_1425 : vector<1x1x16xf32> to vector<16xf32>
        %swap3A_1427 = vector.shape_cast %mul3A_1420 : vector<16xf32> to vector<1x1x16xf32>
        tpu.vector_store %arg15[%swap3A_1422, %swap3A_1423, %swap3A_1424], %swap3A_1427 {strides = array<i32>} : memref<2x64x128xf32, #tpu.memory_space<vmem>>, vector<1x1x16xf32>,
        %mul3A_1428 = arith.mulf %get3A_1419, %broadcast_in_dim3A_1329 : vector<16xf32>
        %swap3A_1429 = arith.constant 0 : i32
        %swap3A_1430 = arith.index_cast %swap3A_1429 : i32 to index
        %swap3A_1431 = arith.index_cast %add3A_1326 : i32 to index
        %swap3A_1432 = arith.constant 112 : index
        %swap3A_1433 = tpu.vector_load %arg15[%swap3A_1430, %swap3A_1431, %swap3A_1432] {strides = array<i32>} : memref<2x64x128xf32, #tpu.memory_space<vmem>>, vector<1x1x16xf32>,
        %swap3A_1434 = vector.shape_cast %swap3A_1433 : vector<1x1x16xf32> to vector<16xf32>
        %swap3A_1435 = vector.shape_cast %mul3A_1428 : vector<16xf32> to vector<1x1x16xf32>
        tpu.vector_store %arg15[%swap3A_1430, %swap3A_1431, %swap3A_1432], %swap3A_1435 {strides = array<i32>} : memref<2x64x128xf32, #tpu.memory_space<vmem>>, vector<1x1x16xf32>,
        %mul3A_1436 = arith.constant 16 : i32
        %mul3A_1437 = arith.muli %scan3A_404, %mul3A_1436 : i32
        %add3A_1438 = arith.constant 9 : i32
        %add3A_1439 = arith.addi %mul3A_1437, %add3A_1438 : i32
        %slice3A_1440 = vector.extract_strided_slice %get3A_414 {offsets = [9], sizes = [1], strides = [1]} : vector<16xf32> to vector<1xf32>
        %squeeze3A_1441 = vector.extract %slice3A_1440[0] : f32 from vector<1xf32>
        %broadcast_in_dim3A_1442 = vector.broadcast %squeeze3A_1441 : f32 to vector<16xf32>
        %slice3A_1443 = vector.extract_strided_slice %mul3A_422 {offsets = [9], sizes = [1], strides = [1]} : vector<16xi32> to vector<1xi32>
        %squeeze3A_1444 = vector.extract %slice3A_1443[0] : i32 from vector<1xi32>
        %add3A_1445 = arith.constant 0 : i32
        %add3A_1446 = arith.addi %squeeze3A_1444, %add3A_1445 : i32
        %get3A_1447 = arith.index_cast %add3A_1446 : i32 to index
        %get3A_1448 = tpu.vector_load %arg9[%get3A_1447] {strides = array<i32>} : memref<64000xf32, #tpu.memory_space<vmem>>, vector<16xf32>,
        %get3A_1449 = vector.shape_cast %get3A_1448 : vector<16xf32> to vector<16xf32>
        %get3A_1450 = arith.index_cast %rem3A_271 : i32 to index
        %get3A_1451 = arith.index_cast %add3A_1439 : i32 to index
        %get3A_1452 = arith.constant 0 : index
        %get3A_1453 = tpu.vector_load %arg14[%get3A_1450, %get3A_1451, %get3A_1452] {strides = array<i32>} : memref<4x64x128xf32, #tpu.memory_space<vmem>>, vector<1x1x16xf32>,
        %get3A_1454 = vector.shape_cast %get3A_1453 : vector<1x1x16xf32> to vector<16xf32>
        %mul3A_1455 = arith.mulf %get3A_1449, %broadcast_in_dim3A_1442 : vector<16xf32>
        %swap3A_1456 = arith.constant 0 : i32
        %swap3A_1457 = arith.index_cast %swap3A_1456 : i32 to index
        %swap3A_1458 = arith.index_cast %add3A_1439 : i32 to index
        %swap3A_1459 = arith.constant 0 : index
        %swap3A_1460 = tpu.vector_load %arg15[%swap3A_1457, %swap3A_1458, %swap3A_1459] {strides = array<i32>} : memref<2x64x128xf32, #tpu.memory_space<vmem>>, vector<1x1x16xf32>,
        %swap3A_1461 = vector.shape_cast %swap3A_1460 : vector<1x1x16xf32> to vector<16xf32>
        %swap3A_1462 = vector.shape_cast %mul3A_1455 : vector<16xf32> to vector<1x1x16xf32>
        tpu.vector_store %arg15[%swap3A_1457, %swap3A_1458, %swap3A_1459], %swap3A_1462 {strides = array<i32>} : memref<2x64x128xf32, #tpu.memory_space<vmem>>, vector<1x1x16xf32>,
        %mul3A_1463 = arith.mulf %get3A_1454, %broadcast_in_dim3A_1442 : vector<16xf32>
        %swap3A_1464 = arith.constant 0 : i32
        %swap3A_1465 = arith.index_cast %swap3A_1464 : i32 to index
        %swap3A_1466 = arith.index_cast %add3A_1439 : i32 to index
        %swap3A_1467 = arith.constant 64 : index
        %swap3A_1468 = tpu.vector_load %arg15[%swap3A_1465, %swap3A_1466, %swap3A_1467] {strides = array<i32>} : memref<2x64x128xf32, #tpu.memory_space<vmem>>, vector<1x1x16xf32>,
        %swap3A_1469 = vector.shape_cast %swap3A_1468 : vector<1x1x16xf32> to vector<16xf32>
        %swap3A_1470 = vector.shape_cast %mul3A_1463 : vector<16xf32> to vector<1x1x16xf32>
        tpu.vector_store %arg15[%swap3A_1465, %swap3A_1466, %swap3A_1467], %swap3A_1470 {strides = array<i32>} : memref<2x64x128xf32, #tpu.memory_space<vmem>>, vector<1x1x16xf32>,
        %add3A_1471 = arith.constant 16 : i32
        %add3A_1472 = arith.addi %squeeze3A_1444, %add3A_1471 : i32
        %get3A_1473 = arith.index_cast %add3A_1472 : i32 to index
        %get3A_1474 = tpu.vector_load %arg9[%get3A_1473] {strides = array<i32>} : memref<64000xf32, #tpu.memory_space<vmem>>, vector<16xf32>,
        %get3A_1475 = vector.shape_cast %get3A_1474 : vector<16xf32> to vector<16xf32>
        %get3A_1476 = arith.index_cast %rem3A_271 : i32 to index
        %get3A_1477 = arith.index_cast %add3A_1439 : i32 to index
        %get3A_1478 = arith.constant 16 : index
        %get3A_1479 = tpu.vector_load %arg14[%get3A_1476, %get3A_1477, %get3A_1478] {strides = array<i32>} : memref<4x64x128xf32, #tpu.memory_space<vmem>>, vector<1x1x16xf32>,
        %get3A_1480 = vector.shape_cast %get3A_1479 : vector<1x1x16xf32> to vector<16xf32>
        %mul3A_1481 = arith.mulf %get3A_1475, %broadcast_in_dim3A_1442 : vector<16xf32>
        %swap3A_1482 = arith.constant 0 : i32
        %swap3A_1483 = arith.index_cast %swap3A_1482 : i32 to index
        %swap3A_1484 = arith.index_cast %add3A_1439 : i32 to index
        %swap3A_1485 = arith.constant 16 : index
        %swap3A_1486 = tpu.vector_load %arg15[%swap3A_1483, %swap3A_1484, %swap3A_1485] {strides = array<i32>} : memref<2x64x128xf32, #tpu.memory_space<vmem>>, vector<1x1x16xf32>,
        %swap3A_1487 = vector.shape_cast %swap3A_1486 : vector<1x1x16xf32> to vector<16xf32>
        %swap3A_1488 = vector.shape_cast %mul3A_1481 : vector<16xf32> to vector<1x1x16xf32>
        tpu.vector_store %arg15[%swap3A_1483, %swap3A_1484, %swap3A_1485], %swap3A_1488 {strides = array<i32>} : memref<2x64x128xf32, #tpu.memory_space<vmem>>, vector<1x1x16xf32>,
        %mul3A_1489 = arith.mulf %get3A_1480, %broadcast_in_dim3A_1442 : vector<16xf32>
        %swap3A_1490 = arith.constant 0 : i32
        %swap3A_1491 = arith.index_cast %swap3A_1490 : i32 to index
        %swap3A_1492 = arith.index_cast %add3A_1439 : i32 to index
        %swap3A_1493 = arith.constant 80 : index
        %swap3A_1494 = tpu.vector_load %arg15[%swap3A_1491, %swap3A_1492, %swap3A_1493] {strides = array<i32>} : memref<2x64x128xf32, #tpu.memory_space<vmem>>, vector<1x1x16xf32>,
        %swap3A_1495 = vector.shape_cast %swap3A_1494 : vector<1x1x16xf32> to vector<16xf32>
        %swap3A_1496 = vector.shape_cast %mul3A_1489 : vector<16xf32> to vector<1x1x16xf32>
        tpu.vector_store %arg15[%swap3A_1491, %swap3A_1492, %swap3A_1493], %swap3A_1496 {strides = array<i32>} : memref<2x64x128xf32, #tpu.memory_space<vmem>>, vector<1x1x16xf32>,
        %add3A_1497 = arith.constant 32 : i32
        %add3A_1498 = arith.addi %squeeze3A_1444, %add3A_1497 : i32
        %get3A_1499 = arith.index_cast %add3A_1498 : i32 to index
        %get3A_1500 = tpu.vector_load %arg9[%get3A_1499] {strides = array<i32>} : memref<64000xf32, #tpu.memory_space<vmem>>, vector<16xf32>,
        %get3A_1501 = vector.shape_cast %get3A_1500 : vector<16xf32> to vector<16xf32>
        %get3A_1502 = arith.index_cast %rem3A_271 : i32 to index
        %get3A_1503 = arith.index_cast %add3A_1439 : i32 to index
        %get3A_1504 = arith.constant 32 : index
        %get3A_1505 = tpu.vector_load %arg14[%get3A_1502, %get3A_1503, %get3A_1504] {strides = array<i32>} : memref<4x64x128xf32, #tpu.memory_space<vmem>>, vector<1x1x16xf32>,
        %get3A_1506 = vector.shape_cast %get3A_1505 : vector<1x1x16xf32> to vector<16xf32>
        %mul3A_1507 = arith.mulf %get3A_1501, %broadcast_in_dim3A_1442 : vector<16xf32>
        %swap3A_1508 = arith.constant 0 : i32
        %swap3A_1509 = arith.index_cast %swap3A_1508 : i32 to index
        %swap3A_1510 = arith.index_cast %add3A_1439 : i32 to index
        %swap3A_1511 = arith.constant 32 : index
        %swap3A_1512 = tpu.vector_load %arg15[%swap3A_1509, %swap3A_1510, %swap3A_1511] {strides = array<i32>} : memref<2x64x128xf32, #tpu.memory_space<vmem>>, vector<1x1x16xf32>,
        %swap3A_1513 = vector.shape_cast %swap3A_1512 : vector<1x1x16xf32> to vector<16xf32>
        %swap3A_1514 = vector.shape_cast %mul3A_1507 : vector<16xf32> to vector<1x1x16xf32>
        tpu.vector_store %arg15[%swap3A_1509, %swap3A_1510, %swap3A_1511], %swap3A_1514 {strides = array<i32>} : memref<2x64x128xf32, #tpu.memory_space<vmem>>, vector<1x1x16xf32>,
        %mul3A_1515 = arith.mulf %get3A_1506, %broadcast_in_dim3A_1442 : vector<16xf32>
        %swap3A_1516 = arith.constant 0 : i32
        %swap3A_1517 = arith.index_cast %swap3A_1516 : i32 to index
        %swap3A_1518 = arith.index_cast %add3A_1439 : i32 to index
        %swap3A_1519 = arith.constant 96 : index
        %swap3A_1520 = tpu.vector_load %arg15[%swap3A_1517, %swap3A_1518, %swap3A_1519] {strides = array<i32>} : memref<2x64x128xf32, #tpu.memory_space<vmem>>, vector<1x1x16xf32>,
        %swap3A_1521 = vector.shape_cast %swap3A_1520 : vector<1x1x16xf32> to vector<16xf32>
        %swap3A_1522 = vector.shape_cast %mul3A_1515 : vector<16xf32> to vector<1x1x16xf32>
        tpu.vector_store %arg15[%swap3A_1517, %swap3A_1518, %swap3A_1519], %swap3A_1522 {strides = array<i32>} : memref<2x64x128xf32, #tpu.memory_space<vmem>>, vector<1x1x16xf32>,
        %add3A_1523 = arith.constant 48 : i32
        %add3A_1524 = arith.addi %squeeze3A_1444, %add3A_1523 : i32
        %get3A_1525 = arith.index_cast %add3A_1524 : i32 to index
        %get3A_1526 = tpu.vector_load %arg9[%get3A_1525] {strides = array<i32>} : memref<64000xf32, #tpu.memory_space<vmem>>, vector<16xf32>,
        %get3A_1527 = vector.shape_cast %get3A_1526 : vector<16xf32> to vector<16xf32>
        %get3A_1528 = arith.index_cast %rem3A_271 : i32 to index
        %get3A_1529 = arith.index_cast %add3A_1439 : i32 to index
        %get3A_1530 = arith.constant 48 : index
        %get3A_1531 = tpu.vector_load %arg14[%get3A_1528, %get3A_1529, %get3A_1530] {strides = array<i32>} : memref<4x64x128xf32, #tpu.memory_space<vmem>>, vector<1x1x16xf32>,
        %get3A_1532 = vector.shape_cast %get3A_1531 : vector<1x1x16xf32> to vector<16xf32>
        %mul3A_1533 = arith.mulf %get3A_1527, %broadcast_in_dim3A_1442 : vector<16xf32>
        %swap3A_1534 = arith.constant 0 : i32
        %swap3A_1535 = arith.index_cast %swap3A_1534 : i32 to index
        %swap3A_1536 = arith.index_cast %add3A_1439 : i32 to index
        %swap3A_1537 = arith.constant 48 : index
        %swap3A_1538 = tpu.vector_load %arg15[%swap3A_1535, %swap3A_1536, %swap3A_1537] {strides = array<i32>} : memref<2x64x128xf32, #tpu.memory_space<vmem>>, vector<1x1x16xf32>,
        %swap3A_1539 = vector.shape_cast %swap3A_1538 : vector<1x1x16xf32> to vector<16xf32>
        %swap3A_1540 = vector.shape_cast %mul3A_1533 : vector<16xf32> to vector<1x1x16xf32>
        tpu.vector_store %arg15[%swap3A_1535, %swap3A_1536, %swap3A_1537], %swap3A_1540 {strides = array<i32>} : memref<2x64x128xf32, #tpu.memory_space<vmem>>, vector<1x1x16xf32>,
        %mul3A_1541 = arith.mulf %get3A_1532, %broadcast_in_dim3A_1442 : vector<16xf32>
        %swap3A_1542 = arith.constant 0 : i32
        %swap3A_1543 = arith.index_cast %swap3A_1542 : i32 to index
        %swap3A_1544 = arith.index_cast %add3A_1439 : i32 to index
        %swap3A_1545 = arith.constant 112 : index
        %swap3A_1546 = tpu.vector_load %arg15[%swap3A_1543, %swap3A_1544, %swap3A_1545] {strides = array<i32>} : memref<2x64x128xf32, #tpu.memory_space<vmem>>, vector<1x1x16xf32>,
        %swap3A_1547 = vector.shape_cast %swap3A_1546 : vector<1x1x16xf32> to vector<16xf32>
        %swap3A_1548 = vector.shape_cast %mul3A_1541 : vector<16xf32> to vector<1x1x16xf32>
        tpu.vector_store %arg15[%swap3A_1543, %swap3A_1544, %swap3A_1545], %swap3A_1548 {strides = array<i32>} : memref<2x64x128xf32, #tpu.memory_space<vmem>>, vector<1x1x16xf32>,
        %mul3A_1549 = arith.constant 16 : i32
        %mul3A_1550 = arith.muli %scan3A_404, %mul3A_1549 : i32
        %add3A_1551 = arith.constant 10 : i32
        %add3A_1552 = arith.addi %mul3A_1550, %add3A_1551 : i32
        %slice3A_1553 = vector.extract_strided_slice %get3A_414 {offsets = [10], sizes = [1], strides = [1]} : vector<16xf32> to vector<1xf32>
        %squeeze3A_1554 = vector.extract %slice3A_1553[0] : f32 from vector<1xf32>
        %broadcast_in_dim3A_1555 = vector.broadcast %squeeze3A_1554 : f32 to vector<16xf32>
        %slice3A_1556 = vector.extract_strided_slice %mul3A_422 {offsets = [10], sizes = [1], strides = [1]} : vector<16xi32> to vector<1xi32>
        %squeeze3A_1557 = vector.extract %slice3A_1556[0] : i32 from vector<1xi32>
        %add3A_1558 = arith.constant 0 : i32
        %add3A_1559 = arith.addi %squeeze3A_1557, %add3A_1558 : i32
        %get3A_1560 = arith.index_cast %add3A_1559 : i32 to index
        %get3A_1561 = tpu.vector_load %arg9[%get3A_1560] {strides = array<i32>} : memref<64000xf32, #tpu.memory_space<vmem>>, vector<16xf32>,
        %get3A_1562 = vector.shape_cast %get3A_1561 : vector<16xf32> to vector<16xf32>
        %get3A_1563 = arith.index_cast %rem3A_271 : i32 to index
        %get3A_1564 = arith.index_cast %add3A_1552 : i32 to index
        %get3A_1565 = arith.constant 0 : index
        %get3A_1566 = tpu.vector_load %arg14[%get3A_1563, %get3A_1564, %get3A_1565] {strides = array<i32>} : memref<4x64x128xf32, #tpu.memory_space<vmem>>, vector<1x1x16xf32>,
        %get3A_1567 = vector.shape_cast %get3A_1566 : vector<1x1x16xf32> to vector<16xf32>
        %mul3A_1568 = arith.mulf %get3A_1562, %broadcast_in_dim3A_1555 : vector<16xf32>
        %swap3A_1569 = arith.constant 0 : i32
        %swap3A_1570 = arith.index_cast %swap3A_1569 : i32 to index
        %swap3A_1571 = arith.index_cast %add3A_1552 : i32 to index
        %swap3A_1572 = arith.constant 0 : index
        %swap3A_1573 = tpu.vector_load %arg15[%swap3A_1570, %swap3A_1571, %swap3A_1572] {strides = array<i32>} : memref<2x64x128xf32, #tpu.memory_space<vmem>>, vector<1x1x16xf32>,
        %swap3A_1574 = vector.shape_cast %swap3A_1573 : vector<1x1x16xf32> to vector<16xf32>
        %swap3A_1575 = vector.shape_cast %mul3A_1568 : vector<16xf32> to vector<1x1x16xf32>
        tpu.vector_store %arg15[%swap3A_1570, %swap3A_1571, %swap3A_1572], %swap3A_1575 {strides = array<i32>} : memref<2x64x128xf32, #tpu.memory_space<vmem>>, vector<1x1x16xf32>,
        %mul3A_1576 = arith.mulf %get3A_1567, %broadcast_in_dim3A_1555 : vector<16xf32>
        %swap3A_1577 = arith.constant 0 : i32
        %swap3A_1578 = arith.index_cast %swap3A_1577 : i32 to index
        %swap3A_1579 = arith.index_cast %add3A_1552 : i32 to index
        %swap3A_1580 = arith.constant 64 : index
        %swap3A_1581 = tpu.vector_load %arg15[%swap3A_1578, %swap3A_1579, %swap3A_1580] {strides = array<i32>} : memref<2x64x128xf32, #tpu.memory_space<vmem>>, vector<1x1x16xf32>,
        %swap3A_1582 = vector.shape_cast %swap3A_1581 : vector<1x1x16xf32> to vector<16xf32>
        %swap3A_1583 = vector.shape_cast %mul3A_1576 : vector<16xf32> to vector<1x1x16xf32>
        tpu.vector_store %arg15[%swap3A_1578, %swap3A_1579, %swap3A_1580], %swap3A_1583 {strides = array<i32>} : memref<2x64x128xf32, #tpu.memory_space<vmem>>, vector<1x1x16xf32>,
        %add3A_1584 = arith.constant 16 : i32
        %add3A_1585 = arith.addi %squeeze3A_1557, %add3A_1584 : i32
        %get3A_1586 = arith.index_cast %add3A_1585 : i32 to index
        %get3A_1587 = tpu.vector_load %arg9[%get3A_1586] {strides = array<i32>} : memref<64000xf32, #tpu.memory_space<vmem>>, vector<16xf32>,
        %get3A_1588 = vector.shape_cast %get3A_1587 : vector<16xf32> to vector<16xf32>
        %get3A_1589 = arith.index_cast %rem3A_271 : i32 to index
        %get3A_1590 = arith.index_cast %add3A_1552 : i32 to index
        %get3A_1591 = arith.constant 16 : index
        %get3A_1592 = tpu.vector_load %arg14[%get3A_1589, %get3A_1590, %get3A_1591] {strides = array<i32>} : memref<4x64x128xf32, #tpu.memory_space<vmem>>, vector<1x1x16xf32>,
        %get3A_1593 = vector.shape_cast %get3A_1592 : vector<1x1x16xf32> to vector<16xf32>
        %mul3A_1594 = arith.mulf %get3A_1588, %broadcast_in_dim3A_1555 : vector<16xf32>
        %swap3A_1595 = arith.constant 0 : i32
        %swap3A_1596 = arith.index_cast %swap3A_1595 : i32 to index
        %swap3A_1597 = arith.index_cast %add3A_1552 : i32 to index
        %swap3A_1598 = arith.constant 16 : index
        %swap3A_1599 = tpu.vector_load %arg15[%swap3A_1596, %swap3A_1597, %swap3A_1598] {strides = array<i32>} : memref<2x64x128xf32, #tpu.memory_space<vmem>>, vector<1x1x16xf32>,
        %swap3A_1600 = vector.shape_cast %swap3A_1599 : vector<1x1x16xf32> to vector<16xf32>
        %swap3A_1601 = vector.shape_cast %mul3A_1594 : vector<16xf32> to vector<1x1x16xf32>
        tpu.vector_store %arg15[%swap3A_1596, %swap3A_1597, %swap3A_1598], %swap3A_1601 {strides = array<i32>} : memref<2x64x128xf32, #tpu.memory_space<vmem>>, vector<1x1x16xf32>,
        %mul3A_1602 = arith.mulf %get3A_1593, %broadcast_in_dim3A_1555 : vector<16xf32>
        %swap3A_1603 = arith.constant 0 : i32
        %swap3A_1604 = arith.index_cast %swap3A_1603 : i32 to index
        %swap3A_1605 = arith.index_cast %add3A_1552 : i32 to index
        %swap3A_1606 = arith.constant 80 : index
        %swap3A_1607 = tpu.vector_load %arg15[%swap3A_1604, %swap3A_1605, %swap3A_1606] {strides = array<i32>} : memref<2x64x128xf32, #tpu.memory_space<vmem>>, vector<1x1x16xf32>,
        %swap3A_1608 = vector.shape_cast %swap3A_1607 : vector<1x1x16xf32> to vector<16xf32>
        %swap3A_1609 = vector.shape_cast %mul3A_1602 : vector<16xf32> to vector<1x1x16xf32>
        tpu.vector_store %arg15[%swap3A_1604, %swap3A_1605, %swap3A_1606], %swap3A_1609 {strides = array<i32>} : memref<2x64x128xf32, #tpu.memory_space<vmem>>, vector<1x1x16xf32>,
        %add3A_1610 = arith.constant 32 : i32
        %add3A_1611 = arith.addi %squeeze3A_1557, %add3A_1610 : i32
        %get3A_1612 = arith.index_cast %add3A_1611 : i32 to index
        %get3A_1613 = tpu.vector_load %arg9[%get3A_1612] {strides = array<i32>} : memref<64000xf32, #tpu.memory_space<vmem>>, vector<16xf32>,
        %get3A_1614 = vector.shape_cast %get3A_1613 : vector<16xf32> to vector<16xf32>
        %get3A_1615 = arith.index_cast %rem3A_271 : i32 to index
        %get3A_1616 = arith.index_cast %add3A_1552 : i32 to index
        %get3A_1617 = arith.constant 32 : index
        %get3A_1618 = tpu.vector_load %arg14[%get3A_1615, %get3A_1616, %get3A_1617] {strides = array<i32>} : memref<4x64x128xf32, #tpu.memory_space<vmem>>, vector<1x1x16xf32>,
        %get3A_1619 = vector.shape_cast %get3A_1618 : vector<1x1x16xf32> to vector<16xf32>
        %mul3A_1620 = arith.mulf %get3A_1614, %broadcast_in_dim3A_1555 : vector<16xf32>
        %swap3A_1621 = arith.constant 0 : i32
        %swap3A_1622 = arith.index_cast %swap3A_1621 : i32 to index
        %swap3A_1623 = arith.index_cast %add3A_1552 : i32 to index
        %swap3A_1624 = arith.constant 32 : index
        %swap3A_1625 = tpu.vector_load %arg15[%swap3A_1622, %swap3A_1623, %swap3A_1624] {strides = array<i32>} : memref<2x64x128xf32, #tpu.memory_space<vmem>>, vector<1x1x16xf32>,
        %swap3A_1626 = vector.shape_cast %swap3A_1625 : vector<1x1x16xf32> to vector<16xf32>
        %swap3A_1627 = vector.shape_cast %mul3A_1620 : vector<16xf32> to vector<1x1x16xf32>
        tpu.vector_store %arg15[%swap3A_1622, %swap3A_1623, %swap3A_1624], %swap3A_1627 {strides = array<i32>} : memref<2x64x128xf32, #tpu.memory_space<vmem>>, vector<1x1x16xf32>,
        %mul3A_1628 = arith.mulf %get3A_1619, %broadcast_in_dim3A_1555 : vector<16xf32>
        %swap3A_1629 = arith.constant 0 : i32
        %swap3A_1630 = arith.index_cast %swap3A_1629 : i32 to index
        %swap3A_1631 = arith.index_cast %add3A_1552 : i32 to index
        %swap3A_1632 = arith.constant 96 : index
        %swap3A_1633 = tpu.vector_load %arg15[%swap3A_1630, %swap3A_1631, %swap3A_1632] {strides = array<i32>} : memref<2x64x128xf32, #tpu.memory_space<vmem>>, vector<1x1x16xf32>,
        %swap3A_1634 = vector.shape_cast %swap3A_1633 : vector<1x1x16xf32> to vector<16xf32>
        %swap3A_1635 = vector.shape_cast %mul3A_1628 : vector<16xf32> to vector<1x1x16xf32>
        tpu.vector_store %arg15[%swap3A_1630, %swap3A_1631, %swap3A_1632], %swap3A_1635 {strides = array<i32>} : memref<2x64x128xf32, #tpu.memory_space<vmem>>, vector<1x1x16xf32>,
        %add3A_1636 = arith.constant 48 : i32
        %add3A_1637 = arith.addi %squeeze3A_1557, %add3A_1636 : i32
        %get3A_1638 = arith.index_cast %add3A_1637 : i32 to index
        %get3A_1639 = tpu.vector_load %arg9[%get3A_1638] {strides = array<i32>} : memref<64000xf32, #tpu.memory_space<vmem>>, vector<16xf32>,
        %get3A_1640 = vector.shape_cast %get3A_1639 : vector<16xf32> to vector<16xf32>
        %get3A_1641 = arith.index_cast %rem3A_271 : i32 to index
        %get3A_1642 = arith.index_cast %add3A_1552 : i32 to index
        %get3A_1643 = arith.constant 48 : index
        %get3A_1644 = tpu.vector_load %arg14[%get3A_1641, %get3A_1642, %get3A_1643] {strides = array<i32>} : memref<4x64x128xf32, #tpu.memory_space<vmem>>, vector<1x1x16xf32>,
        %get3A_1645 = vector.shape_cast %get3A_1644 : vector<1x1x16xf32> to vector<16xf32>
        %mul3A_1646 = arith.mulf %get3A_1640, %broadcast_in_dim3A_1555 : vector<16xf32>
        %swap3A_1647 = arith.constant 0 : i32
        %swap3A_1648 = arith.index_cast %swap3A_1647 : i32 to index
        %swap3A_1649 = arith.index_cast %add3A_1552 : i32 to index
        %swap3A_1650 = arith.constant 48 : index
        %swap3A_1651 = tpu.vector_load %arg15[%swap3A_1648, %swap3A_1649, %swap3A_1650] {strides = array<i32>} : memref<2x64x128xf32, #tpu.memory_space<vmem>>, vector<1x1x16xf32>,
        %swap3A_1652 = vector.shape_cast %swap3A_1651 : vector<1x1x16xf32> to vector<16xf32>
        %swap3A_1653 = vector.shape_cast %mul3A_1646 : vector<16xf32> to vector<1x1x16xf32>
        tpu.vector_store %arg15[%swap3A_1648, %swap3A_1649, %swap3A_1650], %swap3A_1653 {strides = array<i32>} : memref<2x64x128xf32, #tpu.memory_space<vmem>>, vector<1x1x16xf32>,
        %mul3A_1654 = arith.mulf %get3A_1645, %broadcast_in_dim3A_1555 : vector<16xf32>
        %swap3A_1655 = arith.constant 0 : i32
        %swap3A_1656 = arith.index_cast %swap3A_1655 : i32 to index
        %swap3A_1657 = arith.index_cast %add3A_1552 : i32 to index
        %swap3A_1658 = arith.constant 112 : index
        %swap3A_1659 = tpu.vector_load %arg15[%swap3A_1656, %swap3A_1657, %swap3A_1658] {strides = array<i32>} : memref<2x64x128xf32, #tpu.memory_space<vmem>>, vector<1x1x16xf32>,
        %swap3A_1660 = vector.shape_cast %swap3A_1659 : vector<1x1x16xf32> to vector<16xf32>
        %swap3A_1661 = vector.shape_cast %mul3A_1654 : vector<16xf32> to vector<1x1x16xf32>
        tpu.vector_store %arg15[%swap3A_1656, %swap3A_1657, %swap3A_1658], %swap3A_1661 {strides = array<i32>} : memref<2x64x128xf32, #tpu.memory_space<vmem>>, vector<1x1x16xf32>,
        %mul3A_1662 = arith.constant 16 : i32
        %mul3A_1663 = arith.muli %scan3A_404, %mul3A_1662 : i32
        %add3A_1664 = arith.constant 11 : i32
        %add3A_1665 = arith.addi %mul3A_1663, %add3A_1664 : i32
        %slice3A_1666 = vector.extract_strided_slice %get3A_414 {offsets = [11], sizes = [1], strides = [1]} : vector<16xf32> to vector<1xf32>
        %squeeze3A_1667 = vector.extract %slice3A_1666[0] : f32 from vector<1xf32>
        %broadcast_in_dim3A_1668 = vector.broadcast %squeeze3A_1667 : f32 to vector<16xf32>
        %slice3A_1669 = vector.extract_strided_slice %mul3A_422 {offsets = [11], sizes = [1], strides = [1]} : vector<16xi32> to vector<1xi32>
        %squeeze3A_1670 = vector.extract %slice3A_1669[0] : i32 from vector<1xi32>
        %add3A_1671 = arith.constant 0 : i32
        %add3A_1672 = arith.addi %squeeze3A_1670, %add3A_1671 : i32
        %get3A_1673 = arith.index_cast %add3A_1672 : i32 to index
        %get3A_1674 = tpu.vector_load %arg9[%get3A_1673] {strides = array<i32>} : memref<64000xf32, #tpu.memory_space<vmem>>, vector<16xf32>,
        %get3A_1675 = vector.shape_cast %get3A_1674 : vector<16xf32> to vector<16xf32>
        %get3A_1676 = arith.index_cast %rem3A_271 : i32 to index
        %get3A_1677 = arith.index_cast %add3A_1665 : i32 to index
        %get3A_1678 = arith.constant 0 : index
        %get3A_1679 = tpu.vector_load %arg14[%get3A_1676, %get3A_1677, %get3A_1678] {strides = array<i32>} : memref<4x64x128xf32, #tpu.memory_space<vmem>>, vector<1x1x16xf32>,
        %get3A_1680 = vector.shape_cast %get3A_1679 : vector<1x1x16xf32> to vector<16xf32>
        %mul3A_1681 = arith.mulf %get3A_1675, %broadcast_in_dim3A_1668 : vector<16xf32>
        %swap3A_1682 = arith.constant 0 : i32
        %swap3A_1683 = arith.index_cast %swap3A_1682 : i32 to index
        %swap3A_1684 = arith.index_cast %add3A_1665 : i32 to index
        %swap3A_1685 = arith.constant 0 : index
        %swap3A_1686 = tpu.vector_load %arg15[%swap3A_1683, %swap3A_1684, %swap3A_1685] {strides = array<i32>} : memref<2x64x128xf32, #tpu.memory_space<vmem>>, vector<1x1x16xf32>,
        %swap3A_1687 = vector.shape_cast %swap3A_1686 : vector<1x1x16xf32> to vector<16xf32>
        %swap3A_1688 = vector.shape_cast %mul3A_1681 : vector<16xf32> to vector<1x1x16xf32>
        tpu.vector_store %arg15[%swap3A_1683, %swap3A_1684, %swap3A_1685], %swap3A_1688 {strides = array<i32>} : memref<2x64x128xf32, #tpu.memory_space<vmem>>, vector<1x1x16xf32>,
        %mul3A_1689 = arith.mulf %get3A_1680, %broadcast_in_dim3A_1668 : vector<16xf32>
        %swap3A_1690 = arith.constant 0 : i32
        %swap3A_1691 = arith.index_cast %swap3A_1690 : i32 to index
        %swap3A_1692 = arith.index_cast %add3A_1665 : i32 to index
        %swap3A_1693 = arith.constant 64 : index
        %swap3A_1694 = tpu.vector_load %arg15[%swap3A_1691, %swap3A_1692, %swap3A_1693] {strides = array<i32>} : memref<2x64x128xf32, #tpu.memory_space<vmem>>, vector<1x1x16xf32>,
        %swap3A_1695 = vector.shape_cast %swap3A_1694 : vector<1x1x16xf32> to vector<16xf32>
        %swap3A_1696 = vector.shape_cast %mul3A_1689 : vector<16xf32> to vector<1x1x16xf32>
        tpu.vector_store %arg15[%swap3A_1691, %swap3A_1692, %swap3A_1693], %swap3A_1696 {strides = array<i32>} : memref<2x64x128xf32, #tpu.memory_space<vmem>>, vector<1x1x16xf32>,
        %add3A_1697 = arith.constant 16 : i32
        %add3A_1698 = arith.addi %squeeze3A_1670, %add3A_1697 : i32
        %get3A_1699 = arith.index_cast %add3A_1698 : i32 to index
        %get3A_1700 = tpu.vector_load %arg9[%get3A_1699] {strides = array<i32>} : memref<64000xf32, #tpu.memory_space<vmem>>, vector<16xf32>,
        %get3A_1701 = vector.shape_cast %get3A_1700 : vector<16xf32> to vector<16xf32>
        %get3A_1702 = arith.index_cast %rem3A_271 : i32 to index
        %get3A_1703 = arith.index_cast %add3A_1665 : i32 to index
        %get3A_1704 = arith.constant 16 : index
        %get3A_1705 = tpu.vector_load %arg14[%get3A_1702, %get3A_1703, %get3A_1704] {strides = array<i32>} : memref<4x64x128xf32, #tpu.memory_space<vmem>>, vector<1x1x16xf32>,
        %get3A_1706 = vector.shape_cast %get3A_1705 : vector<1x1x16xf32> to vector<16xf32>
        %mul3A_1707 = arith.mulf %get3A_1701, %broadcast_in_dim3A_1668 : vector<16xf32>
        %swap3A_1708 = arith.constant 0 : i32
        %swap3A_1709 = arith.index_cast %swap3A_1708 : i32 to index
        %swap3A_1710 = arith.index_cast %add3A_1665 : i32 to index
        %swap3A_1711 = arith.constant 16 : index
        %swap3A_1712 = tpu.vector_load %arg15[%swap3A_1709, %swap3A_1710, %swap3A_1711] {strides = array<i32>} : memref<2x64x128xf32, #tpu.memory_space<vmem>>, vector<1x1x16xf32>,
        %swap3A_1713 = vector.shape_cast %swap3A_1712 : vector<1x1x16xf32> to vector<16xf32>
        %swap3A_1714 = vector.shape_cast %mul3A_1707 : vector<16xf32> to vector<1x1x16xf32>
        tpu.vector_store %arg15[%swap3A_1709, %swap3A_1710, %swap3A_1711], %swap3A_1714 {strides = array<i32>} : memref<2x64x128xf32, #tpu.memory_space<vmem>>, vector<1x1x16xf32>,
        %mul3A_1715 = arith.mulf %get3A_1706, %broadcast_in_dim3A_1668 : vector<16xf32>
        %swap3A_1716 = arith.constant 0 : i32
        %swap3A_1717 = arith.index_cast %swap3A_1716 : i32 to index
        %swap3A_1718 = arith.index_cast %add3A_1665 : i32 to index
        %swap3A_1719 = arith.constant 80 : index
        %swap3A_1720 = tpu.vector_load %arg15[%swap3A_1717, %swap3A_1718, %swap3A_1719] {strides = array<i32>} : memref<2x64x128xf32, #tpu.memory_space<vmem>>, vector<1x1x16xf32>,
        %swap3A_1721 = vector.shape_cast %swap3A_1720 : vector<1x1x16xf32> to vector<16xf32>
        %swap3A_1722 = vector.shape_cast %mul3A_1715 : vector<16xf32> to vector<1x1x16xf32>
        tpu.vector_store %arg15[%swap3A_1717, %swap3A_1718, %swap3A_1719], %swap3A_1722 {strides = array<i32>} : memref<2x64x128xf32, #tpu.memory_space<vmem>>, vector<1x1x16xf32>,
        %add3A_1723 = arith.constant 32 : i32
        %add3A_1724 = arith.addi %squeeze3A_1670, %add3A_1723 : i32
        %get3A_1725 = arith.index_cast %add3A_1724 : i32 to index
        %get3A_1726 = tpu.vector_load %arg9[%get3A_1725] {strides = array<i32>} : memref<64000xf32, #tpu.memory_space<vmem>>, vector<16xf32>,
        %get3A_1727 = vector.shape_cast %get3A_1726 : vector<16xf32> to vector<16xf32>
        %get3A_1728 = arith.index_cast %rem3A_271 : i32 to index
        %get3A_1729 = arith.index_cast %add3A_1665 : i32 to index
        %get3A_1730 = arith.constant 32 : index
        %get3A_1731 = tpu.vector_load %arg14[%get3A_1728, %get3A_1729, %get3A_1730] {strides = array<i32>} : memref<4x64x128xf32, #tpu.memory_space<vmem>>, vector<1x1x16xf32>,
        %get3A_1732 = vector.shape_cast %get3A_1731 : vector<1x1x16xf32> to vector<16xf32>
        %mul3A_1733 = arith.mulf %get3A_1727, %broadcast_in_dim3A_1668 : vector<16xf32>
        %swap3A_1734 = arith.constant 0 : i32
        %swap3A_1735 = arith.index_cast %swap3A_1734 : i32 to index
        %swap3A_1736 = arith.index_cast %add3A_1665 : i32 to index
        %swap3A_1737 = arith.constant 32 : index
        %swap3A_1738 = tpu.vector_load %arg15[%swap3A_1735, %swap3A_1736, %swap3A_1737] {strides = array<i32>} : memref<2x64x128xf32, #tpu.memory_space<vmem>>, vector<1x1x16xf32>,
        %swap3A_1739 = vector.shape_cast %swap3A_1738 : vector<1x1x16xf32> to vector<16xf32>
        %swap3A_1740 = vector.shape_cast %mul3A_1733 : vector<16xf32> to vector<1x1x16xf32>
        tpu.vector_store %arg15[%swap3A_1735, %swap3A_1736, %swap3A_1737], %swap3A_1740 {strides = array<i32>} : memref<2x64x128xf32, #tpu.memory_space<vmem>>, vector<1x1x16xf32>,
        %mul3A_1741 = arith.mulf %get3A_1732, %broadcast_in_dim3A_1668 : vector<16xf32>
        %swap3A_1742 = arith.constant 0 : i32
        %swap3A_1743 = arith.index_cast %swap3A_1742 : i32 to index
        %swap3A_1744 = arith.index_cast %add3A_1665 : i32 to index
        %swap3A_1745 = arith.constant 96 : index
        %swap3A_1746 = tpu.vector_load %arg15[%swap3A_1743, %swap3A_1744, %swap3A_1745] {strides = array<i32>} : memref<2x64x128xf32, #tpu.memory_space<vmem>>, vector<1x1x16xf32>,
        %swap3A_1747 = vector.shape_cast %swap3A_1746 : vector<1x1x16xf32> to vector<16xf32>
        %swap3A_1748 = vector.shape_cast %mul3A_1741 : vector<16xf32> to vector<1x1x16xf32>
        tpu.vector_store %arg15[%swap3A_1743, %swap3A_1744, %swap3A_1745], %swap3A_1748 {strides = array<i32>} : memref<2x64x128xf32, #tpu.memory_space<vmem>>, vector<1x1x16xf32>,
        %add3A_1749 = arith.constant 48 : i32
        %add3A_1750 = arith.addi %squeeze3A_1670, %add3A_1749 : i32
        %get3A_1751 = arith.index_cast %add3A_1750 : i32 to index
        %get3A_1752 = tpu.vector_load %arg9[%get3A_1751] {strides = array<i32>} : memref<64000xf32, #tpu.memory_space<vmem>>, vector<16xf32>,
        %get3A_1753 = vector.shape_cast %get3A_1752 : vector<16xf32> to vector<16xf32>
        %get3A_1754 = arith.index_cast %rem3A_271 : i32 to index
        %get3A_1755 = arith.index_cast %add3A_1665 : i32 to index
        %get3A_1756 = arith.constant 48 : index
        %get3A_1757 = tpu.vector_load %arg14[%get3A_1754, %get3A_1755, %get3A_1756] {strides = array<i32>} : memref<4x64x128xf32, #tpu.memory_space<vmem>>, vector<1x1x16xf32>,
        %get3A_1758 = vector.shape_cast %get3A_1757 : vector<1x1x16xf32> to vector<16xf32>
        %mul3A_1759 = arith.mulf %get3A_1753, %broadcast_in_dim3A_1668 : vector<16xf32>
        %swap3A_1760 = arith.constant 0 : i32
        %swap3A_1761 = arith.index_cast %swap3A_1760 : i32 to index
        %swap3A_1762 = arith.index_cast %add3A_1665 : i32 to index
        %swap3A_1763 = arith.constant 48 : index
        %swap3A_1764 = tpu.vector_load %arg15[%swap3A_1761, %swap3A_1762, %swap3A_1763] {strides = array<i32>} : memref<2x64x128xf32, #tpu.memory_space<vmem>>, vector<1x1x16xf32>,
        %swap3A_1765 = vector.shape_cast %swap3A_1764 : vector<1x1x16xf32> to vector<16xf32>
        %swap3A_1766 = vector.shape_cast %mul3A_1759 : vector<16xf32> to vector<1x1x16xf32>
        tpu.vector_store %arg15[%swap3A_1761, %swap3A_1762, %swap3A_1763], %swap3A_1766 {strides = array<i32>} : memref<2x64x128xf32, #tpu.memory_space<vmem>>, vector<1x1x16xf32>,
        %mul3A_1767 = arith.mulf %get3A_1758, %broadcast_in_dim3A_1668 : vector<16xf32>
        %swap3A_1768 = arith.constant 0 : i32
        %swap3A_1769 = arith.index_cast %swap3A_1768 : i32 to index
        %swap3A_1770 = arith.index_cast %add3A_1665 : i32 to index
        %swap3A_1771 = arith.constant 112 : index
        %swap3A_1772 = tpu.vector_load %arg15[%swap3A_1769, %swap3A_1770, %swap3A_1771] {strides = array<i32>} : memref<2x64x128xf32, #tpu.memory_space<vmem>>, vector<1x1x16xf32>,
        %swap3A_1773 = vector.shape_cast %swap3A_1772 : vector<1x1x16xf32> to vector<16xf32>
        %swap3A_1774 = vector.shape_cast %mul3A_1767 : vector<16xf32> to vector<1x1x16xf32>
        tpu.vector_store %arg15[%swap3A_1769, %swap3A_1770, %swap3A_1771], %swap3A_1774 {strides = array<i32>} : memref<2x64x128xf32, #tpu.memory_space<vmem>>, vector<1x1x16xf32>,
        %mul3A_1775 = arith.constant 16 : i32
        %mul3A_1776 = arith.muli %scan3A_404, %mul3A_1775 : i32
        %add3A_1777 = arith.constant 12 : i32
        %add3A_1778 = arith.addi %mul3A_1776, %add3A_1777 : i32
        %slice3A_1779 = vector.extract_strided_slice %get3A_414 {offsets = [12], sizes = [1], strides = [1]} : vector<16xf32> to vector<1xf32>
        %squeeze3A_1780 = vector.extract %slice3A_1779[0] : f32 from vector<1xf32>
        %broadcast_in_dim3A_1781 = vector.broadcast %squeeze3A_1780 : f32 to vector<16xf32>
        %slice3A_1782 = vector.extract_strided_slice %mul3A_422 {offsets = [12], sizes = [1], strides = [1]} : vector<16xi32> to vector<1xi32>
        %squeeze3A_1783 = vector.extract %slice3A_1782[0] : i32 from vector<1xi32>
        %add3A_1784 = arith.constant 0 : i32
        %add3A_1785 = arith.addi %squeeze3A_1783, %add3A_1784 : i32
        %get3A_1786 = arith.index_cast %add3A_1785 : i32 to index
        %get3A_1787 = tpu.vector_load %arg9[%get3A_1786] {strides = array<i32>} : memref<64000xf32, #tpu.memory_space<vmem>>, vector<16xf32>,
        %get3A_1788 = vector.shape_cast %get3A_1787 : vector<16xf32> to vector<16xf32>
        %get3A_1789 = arith.index_cast %rem3A_271 : i32 to index
        %get3A_1790 = arith.index_cast %add3A_1778 : i32 to index
        %get3A_1791 = arith.constant 0 : index
        %get3A_1792 = tpu.vector_load %arg14[%get3A_1789, %get3A_1790, %get3A_1791] {strides = array<i32>} : memref<4x64x128xf32, #tpu.memory_space<vmem>>, vector<1x1x16xf32>,
        %get3A_1793 = vector.shape_cast %get3A_1792 : vector<1x1x16xf32> to vector<16xf32>
        %mul3A_1794 = arith.mulf %get3A_1788, %broadcast_in_dim3A_1781 : vector<16xf32>
        %swap3A_1795 = arith.constant 0 : i32
        %swap3A_1796 = arith.index_cast %swap3A_1795 : i32 to index
        %swap3A_1797 = arith.index_cast %add3A_1778 : i32 to index
        %swap3A_1798 = arith.constant 0 : index
        %swap3A_1799 = tpu.vector_load %arg15[%swap3A_1796, %swap3A_1797, %swap3A_1798] {strides = array<i32>} : memref<2x64x128xf32, #tpu.memory_space<vmem>>, vector<1x1x16xf32>,
        %swap3A_1800 = vector.shape_cast %swap3A_1799 : vector<1x1x16xf32> to vector<16xf32>
        %swap3A_1801 = vector.shape_cast %mul3A_1794 : vector<16xf32> to vector<1x1x16xf32>
        tpu.vector_store %arg15[%swap3A_1796, %swap3A_1797, %swap3A_1798], %swap3A_1801 {strides = array<i32>} : memref<2x64x128xf32, #tpu.memory_space<vmem>>, vector<1x1x16xf32>,
        %mul3A_1802 = arith.mulf %get3A_1793, %broadcast_in_dim3A_1781 : vector<16xf32>
        %swap3A_1803 = arith.constant 0 : i32
        %swap3A_1804 = arith.index_cast %swap3A_1803 : i32 to index
        %swap3A_1805 = arith.index_cast %add3A_1778 : i32 to index
        %swap3A_1806 = arith.constant 64 : index
        %swap3A_1807 = tpu.vector_load %arg15[%swap3A_1804, %swap3A_1805, %swap3A_1806] {strides = array<i32>} : memref<2x64x128xf32, #tpu.memory_space<vmem>>, vector<1x1x16xf32>,
        %swap3A_1808 = vector.shape_cast %swap3A_1807 : vector<1x1x16xf32> to vector<16xf32>
        %swap3A_1809 = vector.shape_cast %mul3A_1802 : vector<16xf32> to vector<1x1x16xf32>
        tpu.vector_store %arg15[%swap3A_1804, %swap3A_1805, %swap3A_1806], %swap3A_1809 {strides = array<i32>} : memref<2x64x128xf32, #tpu.memory_space<vmem>>, vector<1x1x16xf32>,
        %add3A_1810 = arith.constant 16 : i32
        %add3A_1811 = arith.addi %squeeze3A_1783, %add3A_1810 : i32
        %get3A_1812 = arith.index_cast %add3A_1811 : i32 to index
        %get3A_1813 = tpu.vector_load %arg9[%get3A_1812] {strides = array<i32>} : memref<64000xf32, #tpu.memory_space<vmem>>, vector<16xf32>,
        %get3A_1814 = vector.shape_cast %get3A_1813 : vector<16xf32> to vector<16xf32>
        %get3A_1815 = arith.index_cast %rem3A_271 : i32 to index
        %get3A_1816 = arith.index_cast %add3A_1778 : i32 to index
        %get3A_1817 = arith.constant 16 : index
        %get3A_1818 = tpu.vector_load %arg14[%get3A_1815, %get3A_1816, %get3A_1817] {strides = array<i32>} : memref<4x64x128xf32, #tpu.memory_space<vmem>>, vector<1x1x16xf32>,
        %get3A_1819 = vector.shape_cast %get3A_1818 : vector<1x1x16xf32> to vector<16xf32>
        %mul3A_1820 = arith.mulf %get3A_1814, %broadcast_in_dim3A_1781 : vector<16xf32>
        %swap3A_1821 = arith.constant 0 : i32
        %swap3A_1822 = arith.index_cast %swap3A_1821 : i32 to index
        %swap3A_1823 = arith.index_cast %add3A_1778 : i32 to index
        %swap3A_1824 = arith.constant 16 : index
        %swap3A_1825 = tpu.vector_load %arg15[%swap3A_1822, %swap3A_1823, %swap3A_1824] {strides = array<i32>} : memref<2x64x128xf32, #tpu.memory_space<vmem>>, vector<1x1x16xf32>,
        %swap3A_1826 = vector.shape_cast %swap3A_1825 : vector<1x1x16xf32> to vector<16xf32>
        %swap3A_1827 = vector.shape_cast %mul3A_1820 : vector<16xf32> to vector<1x1x16xf32>
        tpu.vector_store %arg15[%swap3A_1822, %swap3A_1823, %swap3A_1824], %swap3A_1827 {strides = array<i32>} : memref<2x64x128xf32, #tpu.memory_space<vmem>>, vector<1x1x16xf32>,
        %mul3A_1828 = arith.mulf %get3A_1819, %broadcast_in_dim3A_1781 : vector<16xf32>
        %swap3A_1829 = arith.constant 0 : i32
        %swap3A_1830 = arith.index_cast %swap3A_1829 : i32 to index
        %swap3A_1831 = arith.index_cast %add3A_1778 : i32 to index
        %swap3A_1832 = arith.constant 80 : index
        %swap3A_1833 = tpu.vector_load %arg15[%swap3A_1830, %swap3A_1831, %swap3A_1832] {strides = array<i32>} : memref<2x64x128xf32, #tpu.memory_space<vmem>>, vector<1x1x16xf32>,
        %swap3A_1834 = vector.shape_cast %swap3A_1833 : vector<1x1x16xf32> to vector<16xf32>
        %swap3A_1835 = vector.shape_cast %mul3A_1828 : vector<16xf32> to vector<1x1x16xf32>
        tpu.vector_store %arg15[%swap3A_1830, %swap3A_1831, %swap3A_1832], %swap3A_1835 {strides = array<i32>} : memref<2x64x128xf32, #tpu.memory_space<vmem>>, vector<1x1x16xf32>,
        %add3A_1836 = arith.constant 32 : i32
        %add3A_1837 = arith.addi %squeeze3A_1783, %add3A_1836 : i32
        %get3A_1838 = arith.index_cast %add3A_1837 : i32 to index
        %get3A_1839 = tpu.vector_load %arg9[%get3A_1838] {strides = array<i32>} : memref<64000xf32, #tpu.memory_space<vmem>>, vector<16xf32>,
        %get3A_1840 = vector.shape_cast %get3A_1839 : vector<16xf32> to vector<16xf32>
        %get3A_1841 = arith.index_cast %rem3A_271 : i32 to index
        %get3A_1842 = arith.index_cast %add3A_1778 : i32 to index
        %get3A_1843 = arith.constant 32 : index
        %get3A_1844 = tpu.vector_load %arg14[%get3A_1841, %get3A_1842, %get3A_1843] {strides = array<i32>} : memref<4x64x128xf32, #tpu.memory_space<vmem>>, vector<1x1x16xf32>,
        %get3A_1845 = vector.shape_cast %get3A_1844 : vector<1x1x16xf32> to vector<16xf32>
        %mul3A_1846 = arith.mulf %get3A_1840, %broadcast_in_dim3A_1781 : vector<16xf32>
        %swap3A_1847 = arith.constant 0 : i32
        %swap3A_1848 = arith.index_cast %swap3A_1847 : i32 to index
        %swap3A_1849 = arith.index_cast %add3A_1778 : i32 to index
        %swap3A_1850 = arith.constant 32 : index
        %swap3A_1851 = tpu.vector_load %arg15[%swap3A_1848, %swap3A_1849, %swap3A_1850] {strides = array<i32>} : memref<2x64x128xf32, #tpu.memory_space<vmem>>, vector<1x1x16xf32>,
        %swap3A_1852 = vector.shape_cast %swap3A_1851 : vector<1x1x16xf32> to vector<16xf32>
        %swap3A_1853 = vector.shape_cast %mul3A_1846 : vector<16xf32> to vector<1x1x16xf32>
        tpu.vector_store %arg15[%swap3A_1848, %swap3A_1849, %swap3A_1850], %swap3A_1853 {strides = array<i32>} : memref<2x64x128xf32, #tpu.memory_space<vmem>>, vector<1x1x16xf32>,
        %mul3A_1854 = arith.mulf %get3A_1845, %broadcast_in_dim3A_1781 : vector<16xf32>
        %swap3A_1855 = arith.constant 0 : i32
        %swap3A_1856 = arith.index_cast %swap3A_1855 : i32 to index
        %swap3A_1857 = arith.index_cast %add3A_1778 : i32 to index
        %swap3A_1858 = arith.constant 96 : index
        %swap3A_1859 = tpu.vector_load %arg15[%swap3A_1856, %swap3A_1857, %swap3A_1858] {strides = array<i32>} : memref<2x64x128xf32, #tpu.memory_space<vmem>>, vector<1x1x16xf32>,
        %swap3A_1860 = vector.shape_cast %swap3A_1859 : vector<1x1x16xf32> to vector<16xf32>
        %swap3A_1861 = vector.shape_cast %mul3A_1854 : vector<16xf32> to vector<1x1x16xf32>
        tpu.vector_store %arg15[%swap3A_1856, %swap3A_1857, %swap3A_1858], %swap3A_1861 {strides = array<i32>} : memref<2x64x128xf32, #tpu.memory_space<vmem>>, vector<1x1x16xf32>,
        %add3A_1862 = arith.constant 48 : i32
        %add3A_1863 = arith.addi %squeeze3A_1783, %add3A_1862 : i32
        %get3A_1864 = arith.index_cast %add3A_1863 : i32 to index
        %get3A_1865 = tpu.vector_load %arg9[%get3A_1864] {strides = array<i32>} : memref<64000xf32, #tpu.memory_space<vmem>>, vector<16xf32>,
        %get3A_1866 = vector.shape_cast %get3A_1865 : vector<16xf32> to vector<16xf32>
        %get3A_1867 = arith.index_cast %rem3A_271 : i32 to index
        %get3A_1868 = arith.index_cast %add3A_1778 : i32 to index
        %get3A_1869 = arith.constant 48 : index
        %get3A_1870 = tpu.vector_load %arg14[%get3A_1867, %get3A_1868, %get3A_1869] {strides = array<i32>} : memref<4x64x128xf32, #tpu.memory_space<vmem>>, vector<1x1x16xf32>,
        %get3A_1871 = vector.shape_cast %get3A_1870 : vector<1x1x16xf32> to vector<16xf32>
        %mul3A_1872 = arith.mulf %get3A_1866, %broadcast_in_dim3A_1781 : vector<16xf32>
        %swap3A_1873 = arith.constant 0 : i32
        %swap3A_1874 = arith.index_cast %swap3A_1873 : i32 to index
        %swap3A_1875 = arith.index_cast %add3A_1778 : i32 to index
        %swap3A_1876 = arith.constant 48 : index
        %swap3A_1877 = tpu.vector_load %arg15[%swap3A_1874, %swap3A_1875, %swap3A_1876] {strides = array<i32>} : memref<2x64x128xf32, #tpu.memory_space<vmem>>, vector<1x1x16xf32>,
        %swap3A_1878 = vector.shape_cast %swap3A_1877 : vector<1x1x16xf32> to vector<16xf32>
        %swap3A_1879 = vector.shape_cast %mul3A_1872 : vector<16xf32> to vector<1x1x16xf32>
        tpu.vector_store %arg15[%swap3A_1874, %swap3A_1875, %swap3A_1876], %swap3A_1879 {strides = array<i32>} : memref<2x64x128xf32, #tpu.memory_space<vmem>>, vector<1x1x16xf32>,
        %mul3A_1880 = arith.mulf %get3A_1871, %broadcast_in_dim3A_1781 : vector<16xf32>
        %swap3A_1881 = arith.constant 0 : i32
        %swap3A_1882 = arith.index_cast %swap3A_1881 : i32 to index
        %swap3A_1883 = arith.index_cast %add3A_1778 : i32 to index
        %swap3A_1884 = arith.constant 112 : index
        %swap3A_1885 = tpu.vector_load %arg15[%swap3A_1882, %swap3A_1883, %swap3A_1884] {strides = array<i32>} : memref<2x64x128xf32, #tpu.memory_space<vmem>>, vector<1x1x16xf32>,
        %swap3A_1886 = vector.shape_cast %swap3A_1885 : vector<1x1x16xf32> to vector<16xf32>
        %swap3A_1887 = vector.shape_cast %mul3A_1880 : vector<16xf32> to vector<1x1x16xf32>
        tpu.vector_store %arg15[%swap3A_1882, %swap3A_1883, %swap3A_1884], %swap3A_1887 {strides = array<i32>} : memref<2x64x128xf32, #tpu.memory_space<vmem>>, vector<1x1x16xf32>,
        %mul3A_1888 = arith.constant 16 : i32
        %mul3A_1889 = arith.muli %scan3A_404, %mul3A_1888 : i32
        %add3A_1890 = arith.constant 13 : i32
        %add3A_1891 = arith.addi %mul3A_1889, %add3A_1890 : i32
        %slice3A_1892 = vector.extract_strided_slice %get3A_414 {offsets = [13], sizes = [1], strides = [1]} : vector<16xf32> to vector<1xf32>
        %squeeze3A_1893 = vector.extract %slice3A_1892[0] : f32 from vector<1xf32>
        %broadcast_in_dim3A_1894 = vector.broadcast %squeeze3A_1893 : f32 to vector<16xf32>
        %slice3A_1895 = vector.extract_strided_slice %mul3A_422 {offsets = [13], sizes = [1], strides = [1]} : vector<16xi32> to vector<1xi32>
        %squeeze3A_1896 = vector.extract %slice3A_1895[0] : i32 from vector<1xi32>
        %add3A_1897 = arith.constant 0 : i32
        %add3A_1898 = arith.addi %squeeze3A_1896, %add3A_1897 : i32
        %get3A_1899 = arith.index_cast %add3A_1898 : i32 to index
        %get3A_1900 = tpu.vector_load %arg9[%get3A_1899] {strides = array<i32>} : memref<64000xf32, #tpu.memory_space<vmem>>, vector<16xf32>,
        %get3A_1901 = vector.shape_cast %get3A_1900 : vector<16xf32> to vector<16xf32>
        %get3A_1902 = arith.index_cast %rem3A_271 : i32 to index
        %get3A_1903 = arith.index_cast %add3A_1891 : i32 to index
        %get3A_1904 = arith.constant 0 : index
        %get3A_1905 = tpu.vector_load %arg14[%get3A_1902, %get3A_1903, %get3A_1904] {strides = array<i32>} : memref<4x64x128xf32, #tpu.memory_space<vmem>>, vector<1x1x16xf32>,
        %get3A_1906 = vector.shape_cast %get3A_1905 : vector<1x1x16xf32> to vector<16xf32>
        %mul3A_1907 = arith.mulf %get3A_1901, %broadcast_in_dim3A_1894 : vector<16xf32>
        %swap3A_1908 = arith.constant 0 : i32
        %swap3A_1909 = arith.index_cast %swap3A_1908 : i32 to index
        %swap3A_1910 = arith.index_cast %add3A_1891 : i32 to index
        %swap3A_1911 = arith.constant 0 : index
        %swap3A_1912 = tpu.vector_load %arg15[%swap3A_1909, %swap3A_1910, %swap3A_1911] {strides = array<i32>} : memref<2x64x128xf32, #tpu.memory_space<vmem>>, vector<1x1x16xf32>,
        %swap3A_1913 = vector.shape_cast %swap3A_1912 : vector<1x1x16xf32> to vector<16xf32>
        %swap3A_1914 = vector.shape_cast %mul3A_1907 : vector<16xf32> to vector<1x1x16xf32>
        tpu.vector_store %arg15[%swap3A_1909, %swap3A_1910, %swap3A_1911], %swap3A_1914 {strides = array<i32>} : memref<2x64x128xf32, #tpu.memory_space<vmem>>, vector<1x1x16xf32>,
        %mul3A_1915 = arith.mulf %get3A_1906, %broadcast_in_dim3A_1894 : vector<16xf32>
        %swap3A_1916 = arith.constant 0 : i32
        %swap3A_1917 = arith.index_cast %swap3A_1916 : i32 to index
        %swap3A_1918 = arith.index_cast %add3A_1891 : i32 to index
        %swap3A_1919 = arith.constant 64 : index
        %swap3A_1920 = tpu.vector_load %arg15[%swap3A_1917, %swap3A_1918, %swap3A_1919] {strides = array<i32>} : memref<2x64x128xf32, #tpu.memory_space<vmem>>, vector<1x1x16xf32>,
        %swap3A_1921 = vector.shape_cast %swap3A_1920 : vector<1x1x16xf32> to vector<16xf32>
        %swap3A_1922 = vector.shape_cast %mul3A_1915 : vector<16xf32> to vector<1x1x16xf32>
        tpu.vector_store %arg15[%swap3A_1917, %swap3A_1918, %swap3A_1919], %swap3A_1922 {strides = array<i32>} : memref<2x64x128xf32, #tpu.memory_space<vmem>>, vector<1x1x16xf32>,
        %add3A_1923 = arith.constant 16 : i32
        %add3A_1924 = arith.addi %squeeze3A_1896, %add3A_1923 : i32
        %get3A_1925 = arith.index_cast %add3A_1924 : i32 to index
        %get3A_1926 = tpu.vector_load %arg9[%get3A_1925] {strides = array<i32>} : memref<64000xf32, #tpu.memory_space<vmem>>, vector<16xf32>,
        %get3A_1927 = vector.shape_cast %get3A_1926 : vector<16xf32> to vector<16xf32>
        %get3A_1928 = arith.index_cast %rem3A_271 : i32 to index
        %get3A_1929 = arith.index_cast %add3A_1891 : i32 to index
        %get3A_1930 = arith.constant 16 : index
        %get3A_1931 = tpu.vector_load %arg14[%get3A_1928, %get3A_1929, %get3A_1930] {strides = array<i32>} : memref<4x64x128xf32, #tpu.memory_space<vmem>>, vector<1x1x16xf32>,
        %get3A_1932 = vector.shape_cast %get3A_1931 : vector<1x1x16xf32> to vector<16xf32>
        %mul3A_1933 = arith.mulf %get3A_1927, %broadcast_in_dim3A_1894 : vector<16xf32>
        %swap3A_1934 = arith.constant 0 : i32
        %swap3A_1935 = arith.index_cast %swap3A_1934 : i32 to index
        %swap3A_1936 = arith.index_cast %add3A_1891 : i32 to index
        %swap3A_1937 = arith.constant 16 : index
        %swap3A_1938 = tpu.vector_load %arg15[%swap3A_1935, %swap3A_1936, %swap3A_1937] {strides = array<i32>} : memref<2x64x128xf32, #tpu.memory_space<vmem>>, vector<1x1x16xf32>,
        %swap3A_1939 = vector.shape_cast %swap3A_1938 : vector<1x1x16xf32> to vector<16xf32>
        %swap3A_1940 = vector.shape_cast %mul3A_1933 : vector<16xf32> to vector<1x1x16xf32>
        tpu.vector_store %arg15[%swap3A_1935, %swap3A_1936, %swap3A_1937], %swap3A_1940 {strides = array<i32>} : memref<2x64x128xf32, #tpu.memory_space<vmem>>, vector<1x1x16xf32>,
        %mul3A_1941 = arith.mulf %get3A_1932, %broadcast_in_dim3A_1894 : vector<16xf32>
        %swap3A_1942 = arith.constant 0 : i32
        %swap3A_1943 = arith.index_cast %swap3A_1942 : i32 to index
        %swap3A_1944 = arith.index_cast %add3A_1891 : i32 to index
        %swap3A_1945 = arith.constant 80 : index
        %swap3A_1946 = tpu.vector_load %arg15[%swap3A_1943, %swap3A_1944, %swap3A_1945] {strides = array<i32>} : memref<2x64x128xf32, #tpu.memory_space<vmem>>, vector<1x1x16xf32>,
        %swap3A_1947 = vector.shape_cast %swap3A_1946 : vector<1x1x16xf32> to vector<16xf32>
        %swap3A_1948 = vector.shape_cast %mul3A_1941 : vector<16xf32> to vector<1x1x16xf32>
        tpu.vector_store %arg15[%swap3A_1943, %swap3A_1944, %swap3A_1945], %swap3A_1948 {strides = array<i32>} : memref<2x64x128xf32, #tpu.memory_space<vmem>>, vector<1x1x16xf32>,
        %add3A_1949 = arith.constant 32 : i32
        %add3A_1950 = arith.addi %squeeze3A_1896, %add3A_1949 : i32
        %get3A_1951 = arith.index_cast %add3A_1950 : i32 to index
        %get3A_1952 = tpu.vector_load %arg9[%get3A_1951] {strides = array<i32>} : memref<64000xf32, #tpu.memory_space<vmem>>, vector<16xf32>,
        %get3A_1953 = vector.shape_cast %get3A_1952 : vector<16xf32> to vector<16xf32>
        %get3A_1954 = arith.index_cast %rem3A_271 : i32 to index
        %get3A_1955 = arith.index_cast %add3A_1891 : i32 to index
        %get3A_1956 = arith.constant 32 : index
        %get3A_1957 = tpu.vector_load %arg14[%get3A_1954, %get3A_1955, %get3A_1956] {strides = array<i32>} : memref<4x64x128xf32, #tpu.memory_space<vmem>>, vector<1x1x16xf32>,
        %get3A_1958 = vector.shape_cast %get3A_1957 : vector<1x1x16xf32> to vector<16xf32>
        %mul3A_1959 = arith.mulf %get3A_1953, %broadcast_in_dim3A_1894 : vector<16xf32>
        %swap3A_1960 = arith.constant 0 : i32
        %swap3A_1961 = arith.index_cast %swap3A_1960 : i32 to index
        %swap3A_1962 = arith.index_cast %add3A_1891 : i32 to index
        %swap3A_1963 = arith.constant 32 : index
        %swap3A_1964 = tpu.vector_load %arg15[%swap3A_1961, %swap3A_1962, %swap3A_1963] {strides = array<i32>} : memref<2x64x128xf32, #tpu.memory_space<vmem>>, vector<1x1x16xf32>,
        %swap3A_1965 = vector.shape_cast %swap3A_1964 : vector<1x1x16xf32> to vector<16xf32>
        %swap3A_1966 = vector.shape_cast %mul3A_1959 : vector<16xf32> to vector<1x1x16xf32>
        tpu.vector_store %arg15[%swap3A_1961, %swap3A_1962, %swap3A_1963], %swap3A_1966 {strides = array<i32>} : memref<2x64x128xf32, #tpu.memory_space<vmem>>, vector<1x1x16xf32>,
        %mul3A_1967 = arith.mulf %get3A_1958, %broadcast_in_dim3A_1894 : vector<16xf32>
        %swap3A_1968 = arith.constant 0 : i32
        %swap3A_1969 = arith.index_cast %swap3A_1968 : i32 to index
        %swap3A_1970 = arith.index_cast %add3A_1891 : i32 to index
        %swap3A_1971 = arith.constant 96 : index
        %swap3A_1972 = tpu.vector_load %arg15[%swap3A_1969, %swap3A_1970, %swap3A_1971] {strides = array<i32>} : memref<2x64x128xf32, #tpu.memory_space<vmem>>, vector<1x1x16xf32>,
        %swap3A_1973 = vector.shape_cast %swap3A_1972 : vector<1x1x16xf32> to vector<16xf32>
        %swap3A_1974 = vector.shape_cast %mul3A_1967 : vector<16xf32> to vector<1x1x16xf32>
        tpu.vector_store %arg15[%swap3A_1969, %swap3A_1970, %swap3A_1971], %swap3A_1974 {strides = array<i32>} : memref<2x64x128xf32, #tpu.memory_space<vmem>>, vector<1x1x16xf32>,
        %add3A_1975 = arith.constant 48 : i32
        %add3A_1976 = arith.addi %squeeze3A_1896, %add3A_1975 : i32
        %get3A_1977 = arith.index_cast %add3A_1976 : i32 to index
        %get3A_1978 = tpu.vector_load %arg9[%get3A_1977] {strides = array<i32>} : memref<64000xf32, #tpu.memory_space<vmem>>, vector<16xf32>,
        %get3A_1979 = vector.shape_cast %get3A_1978 : vector<16xf32> to vector<16xf32>
        %get3A_1980 = arith.index_cast %rem3A_271 : i32 to index
        %get3A_1981 = arith.index_cast %add3A_1891 : i32 to index
        %get3A_1982 = arith.constant 48 : index
        %get3A_1983 = tpu.vector_load %arg14[%get3A_1980, %get3A_1981, %get3A_1982] {strides = array<i32>} : memref<4x64x128xf32, #tpu.memory_space<vmem>>, vector<1x1x16xf32>,
        %get3A_1984 = vector.shape_cast %get3A_1983 : vector<1x1x16xf32> to vector<16xf32>
        %mul3A_1985 = arith.mulf %get3A_1979, %broadcast_in_dim3A_1894 : vector<16xf32>
        %swap3A_1986 = arith.constant 0 : i32
        %swap3A_1987 = arith.index_cast %swap3A_1986 : i32 to index
        %swap3A_1988 = arith.index_cast %add3A_1891 : i32 to index
        %swap3A_1989 = arith.constant 48 : index
        %swap3A_1990 = tpu.vector_load %arg15[%swap3A_1987, %swap3A_1988, %swap3A_1989] {strides = array<i32>} : memref<2x64x128xf32, #tpu.memory_space<vmem>>, vector<1x1x16xf32>,
        %swap3A_1991 = vector.shape_cast %swap3A_1990 : vector<1x1x16xf32> to vector<16xf32>
        %swap3A_1992 = vector.shape_cast %mul3A_1985 : vector<16xf32> to vector<1x1x16xf32>
        tpu.vector_store %arg15[%swap3A_1987, %swap3A_1988, %swap3A_1989], %swap3A_1992 {strides = array<i32>} : memref<2x64x128xf32, #tpu.memory_space<vmem>>, vector<1x1x16xf32>,
        %mul3A_1993 = arith.mulf %get3A_1984, %broadcast_in_dim3A_1894 : vector<16xf32>
        %swap3A_1994 = arith.constant 0 : i32
        %swap3A_1995 = arith.index_cast %swap3A_1994 : i32 to index
        %swap3A_1996 = arith.index_cast %add3A_1891 : i32 to index
        %swap3A_1997 = arith.constant 112 : index
        %swap3A_1998 = tpu.vector_load %arg15[%swap3A_1995, %swap3A_1996, %swap3A_1997] {strides = array<i32>} : memref<2x64x128xf32, #tpu.memory_space<vmem>>, vector<1x1x16xf32>,
        %swap3A_1999 = vector.shape_cast %swap3A_1998 : vector<1x1x16xf32> to vector<16xf32>
        %swap3A_2000 = vector.shape_cast %mul3A_1993 : vector<16xf32> to vector<1x1x16xf32>
        tpu.vector_store %arg15[%swap3A_1995, %swap3A_1996, %swap3A_1997], %swap3A_2000 {strides = array<i32>} : memref<2x64x128xf32, #tpu.memory_space<vmem>>, vector<1x1x16xf32>,
        %mul3A_2001 = arith.constant 16 : i32
        %mul3A_2002 = arith.muli %scan3A_404, %mul3A_2001 : i32
        %add3A_2003 = arith.constant 14 : i32
        %add3A_2004 = arith.addi %mul3A_2002, %add3A_2003 : i32
        %slice3A_2005 = vector.extract_strided_slice %get3A_414 {offsets = [14], sizes = [1], strides = [1]} : vector<16xf32> to vector<1xf32>
        %squeeze3A_2006 = vector.extract %slice3A_2005[0] : f32 from vector<1xf32>
        %broadcast_in_dim3A_2007 = vector.broadcast %squeeze3A_2006 : f32 to vector<16xf32>
        %slice3A_2008 = vector.extract_strided_slice %mul3A_422 {offsets = [14], sizes = [1], strides = [1]} : vector<16xi32> to vector<1xi32>
        %squeeze3A_2009 = vector.extract %slice3A_2008[0] : i32 from vector<1xi32>
        %add3A_2010 = arith.constant 0 : i32
        %add3A_2011 = arith.addi %squeeze3A_2009, %add3A_2010 : i32
        %get3A_2012 = arith.index_cast %add3A_2011 : i32 to index
        %get3A_2013 = tpu.vector_load %arg9[%get3A_2012] {strides = array<i32>} : memref<64000xf32, #tpu.memory_space<vmem>>, vector<16xf32>,
        %get3A_2014 = vector.shape_cast %get3A_2013 : vector<16xf32> to vector<16xf32>
        %get3A_2015 = arith.index_cast %rem3A_271 : i32 to index
        %get3A_2016 = arith.index_cast %add3A_2004 : i32 to index
        %get3A_2017 = arith.constant 0 : index
        %get3A_2018 = tpu.vector_load %arg14[%get3A_2015, %get3A_2016, %get3A_2017] {strides = array<i32>} : memref<4x64x128xf32, #tpu.memory_space<vmem>>, vector<1x1x16xf32>,
        %get3A_2019 = vector.shape_cast %get3A_2018 : vector<1x1x16xf32> to vector<16xf32>
        %mul3A_2020 = arith.mulf %get3A_2014, %broadcast_in_dim3A_2007 : vector<16xf32>
        %swap3A_2021 = arith.constant 0 : i32
        %swap3A_2022 = arith.index_cast %swap3A_2021 : i32 to index
        %swap3A_2023 = arith.index_cast %add3A_2004 : i32 to index
        %swap3A_2024 = arith.constant 0 : index
        %swap3A_2025 = tpu.vector_load %arg15[%swap3A_2022, %swap3A_2023, %swap3A_2024] {strides = array<i32>} : memref<2x64x128xf32, #tpu.memory_space<vmem>>, vector<1x1x16xf32>,
        %swap3A_2026 = vector.shape_cast %swap3A_2025 : vector<1x1x16xf32> to vector<16xf32>
        %swap3A_2027 = vector.shape_cast %mul3A_2020 : vector<16xf32> to vector<1x1x16xf32>
        tpu.vector_store %arg15[%swap3A_2022, %swap3A_2023, %swap3A_2024], %swap3A_2027 {strides = array<i32>} : memref<2x64x128xf32, #tpu.memory_space<vmem>>, vector<1x1x16xf32>,
        %mul3A_2028 = arith.mulf %get3A_2019, %broadcast_in_dim3A_2007 : vector<16xf32>
        %swap3A_2029 = arith.constant 0 : i32
        %swap3A_2030 = arith.index_cast %swap3A_2029 : i32 to index
        %swap3A_2031 = arith.index_cast %add3A_2004 : i32 to index
        %swap3A_2032 = arith.constant 64 : index
        %swap3A_2033 = tpu.vector_load %arg15[%swap3A_2030, %swap3A_2031, %swap3A_2032] {strides = array<i32>} : memref<2x64x128xf32, #tpu.memory_space<vmem>>, vector<1x1x16xf32>,
        %swap3A_2034 = vector.shape_cast %swap3A_2033 : vector<1x1x16xf32> to vector<16xf32>
        %swap3A_2035 = vector.shape_cast %mul3A_2028 : vector<16xf32> to vector<1x1x16xf32>
        tpu.vector_store %arg15[%swap3A_2030, %swap3A_2031, %swap3A_2032], %swap3A_2035 {strides = array<i32>} : memref<2x64x128xf32, #tpu.memory_space<vmem>>, vector<1x1x16xf32>,
        %add3A_2036 = arith.constant 16 : i32
        %add3A_2037 = arith.addi %squeeze3A_2009, %add3A_2036 : i32
        %get3A_2038 = arith.index_cast %add3A_2037 : i32 to index
        %get3A_2039 = tpu.vector_load %arg9[%get3A_2038] {strides = array<i32>} : memref<64000xf32, #tpu.memory_space<vmem>>, vector<16xf32>,
        %get3A_2040 = vector.shape_cast %get3A_2039 : vector<16xf32> to vector<16xf32>
        %get3A_2041 = arith.index_cast %rem3A_271 : i32 to index
        %get3A_2042 = arith.index_cast %add3A_2004 : i32 to index
        %get3A_2043 = arith.constant 16 : index
        %get3A_2044 = tpu.vector_load %arg14[%get3A_2041, %get3A_2042, %get3A_2043] {strides = array<i32>} : memref<4x64x128xf32, #tpu.memory_space<vmem>>, vector<1x1x16xf32>,
        %get3A_2045 = vector.shape_cast %get3A_2044 : vector<1x1x16xf32> to vector<16xf32>
        %mul3A_2046 = arith.mulf %get3A_2040, %broadcast_in_dim3A_2007 : vector<16xf32>
        %swap3A_2047 = arith.constant 0 : i32
        %swap3A_2048 = arith.index_cast %swap3A_2047 : i32 to index
        %swap3A_2049 = arith.index_cast %add3A_2004 : i32 to index
        %swap3A_2050 = arith.constant 16 : index
        %swap3A_2051 = tpu.vector_load %arg15[%swap3A_2048, %swap3A_2049, %swap3A_2050] {strides = array<i32>} : memref<2x64x128xf32, #tpu.memory_space<vmem>>, vector<1x1x16xf32>,
        %swap3A_2052 = vector.shape_cast %swap3A_2051 : vector<1x1x16xf32> to vector<16xf32>
        %swap3A_2053 = vector.shape_cast %mul3A_2046 : vector<16xf32> to vector<1x1x16xf32>
        tpu.vector_store %arg15[%swap3A_2048, %swap3A_2049, %swap3A_2050], %swap3A_2053 {strides = array<i32>} : memref<2x64x128xf32, #tpu.memory_space<vmem>>, vector<1x1x16xf32>,
        %mul3A_2054 = arith.mulf %get3A_2045, %broadcast_in_dim3A_2007 : vector<16xf32>
        %swap3A_2055 = arith.constant 0 : i32
        %swap3A_2056 = arith.index_cast %swap3A_2055 : i32 to index
        %swap3A_2057 = arith.index_cast %add3A_2004 : i32 to index
        %swap3A_2058 = arith.constant 80 : index
        %swap3A_2059 = tpu.vector_load %arg15[%swap3A_2056, %swap3A_2057, %swap3A_2058] {strides = array<i32>} : memref<2x64x128xf32, #tpu.memory_space<vmem>>, vector<1x1x16xf32>,
        %swap3A_2060 = vector.shape_cast %swap3A_2059 : vector<1x1x16xf32> to vector<16xf32>
        %swap3A_2061 = vector.shape_cast %mul3A_2054 : vector<16xf32> to vector<1x1x16xf32>
        tpu.vector_store %arg15[%swap3A_2056, %swap3A_2057, %swap3A_2058], %swap3A_2061 {strides = array<i32>} : memref<2x64x128xf32, #tpu.memory_space<vmem>>, vector<1x1x16xf32>,
        %add3A_2062 = arith.constant 32 : i32
        %add3A_2063 = arith.addi %squeeze3A_2009, %add3A_2062 : i32
        %get3A_2064 = arith.index_cast %add3A_2063 : i32 to index
        %get3A_2065 = tpu.vector_load %arg9[%get3A_2064] {strides = array<i32>} : memref<64000xf32, #tpu.memory_space<vmem>>, vector<16xf32>,
        %get3A_2066 = vector.shape_cast %get3A_2065 : vector<16xf32> to vector<16xf32>
        %get3A_2067 = arith.index_cast %rem3A_271 : i32 to index
        %get3A_2068 = arith.index_cast %add3A_2004 : i32 to index
        %get3A_2069 = arith.constant 32 : index
        %get3A_2070 = tpu.vector_load %arg14[%get3A_2067, %get3A_2068, %get3A_2069] {strides = array<i32>} : memref<4x64x128xf32, #tpu.memory_space<vmem>>, vector<1x1x16xf32>,
        %get3A_2071 = vector.shape_cast %get3A_2070 : vector<1x1x16xf32> to vector<16xf32>
        %mul3A_2072 = arith.mulf %get3A_2066, %broadcast_in_dim3A_2007 : vector<16xf32>
        %swap3A_2073 = arith.constant 0 : i32
        %swap3A_2074 = arith.index_cast %swap3A_2073 : i32 to index
        %swap3A_2075 = arith.index_cast %add3A_2004 : i32 to index
        %swap3A_2076 = arith.constant 32 : index
        %swap3A_2077 = tpu.vector_load %arg15[%swap3A_2074, %swap3A_2075, %swap3A_2076] {strides = array<i32>} : memref<2x64x128xf32, #tpu.memory_space<vmem>>, vector<1x1x16xf32>,
        %swap3A_2078 = vector.shape_cast %swap3A_2077 : vector<1x1x16xf32> to vector<16xf32>
        %swap3A_2079 = vector.shape_cast %mul3A_2072 : vector<16xf32> to vector<1x1x16xf32>
        tpu.vector_store %arg15[%swap3A_2074, %swap3A_2075, %swap3A_2076], %swap3A_2079 {strides = array<i32>} : memref<2x64x128xf32, #tpu.memory_space<vmem>>, vector<1x1x16xf32>,
        %mul3A_2080 = arith.mulf %get3A_2071, %broadcast_in_dim3A_2007 : vector<16xf32>
        %swap3A_2081 = arith.constant 0 : i32
        %swap3A_2082 = arith.index_cast %swap3A_2081 : i32 to index
        %swap3A_2083 = arith.index_cast %add3A_2004 : i32 to index
        %swap3A_2084 = arith.constant 96 : index
        %swap3A_2085 = tpu.vector_load %arg15[%swap3A_2082, %swap3A_2083, %swap3A_2084] {strides = array<i32>} : memref<2x64x128xf32, #tpu.memory_space<vmem>>, vector<1x1x16xf32>,
        %swap3A_2086 = vector.shape_cast %swap3A_2085 : vector<1x1x16xf32> to vector<16xf32>
        %swap3A_2087 = vector.shape_cast %mul3A_2080 : vector<16xf32> to vector<1x1x16xf32>
        tpu.vector_store %arg15[%swap3A_2082, %swap3A_2083, %swap3A_2084], %swap3A_2087 {strides = array<i32>} : memref<2x64x128xf32, #tpu.memory_space<vmem>>, vector<1x1x16xf32>,
        %add3A_2088 = arith.constant 48 : i32
        %add3A_2089 = arith.addi %squeeze3A_2009, %add3A_2088 : i32
        %get3A_2090 = arith.index_cast %add3A_2089 : i32 to index
        %get3A_2091 = tpu.vector_load %arg9[%get3A_2090] {strides = array<i32>} : memref<64000xf32, #tpu.memory_space<vmem>>, vector<16xf32>,
        %get3A_2092 = vector.shape_cast %get3A_2091 : vector<16xf32> to vector<16xf32>
        %get3A_2093 = arith.index_cast %rem3A_271 : i32 to index
        %get3A_2094 = arith.index_cast %add3A_2004 : i32 to index
        %get3A_2095 = arith.constant 48 : index
        %get3A_2096 = tpu.vector_load %arg14[%get3A_2093, %get3A_2094, %get3A_2095] {strides = array<i32>} : memref<4x64x128xf32, #tpu.memory_space<vmem>>, vector<1x1x16xf32>,
        %get3A_2097 = vector.shape_cast %get3A_2096 : vector<1x1x16xf32> to vector<16xf32>
        %mul3A_2098 = arith.mulf %get3A_2092, %broadcast_in_dim3A_2007 : vector<16xf32>
        %swap3A_2099 = arith.constant 0 : i32
        %swap3A_2100 = arith.index_cast %swap3A_2099 : i32 to index
        %swap3A_2101 = arith.index_cast %add3A_2004 : i32 to index
        %swap3A_2102 = arith.constant 48 : index
        %swap3A_2103 = tpu.vector_load %arg15[%swap3A_2100, %swap3A_2101, %swap3A_2102] {strides = array<i32>} : memref<2x64x128xf32, #tpu.memory_space<vmem>>, vector<1x1x16xf32>,
        %swap3A_2104 = vector.shape_cast %swap3A_2103 : vector<1x1x16xf32> to vector<16xf32>
        %swap3A_2105 = vector.shape_cast %mul3A_2098 : vector<16xf32> to vector<1x1x16xf32>
        tpu.vector_store %arg15[%swap3A_2100, %swap3A_2101, %swap3A_2102], %swap3A_2105 {strides = array<i32>} : memref<2x64x128xf32, #tpu.memory_space<vmem>>, vector<1x1x16xf32>,
        %mul3A_2106 = arith.mulf %get3A_2097, %broadcast_in_dim3A_2007 : vector<16xf32>
        %swap3A_2107 = arith.constant 0 : i32
        %swap3A_2108 = arith.index_cast %swap3A_2107 : i32 to index
        %swap3A_2109 = arith.index_cast %add3A_2004 : i32 to index
        %swap3A_2110 = arith.constant 112 : index
        %swap3A_2111 = tpu.vector_load %arg15[%swap3A_2108, %swap3A_2109, %swap3A_2110] {strides = array<i32>} : memref<2x64x128xf32, #tpu.memory_space<vmem>>, vector<1x1x16xf32>,
        %swap3A_2112 = vector.shape_cast %swap3A_2111 : vector<1x1x16xf32> to vector<16xf32>
        %swap3A_2113 = vector.shape_cast %mul3A_2106 : vector<16xf32> to vector<1x1x16xf32>
        tpu.vector_store %arg15[%swap3A_2108, %swap3A_2109, %swap3A_2110], %swap3A_2113 {strides = array<i32>} : memref<2x64x128xf32, #tpu.memory_space<vmem>>, vector<1x1x16xf32>,
        %mul3A_2114 = arith.constant 16 : i32
        %mul3A_2115 = arith.muli %scan3A_404, %mul3A_2114 : i32
        %add3A_2116 = arith.constant 15 : i32
        %add3A_2117 = arith.addi %mul3A_2115, %add3A_2116 : i32
        %slice3A_2118 = vector.extract_strided_slice %get3A_414 {offsets = [15], sizes = [1], strides = [1]} : vector<16xf32> to vector<1xf32>
        %squeeze3A_2119 = vector.extract %slice3A_2118[0] : f32 from vector<1xf32>
        %broadcast_in_dim3A_2120 = vector.broadcast %squeeze3A_2119 : f32 to vector<16xf32>
        %slice3A_2121 = vector.extract_strided_slice %mul3A_422 {offsets = [15], sizes = [1], strides = [1]} : vector<16xi32> to vector<1xi32>
        %squeeze3A_2122 = vector.extract %slice3A_2121[0] : i32 from vector<1xi32>
        %add3A_2123 = arith.constant 0 : i32
        %add3A_2124 = arith.addi %squeeze3A_2122, %add3A_2123 : i32
        %get3A_2125 = arith.index_cast %add3A_2124 : i32 to index
        %get3A_2126 = tpu.vector_load %arg9[%get3A_2125] {strides = array<i32>} : memref<64000xf32, #tpu.memory_space<vmem>>, vector<16xf32>,
        %get3A_2127 = vector.shape_cast %get3A_2126 : vector<16xf32> to vector<16xf32>
        %get3A_2128 = arith.index_cast %rem3A_271 : i32 to index
        %get3A_2129 = arith.index_cast %add3A_2117 : i32 to index
        %get3A_2130 = arith.constant 0 : index
        %get3A_2131 = tpu.vector_load %arg14[%get3A_2128, %get3A_2129, %get3A_2130] {strides = array<i32>} : memref<4x64x128xf32, #tpu.memory_space<vmem>>, vector<1x1x16xf32>,
        %get3A_2132 = vector.shape_cast %get3A_2131 : vector<1x1x16xf32> to vector<16xf32>
        %mul3A_2133 = arith.mulf %get3A_2127, %broadcast_in_dim3A_2120 : vector<16xf32>
        %swap3A_2134 = arith.constant 0 : i32
        %swap3A_2135 = arith.index_cast %swap3A_2134 : i32 to index
        %swap3A_2136 = arith.index_cast %add3A_2117 : i32 to index
        %swap3A_2137 = arith.constant 0 : index
        %swap3A_2138 = tpu.vector_load %arg15[%swap3A_2135, %swap3A_2136, %swap3A_2137] {strides = array<i32>} : memref<2x64x128xf32, #tpu.memory_space<vmem>>, vector<1x1x16xf32>,
        %swap3A_2139 = vector.shape_cast %swap3A_2138 : vector<1x1x16xf32> to vector<16xf32>
        %swap3A_2140 = vector.shape_cast %mul3A_2133 : vector<16xf32> to vector<1x1x16xf32>
        tpu.vector_store %arg15[%swap3A_2135, %swap3A_2136, %swap3A_2137], %swap3A_2140 {strides = array<i32>} : memref<2x64x128xf32, #tpu.memory_space<vmem>>, vector<1x1x16xf32>,
        %mul3A_2141 = arith.mulf %get3A_2132, %broadcast_in_dim3A_2120 : vector<16xf32>
        %swap3A_2142 = arith.constant 0 : i32
        %swap3A_2143 = arith.index_cast %swap3A_2142 : i32 to index
        %swap3A_2144 = arith.index_cast %add3A_2117 : i32 to index
        %swap3A_2145 = arith.constant 64 : index
        %swap3A_2146 = tpu.vector_load %arg15[%swap3A_2143, %swap3A_2144, %swap3A_2145] {strides = array<i32>} : memref<2x64x128xf32, #tpu.memory_space<vmem>>, vector<1x1x16xf32>,
        %swap3A_2147 = vector.shape_cast %swap3A_2146 : vector<1x1x16xf32> to vector<16xf32>
        %swap3A_2148 = vector.shape_cast %mul3A_2141 : vector<16xf32> to vector<1x1x16xf32>
        tpu.vector_store %arg15[%swap3A_2143, %swap3A_2144, %swap3A_2145], %swap3A_2148 {strides = array<i32>} : memref<2x64x128xf32, #tpu.memory_space<vmem>>, vector<1x1x16xf32>,
        %add3A_2149 = arith.constant 16 : i32
        %add3A_2150 = arith.addi %squeeze3A_2122, %add3A_2149 : i32
        %get3A_2151 = arith.index_cast %add3A_2150 : i32 to index
        %get3A_2152 = tpu.vector_load %arg9[%get3A_2151] {strides = array<i32>} : memref<64000xf32, #tpu.memory_space<vmem>>, vector<16xf32>,
        %get3A_2153 = vector.shape_cast %get3A_2152 : vector<16xf32> to vector<16xf32>
        %get3A_2154 = arith.index_cast %rem3A_271 : i32 to index
        %get3A_2155 = arith.index_cast %add3A_2117 : i32 to index
        %get3A_2156 = arith.constant 16 : index
        %get3A_2157 = tpu.vector_load %arg14[%get3A_2154, %get3A_2155, %get3A_2156] {strides = array<i32>} : memref<4x64x128xf32, #tpu.memory_space<vmem>>, vector<1x1x16xf32>,
        %get3A_2158 = vector.shape_cast %get3A_2157 : vector<1x1x16xf32> to vector<16xf32>
        %mul3A_2159 = arith.mulf %get3A_2153, %broadcast_in_dim3A_2120 : vector<16xf32>
        %swap3A_2160 = arith.constant 0 : i32
        %swap3A_2161 = arith.index_cast %swap3A_2160 : i32 to index
        %swap3A_2162 = arith.index_cast %add3A_2117 : i32 to index
        %swap3A_2163 = arith.constant 16 : index
        %swap3A_2164 = tpu.vector_load %arg15[%swap3A_2161, %swap3A_2162, %swap3A_2163] {strides = array<i32>} : memref<2x64x128xf32, #tpu.memory_space<vmem>>, vector<1x1x16xf32>,
        %swap3A_2165 = vector.shape_cast %swap3A_2164 : vector<1x1x16xf32> to vector<16xf32>
        %swap3A_2166 = vector.shape_cast %mul3A_2159 : vector<16xf32> to vector<1x1x16xf32>
        tpu.vector_store %arg15[%swap3A_2161, %swap3A_2162, %swap3A_2163], %swap3A_2166 {strides = array<i32>} : memref<2x64x128xf32, #tpu.memory_space<vmem>>, vector<1x1x16xf32>,
        %mul3A_2167 = arith.mulf %get3A_2158, %broadcast_in_dim3A_2120 : vector<16xf32>
        %swap3A_2168 = arith.constant 0 : i32
        %swap3A_2169 = arith.index_cast %swap3A_2168 : i32 to index
        %swap3A_2170 = arith.index_cast %add3A_2117 : i32 to index
        %swap3A_2171 = arith.constant 80 : index
        %swap3A_2172 = tpu.vector_load %arg15[%swap3A_2169, %swap3A_2170, %swap3A_2171] {strides = array<i32>} : memref<2x64x128xf32, #tpu.memory_space<vmem>>, vector<1x1x16xf32>,
        %swap3A_2173 = vector.shape_cast %swap3A_2172 : vector<1x1x16xf32> to vector<16xf32>
        %swap3A_2174 = vector.shape_cast %mul3A_2167 : vector<16xf32> to vector<1x1x16xf32>
        tpu.vector_store %arg15[%swap3A_2169, %swap3A_2170, %swap3A_2171], %swap3A_2174 {strides = array<i32>} : memref<2x64x128xf32, #tpu.memory_space<vmem>>, vector<1x1x16xf32>,
        %add3A_2175 = arith.constant 32 : i32
        %add3A_2176 = arith.addi %squeeze3A_2122, %add3A_2175 : i32
        %get3A_2177 = arith.index_cast %add3A_2176 : i32 to index
        %get3A_2178 = tpu.vector_load %arg9[%get3A_2177] {strides = array<i32>} : memref<64000xf32, #tpu.memory_space<vmem>>, vector<16xf32>,
        %get3A_2179 = vector.shape_cast %get3A_2178 : vector<16xf32> to vector<16xf32>
        %get3A_2180 = arith.index_cast %rem3A_271 : i32 to index
        %get3A_2181 = arith.index_cast %add3A_2117 : i32 to index
        %get3A_2182 = arith.constant 32 : index
        %get3A_2183 = tpu.vector_load %arg14[%get3A_2180, %get3A_2181, %get3A_2182] {strides = array<i32>} : memref<4x64x128xf32, #tpu.memory_space<vmem>>, vector<1x1x16xf32>,
        %get3A_2184 = vector.shape_cast %get3A_2183 : vector<1x1x16xf32> to vector<16xf32>
        %mul3A_2185 = arith.mulf %get3A_2179, %broadcast_in_dim3A_2120 : vector<16xf32>
        %swap3A_2186 = arith.constant 0 : i32
        %swap3A_2187 = arith.index_cast %swap3A_2186 : i32 to index
        %swap3A_2188 = arith.index_cast %add3A_2117 : i32 to index
        %swap3A_2189 = arith.constant 32 : index
        %swap3A_2190 = tpu.vector_load %arg15[%swap3A_2187, %swap3A_2188, %swap3A_2189] {strides = array<i32>} : memref<2x64x128xf32, #tpu.memory_space<vmem>>, vector<1x1x16xf32>,
        %swap3A_2191 = vector.shape_cast %swap3A_2190 : vector<1x1x16xf32> to vector<16xf32>
        %swap3A_2192 = vector.shape_cast %mul3A_2185 : vector<16xf32> to vector<1x1x16xf32>
        tpu.vector_store %arg15[%swap3A_2187, %swap3A_2188, %swap3A_2189], %swap3A_2192 {strides = array<i32>} : memref<2x64x128xf32, #tpu.memory_space<vmem>>, vector<1x1x16xf32>,
        %mul3A_2193 = arith.mulf %get3A_2184, %broadcast_in_dim3A_2120 : vector<16xf32>
        %swap3A_2194 = arith.constant 0 : i32
        %swap3A_2195 = arith.index_cast %swap3A_2194 : i32 to index
        %swap3A_2196 = arith.index_cast %add3A_2117 : i32 to index
        %swap3A_2197 = arith.constant 96 : index
        %swap3A_2198 = tpu.vector_load %arg15[%swap3A_2195, %swap3A_2196, %swap3A_2197] {strides = array<i32>} : memref<2x64x128xf32, #tpu.memory_space<vmem>>, vector<1x1x16xf32>,
        %swap3A_2199 = vector.shape_cast %swap3A_2198 : vector<1x1x16xf32> to vector<16xf32>
        %swap3A_2200 = vector.shape_cast %mul3A_2193 : vector<16xf32> to vector<1x1x16xf32>
        tpu.vector_store %arg15[%swap3A_2195, %swap3A_2196, %swap3A_2197], %swap3A_2200 {strides = array<i32>} : memref<2x64x128xf32, #tpu.memory_space<vmem>>, vector<1x1x16xf32>,
        %add3A_2201 = arith.constant 48 : i32
        %add3A_2202 = arith.addi %squeeze3A_2122, %add3A_2201 : i32
        %get3A_2203 = arith.index_cast %add3A_2202 : i32 to index
        %get3A_2204 = tpu.vector_load %arg9[%get3A_2203] {strides = array<i32>} : memref<64000xf32, #tpu.memory_space<vmem>>, vector<16xf32>,
        %get3A_2205 = vector.shape_cast %get3A_2204 : vector<16xf32> to vector<16xf32>
        %get3A_2206 = arith.index_cast %rem3A_271 : i32 to index
        %get3A_2207 = arith.index_cast %add3A_2117 : i32 to index
        %get3A_2208 = arith.constant 48 : index
        %get3A_2209 = tpu.vector_load %arg14[%get3A_2206, %get3A_2207, %get3A_2208] {strides = array<i32>} : memref<4x64x128xf32, #tpu.memory_space<vmem>>, vector<1x1x16xf32>,
        %get3A_2210 = vector.shape_cast %get3A_2209 : vector<1x1x16xf32> to vector<16xf32>
        %mul3A_2211 = arith.mulf %get3A_2205, %broadcast_in_dim3A_2120 : vector<16xf32>
        %swap3A_2212 = arith.constant 0 : i32
        %swap3A_2213 = arith.index_cast %swap3A_2212 : i32 to index
        %swap3A_2214 = arith.index_cast %add3A_2117 : i32 to index
        %swap3A_2215 = arith.constant 48 : index
        %swap3A_2216 = tpu.vector_load %arg15[%swap3A_2213, %swap3A_2214, %swap3A_2215] {strides = array<i32>} : memref<2x64x128xf32, #tpu.memory_space<vmem>>, vector<1x1x16xf32>,
        %swap3A_2217 = vector.shape_cast %swap3A_2216 : vector<1x1x16xf32> to vector<16xf32>
        %swap3A_2218 = vector.shape_cast %mul3A_2211 : vector<16xf32> to vector<1x1x16xf32>
        tpu.vector_store %arg15[%swap3A_2213, %swap3A_2214, %swap3A_2215], %swap3A_2218 {strides = array<i32>} : memref<2x64x128xf32, #tpu.memory_space<vmem>>, vector<1x1x16xf32>,
        %mul3A_2219 = arith.mulf %get3A_2210, %broadcast_in_dim3A_2120 : vector<16xf32>
        %swap3A_2220 = arith.constant 0 : i32
        %swap3A_2221 = arith.index_cast %swap3A_2220 : i32 to index
        %swap3A_2222 = arith.index_cast %add3A_2117 : i32 to index
        %swap3A_2223 = arith.constant 112 : index
        %swap3A_2224 = tpu.vector_load %arg15[%swap3A_2221, %swap3A_2222, %swap3A_2223] {strides = array<i32>} : memref<2x64x128xf32, #tpu.memory_space<vmem>>, vector<1x1x16xf32>,
        %swap3A_2225 = vector.shape_cast %swap3A_2224 : vector<1x1x16xf32> to vector<16xf32>
        %swap3A_2226 = vector.shape_cast %mul3A_2219 : vector<16xf32> to vector<1x1x16xf32>
        tpu.vector_store %arg15[%swap3A_2221, %swap3A_2222, %swap3A_2223], %swap3A_2226 {strides = array<i32>} : memref<2x64x128xf32, #tpu.memory_space<vmem>>, vector<1x1x16xf32>,
      }
      %scan3A_276 = arith.constant 4 : i32
      %add3A_277 = arith.addi %mul3A_2, %select_n3A : i32
      %mul3A_278 = arith.constant 64 : i32
      %mul3A_279 = arith.muli %rem3A_219, %mul3A_278 : i32
      %dma_start3A_280 = arith.constant 0 : i32
      %dma_start3A_281 = arith.constant 0 : i32
      %dma_start3A_282 = arith.constant 0 : i32
      %dma_start3A_283 = tpu.memref_slice %arg15[%dma_start3A_280, %dma_start3A_281, %dma_start3A_282] : memref<2x64x128xf32, #tpu.memory_space<vmem>> -> memref<1x64x128xf32, #tpu.memory_space<vmem>>
      %dma_start3A_284 = tpu.memref_squeeze %dma_start3A_283 : memref<1x64x128xf32, #tpu.memory_space<vmem>> -> memref<64x128xf32, #tpu.memory_space<vmem>>
      %dma_start3A_285 = arith.constant 0 : i32
      %dma_start3A_286 = tpu.memref_slice %arg8[%add3A_277, %mul3A_279, %dma_start3A_285] : memref<1024x256x128xf32, #tpu.memory_space<hbm>> -> memref<1x64x128xf32, #tpu.memory_space<hbm>>
      %dma_start3A_287 = tpu.memref_squeeze %dma_start3A_286 : memref<1x64x128xf32, #tpu.memory_space<hbm>> -> memref<64x128xf32, #tpu.memory_space<hbm>>
      %dma_start3A_288 = arith.constant 0 : i32
      %dma_start3A_289 = tpu.memref_slice %arg8[%add3A_277, %mul3A_279, %dma_start3A_288] : memref<1024x256x128xf32, #tpu.memory_space<hbm>> -> memref<1x64x128xf32, #tpu.memory_space<hbm>>
      %dma_start3A_290 = tpu.memref_squeeze %dma_start3A_289 : memref<1x64x128xf32, #tpu.memory_space<hbm>> -> memref<64x128xf32, #tpu.memory_space<hbm>>
      %dma_start3A_291 = arith.constant 0 : i32
      %dma_start3A_292 = arith.constant 0 : i32
      %dma_start3A_293 = tpu.memref_slice %arg15[%dma_start3A_280, %dma_start3A_291, %dma_start3A_292] : memref<2x64x128xf32, #tpu.memory_space<vmem>> -> memref<1x64x128xf32, #tpu.memory_space<vmem>>
      %dma_start3A_294 = tpu.memref_squeeze %dma_start3A_293 : memref<1x64x128xf32, #tpu.memory_space<vmem>> -> memref<64x128xf32, #tpu.memory_space<vmem>>
      tpu.enqueue_dma source(%dma_start3A_294 : memref<64x128xf32, #tpu.memory_space<vmem>>) target(%dma_start3A_290 : memref<64x128xf32, #tpu.memory_space<hbm>>) target_semaphore(%arg18 : memref<!tpu.dma_semaphore, #tpu.memory_space<semaphore_mem>>)
      %mul3A_295 = arith.constant 2 : i32
      %mul3A_296 = arith.muli %mul3A_295, %scan3A_196 : i32
      %add3A_297 = arith.constant 1 : i32
      %add3A_298 = arith.addi %mul3A_296, %add3A_297 : i32
      %jit3A_299 = arith.constant 4 : i32
      %div3A_300 = arith.divsi %add3A_298, %jit3A_299 : i32
      %sign3A_301 = arith.constant 0 : i32
      %sign3A_302 = arith.cmpi sgt, %add3A_298, %sign3A_301 : i32
      %sign3A_303 = arith.extui %sign3A_302 : i1 to i32
      %sign3A_304 = arith.constant 0 : i32
      %sign3A_305 = arith.cmpi slt, %add3A_298, %sign3A_304 : i32
      %sign3A_306 = arith.extui %sign3A_305 : i1 to i32
      %sign3A_307 = arith.subi %sign3A_303, %sign3A_306 : i32
      %sign3A_308 = arith.constant 0 : i32
      %sign3A_309 = arith.cmpi sgt, %jit3A_299, %sign3A_308 : i32
      %sign3A_310 = arith.extui %sign3A_309 : i1 to i32
      %sign3A_311 = arith.constant 0 : i32
      %sign3A_312 = arith.cmpi slt, %jit3A_299, %sign3A_311 : i32
      %sign3A_313 = arith.extui %sign3A_312 : i1 to i32
      %sign3A_314 = arith.subi %sign3A_310, %sign3A_313 : i32
      %ne3A_315 = arith.cmpi ne, %sign3A_307, %sign3A_314 : i32
      %rem3A_316 = arith.remsi %add3A_298, %jit3A_299 : i32
      %ne3A_317 = arith.constant 0 : i32
      %ne3A_318 = arith.cmpi ne, %rem3A_316, %ne3A_317 : i32
      %and3A_319 = arith.andi %ne3A_315, %ne3A_318 : i1
      %sub3A_320 = arith.constant 1 : i32
      %sub3A_321 = arith.subi %div3A_300, %sub3A_320 : i32
      %select_n3A_322 = arith.select %and3A_319, %sub3A_321, %div3A_300 : i32
      %rem3A_323 = arith.constant 4 : i32
      %rem3A_324 = arith.remsi %add3A_298, %rem3A_323 : i32
      %jit3A_325 = arith.constant 8 : i32
      %div3A_326 = arith.divsi %select_n3A_322, %jit3A_325 : i32
      %sign3A_327 = arith.constant 0 : i32
      %sign3A_328 = arith.cmpi sgt, %select_n3A_322, %sign3A_327 : i32
      %sign3A_329 = arith.extui %sign3A_328 : i1 to i32
      %sign3A_330 = arith.constant 0 : i32
      %sign3A_331 = arith.cmpi slt, %select_n3A_322, %sign3A_330 : i32
      %sign3A_332 = arith.extui %sign3A_331 : i1 to i32
      %sign3A_333 = arith.subi %sign3A_329, %sign3A_332 : i32
      %sign3A_334 = arith.constant 0 : i32
      %sign3A_335 = arith.cmpi sgt, %jit3A_325, %sign3A_334 : i32
      %sign3A_336 = arith.extui %sign3A_335 : i1 to i32
      %sign3A_337 = arith.constant 0 : i32
      %sign3A_338 = arith.cmpi slt, %jit3A_325, %sign3A_337 : i32
      %sign3A_339 = arith.extui %sign3A_338 : i1 to i32
      %sign3A_340 = arith.subi %sign3A_336, %sign3A_339 : i32
      %ne3A_341 = arith.cmpi ne, %sign3A_333, %sign3A_340 : i32
      %rem3A_342 = arith.remsi %select_n3A_322, %jit3A_325 : i32
      %ne3A_343 = arith.constant 0 : i32
      %ne3A_344 = arith.cmpi ne, %rem3A_342, %ne3A_343 : i32
      %and3A_345 = arith.andi %ne3A_341, %ne3A_344 : i1
      %sub3A_346 = arith.constant 1 : i32
      %sub3A_347 = arith.subi %div3A_326, %sub3A_346 : i32
      %select_n3A_348 = arith.select %and3A_345, %sub3A_347, %div3A_326 : i32
      %rem3A_349 = arith.constant 2 : i32
      %rem3A_350 = arith.remsi %select_n3A_348, %rem3A_349 : i32
      %rem3A_351 = arith.constant 8 : i32
      %rem3A_352 = arith.remsi %select_n3A_322, %rem3A_351 : i32
      %add3A_353 = arith.constant 3 : i32
      %add3A_354 = arith.addi %add3A_298, %add3A_353 : i32
      %lt3A_355 = arith.constant 128 : i32
      %lt3A_356 = arith.cmpi slt, %add3A_354, %lt3A_355 : i32
      %convert_element_type3A_357 = arith.extui %lt3A_356 : i1 to i32
      %cond3A_358 = arith.constant 0 : i32
      %cond3A_359 = arith.cmpi ne, %convert_element_type3A_357, %cond3A_358 : i32
      scf.if %cond3A_359 {
        %rem3A_404 = arith.constant 32 : i32
        %rem3A_405 = arith.remsi %add3A_354, %rem3A_404 : i32
        %eq3A = arith.constant 0 : i32
        %eq3A_406 = arith.cmpi eq, %rem3A_405, %eq3A : i32
        %ge3A_407 = arith.constant 32 : i32
        %ge3A_408 = arith.cmpi sge, %add3A_354, %ge3A_407 : i32
        %and3A_409 = arith.andi %eq3A_406, %ge3A_408 : i1
        %convert_element_type3A_410 = arith.extui %and3A_409 : i1 to i32
        %cond3A_411 = arith.constant 0 : i32
        %cond3A_412 = arith.cmpi ne, %convert_element_type3A_410, %cond3A_411 : i32
        scf.if %cond3A_412 {
          %dma_wait3A_514 = arith.constant 0 : i32
          %dma_wait3A_515 = arith.constant 0 : i32
          %dma_wait3A_516 = arith.constant 0 : i32
          %dma_wait3A_517 = tpu.memref_slice %arg11[%dma_wait3A_514, %dma_wait3A_515, %dma_wait3A_516] : memref<2x8x256xi32, #tpu.memory_space<vmem>> -> memref<1x8x256xi32, #tpu.memory_space<vmem>>
          %dma_wait3A_518 = tpu.memref_squeeze %dma_wait3A_517 : memref<1x8x256xi32, #tpu.memory_space<vmem>> -> memref<8x256xi32, #tpu.memory_space<vmem>>
          %dma_wait3A_519 = arith.constant 0 : i32
          %dma_wait3A_520 = tpu.memref_slice %arg10[%dma_wait3A_519] : memref<32xi32, #tpu.memory_space<vmem>> -> memref<8xi32, #tpu.memory_space<vmem>>
          %dma_wait3A_521 = arith.constant 0 : i32
          %dma_wait3A_522 = arith.constant 0 : i32
          %dma_wait3A_523 = tpu.memref_slice %arg6[%dma_wait3A_521, %dma_wait3A_522] : memref<50000x256xi32, #tpu.memory_space<hbm>> -> memref<50000x256xi32, #tpu.memory_space<hbm>>
          tpu.wait_indirect_dma semaphore(%arg17 : memref<!tpu.dma_semaphore, #tpu.memory_space<semaphore_mem>>) src(%dma_wait3A_523 : memref<50000x256xi32, #tpu.memory_space<hbm>>) dst(%dma_wait3A_518 : memref<8x256xi32, #tpu.memory_space<vmem>>)
          %dma_wait3A_524 = arith.constant 0 : i32
          %dma_wait3A_525 = arith.constant 0 : i32
          %dma_wait3A_526 = arith.constant 0 : i32
          %dma_wait3A_527 = tpu.memref_slice %arg11[%dma_wait3A_524, %dma_wait3A_525, %dma_wait3A_526] : memref<2x8x256xi32, #tpu.memory_space<vmem>> -> memref<1x8x256xi32, #tpu.memory_space<vmem>>
          %dma_wait3A_528 = tpu.memref_squeeze %dma_wait3A_527 : memref<1x8x256xi32, #tpu.memory_space<vmem>> -> memref<8x256xi32, #tpu.memory_space<vmem>>
          %dma_wait3A_529 = arith.constant 0 : i32
          %dma_wait3A_530 = tpu.memref_slice %arg10[%dma_wait3A_529] : memref<32xi32, #tpu.memory_space<vmem>> -> memref<8xi32, #tpu.memory_space<vmem>>
          %dma_wait3A_531 = arith.constant 0 : i32
          %dma_wait3A_532 = arith.constant 0 : i32
          %dma_wait3A_533 = tpu.memref_slice %arg6[%dma_wait3A_531, %dma_wait3A_532] : memref<50000x256xi32, #tpu.memory_space<hbm>> -> memref<50000x256xi32, #tpu.memory_space<hbm>>
          tpu.wait_indirect_dma semaphore(%arg17 : memref<!tpu.dma_semaphore, #tpu.memory_space<semaphore_mem>>) src(%dma_wait3A_533 : memref<50000x256xi32, #tpu.memory_space<hbm>>) dst(%dma_wait3A_528 : memref<8x256xi32, #tpu.memory_space<vmem>>)
          %dma_wait3A_534 = arith.constant 0 : i32
          %dma_wait3A_535 = arith.constant 0 : i32
          %dma_wait3A_536 = arith.constant 0 : i32
          %dma_wait3A_537 = tpu.memref_slice %arg11[%dma_wait3A_534, %dma_wait3A_535, %dma_wait3A_536] : memref<2x8x256xi32, #tpu.memory_space<vmem>> -> memref<1x8x256xi32, #tpu.memory_space<vmem>>
          %dma_wait3A_538 = tpu.memref_squeeze %dma_wait3A_537 : memref<1x8x256xi32, #tpu.memory_space<vmem>> -> memref<8x256xi32, #tpu.memory_space<vmem>>
          %dma_wait3A_539 = arith.constant 0 : i32
          %dma_wait3A_540 = tpu.memref_slice %arg10[%dma_wait3A_539] : memref<32xi32, #tpu.memory_space<vmem>> -> memref<8xi32, #tpu.memory_space<vmem>>
          %dma_wait3A_541 = arith.constant 0 : i32
          %dma_wait3A_542 = arith.constant 0 : i32
          %dma_wait3A_543 = tpu.memref_slice %arg6[%dma_wait3A_541, %dma_wait3A_542] : memref<50000x256xi32, #tpu.memory_space<hbm>> -> memref<50000x256xi32, #tpu.memory_space<hbm>>
          tpu.wait_indirect_dma semaphore(%arg17 : memref<!tpu.dma_semaphore, #tpu.memory_space<semaphore_mem>>) src(%dma_wait3A_543 : memref<50000x256xi32, #tpu.memory_space<hbm>>) dst(%dma_wait3A_538 : memref<8x256xi32, #tpu.memory_space<vmem>>)
        } else {
        }
        %eq3A_413 = arith.constant 16 : i32
        %eq3A_414 = arith.cmpi eq, %rem3A_405, %eq3A_413 : i32
        %jit3A_415 = arith.constant 32 : i32
        %div3A_416 = arith.divsi %add3A_354, %jit3A_415 : i32
        %sign3A_417 = arith.constant 0 : i32
        %sign3A_418 = arith.cmpi sgt, %add3A_354, %sign3A_417 : i32
        %sign3A_419 = arith.extui %sign3A_418 : i1 to i32
        %sign3A_420 = arith.constant 0 : i32
        %sign3A_421 = arith.cmpi slt, %add3A_354, %sign3A_420 : i32
        %sign3A_422 = arith.extui %sign3A_421 : i1 to i32
        %sign3A_423 = arith.subi %sign3A_419, %sign3A_422 : i32
        %sign3A_424 = arith.constant 0 : i32
        %sign3A_425 = arith.cmpi sgt, %jit3A_415, %sign3A_424 : i32
        %sign3A_426 = arith.extui %sign3A_425 : i1 to i32
        %sign3A_427 = arith.constant 0 : i32
        %sign3A_428 = arith.cmpi slt, %jit3A_415, %sign3A_427 : i32
        %sign3A_429 = arith.extui %sign3A_428 : i1 to i32
        %sign3A_430 = arith.subi %sign3A_426, %sign3A_429 : i32
        %ne3A_431 = arith.cmpi ne, %sign3A_423, %sign3A_430 : i32
        %rem3A_432 = arith.remsi %add3A_354, %jit3A_415 : i32
        %ne3A_433 = arith.constant 0 : i32
        %ne3A_434 = arith.cmpi ne, %rem3A_432, %ne3A_433 : i32
        %and3A_435 = arith.andi %ne3A_431, %ne3A_434 : i1
        %sub3A_436 = arith.constant 1 : i32
        %sub3A_437 = arith.subi %div3A_416, %sub3A_436 : i32
        %select_n3A_438 = arith.select %and3A_435, %sub3A_437, %div3A_416 : i32
        %add3A_439 = arith.constant 1 : i32
        %add3A_440 = arith.addi %select_n3A_438, %add3A_439 : i32
        %lt3A_441 = arith.constant 4 : i32
        %lt3A_442 = arith.cmpi slt, %add3A_440, %lt3A_441 : i32
        %and3A_443 = arith.andi %eq3A_414, %lt3A_442 : i1
        %convert_element_type3A_444 = arith.extui %and3A_443 : i1 to i32
        %cond3A_445 = arith.constant 0 : i32
        %cond3A_446 = arith.cmpi ne, %convert_element_type3A_444, %cond3A_445 : i32
        scf.if %cond3A_446 {
          %jit3A_514 = arith.constant 32 : i32
          %div3A_515 = arith.divsi %add3A_354, %jit3A_514 : i32
          %sign3A_516 = arith.constant 0 : i32
          %sign3A_517 = arith.cmpi sgt, %add3A_354, %sign3A_516 : i32
          %sign3A_518 = arith.extui %sign3A_517 : i1 to i32
          %sign3A_519 = arith.constant 0 : i32
          %sign3A_520 = arith.cmpi slt, %add3A_354, %sign3A_519 : i32
          %sign3A_521 = arith.extui %sign3A_520 : i1 to i32
          %sign3A_522 = arith.subi %sign3A_518, %sign3A_521 : i32
          %sign3A_523 = arith.constant 0 : i32
          %sign3A_524 = arith.cmpi sgt, %jit3A_514, %sign3A_523 : i32
          %sign3A_525 = arith.extui %sign3A_524 : i1 to i32
          %sign3A_526 = arith.constant 0 : i32
          %sign3A_527 = arith.cmpi slt, %jit3A_514, %sign3A_526 : i32
          %sign3A_528 = arith.extui %sign3A_527 : i1 to i32
          %sign3A_529 = arith.subi %sign3A_525, %sign3A_528 : i32
          %ne3A_530 = arith.cmpi ne, %sign3A_522, %sign3A_529 : i32
          %rem3A_531 = arith.remsi %add3A_354, %jit3A_514 : i32
          %ne3A_532 = arith.constant 0 : i32
          %ne3A_533 = arith.cmpi ne, %rem3A_531, %ne3A_532 : i32
          %and3A_534 = arith.andi %ne3A_530, %ne3A_533 : i1
          %sub3A_535 = arith.constant 1 : i32
          %sub3A_536 = arith.subi %div3A_515, %sub3A_535 : i32
          %select_n3A_537 = arith.select %and3A_534, %sub3A_536, %div3A_515 : i32
          %add3A_538 = arith.constant 1 : i32
          %add3A_539 = arith.addi %select_n3A_537, %add3A_538 : i32
          %rem3A_540 = arith.constant 2 : i32
          %rem3A_541 = arith.remsi %add3A_539, %rem3A_540 : i32
          %mul3A_542 = arith.constant 8 : i32
          %mul3A_543 = arith.muli %add3A_539, %mul3A_542 : i32
          %multiple_of3A_544 = tpu.assume_multiple %mul3A_543, 8 : i32
          %dma_start3A_545 = arith.constant 0 : i32
          %dma_start3A_546 = arith.constant 0 : i32
          %dma_start3A_547 = tpu.memref_slice %arg11[%rem3A_541, %dma_start3A_545, %dma_start3A_546] : memref<2x8x256xi32, #tpu.memory_space<vmem>> -> memref<1x8x256xi32, #tpu.memory_space<vmem>>
          %dma_start3A_548 = tpu.memref_squeeze %dma_start3A_547 : memref<1x8x256xi32, #tpu.memory_space<vmem>> -> memref<8x256xi32, #tpu.memory_space<vmem>>
          %dma_start3A_549 = tpu.memref_slice %arg10[%multiple_of3A_544] : memref<32xi32, #tpu.memory_space<vmem>> -> memref<8xi32, #tpu.memory_space<vmem>>
          %dma_start3A_550 = arith.constant 0 : i32
          %dma_start3A_551 = arith.constant 0 : i32
          %dma_start3A_552 = tpu.memref_slice %arg6[%dma_start3A_550, %dma_start3A_551] : memref<50000x256xi32, #tpu.memory_space<hbm>> -> memref<50000x256xi32, #tpu.memory_space<hbm>>
          tpu.enqueue_indirect_dma source(%dma_start3A_552 : memref<50000x256xi32, #tpu.memory_space<hbm>>) target(%dma_start3A_548 : memref<8x256xi32, #tpu.memory_space<vmem>>) offsets(%dma_start3A_549 : memref<8xi32, #tpu.memory_space<vmem>>) semaphore(%arg17 : memref<!tpu.dma_semaphore, #tpu.memory_space<semaphore_mem>>)
          %dma_start3A_553 = arith.constant 0 : i32
          %dma_start3A_554 = arith.constant 0 : i32
          %dma_start3A_555 = tpu.memref_slice %arg12[%rem3A_541, %dma_start3A_553, %dma_start3A_554] : memref<2x8x256xi32, #tpu.memory_space<vmem>> -> memref<1x8x256xi32, #tpu.memory_space<vmem>>
          %dma_start3A_556 = tpu.memref_squeeze %dma_start3A_555 : memref<1x8x256xi32, #tpu.memory_space<vmem>> -> memref<8x256xi32, #tpu.memory_space<vmem>>
          %dma_start3A_557 = tpu.memref_slice %arg10[%multiple_of3A_544] : memref<32xi32, #tpu.memory_space<vmem>> -> memref<8xi32, #tpu.memory_space<vmem>>
          %dma_start3A_558 = arith.constant 0 : i32
          %dma_start3A_559 = arith.constant 0 : i32
          %dma_start3A_560 = tpu.memref_slice %arg7[%dma_start3A_558, %dma_start3A_559] : memref<50000x256xi32, #tpu.memory_space<hbm>> -> memref<50000x256xi32, #tpu.memory_space<hbm>>
          tpu.enqueue_indirect_dma source(%dma_start3A_560 : memref<50000x256xi32, #tpu.memory_space<hbm>>) target(%dma_start3A_556 : memref<8x256xi32, #tpu.memory_space<vmem>>) offsets(%dma_start3A_557 : memref<8xi32, #tpu.memory_space<vmem>>) semaphore(%arg17 : memref<!tpu.dma_semaphore, #tpu.memory_space<semaphore_mem>>)
          %dma_start3A_561 = arith.constant 0 : i32
          %dma_start3A_562 = arith.constant 0 : i32
          %dma_start3A_563 = tpu.memref_slice %arg13[%rem3A_541, %dma_start3A_561, %dma_start3A_562] : memref<2x8x256xf32, #tpu.memory_space<vmem>> -> memref<1x8x256xf32, #tpu.memory_space<vmem>>
          %dma_start3A_564 = tpu.memref_squeeze %dma_start3A_563 : memref<1x8x256xf32, #tpu.memory_space<vmem>> -> memref<8x256xf32, #tpu.memory_space<vmem>>
          %dma_start3A_565 = tpu.memref_slice %arg10[%multiple_of3A_544] : memref<32xi32, #tpu.memory_space<vmem>> -> memref<8xi32, #tpu.memory_space<vmem>>
          %dma_start3A_566 = arith.constant 0 : i32
          %dma_start3A_567 = arith.constant 0 : i32
          %dma_start3A_568 = tpu.memref_slice %arg4[%dma_start3A_566, %dma_start3A_567] : memref<50000x256xf32, #tpu.memory_space<hbm>> -> memref<50000x256xf32, #tpu.memory_space<hbm>>
          tpu.enqueue_indirect_dma source(%dma_start3A_568 : memref<50000x256xf32, #tpu.memory_space<hbm>>) target(%dma_start3A_564 : memref<8x256xf32, #tpu.memory_space<vmem>>) offsets(%dma_start3A_565 : memref<8xi32, #tpu.memory_space<vmem>>) semaphore(%arg17 : memref<!tpu.dma_semaphore, #tpu.memory_space<semaphore_mem>>)
        } else {
        }
        %jit3A_447 = arith.constant 4 : i32
        %div3A_448 = arith.divsi %add3A_354, %jit3A_447 : i32
        %sign3A_449 = arith.constant 0 : i32
        %sign3A_450 = arith.cmpi sgt, %add3A_354, %sign3A_449 : i32
        %sign3A_451 = arith.extui %sign3A_450 : i1 to i32
        %sign3A_452 = arith.constant 0 : i32
        %sign3A_453 = arith.cmpi slt, %add3A_354, %sign3A_452 : i32
        %sign3A_454 = arith.extui %sign3A_453 : i1 to i32
        %sign3A_455 = arith.subi %sign3A_451, %sign3A_454 : i32
        %sign3A_456 = arith.constant 0 : i32
        %sign3A_457 = arith.cmpi sgt, %jit3A_447, %sign3A_456 : i32
        %sign3A_458 = arith.extui %sign3A_457 : i1 to i32
        %sign3A_459 = arith.constant 0 : i32
        %sign3A_460 = arith.cmpi slt, %jit3A_447, %sign3A_459 : i32
        %sign3A_461 = arith.extui %sign3A_460 : i1 to i32
        %sign3A_462 = arith.subi %sign3A_458, %sign3A_461 : i32
        %ne3A_463 = arith.cmpi ne, %sign3A_455, %sign3A_462 : i32
        %rem3A_464 = arith.remsi %add3A_354, %jit3A_447 : i32
        %ne3A_465 = arith.constant 0 : i32
        %ne3A_466 = arith.cmpi ne, %rem3A_464, %ne3A_465 : i32
        %and3A_467 = arith.andi %ne3A_463, %ne3A_466 : i1
        %sub3A_468 = arith.constant 1 : i32
        %sub3A_469 = arith.subi %div3A_448, %sub3A_468 : i32
        %select_n3A_470 = arith.select %and3A_467, %sub3A_469, %div3A_448 : i32
        %rem3A_471 = arith.constant 4 : i32
        %rem3A_472 = arith.remsi %add3A_354, %rem3A_471 : i32
        %jit3A_473 = arith.constant 8 : i32
        %div3A_474 = arith.divsi %select_n3A_470, %jit3A_473 : i32
        %sign3A_475 = arith.constant 0 : i32
        %sign3A_476 = arith.cmpi sgt, %select_n3A_470, %sign3A_475 : i32
        %sign3A_477 = arith.extui %sign3A_476 : i1 to i32
        %sign3A_478 = arith.constant 0 : i32
        %sign3A_479 = arith.cmpi slt, %select_n3A_470, %sign3A_478 : i32
        %sign3A_480 = arith.extui %sign3A_479 : i1 to i32
        %sign3A_481 = arith.subi %sign3A_477, %sign3A_480 : i32
        %sign3A_482 = arith.constant 0 : i32
        %sign3A_483 = arith.cmpi sgt, %jit3A_473, %sign3A_482 : i32
        %sign3A_484 = arith.extui %sign3A_483 : i1 to i32
        %sign3A_485 = arith.constant 0 : i32
        %sign3A_486 = arith.cmpi slt, %jit3A_473, %sign3A_485 : i32
        %sign3A_487 = arith.extui %sign3A_486 : i1 to i32
        %sign3A_488 = arith.subi %sign3A_484, %sign3A_487 : i32
        %ne3A_489 = arith.cmpi ne, %sign3A_481, %sign3A_488 : i32
        %rem3A_490 = arith.remsi %select_n3A_470, %jit3A_473 : i32
        %ne3A_491 = arith.constant 0 : i32
        %ne3A_492 = arith.cmpi ne, %rem3A_490, %ne3A_491 : i32
        %and3A_493 = arith.andi %ne3A_489, %ne3A_492 : i1
        %sub3A_494 = arith.constant 1 : i32
        %sub3A_495 = arith.subi %div3A_474, %sub3A_494 : i32
        %select_n3A_496 = arith.select %and3A_493, %sub3A_495, %div3A_474 : i32
        %rem3A_497 = arith.constant 2 : i32
        %rem3A_498 = arith.remsi %select_n3A_496, %rem3A_497 : i32
        %rem3A_499 = arith.constant 8 : i32
        %rem3A_500 = arith.remsi %select_n3A_470, %rem3A_499 : i32
        %mul3A_501 = arith.constant 64 : i32
        %mul3A_502 = arith.muli %rem3A_472, %mul3A_501 : i32
        %rem3A_503 = arith.constant 4 : i32
        %rem3A_504 = arith.remsi %add3A_354, %rem3A_503 : i32
        %dma_start3A_505 = arith.constant 0 : i32
        %dma_start3A_506 = arith.constant 0 : i32
        %dma_start3A_507 = tpu.memref_slice %arg14[%rem3A_504, %dma_start3A_505, %dma_start3A_506] : memref<4x64x128xf32, #tpu.memory_space<vmem>> -> memref<1x64x128xf32, #tpu.memory_space<vmem>>
        %dma_start3A_508 = tpu.memref_squeeze %dma_start3A_507 : memref<1x64x128xf32, #tpu.memory_space<vmem>> -> memref<64x128xf32, #tpu.memory_space<vmem>>
        %dma_start3A_509 = tpu.memref_slice %arg12[%rem3A_498, %rem3A_500, %mul3A_502] : memref<2x8x256xi32, #tpu.memory_space<vmem>> -> memref<1x1x64xi32, #tpu.memory_space<vmem>>
        %dma_start3A_510 = tpu.memref_squeeze %dma_start3A_509 : memref<1x1x64xi32, #tpu.memory_space<vmem>> -> memref<64xi32, #tpu.memory_space<vmem>>
        %dma_start3A_511 = arith.constant 0 : i32
        %dma_start3A_512 = arith.constant 0 : i32
        %dma_start3A_513 = tpu.memref_slice %arg2[%dma_start3A_511, %dma_start3A_512] : memref<50000x128xf32, #tpu.memory_space<hbm>> -> memref<50000x128xf32, #tpu.memory_space<hbm>>
        tpu.enqueue_indirect_dma source(%dma_start3A_513 : memref<50000x128xf32, #tpu.memory_space<hbm>>) target(%dma_start3A_508 : memref<64x128xf32, #tpu.memory_space<vmem>>) offsets(%dma_start3A_510 : memref<64xi32, #tpu.memory_space<vmem>>) semaphore(%arg16 : memref<!tpu.dma_semaphore, #tpu.memory_space<semaphore_mem>>)
      } else {
      }
      %rem3A_360 = arith.constant 4 : i32
      %rem3A_361 = arith.remsi %add3A_298, %rem3A_360 : i32
      %dma_wait3A_362 = arith.constant 0 : i32
      %dma_wait3A_363 = arith.constant 0 : i32
      %dma_wait3A_364 = arith.constant 0 : i32
      %dma_wait3A_365 = arith.constant 0 : i32
      %dma_wait3A_366 = tpu.memref_slice %arg14[%rem3A_361, %dma_wait3A_364, %dma_wait3A_365] : memref<4x64x128xf32, #tpu.memory_space<vmem>> -> memref<1x64x128xf32, #tpu.memory_space<vmem>>
      %dma_wait3A_367 = tpu.memref_squeeze %dma_wait3A_366 : memref<1x64x128xf32, #tpu.memory_space<vmem>> -> memref<64x128xf32, #tpu.memory_space<vmem>>
      %dma_wait3A_368 = arith.constant 0 : i32
      %dma_wait3A_369 = tpu.memref_slice %arg12[%dma_wait3A_362, %dma_wait3A_363, %dma_wait3A_368] : memref<2x8x256xi32, #tpu.memory_space<vmem>> -> memref<1x1x64xi32, #tpu.memory_space<vmem>>
      %dma_wait3A_370 = tpu.memref_squeeze %dma_wait3A_369 : memref<1x1x64xi32, #tpu.memory_space<vmem>> -> memref<64xi32, #tpu.memory_space<vmem>>
      %dma_wait3A_371 = arith.constant 0 : i32
      %dma_wait3A_372 = arith.constant 0 : i32
      %dma_wait3A_373 = tpu.memref_slice %arg2[%dma_wait3A_371, %dma_wait3A_372] : memref<50000x128xf32, #tpu.memory_space<hbm>> -> memref<50000x128xf32, #tpu.memory_space<hbm>>
      tpu.wait_indirect_dma semaphore(%arg16 : memref<!tpu.dma_semaphore, #tpu.memory_space<semaphore_mem>>) src(%dma_wait3A_373 : memref<50000x128xf32, #tpu.memory_space<hbm>>) dst(%dma_wait3A_367 : memref<64x128xf32, #tpu.memory_space<vmem>>)
      %ge3A_374 = arith.constant 2 : i32
      %ge3A_375 = arith.cmpi sge, %add3A_298, %ge3A_374 : i32
      %convert_element_type3A_376 = arith.extui %ge3A_375 : i1 to i32
      %cond3A_377 = arith.constant 0 : i32
      %cond3A_378 = arith.cmpi ne, %convert_element_type3A_376, %cond3A_377 : i32
      scf.if %cond3A_378 {
        %dma_wait3A_404 = arith.constant 1 : i32
        %dma_wait3A_405 = arith.constant 0 : i32
        %dma_wait3A_406 = arith.constant 0 : i32
        %dma_wait3A_407 = arith.constant 0 : i32
        %dma_wait3A_408 = tpu.memref_slice %arg15[%dma_wait3A_404, %dma_wait3A_406, %dma_wait3A_407] : memref<2x64x128xf32, #tpu.memory_space<vmem>> -> memref<1x64x128xf32, #tpu.memory_space<vmem>>
        %dma_wait3A_409 = tpu.memref_squeeze %dma_wait3A_408 : memref<1x64x128xf32, #tpu.memory_space<vmem>> -> memref<64x128xf32, #tpu.memory_space<vmem>>
        %dma_wait3A_410 = arith.constant 0 : i32
        %dma_wait3A_411 = arith.constant 0 : i32
        %dma_wait3A_412 = tpu.memref_slice %arg8[%dma_wait3A_405, %dma_wait3A_410, %dma_wait3A_411] : memref<1024x256x128xf32, #tpu.memory_space<hbm>> -> memref<1x64x128xf32, #tpu.memory_space<hbm>>
        %dma_wait3A_413 = tpu.memref_squeeze %dma_wait3A_412 : memref<1x64x128xf32, #tpu.memory_space<hbm>> -> memref<64x128xf32, #tpu.memory_space<hbm>>
        %dma_wait3A_414 = arith.constant 0 : i32
        %dma_wait3A_415 = arith.constant 0 : i32
        %dma_wait3A_416 = tpu.memref_slice %arg8[%dma_wait3A_405, %dma_wait3A_414, %dma_wait3A_415] : memref<1024x256x128xf32, #tpu.memory_space<hbm>> -> memref<1x64x128xf32, #tpu.memory_space<hbm>>
        %dma_wait3A_417 = tpu.memref_squeeze %dma_wait3A_416 : memref<1x64x128xf32, #tpu.memory_space<hbm>> -> memref<64x128xf32, #tpu.memory_space<hbm>>
        %dma_wait3A_418 = arith.constant 0 : i32
        %dma_wait3A_419 = arith.constant 0 : i32
        %dma_wait3A_420 = tpu.memref_slice %arg15[%dma_wait3A_404, %dma_wait3A_418, %dma_wait3A_419] : memref<2x64x128xf32, #tpu.memory_space<vmem>> -> memref<1x64x128xf32, #tpu.memory_space<vmem>>
        %dma_wait3A_421 = tpu.memref_squeeze %dma_wait3A_420 : memref<1x64x128xf32, #tpu.memory_space<vmem>> -> memref<64x128xf32, #tpu.memory_space<vmem>>
        tpu.wait_dma2 semaphore(%arg19 : memref<!tpu.dma_semaphore, #tpu.memory_space<semaphore_mem>>) src(%dma_wait3A_421 : memref<64x128xf32, #tpu.memory_space<vmem>>) dst(%dma_wait3A_417 : memref<64x128xf32, #tpu.memory_space<hbm>>)
      } else {
      }
      %rem3A_379 = arith.constant 4 : i32
      %rem3A_380 = arith.remsi %add3A_298, %rem3A_379 : i32
      %scan3A_381 = arith.constant 0 : i32
      %scan3A_382 = arith.constant 4 : i32
      %scan3A_383 = arith.addi %scan3A_381, %scan3A_382 : i32
      %scan3A_384 = arith.constant 1 : i32
      scf.for %scan3A_404 = %scan3A_381 to %scan3A_383 step %scan3A_384  : i32 {
        %mul3A_405 = arith.constant 64 : i32
        %mul3A_406 = arith.muli %rem3A_324, %mul3A_405 : i32
        %mul3A_407 = arith.constant 16 : i32
        %mul3A_408 = arith.muli %scan3A_404, %mul3A_407 : i32
        %add3A_409 = arith.addi %mul3A_406, %mul3A_408 : i32
        %multiple_of3A_410 = tpu.assume_multiple %add3A_409, 16 : i32
        %get3A = arith.index_cast %rem3A_350 : i32 to index
        %get3A_411 = arith.index_cast %rem3A_352 : i32 to index
        %get3A_412 = arith.index_cast %multiple_of3A_410 : i32 to index
        %get3A_413 = tpu.vector_load %arg13[%get3A, %get3A_411, %get3A_412] {strides = array<i32>} : memref<2x8x256xf32, #tpu.memory_space<vmem>>, vector<1x1x16xf32>,
        %get3A_414 = vector.shape_cast %get3A_413 : vector<1x1x16xf32> to vector<16xf32>
        %get3A_415 = arith.index_cast %rem3A_350 : i32 to index
        %get3A_416 = arith.index_cast %rem3A_352 : i32 to index
        %get3A_417 = arith.index_cast %multiple_of3A_410 : i32 to index
        %get3A_418 = tpu.vector_load %arg11[%get3A_415, %get3A_416, %get3A_417] {strides = array<i32>} : memref<2x8x256xi32, #tpu.memory_space<vmem>>, vector<1x1x16xi32>,
        %get3A_419 = vector.shape_cast %get3A_418 : vector<1x1x16xi32> to vector<16xi32>
        %mul3A_420 = arith.constant 64 : i32
        %mul3A_421 = vector.broadcast %mul3A_420 : i32 to vector<16xi32>
        %mul3A_422 = arith.muli %get3A_419, %mul3A_421 : vector<16xi32>
        %mul3A_423 = arith.constant 16 : i32
        %mul3A_424 = arith.muli %scan3A_404, %mul3A_423 : i32
        %add3A_425 = arith.constant 0 : i32
        %add3A_426 = arith.addi %mul3A_424, %add3A_425 : i32
        %slice3A = vector.extract_strided_slice %get3A_414 {offsets = [0], sizes = [1], strides = [1]} : vector<16xf32> to vector<1xf32>
        %squeeze3A = vector.extract %slice3A[0] : f32 from vector<1xf32>
        %broadcast_in_dim3A = vector.broadcast %squeeze3A : f32 to vector<16xf32>
        %slice3A_427 = vector.extract_strided_slice %mul3A_422 {offsets = [0], sizes = [1], strides = [1]} : vector<16xi32> to vector<1xi32>
        %squeeze3A_428 = vector.extract %slice3A_427[0] : i32 from vector<1xi32>
        %add3A_429 = arith.constant 0 : i32
        %add3A_430 = arith.addi %squeeze3A_428, %add3A_429 : i32
        %get3A_431 = arith.index_cast %add3A_430 : i32 to index
        %get3A_432 = tpu.vector_load %arg9[%get3A_431] {strides = array<i32>} : memref<64000xf32, #tpu.memory_space<vmem>>, vector<16xf32>,
        %get3A_433 = vector.shape_cast %get3A_432 : vector<16xf32> to vector<16xf32>
        %get3A_434 = arith.index_cast %rem3A_380 : i32 to index
        %get3A_435 = arith.index_cast %add3A_426 : i32 to index
        %get3A_436 = arith.constant 0 : index
        %get3A_437 = tpu.vector_load %arg14[%get3A_434, %get3A_435, %get3A_436] {strides = array<i32>} : memref<4x64x128xf32, #tpu.memory_space<vmem>>, vector<1x1x16xf32>,
        %get3A_438 = vector.shape_cast %get3A_437 : vector<1x1x16xf32> to vector<16xf32>
        %mul3A_439 = arith.mulf %get3A_433, %broadcast_in_dim3A : vector<16xf32>
        %swap3A = arith.constant 1 : i32
        %swap3A_440 = arith.index_cast %swap3A : i32 to index
        %swap3A_441 = arith.index_cast %add3A_426 : i32 to index
        %swap3A_442 = arith.constant 0 : index
        %swap3A_443 = tpu.vector_load %arg15[%swap3A_440, %swap3A_441, %swap3A_442] {strides = array<i32>} : memref<2x64x128xf32, #tpu.memory_space<vmem>>, vector<1x1x16xf32>,
        %swap3A_444 = vector.shape_cast %swap3A_443 : vector<1x1x16xf32> to vector<16xf32>
        %swap3A_445 = vector.shape_cast %mul3A_439 : vector<16xf32> to vector<1x1x16xf32>
        tpu.vector_store %arg15[%swap3A_440, %swap3A_441, %swap3A_442], %swap3A_445 {strides = array<i32>} : memref<2x64x128xf32, #tpu.memory_space<vmem>>, vector<1x1x16xf32>,
        %mul3A_446 = arith.mulf %get3A_438, %broadcast_in_dim3A : vector<16xf32>
        %swap3A_447 = arith.constant 1 : i32
        %swap3A_448 = arith.index_cast %swap3A_447 : i32 to index
        %swap3A_449 = arith.index_cast %add3A_426 : i32 to index
        %swap3A_450 = arith.constant 64 : index
        %swap3A_451 = tpu.vector_load %arg15[%swap3A_448, %swap3A_449, %swap3A_450] {strides = array<i32>} : memref<2x64x128xf32, #tpu.memory_space<vmem>>, vector<1x1x16xf32>,
        %swap3A_452 = vector.shape_cast %swap3A_451 : vector<1x1x16xf32> to vector<16xf32>
        %swap3A_453 = vector.shape_cast %mul3A_446 : vector<16xf32> to vector<1x1x16xf32>
        tpu.vector_store %arg15[%swap3A_448, %swap3A_449, %swap3A_450], %swap3A_453 {strides = array<i32>} : memref<2x64x128xf32, #tpu.memory_space<vmem>>, vector<1x1x16xf32>,
        %add3A_454 = arith.constant 16 : i32
        %add3A_455 = arith.addi %squeeze3A_428, %add3A_454 : i32
        %get3A_456 = arith.index_cast %add3A_455 : i32 to index
        %get3A_457 = tpu.vector_load %arg9[%get3A_456] {strides = array<i32>} : memref<64000xf32, #tpu.memory_space<vmem>>, vector<16xf32>,
        %get3A_458 = vector.shape_cast %get3A_457 : vector<16xf32> to vector<16xf32>
        %get3A_459 = arith.index_cast %rem3A_380 : i32 to index
        %get3A_460 = arith.index_cast %add3A_426 : i32 to index
        %get3A_461 = arith.constant 16 : index
        %get3A_462 = tpu.vector_load %arg14[%get3A_459, %get3A_460, %get3A_461] {strides = array<i32>} : memref<4x64x128xf32, #tpu.memory_space<vmem>>, vector<1x1x16xf32>,
        %get3A_463 = vector.shape_cast %get3A_462 : vector<1x1x16xf32> to vector<16xf32>
        %mul3A_464 = arith.mulf %get3A_458, %broadcast_in_dim3A : vector<16xf32>
        %swap3A_465 = arith.constant 1 : i32
        %swap3A_466 = arith.index_cast %swap3A_465 : i32 to index
        %swap3A_467 = arith.index_cast %add3A_426 : i32 to index
        %swap3A_468 = arith.constant 16 : index
        %swap3A_469 = tpu.vector_load %arg15[%swap3A_466, %swap3A_467, %swap3A_468] {strides = array<i32>} : memref<2x64x128xf32, #tpu.memory_space<vmem>>, vector<1x1x16xf32>,
        %swap3A_470 = vector.shape_cast %swap3A_469 : vector<1x1x16xf32> to vector<16xf32>
        %swap3A_471 = vector.shape_cast %mul3A_464 : vector<16xf32> to vector<1x1x16xf32>
        tpu.vector_store %arg15[%swap3A_466, %swap3A_467, %swap3A_468], %swap3A_471 {strides = array<i32>} : memref<2x64x128xf32, #tpu.memory_space<vmem>>, vector<1x1x16xf32>,
        %mul3A_472 = arith.mulf %get3A_463, %broadcast_in_dim3A : vector<16xf32>
        %swap3A_473 = arith.constant 1 : i32
        %swap3A_474 = arith.index_cast %swap3A_473 : i32 to index
        %swap3A_475 = arith.index_cast %add3A_426 : i32 to index
        %swap3A_476 = arith.constant 80 : index
        %swap3A_477 = tpu.vector_load %arg15[%swap3A_474, %swap3A_475, %swap3A_476] {strides = array<i32>} : memref<2x64x128xf32, #tpu.memory_space<vmem>>, vector<1x1x16xf32>,
        %swap3A_478 = vector.shape_cast %swap3A_477 : vector<1x1x16xf32> to vector<16xf32>
        %swap3A_479 = vector.shape_cast %mul3A_472 : vector<16xf32> to vector<1x1x16xf32>
        tpu.vector_store %arg15[%swap3A_474, %swap3A_475, %swap3A_476], %swap3A_479 {strides = array<i32>} : memref<2x64x128xf32, #tpu.memory_space<vmem>>, vector<1x1x16xf32>,
        %add3A_480 = arith.constant 32 : i32
        %add3A_481 = arith.addi %squeeze3A_428, %add3A_480 : i32
        %get3A_482 = arith.index_cast %add3A_481 : i32 to index
        %get3A_483 = tpu.vector_load %arg9[%get3A_482] {strides = array<i32>} : memref<64000xf32, #tpu.memory_space<vmem>>, vector<16xf32>,
        %get3A_484 = vector.shape_cast %get3A_483 : vector<16xf32> to vector<16xf32>
        %get3A_485 = arith.index_cast %rem3A_380 : i32 to index
        %get3A_486 = arith.index_cast %add3A_426 : i32 to index
        %get3A_487 = arith.constant 32 : index
        %get3A_488 = tpu.vector_load %arg14[%get3A_485, %get3A_486, %get3A_487] {strides = array<i32>} : memref<4x64x128xf32, #tpu.memory_space<vmem>>, vector<1x1x16xf32>,
        %get3A_489 = vector.shape_cast %get3A_488 : vector<1x1x16xf32> to vector<16xf32>
        %mul3A_490 = arith.mulf %get3A_484, %broadcast_in_dim3A : vector<16xf32>
        %swap3A_491 = arith.constant 1 : i32
        %swap3A_492 = arith.index_cast %swap3A_491 : i32 to index
        %swap3A_493 = arith.index_cast %add3A_426 : i32 to index
        %swap3A_494 = arith.constant 32 : index
        %swap3A_495 = tpu.vector_load %arg15[%swap3A_492, %swap3A_493, %swap3A_494] {strides = array<i32>} : memref<2x64x128xf32, #tpu.memory_space<vmem>>, vector<1x1x16xf32>,
        %swap3A_496 = vector.shape_cast %swap3A_495 : vector<1x1x16xf32> to vector<16xf32>
        %swap3A_497 = vector.shape_cast %mul3A_490 : vector<16xf32> to vector<1x1x16xf32>
        tpu.vector_store %arg15[%swap3A_492, %swap3A_493, %swap3A_494], %swap3A_497 {strides = array<i32>} : memref<2x64x128xf32, #tpu.memory_space<vmem>>, vector<1x1x16xf32>,
        %mul3A_498 = arith.mulf %get3A_489, %broadcast_in_dim3A : vector<16xf32>
        %swap3A_499 = arith.constant 1 : i32
        %swap3A_500 = arith.index_cast %swap3A_499 : i32 to index
        %swap3A_501 = arith.index_cast %add3A_426 : i32 to index
        %swap3A_502 = arith.constant 96 : index
        %swap3A_503 = tpu.vector_load %arg15[%swap3A_500, %swap3A_501, %swap3A_502] {strides = array<i32>} : memref<2x64x128xf32, #tpu.memory_space<vmem>>, vector<1x1x16xf32>,
        %swap3A_504 = vector.shape_cast %swap3A_503 : vector<1x1x16xf32> to vector<16xf32>
        %swap3A_505 = vector.shape_cast %mul3A_498 : vector<16xf32> to vector<1x1x16xf32>
        tpu.vector_store %arg15[%swap3A_500, %swap3A_501, %swap3A_502], %swap3A_505 {strides = array<i32>} : memref<2x64x128xf32, #tpu.memory_space<vmem>>, vector<1x1x16xf32>,
        %add3A_506 = arith.constant 48 : i32
        %add3A_507 = arith.addi %squeeze3A_428, %add3A_506 : i32
        %get3A_508 = arith.index_cast %add3A_507 : i32 to index
        %get3A_509 = tpu.vector_load %arg9[%get3A_508] {strides = array<i32>} : memref<64000xf32, #tpu.memory_space<vmem>>, vector<16xf32>,
        %get3A_510 = vector.shape_cast %get3A_509 : vector<16xf32> to vector<16xf32>
        %get3A_511 = arith.index_cast %rem3A_380 : i32 to index
        %get3A_512 = arith.index_cast %add3A_426 : i32 to index
        %get3A_513 = arith.constant 48 : index
        %get3A_514 = tpu.vector_load %arg14[%get3A_511, %get3A_512, %get3A_513] {strides = array<i32>} : memref<4x64x128xf32, #tpu.memory_space<vmem>>, vector<1x1x16xf32>,
        %get3A_515 = vector.shape_cast %get3A_514 : vector<1x1x16xf32> to vector<16xf32>
        %mul3A_516 = arith.mulf %get3A_510, %broadcast_in_dim3A : vector<16xf32>
        %swap3A_517 = arith.constant 1 : i32
        %swap3A_518 = arith.index_cast %swap3A_517 : i32 to index
        %swap3A_519 = arith.index_cast %add3A_426 : i32 to index
        %swap3A_520 = arith.constant 48 : index
        %swap3A_521 = tpu.vector_load %arg15[%swap3A_518, %swap3A_519, %swap3A_520] {strides = array<i32>} : memref<2x64x128xf32, #tpu.memory_space<vmem>>, vector<1x1x16xf32>,
        %swap3A_522 = vector.shape_cast %swap3A_521 : vector<1x1x16xf32> to vector<16xf32>
        %swap3A_523 = vector.shape_cast %mul3A_516 : vector<16xf32> to vector<1x1x16xf32>
        tpu.vector_store %arg15[%swap3A_518, %swap3A_519, %swap3A_520], %swap3A_523 {strides = array<i32>} : memref<2x64x128xf32, #tpu.memory_space<vmem>>, vector<1x1x16xf32>,
        %mul3A_524 = arith.mulf %get3A_515, %broadcast_in_dim3A : vector<16xf32>
        %swap3A_525 = arith.constant 1 : i32
        %swap3A_526 = arith.index_cast %swap3A_525 : i32 to index
        %swap3A_527 = arith.index_cast %add3A_426 : i32 to index
        %swap3A_528 = arith.constant 112 : index
        %swap3A_529 = tpu.vector_load %arg15[%swap3A_526, %swap3A_527, %swap3A_528] {strides = array<i32>} : memref<2x64x128xf32, #tpu.memory_space<vmem>>, vector<1x1x16xf32>,
        %swap3A_530 = vector.shape_cast %swap3A_529 : vector<1x1x16xf32> to vector<16xf32>
        %swap3A_531 = vector.shape_cast %mul3A_524 : vector<16xf32> to vector<1x1x16xf32>
        tpu.vector_store %arg15[%swap3A_526, %swap3A_527, %swap3A_528], %swap3A_531 {strides = array<i32>} : memref<2x64x128xf32, #tpu.memory_space<vmem>>, vector<1x1x16xf32>,
        %mul3A_532 = arith.constant 16 : i32
        %mul3A_533 = arith.muli %scan3A_404, %mul3A_532 : i32
        %add3A_534 = arith.constant 1 : i32
        %add3A_535 = arith.addi %mul3A_533, %add3A_534 : i32
        %slice3A_536 = vector.extract_strided_slice %get3A_414 {offsets = [1], sizes = [1], strides = [1]} : vector<16xf32> to vector<1xf32>
        %squeeze3A_537 = vector.extract %slice3A_536[0] : f32 from vector<1xf32>
        %broadcast_in_dim3A_538 = vector.broadcast %squeeze3A_537 : f32 to vector<16xf32>
        %slice3A_539 = vector.extract_strided_slice %mul3A_422 {offsets = [1], sizes = [1], strides = [1]} : vector<16xi32> to vector<1xi32>
        %squeeze3A_540 = vector.extract %slice3A_539[0] : i32 from vector<1xi32>
        %add3A_541 = arith.constant 0 : i32
        %add3A_542 = arith.addi %squeeze3A_540, %add3A_541 : i32
        %get3A_543 = arith.index_cast %add3A_542 : i32 to index
        %get3A_544 = tpu.vector_load %arg9[%get3A_543] {strides = array<i32>} : memref<64000xf32, #tpu.memory_space<vmem>>, vector<16xf32>,
        %get3A_545 = vector.shape_cast %get3A_544 : vector<16xf32> to vector<16xf32>
        %get3A_546 = arith.index_cast %rem3A_380 : i32 to index
        %get3A_547 = arith.index_cast %add3A_535 : i32 to index
        %get3A_548 = arith.constant 0 : index
        %get3A_549 = tpu.vector_load %arg14[%get3A_546, %get3A_547, %get3A_548] {strides = array<i32>} : memref<4x64x128xf32, #tpu.memory_space<vmem>>, vector<1x1x16xf32>,
        %get3A_550 = vector.shape_cast %get3A_549 : vector<1x1x16xf32> to vector<16xf32>
        %mul3A_551 = arith.mulf %get3A_545, %broadcast_in_dim3A_538 : vector<16xf32>
        %swap3A_552 = arith.constant 1 : i32
        %swap3A_553 = arith.index_cast %swap3A_552 : i32 to index
        %swap3A_554 = arith.index_cast %add3A_535 : i32 to index
        %swap3A_555 = arith.constant 0 : index
        %swap3A_556 = tpu.vector_load %arg15[%swap3A_553, %swap3A_554, %swap3A_555] {strides = array<i32>} : memref<2x64x128xf32, #tpu.memory_space<vmem>>, vector<1x1x16xf32>,
        %swap3A_557 = vector.shape_cast %swap3A_556 : vector<1x1x16xf32> to vector<16xf32>
        %swap3A_558 = vector.shape_cast %mul3A_551 : vector<16xf32> to vector<1x1x16xf32>
        tpu.vector_store %arg15[%swap3A_553, %swap3A_554, %swap3A_555], %swap3A_558 {strides = array<i32>} : memref<2x64x128xf32, #tpu.memory_space<vmem>>, vector<1x1x16xf32>,
        %mul3A_559 = arith.mulf %get3A_550, %broadcast_in_dim3A_538 : vector<16xf32>
        %swap3A_560 = arith.constant 1 : i32
        %swap3A_561 = arith.index_cast %swap3A_560 : i32 to index
        %swap3A_562 = arith.index_cast %add3A_535 : i32 to index
        %swap3A_563 = arith.constant 64 : index
        %swap3A_564 = tpu.vector_load %arg15[%swap3A_561, %swap3A_562, %swap3A_563] {strides = array<i32>} : memref<2x64x128xf32, #tpu.memory_space<vmem>>, vector<1x1x16xf32>,
        %swap3A_565 = vector.shape_cast %swap3A_564 : vector<1x1x16xf32> to vector<16xf32>
        %swap3A_566 = vector.shape_cast %mul3A_559 : vector<16xf32> to vector<1x1x16xf32>
        tpu.vector_store %arg15[%swap3A_561, %swap3A_562, %swap3A_563], %swap3A_566 {strides = array<i32>} : memref<2x64x128xf32, #tpu.memory_space<vmem>>, vector<1x1x16xf32>,
        %add3A_567 = arith.constant 16 : i32
        %add3A_568 = arith.addi %squeeze3A_540, %add3A_567 : i32
        %get3A_569 = arith.index_cast %add3A_568 : i32 to index
        %get3A_570 = tpu.vector_load %arg9[%get3A_569] {strides = array<i32>} : memref<64000xf32, #tpu.memory_space<vmem>>, vector<16xf32>,
        %get3A_571 = vector.shape_cast %get3A_570 : vector<16xf32> to vector<16xf32>
        %get3A_572 = arith.index_cast %rem3A_380 : i32 to index
        %get3A_573 = arith.index_cast %add3A_535 : i32 to index
        %get3A_574 = arith.constant 16 : index
        %get3A_575 = tpu.vector_load %arg14[%get3A_572, %get3A_573, %get3A_574] {strides = array<i32>} : memref<4x64x128xf32, #tpu.memory_space<vmem>>, vector<1x1x16xf32>,
        %get3A_576 = vector.shape_cast %get3A_575 : vector<1x1x16xf32> to vector<16xf32>
        %mul3A_577 = arith.mulf %get3A_571, %broadcast_in_dim3A_538 : vector<16xf32>
        %swap3A_578 = arith.constant 1 : i32
        %swap3A_579 = arith.index_cast %swap3A_578 : i32 to index
        %swap3A_580 = arith.index_cast %add3A_535 : i32 to index
        %swap3A_581 = arith.constant 16 : index
        %swap3A_582 = tpu.vector_load %arg15[%swap3A_579, %swap3A_580, %swap3A_581] {strides = array<i32>} : memref<2x64x128xf32, #tpu.memory_space<vmem>>, vector<1x1x16xf32>,
        %swap3A_583 = vector.shape_cast %swap3A_582 : vector<1x1x16xf32> to vector<16xf32>
        %swap3A_584 = vector.shape_cast %mul3A_577 : vector<16xf32> to vector<1x1x16xf32>
        tpu.vector_store %arg15[%swap3A_579, %swap3A_580, %swap3A_581], %swap3A_584 {strides = array<i32>} : memref<2x64x128xf32, #tpu.memory_space<vmem>>, vector<1x1x16xf32>,
        %mul3A_585 = arith.mulf %get3A_576, %broadcast_in_dim3A_538 : vector<16xf32>
        %swap3A_586 = arith.constant 1 : i32
        %swap3A_587 = arith.index_cast %swap3A_586 : i32 to index
        %swap3A_588 = arith.index_cast %add3A_535 : i32 to index
        %swap3A_589 = arith.constant 80 : index
        %swap3A_590 = tpu.vector_load %arg15[%swap3A_587, %swap3A_588, %swap3A_589] {strides = array<i32>} : memref<2x64x128xf32, #tpu.memory_space<vmem>>, vector<1x1x16xf32>,
        %swap3A_591 = vector.shape_cast %swap3A_590 : vector<1x1x16xf32> to vector<16xf32>
        %swap3A_592 = vector.shape_cast %mul3A_585 : vector<16xf32> to vector<1x1x16xf32>
        tpu.vector_store %arg15[%swap3A_587, %swap3A_588, %swap3A_589], %swap3A_592 {strides = array<i32>} : memref<2x64x128xf32, #tpu.memory_space<vmem>>, vector<1x1x16xf32>,
        %add3A_593 = arith.constant 32 : i32
        %add3A_594 = arith.addi %squeeze3A_540, %add3A_593 : i32
        %get3A_595 = arith.index_cast %add3A_594 : i32 to index
        %get3A_596 = tpu.vector_load %arg9[%get3A_595] {strides = array<i32>} : memref<64000xf32, #tpu.memory_space<vmem>>, vector<16xf32>,
        %get3A_597 = vector.shape_cast %get3A_596 : vector<16xf32> to vector<16xf32>
        %get3A_598 = arith.index_cast %rem3A_380 : i32 to index
        %get3A_599 = arith.index_cast %add3A_535 : i32 to index
        %get3A_600 = arith.constant 32 : index
        %get3A_601 = tpu.vector_load %arg14[%get3A_598, %get3A_599, %get3A_600] {strides = array<i32>} : memref<4x64x128xf32, #tpu.memory_space<vmem>>, vector<1x1x16xf32>,
        %get3A_602 = vector.shape_cast %get3A_601 : vector<1x1x16xf32> to vector<16xf32>
        %mul3A_603 = arith.mulf %get3A_597, %broadcast_in_dim3A_538 : vector<16xf32>
        %swap3A_604 = arith.constant 1 : i32
        %swap3A_605 = arith.index_cast %swap3A_604 : i32 to index
        %swap3A_606 = arith.index_cast %add3A_535 : i32 to index
        %swap3A_607 = arith.constant 32 : index
        %swap3A_608 = tpu.vector_load %arg15[%swap3A_605, %swap3A_606, %swap3A_607] {strides = array<i32>} : memref<2x64x128xf32, #tpu.memory_space<vmem>>, vector<1x1x16xf32>,
        %swap3A_609 = vector.shape_cast %swap3A_608 : vector<1x1x16xf32> to vector<16xf32>
        %swap3A_610 = vector.shape_cast %mul3A_603 : vector<16xf32> to vector<1x1x16xf32>
        tpu.vector_store %arg15[%swap3A_605, %swap3A_606, %swap3A_607], %swap3A_610 {strides = array<i32>} : memref<2x64x128xf32, #tpu.memory_space<vmem>>, vector<1x1x16xf32>,
        %mul3A_611 = arith.mulf %get3A_602, %broadcast_in_dim3A_538 : vector<16xf32>
        %swap3A_612 = arith.constant 1 : i32
        %swap3A_613 = arith.index_cast %swap3A_612 : i32 to index
        %swap3A_614 = arith.index_cast %add3A_535 : i32 to index
        %swap3A_615 = arith.constant 96 : index
        %swap3A_616 = tpu.vector_load %arg15[%swap3A_613, %swap3A_614, %swap3A_615] {strides = array<i32>} : memref<2x64x128xf32, #tpu.memory_space<vmem>>, vector<1x1x16xf32>,
        %swap3A_617 = vector.shape_cast %swap3A_616 : vector<1x1x16xf32> to vector<16xf32>
        %swap3A_618 = vector.shape_cast %mul3A_611 : vector<16xf32> to vector<1x1x16xf32>
        tpu.vector_store %arg15[%swap3A_613, %swap3A_614, %swap3A_615], %swap3A_618 {strides = array<i32>} : memref<2x64x128xf32, #tpu.memory_space<vmem>>, vector<1x1x16xf32>,
        %add3A_619 = arith.constant 48 : i32
        %add3A_620 = arith.addi %squeeze3A_540, %add3A_619 : i32
        %get3A_621 = arith.index_cast %add3A_620 : i32 to index
        %get3A_622 = tpu.vector_load %arg9[%get3A_621] {strides = array<i32>} : memref<64000xf32, #tpu.memory_space<vmem>>, vector<16xf32>,
        %get3A_623 = vector.shape_cast %get3A_622 : vector<16xf32> to vector<16xf32>
        %get3A_624 = arith.index_cast %rem3A_380 : i32 to index
        %get3A_625 = arith.index_cast %add3A_535 : i32 to index
        %get3A_626 = arith.constant 48 : index
        %get3A_627 = tpu.vector_load %arg14[%get3A_624, %get3A_625, %get3A_626] {strides = array<i32>} : memref<4x64x128xf32, #tpu.memory_space<vmem>>, vector<1x1x16xf32>,
        %get3A_628 = vector.shape_cast %get3A_627 : vector<1x1x16xf32> to vector<16xf32>
        %mul3A_629 = arith.mulf %get3A_623, %broadcast_in_dim3A_538 : vector<16xf32>
        %swap3A_630 = arith.constant 1 : i32
        %swap3A_631 = arith.index_cast %swap3A_630 : i32 to index
        %swap3A_632 = arith.index_cast %add3A_535 : i32 to index
        %swap3A_633 = arith.constant 48 : index
        %swap3A_634 = tpu.vector_load %arg15[%swap3A_631, %swap3A_632, %swap3A_633] {strides = array<i32>} : memref<2x64x128xf32, #tpu.memory_space<vmem>>, vector<1x1x16xf32>,
        %swap3A_635 = vector.shape_cast %swap3A_634 : vector<1x1x16xf32> to vector<16xf32>
        %swap3A_636 = vector.shape_cast %mul3A_629 : vector<16xf32> to vector<1x1x16xf32>
        tpu.vector_store %arg15[%swap3A_631, %swap3A_632, %swap3A_633], %swap3A_636 {strides = array<i32>} : memref<2x64x128xf32, #tpu.memory_space<vmem>>, vector<1x1x16xf32>,
        %mul3A_637 = arith.mulf %get3A_628, %broadcast_in_dim3A_538 : vector<16xf32>
        %swap3A_638 = arith.constant 1 : i32
        %swap3A_639 = arith.index_cast %swap3A_638 : i32 to index
        %swap3A_640 = arith.index_cast %add3A_535 : i32 to index
        %swap3A_641 = arith.constant 112 : index
        %swap3A_642 = tpu.vector_load %arg15[%swap3A_639, %swap3A_640, %swap3A_641] {strides = array<i32>} : memref<2x64x128xf32, #tpu.memory_space<vmem>>, vector<1x1x16xf32>,
        %swap3A_643 = vector.shape_cast %swap3A_642 : vector<1x1x16xf32> to vector<16xf32>
        %swap3A_644 = vector.shape_cast %mul3A_637 : vector<16xf32> to vector<1x1x16xf32>
        tpu.vector_store %arg15[%swap3A_639, %swap3A_640, %swap3A_641], %swap3A_644 {strides = array<i32>} : memref<2x64x128xf32, #tpu.memory_space<vmem>>, vector<1x1x16xf32>,
        %mul3A_645 = arith.constant 16 : i32
        %mul3A_646 = arith.muli %scan3A_404, %mul3A_645 : i32
        %add3A_647 = arith.constant 2 : i32
        %add3A_648 = arith.addi %mul3A_646, %add3A_647 : i32
        %slice3A_649 = vector.extract_strided_slice %get3A_414 {offsets = [2], sizes = [1], strides = [1]} : vector<16xf32> to vector<1xf32>
        %squeeze3A_650 = vector.extract %slice3A_649[0] : f32 from vector<1xf32>
        %broadcast_in_dim3A_651 = vector.broadcast %squeeze3A_650 : f32 to vector<16xf32>
        %slice3A_652 = vector.extract_strided_slice %mul3A_422 {offsets = [2], sizes = [1], strides = [1]} : vector<16xi32> to vector<1xi32>
        %squeeze3A_653 = vector.extract %slice3A_652[0] : i32 from vector<1xi32>
        %add3A_654 = arith.constant 0 : i32
        %add3A_655 = arith.addi %squeeze3A_653, %add3A_654 : i32
        %get3A_656 = arith.index_cast %add3A_655 : i32 to index
        %get3A_657 = tpu.vector_load %arg9[%get3A_656] {strides = array<i32>} : memref<64000xf32, #tpu.memory_space<vmem>>, vector<16xf32>,
        %get3A_658 = vector.shape_cast %get3A_657 : vector<16xf32> to vector<16xf32>
        %get3A_659 = arith.index_cast %rem3A_380 : i32 to index
        %get3A_660 = arith.index_cast %add3A_648 : i32 to index
        %get3A_661 = arith.constant 0 : index
        %get3A_662 = tpu.vector_load %arg14[%get3A_659, %get3A_660, %get3A_661] {strides = array<i32>} : memref<4x64x128xf32, #tpu.memory_space<vmem>>, vector<1x1x16xf32>,
        %get3A_663 = vector.shape_cast %get3A_662 : vector<1x1x16xf32> to vector<16xf32>
        %mul3A_664 = arith.mulf %get3A_658, %broadcast_in_dim3A_651 : vector<16xf32>
        %swap3A_665 = arith.constant 1 : i32
        %swap3A_666 = arith.index_cast %swap3A_665 : i32 to index
        %swap3A_667 = arith.index_cast %add3A_648 : i32 to index
        %swap3A_668 = arith.constant 0 : index
        %swap3A_669 = tpu.vector_load %arg15[%swap3A_666, %swap3A_667, %swap3A_668] {strides = array<i32>} : memref<2x64x128xf32, #tpu.memory_space<vmem>>, vector<1x1x16xf32>,
        %swap3A_670 = vector.shape_cast %swap3A_669 : vector<1x1x16xf32> to vector<16xf32>
        %swap3A_671 = vector.shape_cast %mul3A_664 : vector<16xf32> to vector<1x1x16xf32>
        tpu.vector_store %arg15[%swap3A_666, %swap3A_667, %swap3A_668], %swap3A_671 {strides = array<i32>} : memref<2x64x128xf32, #tpu.memory_space<vmem>>, vector<1x1x16xf32>,
        %mul3A_672 = arith.mulf %get3A_663, %broadcast_in_dim3A_651 : vector<16xf32>
        %swap3A_673 = arith.constant 1 : i32
        %swap3A_674 = arith.index_cast %swap3A_673 : i32 to index
        %swap3A_675 = arith.index_cast %add3A_648 : i32 to index
        %swap3A_676 = arith.constant 64 : index
        %swap3A_677 = tpu.vector_load %arg15[%swap3A_674, %swap3A_675, %swap3A_676] {strides = array<i32>} : memref<2x64x128xf32, #tpu.memory_space<vmem>>, vector<1x1x16xf32>,
        %swap3A_678 = vector.shape_cast %swap3A_677 : vector<1x1x16xf32> to vector<16xf32>
        %swap3A_679 = vector.shape_cast %mul3A_672 : vector<16xf32> to vector<1x1x16xf32>
        tpu.vector_store %arg15[%swap3A_674, %swap3A_675, %swap3A_676], %swap3A_679 {strides = array<i32>} : memref<2x64x128xf32, #tpu.memory_space<vmem>>, vector<1x1x16xf32>,
        %add3A_680 = arith.constant 16 : i32
        %add3A_681 = arith.addi %squeeze3A_653, %add3A_680 : i32
        %get3A_682 = arith.index_cast %add3A_681 : i32 to index
        %get3A_683 = tpu.vector_load %arg9[%get3A_682] {strides = array<i32>} : memref<64000xf32, #tpu.memory_space<vmem>>, vector<16xf32>,
        %get3A_684 = vector.shape_cast %get3A_683 : vector<16xf32> to vector<16xf32>
        %get3A_685 = arith.index_cast %rem3A_380 : i32 to index
        %get3A_686 = arith.index_cast %add3A_648 : i32 to index
        %get3A_687 = arith.constant 16 : index
        %get3A_688 = tpu.vector_load %arg14[%get3A_685, %get3A_686, %get3A_687] {strides = array<i32>} : memref<4x64x128xf32, #tpu.memory_space<vmem>>, vector<1x1x16xf32>,
        %get3A_689 = vector.shape_cast %get3A_688 : vector<1x1x16xf32> to vector<16xf32>
        %mul3A_690 = arith.mulf %get3A_684, %broadcast_in_dim3A_651 : vector<16xf32>
        %swap3A_691 = arith.constant 1 : i32
        %swap3A_692 = arith.index_cast %swap3A_691 : i32 to index
        %swap3A_693 = arith.index_cast %add3A_648 : i32 to index
        %swap3A_694 = arith.constant 16 : index
        %swap3A_695 = tpu.vector_load %arg15[%swap3A_692, %swap3A_693, %swap3A_694] {strides = array<i32>} : memref<2x64x128xf32, #tpu.memory_space<vmem>>, vector<1x1x16xf32>,
        %swap3A_696 = vector.shape_cast %swap3A_695 : vector<1x1x16xf32> to vector<16xf32>
        %swap3A_697 = vector.shape_cast %mul3A_690 : vector<16xf32> to vector<1x1x16xf32>
        tpu.vector_store %arg15[%swap3A_692, %swap3A_693, %swap3A_694], %swap3A_697 {strides = array<i32>} : memref<2x64x128xf32, #tpu.memory_space<vmem>>, vector<1x1x16xf32>,
        %mul3A_698 = arith.mulf %get3A_689, %broadcast_in_dim3A_651 : vector<16xf32>
        %swap3A_699 = arith.constant 1 : i32
        %swap3A_700 = arith.index_cast %swap3A_699 : i32 to index
        %swap3A_701 = arith.index_cast %add3A_648 : i32 to index
        %swap3A_702 = arith.constant 80 : index
        %swap3A_703 = tpu.vector_load %arg15[%swap3A_700, %swap3A_701, %swap3A_702] {strides = array<i32>} : memref<2x64x128xf32, #tpu.memory_space<vmem>>, vector<1x1x16xf32>,
        %swap3A_704 = vector.shape_cast %swap3A_703 : vector<1x1x16xf32> to vector<16xf32>
        %swap3A_705 = vector.shape_cast %mul3A_698 : vector<16xf32> to vector<1x1x16xf32>
        tpu.vector_store %arg15[%swap3A_700, %swap3A_701, %swap3A_702], %swap3A_705 {strides = array<i32>} : memref<2x64x128xf32, #tpu.memory_space<vmem>>, vector<1x1x16xf32>,
        %add3A_706 = arith.constant 32 : i32
        %add3A_707 = arith.addi %squeeze3A_653, %add3A_706 : i32
        %get3A_708 = arith.index_cast %add3A_707 : i32 to index
        %get3A_709 = tpu.vector_load %arg9[%get3A_708] {strides = array<i32>} : memref<64000xf32, #tpu.memory_space<vmem>>, vector<16xf32>,
        %get3A_710 = vector.shape_cast %get3A_709 : vector<16xf32> to vector<16xf32>
        %get3A_711 = arith.index_cast %rem3A_380 : i32 to index
        %get3A_712 = arith.index_cast %add3A_648 : i32 to index
        %get3A_713 = arith.constant 32 : index
        %get3A_714 = tpu.vector_load %arg14[%get3A_711, %get3A_712, %get3A_713] {strides = array<i32>} : memref<4x64x128xf32, #tpu.memory_space<vmem>>, vector<1x1x16xf32>,
        %get3A_715 = vector.shape_cast %get3A_714 : vector<1x1x16xf32> to vector<16xf32>
        %mul3A_716 = arith.mulf %get3A_710, %broadcast_in_dim3A_651 : vector<16xf32>
        %swap3A_717 = arith.constant 1 : i32
        %swap3A_718 = arith.index_cast %swap3A_717 : i32 to index
        %swap3A_719 = arith.index_cast %add3A_648 : i32 to index
        %swap3A_720 = arith.constant 32 : index
        %swap3A_721 = tpu.vector_load %arg15[%swap3A_718, %swap3A_719, %swap3A_720] {strides = array<i32>} : memref<2x64x128xf32, #tpu.memory_space<vmem>>, vector<1x1x16xf32>,
        %swap3A_722 = vector.shape_cast %swap3A_721 : vector<1x1x16xf32> to vector<16xf32>
        %swap3A_723 = vector.shape_cast %mul3A_716 : vector<16xf32> to vector<1x1x16xf32>
        tpu.vector_store %arg15[%swap3A_718, %swap3A_719, %swap3A_720], %swap3A_723 {strides = array<i32>} : memref<2x64x128xf32, #tpu.memory_space<vmem>>, vector<1x1x16xf32>,
        %mul3A_724 = arith.mulf %get3A_715, %broadcast_in_dim3A_651 : vector<16xf32>
        %swap3A_725 = arith.constant 1 : i32
        %swap3A_726 = arith.index_cast %swap3A_725 : i32 to index
        %swap3A_727 = arith.index_cast %add3A_648 : i32 to index
        %swap3A_728 = arith.constant 96 : index
        %swap3A_729 = tpu.vector_load %arg15[%swap3A_726, %swap3A_727, %swap3A_728] {strides = array<i32>} : memref<2x64x128xf32, #tpu.memory_space<vmem>>, vector<1x1x16xf32>,
        %swap3A_730 = vector.shape_cast %swap3A_729 : vector<1x1x16xf32> to vector<16xf32>
        %swap3A_731 = vector.shape_cast %mul3A_724 : vector<16xf32> to vector<1x1x16xf32>
        tpu.vector_store %arg15[%swap3A_726, %swap3A_727, %swap3A_728], %swap3A_731 {strides = array<i32>} : memref<2x64x128xf32, #tpu.memory_space<vmem>>, vector<1x1x16xf32>,
        %add3A_732 = arith.constant 48 : i32
        %add3A_733 = arith.addi %squeeze3A_653, %add3A_732 : i32
        %get3A_734 = arith.index_cast %add3A_733 : i32 to index
        %get3A_735 = tpu.vector_load %arg9[%get3A_734] {strides = array<i32>} : memref<64000xf32, #tpu.memory_space<vmem>>, vector<16xf32>,
        %get3A_736 = vector.shape_cast %get3A_735 : vector<16xf32> to vector<16xf32>
        %get3A_737 = arith.index_cast %rem3A_380 : i32 to index
        %get3A_738 = arith.index_cast %add3A_648 : i32 to index
        %get3A_739 = arith.constant 48 : index
        %get3A_740 = tpu.vector_load %arg14[%get3A_737, %get3A_738, %get3A_739] {strides = array<i32>} : memref<4x64x128xf32, #tpu.memory_space<vmem>>, vector<1x1x16xf32>,
        %get3A_741 = vector.shape_cast %get3A_740 : vector<1x1x16xf32> to vector<16xf32>
        %mul3A_742 = arith.mulf %get3A_736, %broadcast_in_dim3A_651 : vector<16xf32>
        %swap3A_743 = arith.constant 1 : i32
        %swap3A_744 = arith.index_cast %swap3A_743 : i32 to index
        %swap3A_745 = arith.index_cast %add3A_648 : i32 to index
        %swap3A_746 = arith.constant 48 : index
        %swap3A_747 = tpu.vector_load %arg15[%swap3A_744, %swap3A_745, %swap3A_746] {strides = array<i32>} : memref<2x64x128xf32, #tpu.memory_space<vmem>>, vector<1x1x16xf32>,
        %swap3A_748 = vector.shape_cast %swap3A_747 : vector<1x1x16xf32> to vector<16xf32>
        %swap3A_749 = vector.shape_cast %mul3A_742 : vector<16xf32> to vector<1x1x16xf32>
        tpu.vector_store %arg15[%swap3A_744, %swap3A_745, %swap3A_746], %swap3A_749 {strides = array<i32>} : memref<2x64x128xf32, #tpu.memory_space<vmem>>, vector<1x1x16xf32>,
        %mul3A_750 = arith.mulf %get3A_741, %broadcast_in_dim3A_651 : vector<16xf32>
        %swap3A_751 = arith.constant 1 : i32
        %swap3A_752 = arith.index_cast %swap3A_751 : i32 to index
        %swap3A_753 = arith.index_cast %add3A_648 : i32 to index
        %swap3A_754 = arith.constant 112 : index
        %swap3A_755 = tpu.vector_load %arg15[%swap3A_752, %swap3A_753, %swap3A_754] {strides = array<i32>} : memref<2x64x128xf32, #tpu.memory_space<vmem>>, vector<1x1x16xf32>,
        %swap3A_756 = vector.shape_cast %swap3A_755 : vector<1x1x16xf32> to vector<16xf32>
        %swap3A_757 = vector.shape_cast %mul3A_750 : vector<16xf32> to vector<1x1x16xf32>
        tpu.vector_store %arg15[%swap3A_752, %swap3A_753, %swap3A_754], %swap3A_757 {strides = array<i32>} : memref<2x64x128xf32, #tpu.memory_space<vmem>>, vector<1x1x16xf32>,
        %mul3A_758 = arith.constant 16 : i32
        %mul3A_759 = arith.muli %scan3A_404, %mul3A_758 : i32
        %add3A_760 = arith.constant 3 : i32
        %add3A_761 = arith.addi %mul3A_759, %add3A_760 : i32
        %slice3A_762 = vector.extract_strided_slice %get3A_414 {offsets = [3], sizes = [1], strides = [1]} : vector<16xf32> to vector<1xf32>
        %squeeze3A_763 = vector.extract %slice3A_762[0] : f32 from vector<1xf32>
        %broadcast_in_dim3A_764 = vector.broadcast %squeeze3A_763 : f32 to vector<16xf32>
        %slice3A_765 = vector.extract_strided_slice %mul3A_422 {offsets = [3], sizes = [1], strides = [1]} : vector<16xi32> to vector<1xi32>
        %squeeze3A_766 = vector.extract %slice3A_765[0] : i32 from vector<1xi32>
        %add3A_767 = arith.constant 0 : i32
        %add3A_768 = arith.addi %squeeze3A_766, %add3A_767 : i32
        %get3A_769 = arith.index_cast %add3A_768 : i32 to index
        %get3A_770 = tpu.vector_load %arg9[%get3A_769] {strides = array<i32>} : memref<64000xf32, #tpu.memory_space<vmem>>, vector<16xf32>,
        %get3A_771 = vector.shape_cast %get3A_770 : vector<16xf32> to vector<16xf32>
        %get3A_772 = arith.index_cast %rem3A_380 : i32 to index
        %get3A_773 = arith.index_cast %add3A_761 : i32 to index
        %get3A_774 = arith.constant 0 : index
        %get3A_775 = tpu.vector_load %arg14[%get3A_772, %get3A_773, %get3A_774] {strides = array<i32>} : memref<4x64x128xf32, #tpu.memory_space<vmem>>, vector<1x1x16xf32>,
        %get3A_776 = vector.shape_cast %get3A_775 : vector<1x1x16xf32> to vector<16xf32>
        %mul3A_777 = arith.mulf %get3A_771, %broadcast_in_dim3A_764 : vector<16xf32>
        %swap3A_778 = arith.constant 1 : i32
        %swap3A_779 = arith.index_cast %swap3A_778 : i32 to index
        %swap3A_780 = arith.index_cast %add3A_761 : i32 to index
        %swap3A_781 = arith.constant 0 : index
        %swap3A_782 = tpu.vector_load %arg15[%swap3A_779, %swap3A_780, %swap3A_781] {strides = array<i32>} : memref<2x64x128xf32, #tpu.memory_space<vmem>>, vector<1x1x16xf32>,
        %swap3A_783 = vector.shape_cast %swap3A_782 : vector<1x1x16xf32> to vector<16xf32>
        %swap3A_784 = vector.shape_cast %mul3A_777 : vector<16xf32> to vector<1x1x16xf32>
        tpu.vector_store %arg15[%swap3A_779, %swap3A_780, %swap3A_781], %swap3A_784 {strides = array<i32>} : memref<2x64x128xf32, #tpu.memory_space<vmem>>, vector<1x1x16xf32>,
        %mul3A_785 = arith.mulf %get3A_776, %broadcast_in_dim3A_764 : vector<16xf32>
        %swap3A_786 = arith.constant 1 : i32
        %swap3A_787 = arith.index_cast %swap3A_786 : i32 to index
        %swap3A_788 = arith.index_cast %add3A_761 : i32 to index
        %swap3A_789 = arith.constant 64 : index
        %swap3A_790 = tpu.vector_load %arg15[%swap3A_787, %swap3A_788, %swap3A_789] {strides = array<i32>} : memref<2x64x128xf32, #tpu.memory_space<vmem>>, vector<1x1x16xf32>,
        %swap3A_791 = vector.shape_cast %swap3A_790 : vector<1x1x16xf32> to vector<16xf32>
        %swap3A_792 = vector.shape_cast %mul3A_785 : vector<16xf32> to vector<1x1x16xf32>
        tpu.vector_store %arg15[%swap3A_787, %swap3A_788, %swap3A_789], %swap3A_792 {strides = array<i32>} : memref<2x64x128xf32, #tpu.memory_space<vmem>>, vector<1x1x16xf32>,
        %add3A_793 = arith.constant 16 : i32
        %add3A_794 = arith.addi %squeeze3A_766, %add3A_793 : i32
        %get3A_795 = arith.index_cast %add3A_794 : i32 to index
        %get3A_796 = tpu.vector_load %arg9[%get3A_795] {strides = array<i32>} : memref<64000xf32, #tpu.memory_space<vmem>>, vector<16xf32>,
        %get3A_797 = vector.shape_cast %get3A_796 : vector<16xf32> to vector<16xf32>
        %get3A_798 = arith.index_cast %rem3A_380 : i32 to index
        %get3A_799 = arith.index_cast %add3A_761 : i32 to index
        %get3A_800 = arith.constant 16 : index
        %get3A_801 = tpu.vector_load %arg14[%get3A_798, %get3A_799, %get3A_800] {strides = array<i32>} : memref<4x64x128xf32, #tpu.memory_space<vmem>>, vector<1x1x16xf32>,
        %get3A_802 = vector.shape_cast %get3A_801 : vector<1x1x16xf32> to vector<16xf32>
        %mul3A_803 = arith.mulf %get3A_797, %broadcast_in_dim3A_764 : vector<16xf32>
        %swap3A_804 = arith.constant 1 : i32
        %swap3A_805 = arith.index_cast %swap3A_804 : i32 to index
        %swap3A_806 = arith.index_cast %add3A_761 : i32 to index
        %swap3A_807 = arith.constant 16 : index
        %swap3A_808 = tpu.vector_load %arg15[%swap3A_805, %swap3A_806, %swap3A_807] {strides = array<i32>} : memref<2x64x128xf32, #tpu.memory_space<vmem>>, vector<1x1x16xf32>,
        %swap3A_809 = vector.shape_cast %swap3A_808 : vector<1x1x16xf32> to vector<16xf32>
        %swap3A_810 = vector.shape_cast %mul3A_803 : vector<16xf32> to vector<1x1x16xf32>
        tpu.vector_store %arg15[%swap3A_805, %swap3A_806, %swap3A_807], %swap3A_810 {strides = array<i32>} : memref<2x64x128xf32, #tpu.memory_space<vmem>>, vector<1x1x16xf32>,
        %mul3A_811 = arith.mulf %get3A_802, %broadcast_in_dim3A_764 : vector<16xf32>
        %swap3A_812 = arith.constant 1 : i32
        %swap3A_813 = arith.index_cast %swap3A_812 : i32 to index
        %swap3A_814 = arith.index_cast %add3A_761 : i32 to index
        %swap3A_815 = arith.constant 80 : index
        %swap3A_816 = tpu.vector_load %arg15[%swap3A_813, %swap3A_814, %swap3A_815] {strides = array<i32>} : memref<2x64x128xf32, #tpu.memory_space<vmem>>, vector<1x1x16xf32>,
        %swap3A_817 = vector.shape_cast %swap3A_816 : vector<1x1x16xf32> to vector<16xf32>
        %swap3A_818 = vector.shape_cast %mul3A_811 : vector<16xf32> to vector<1x1x16xf32>
        tpu.vector_store %arg15[%swap3A_813, %swap3A_814, %swap3A_815], %swap3A_818 {strides = array<i32>} : memref<2x64x128xf32, #tpu.memory_space<vmem>>, vector<1x1x16xf32>,
        %add3A_819 = arith.constant 32 : i32
        %add3A_820 = arith.addi %squeeze3A_766, %add3A_819 : i32
        %get3A_821 = arith.index_cast %add3A_820 : i32 to index
        %get3A_822 = tpu.vector_load %arg9[%get3A_821] {strides = array<i32>} : memref<64000xf32, #tpu.memory_space<vmem>>, vector<16xf32>,
        %get3A_823 = vector.shape_cast %get3A_822 : vector<16xf32> to vector<16xf32>
        %get3A_824 = arith.index_cast %rem3A_380 : i32 to index
        %get3A_825 = arith.index_cast %add3A_761 : i32 to index
        %get3A_826 = arith.constant 32 : index
        %get3A_827 = tpu.vector_load %arg14[%get3A_824, %get3A_825, %get3A_826] {strides = array<i32>} : memref<4x64x128xf32, #tpu.memory_space<vmem>>, vector<1x1x16xf32>,
        %get3A_828 = vector.shape_cast %get3A_827 : vector<1x1x16xf32> to vector<16xf32>
        %mul3A_829 = arith.mulf %get3A_823, %broadcast_in_dim3A_764 : vector<16xf32>
        %swap3A_830 = arith.constant 1 : i32
        %swap3A_831 = arith.index_cast %swap3A_830 : i32 to index
        %swap3A_832 = arith.index_cast %add3A_761 : i32 to index
        %swap3A_833 = arith.constant 32 : index
        %swap3A_834 = tpu.vector_load %arg15[%swap3A_831, %swap3A_832, %swap3A_833] {strides = array<i32>} : memref<2x64x128xf32, #tpu.memory_space<vmem>>, vector<1x1x16xf32>,
        %swap3A_835 = vector.shape_cast %swap3A_834 : vector<1x1x16xf32> to vector<16xf32>
        %swap3A_836 = vector.shape_cast %mul3A_829 : vector<16xf32> to vector<1x1x16xf32>
        tpu.vector_store %arg15[%swap3A_831, %swap3A_832, %swap3A_833], %swap3A_836 {strides = array<i32>} : memref<2x64x128xf32, #tpu.memory_space<vmem>>, vector<1x1x16xf32>,
        %mul3A_837 = arith.mulf %get3A_828, %broadcast_in_dim3A_764 : vector<16xf32>
        %swap3A_838 = arith.constant 1 : i32
        %swap3A_839 = arith.index_cast %swap3A_838 : i32 to index
        %swap3A_840 = arith.index_cast %add3A_761 : i32 to index
        %swap3A_841 = arith.constant 96 : index
        %swap3A_842 = tpu.vector_load %arg15[%swap3A_839, %swap3A_840, %swap3A_841] {strides = array<i32>} : memref<2x64x128xf32, #tpu.memory_space<vmem>>, vector<1x1x16xf32>,
        %swap3A_843 = vector.shape_cast %swap3A_842 : vector<1x1x16xf32> to vector<16xf32>
        %swap3A_844 = vector.shape_cast %mul3A_837 : vector<16xf32> to vector<1x1x16xf32>
        tpu.vector_store %arg15[%swap3A_839, %swap3A_840, %swap3A_841], %swap3A_844 {strides = array<i32>} : memref<2x64x128xf32, #tpu.memory_space<vmem>>, vector<1x1x16xf32>,
        %add3A_845 = arith.constant 48 : i32
        %add3A_846 = arith.addi %squeeze3A_766, %add3A_845 : i32
        %get3A_847 = arith.index_cast %add3A_846 : i32 to index
        %get3A_848 = tpu.vector_load %arg9[%get3A_847] {strides = array<i32>} : memref<64000xf32, #tpu.memory_space<vmem>>, vector<16xf32>,
        %get3A_849 = vector.shape_cast %get3A_848 : vector<16xf32> to vector<16xf32>
        %get3A_850 = arith.index_cast %rem3A_380 : i32 to index
        %get3A_851 = arith.index_cast %add3A_761 : i32 to index
        %get3A_852 = arith.constant 48 : index
        %get3A_853 = tpu.vector_load %arg14[%get3A_850, %get3A_851, %get3A_852] {strides = array<i32>} : memref<4x64x128xf32, #tpu.memory_space<vmem>>, vector<1x1x16xf32>,
        %get3A_854 = vector.shape_cast %get3A_853 : vector<1x1x16xf32> to vector<16xf32>
        %mul3A_855 = arith.mulf %get3A_849, %broadcast_in_dim3A_764 : vector<16xf32>
        %swap3A_856 = arith.constant 1 : i32
        %swap3A_857 = arith.index_cast %swap3A_856 : i32 to index
        %swap3A_858 = arith.index_cast %add3A_761 : i32 to index
        %swap3A_859 = arith.constant 48 : index
        %swap3A_860 = tpu.vector_load %arg15[%swap3A_857, %swap3A_858, %swap3A_859] {strides = array<i32>} : memref<2x64x128xf32, #tpu.memory_space<vmem>>, vector<1x1x16xf32>,
        %swap3A_861 = vector.shape_cast %swap3A_860 : vector<1x1x16xf32> to vector<16xf32>
        %swap3A_862 = vector.shape_cast %mul3A_855 : vector<16xf32> to vector<1x1x16xf32>
        tpu.vector_store %arg15[%swap3A_857, %swap3A_858, %swap3A_859], %swap3A_862 {strides = array<i32>} : memref<2x64x128xf32, #tpu.memory_space<vmem>>, vector<1x1x16xf32>,
        %mul3A_863 = arith.mulf %get3A_854, %broadcast_in_dim3A_764 : vector<16xf32>
        %swap3A_864 = arith.constant 1 : i32
        %swap3A_865 = arith.index_cast %swap3A_864 : i32 to index
        %swap3A_866 = arith.index_cast %add3A_761 : i32 to index
        %swap3A_867 = arith.constant 112 : index
        %swap3A_868 = tpu.vector_load %arg15[%swap3A_865, %swap3A_866, %swap3A_867] {strides = array<i32>} : memref<2x64x128xf32, #tpu.memory_space<vmem>>, vector<1x1x16xf32>,
        %swap3A_869 = vector.shape_cast %swap3A_868 : vector<1x1x16xf32> to vector<16xf32>
        %swap3A_870 = vector.shape_cast %mul3A_863 : vector<16xf32> to vector<1x1x16xf32>
        tpu.vector_store %arg15[%swap3A_865, %swap3A_866, %swap3A_867], %swap3A_870 {strides = array<i32>} : memref<2x64x128xf32, #tpu.memory_space<vmem>>, vector<1x1x16xf32>,
        %mul3A_871 = arith.constant 16 : i32
        %mul3A_872 = arith.muli %scan3A_404, %mul3A_871 : i32
        %add3A_873 = arith.constant 4 : i32
        %add3A_874 = arith.addi %mul3A_872, %add3A_873 : i32
        %slice3A_875 = vector.extract_strided_slice %get3A_414 {offsets = [4], sizes = [1], strides = [1]} : vector<16xf32> to vector<1xf32>
        %squeeze3A_876 = vector.extract %slice3A_875[0] : f32 from vector<1xf32>
        %broadcast_in_dim3A_877 = vector.broadcast %squeeze3A_876 : f32 to vector<16xf32>
        %slice3A_878 = vector.extract_strided_slice %mul3A_422 {offsets = [4], sizes = [1], strides = [1]} : vector<16xi32> to vector<1xi32>
        %squeeze3A_879 = vector.extract %slice3A_878[0] : i32 from vector<1xi32>
        %add3A_880 = arith.constant 0 : i32
        %add3A_881 = arith.addi %squeeze3A_879, %add3A_880 : i32
        %get3A_882 = arith.index_cast %add3A_881 : i32 to index
        %get3A_883 = tpu.vector_load %arg9[%get3A_882] {strides = array<i32>} : memref<64000xf32, #tpu.memory_space<vmem>>, vector<16xf32>,
        %get3A_884 = vector.shape_cast %get3A_883 : vector<16xf32> to vector<16xf32>
        %get3A_885 = arith.index_cast %rem3A_380 : i32 to index
        %get3A_886 = arith.index_cast %add3A_874 : i32 to index
        %get3A_887 = arith.constant 0 : index
        %get3A_888 = tpu.vector_load %arg14[%get3A_885, %get3A_886, %get3A_887] {strides = array<i32>} : memref<4x64x128xf32, #tpu.memory_space<vmem>>, vector<1x1x16xf32>,
        %get3A_889 = vector.shape_cast %get3A_888 : vector<1x1x16xf32> to vector<16xf32>
        %mul3A_890 = arith.mulf %get3A_884, %broadcast_in_dim3A_877 : vector<16xf32>
        %swap3A_891 = arith.constant 1 : i32
        %swap3A_892 = arith.index_cast %swap3A_891 : i32 to index
        %swap3A_893 = arith.index_cast %add3A_874 : i32 to index
        %swap3A_894 = arith.constant 0 : index
        %swap3A_895 = tpu.vector_load %arg15[%swap3A_892, %swap3A_893, %swap3A_894] {strides = array<i32>} : memref<2x64x128xf32, #tpu.memory_space<vmem>>, vector<1x1x16xf32>,
        %swap3A_896 = vector.shape_cast %swap3A_895 : vector<1x1x16xf32> to vector<16xf32>
        %swap3A_897 = vector.shape_cast %mul3A_890 : vector<16xf32> to vector<1x1x16xf32>
        tpu.vector_store %arg15[%swap3A_892, %swap3A_893, %swap3A_894], %swap3A_897 {strides = array<i32>} : memref<2x64x128xf32, #tpu.memory_space<vmem>>, vector<1x1x16xf32>,
        %mul3A_898 = arith.mulf %get3A_889, %broadcast_in_dim3A_877 : vector<16xf32>
        %swap3A_899 = arith.constant 1 : i32
        %swap3A_900 = arith.index_cast %swap3A_899 : i32 to index
        %swap3A_901 = arith.index_cast %add3A_874 : i32 to index
        %swap3A_902 = arith.constant 64 : index
        %swap3A_903 = tpu.vector_load %arg15[%swap3A_900, %swap3A_901, %swap3A_902] {strides = array<i32>} : memref<2x64x128xf32, #tpu.memory_space<vmem>>, vector<1x1x16xf32>,
        %swap3A_904 = vector.shape_cast %swap3A_903 : vector<1x1x16xf32> to vector<16xf32>
        %swap3A_905 = vector.shape_cast %mul3A_898 : vector<16xf32> to vector<1x1x16xf32>
        tpu.vector_store %arg15[%swap3A_900, %swap3A_901, %swap3A_902], %swap3A_905 {strides = array<i32>} : memref<2x64x128xf32, #tpu.memory_space<vmem>>, vector<1x1x16xf32>,
        %add3A_906 = arith.constant 16 : i32
        %add3A_907 = arith.addi %squeeze3A_879, %add3A_906 : i32
        %get3A_908 = arith.index_cast %add3A_907 : i32 to index
        %get3A_909 = tpu.vector_load %arg9[%get3A_908] {strides = array<i32>} : memref<64000xf32, #tpu.memory_space<vmem>>, vector<16xf32>,
        %get3A_910 = vector.shape_cast %get3A_909 : vector<16xf32> to vector<16xf32>
        %get3A_911 = arith.index_cast %rem3A_380 : i32 to index
        %get3A_912 = arith.index_cast %add3A_874 : i32 to index
        %get3A_913 = arith.constant 16 : index
        %get3A_914 = tpu.vector_load %arg14[%get3A_911, %get3A_912, %get3A_913] {strides = array<i32>} : memref<4x64x128xf32, #tpu.memory_space<vmem>>, vector<1x1x16xf32>,
        %get3A_915 = vector.shape_cast %get3A_914 : vector<1x1x16xf32> to vector<16xf32>
        %mul3A_916 = arith.mulf %get3A_910, %broadcast_in_dim3A_877 : vector<16xf32>
        %swap3A_917 = arith.constant 1 : i32
        %swap3A_918 = arith.index_cast %swap3A_917 : i32 to index
        %swap3A_919 = arith.index_cast %add3A_874 : i32 to index
        %swap3A_920 = arith.constant 16 : index
        %swap3A_921 = tpu.vector_load %arg15[%swap3A_918, %swap3A_919, %swap3A_920] {strides = array<i32>} : memref<2x64x128xf32, #tpu.memory_space<vmem>>, vector<1x1x16xf32>,
        %swap3A_922 = vector.shape_cast %swap3A_921 : vector<1x1x16xf32> to vector<16xf32>
        %swap3A_923 = vector.shape_cast %mul3A_916 : vector<16xf32> to vector<1x1x16xf32>
        tpu.vector_store %arg15[%swap3A_918, %swap3A_919, %swap3A_920], %swap3A_923 {strides = array<i32>} : memref<2x64x128xf32, #tpu.memory_space<vmem>>, vector<1x1x16xf32>,
        %mul3A_924 = arith.mulf %get3A_915, %broadcast_in_dim3A_877 : vector<16xf32>
        %swap3A_925 = arith.constant 1 : i32
        %swap3A_926 = arith.index_cast %swap3A_925 : i32 to index
        %swap3A_927 = arith.index_cast %add3A_874 : i32 to index
        %swap3A_928 = arith.constant 80 : index
        %swap3A_929 = tpu.vector_load %arg15[%swap3A_926, %swap3A_927, %swap3A_928] {strides = array<i32>} : memref<2x64x128xf32, #tpu.memory_space<vmem>>, vector<1x1x16xf32>,
        %swap3A_930 = vector.shape_cast %swap3A_929 : vector<1x1x16xf32> to vector<16xf32>
        %swap3A_931 = vector.shape_cast %mul3A_924 : vector<16xf32> to vector<1x1x16xf32>
        tpu.vector_store %arg15[%swap3A_926, %swap3A_927, %swap3A_928], %swap3A_931 {strides = array<i32>} : memref<2x64x128xf32, #tpu.memory_space<vmem>>, vector<1x1x16xf32>,
        %add3A_932 = arith.constant 32 : i32
        %add3A_933 = arith.addi %squeeze3A_879, %add3A_932 : i32
        %get3A_934 = arith.index_cast %add3A_933 : i32 to index
        %get3A_935 = tpu.vector_load %arg9[%get3A_934] {strides = array<i32>} : memref<64000xf32, #tpu.memory_space<vmem>>, vector<16xf32>,
        %get3A_936 = vector.shape_cast %get3A_935 : vector<16xf32> to vector<16xf32>
        %get3A_937 = arith.index_cast %rem3A_380 : i32 to index
        %get3A_938 = arith.index_cast %add3A_874 : i32 to index
        %get3A_939 = arith.constant 32 : index
        %get3A_940 = tpu.vector_load %arg14[%get3A_937, %get3A_938, %get3A_939] {strides = array<i32>} : memref<4x64x128xf32, #tpu.memory_space<vmem>>, vector<1x1x16xf32>,
        %get3A_941 = vector.shape_cast %get3A_940 : vector<1x1x16xf32> to vector<16xf32>
        %mul3A_942 = arith.mulf %get3A_936, %broadcast_in_dim3A_877 : vector<16xf32>
        %swap3A_943 = arith.constant 1 : i32
        %swap3A_944 = arith.index_cast %swap3A_943 : i32 to index
        %swap3A_945 = arith.index_cast %add3A_874 : i32 to index
        %swap3A_946 = arith.constant 32 : index
        %swap3A_947 = tpu.vector_load %arg15[%swap3A_944, %swap3A_945, %swap3A_946] {strides = array<i32>} : memref<2x64x128xf32, #tpu.memory_space<vmem>>, vector<1x1x16xf32>,
        %swap3A_948 = vector.shape_cast %swap3A_947 : vector<1x1x16xf32> to vector<16xf32>
        %swap3A_949 = vector.shape_cast %mul3A_942 : vector<16xf32> to vector<1x1x16xf32>
        tpu.vector_store %arg15[%swap3A_944, %swap3A_945, %swap3A_946], %swap3A_949 {strides = array<i32>} : memref<2x64x128xf32, #tpu.memory_space<vmem>>, vector<1x1x16xf32>,
        %mul3A_950 = arith.mulf %get3A_941, %broadcast_in_dim3A_877 : vector<16xf32>
        %swap3A_951 = arith.constant 1 : i32
        %swap3A_952 = arith.index_cast %swap3A_951 : i32 to index
        %swap3A_953 = arith.index_cast %add3A_874 : i32 to index
        %swap3A_954 = arith.constant 96 : index
        %swap3A_955 = tpu.vector_load %arg15[%swap3A_952, %swap3A_953, %swap3A_954] {strides = array<i32>} : memref<2x64x128xf32, #tpu.memory_space<vmem>>, vector<1x1x16xf32>,
        %swap3A_956 = vector.shape_cast %swap3A_955 : vector<1x1x16xf32> to vector<16xf32>
        %swap3A_957 = vector.shape_cast %mul3A_950 : vector<16xf32> to vector<1x1x16xf32>
        tpu.vector_store %arg15[%swap3A_952, %swap3A_953, %swap3A_954], %swap3A_957 {strides = array<i32>} : memref<2x64x128xf32, #tpu.memory_space<vmem>>, vector<1x1x16xf32>,
        %add3A_958 = arith.constant 48 : i32
        %add3A_959 = arith.addi %squeeze3A_879, %add3A_958 : i32
        %get3A_960 = arith.index_cast %add3A_959 : i32 to index
        %get3A_961 = tpu.vector_load %arg9[%get3A_960] {strides = array<i32>} : memref<64000xf32, #tpu.memory_space<vmem>>, vector<16xf32>,
        %get3A_962 = vector.shape_cast %get3A_961 : vector<16xf32> to vector<16xf32>
        %get3A_963 = arith.index_cast %rem3A_380 : i32 to index
        %get3A_964 = arith.index_cast %add3A_874 : i32 to index
        %get3A_965 = arith.constant 48 : index
        %get3A_966 = tpu.vector_load %arg14[%get3A_963, %get3A_964, %get3A_965] {strides = array<i32>} : memref<4x64x128xf32, #tpu.memory_space<vmem>>, vector<1x1x16xf32>,
        %get3A_967 = vector.shape_cast %get3A_966 : vector<1x1x16xf32> to vector<16xf32>
        %mul3A_968 = arith.mulf %get3A_962, %broadcast_in_dim3A_877 : vector<16xf32>
        %swap3A_969 = arith.constant 1 : i32
        %swap3A_970 = arith.index_cast %swap3A_969 : i32 to index
        %swap3A_971 = arith.index_cast %add3A_874 : i32 to index
        %swap3A_972 = arith.constant 48 : index
        %swap3A_973 = tpu.vector_load %arg15[%swap3A_970, %swap3A_971, %swap3A_972] {strides = array<i32>} : memref<2x64x128xf32, #tpu.memory_space<vmem>>, vector<1x1x16xf32>,
        %swap3A_974 = vector.shape_cast %swap3A_973 : vector<1x1x16xf32> to vector<16xf32>
        %swap3A_975 = vector.shape_cast %mul3A_968 : vector<16xf32> to vector<1x1x16xf32>
        tpu.vector_store %arg15[%swap3A_970, %swap3A_971, %swap3A_972], %swap3A_975 {strides = array<i32>} : memref<2x64x128xf32, #tpu.memory_space<vmem>>, vector<1x1x16xf32>,
        %mul3A_976 = arith.mulf %get3A_967, %broadcast_in_dim3A_877 : vector<16xf32>
        %swap3A_977 = arith.constant 1 : i32
        %swap3A_978 = arith.index_cast %swap3A_977 : i32 to index
        %swap3A_979 = arith.index_cast %add3A_874 : i32 to index
        %swap3A_980 = arith.constant 112 : index
        %swap3A_981 = tpu.vector_load %arg15[%swap3A_978, %swap3A_979, %swap3A_980] {strides = array<i32>} : memref<2x64x128xf32, #tpu.memory_space<vmem>>, vector<1x1x16xf32>,
        %swap3A_982 = vector.shape_cast %swap3A_981 : vector<1x1x16xf32> to vector<16xf32>
        %swap3A_983 = vector.shape_cast %mul3A_976 : vector<16xf32> to vector<1x1x16xf32>
        tpu.vector_store %arg15[%swap3A_978, %swap3A_979, %swap3A_980], %swap3A_983 {strides = array<i32>} : memref<2x64x128xf32, #tpu.memory_space<vmem>>, vector<1x1x16xf32>,
        %mul3A_984 = arith.constant 16 : i32
        %mul3A_985 = arith.muli %scan3A_404, %mul3A_984 : i32
        %add3A_986 = arith.constant 5 : i32
        %add3A_987 = arith.addi %mul3A_985, %add3A_986 : i32
        %slice3A_988 = vector.extract_strided_slice %get3A_414 {offsets = [5], sizes = [1], strides = [1]} : vector<16xf32> to vector<1xf32>
        %squeeze3A_989 = vector.extract %slice3A_988[0] : f32 from vector<1xf32>
        %broadcast_in_dim3A_990 = vector.broadcast %squeeze3A_989 : f32 to vector<16xf32>
        %slice3A_991 = vector.extract_strided_slice %mul3A_422 {offsets = [5], sizes = [1], strides = [1]} : vector<16xi32> to vector<1xi32>
        %squeeze3A_992 = vector.extract %slice3A_991[0] : i32 from vector<1xi32>
        %add3A_993 = arith.constant 0 : i32
        %add3A_994 = arith.addi %squeeze3A_992, %add3A_993 : i32
        %get3A_995 = arith.index_cast %add3A_994 : i32 to index
        %get3A_996 = tpu.vector_load %arg9[%get3A_995] {strides = array<i32>} : memref<64000xf32, #tpu.memory_space<vmem>>, vector<16xf32>,
        %get3A_997 = vector.shape_cast %get3A_996 : vector<16xf32> to vector<16xf32>
        %get3A_998 = arith.index_cast %rem3A_380 : i32 to index
        %get3A_999 = arith.index_cast %add3A_987 : i32 to index
        %get3A_1000 = arith.constant 0 : index
        %get3A_1001 = tpu.vector_load %arg14[%get3A_998, %get3A_999, %get3A_1000] {strides = array<i32>} : memref<4x64x128xf32, #tpu.memory_space<vmem>>, vector<1x1x16xf32>,
        %get3A_1002 = vector.shape_cast %get3A_1001 : vector<1x1x16xf32> to vector<16xf32>
        %mul3A_1003 = arith.mulf %get3A_997, %broadcast_in_dim3A_990 : vector<16xf32>
        %swap3A_1004 = arith.constant 1 : i32
        %swap3A_1005 = arith.index_cast %swap3A_1004 : i32 to index
        %swap3A_1006 = arith.index_cast %add3A_987 : i32 to index
        %swap3A_1007 = arith.constant 0 : index
        %swap3A_1008 = tpu.vector_load %arg15[%swap3A_1005, %swap3A_1006, %swap3A_1007] {strides = array<i32>} : memref<2x64x128xf32, #tpu.memory_space<vmem>>, vector<1x1x16xf32>,
        %swap3A_1009 = vector.shape_cast %swap3A_1008 : vector<1x1x16xf32> to vector<16xf32>
        %swap3A_1010 = vector.shape_cast %mul3A_1003 : vector<16xf32> to vector<1x1x16xf32>
        tpu.vector_store %arg15[%swap3A_1005, %swap3A_1006, %swap3A_1007], %swap3A_1010 {strides = array<i32>} : memref<2x64x128xf32, #tpu.memory_space<vmem>>, vector<1x1x16xf32>,
        %mul3A_1011 = arith.mulf %get3A_1002, %broadcast_in_dim3A_990 : vector<16xf32>
        %swap3A_1012 = arith.constant 1 : i32
        %swap3A_1013 = arith.index_cast %swap3A_1012 : i32 to index
        %swap3A_1014 = arith.index_cast %add3A_987 : i32 to index
        %swap3A_1015 = arith.constant 64 : index
        %swap3A_1016 = tpu.vector_load %arg15[%swap3A_1013, %swap3A_1014, %swap3A_1015] {strides = array<i32>} : memref<2x64x128xf32, #tpu.memory_space<vmem>>, vector<1x1x16xf32>,
        %swap3A_1017 = vector.shape_cast %swap3A_1016 : vector<1x1x16xf32> to vector<16xf32>
        %swap3A_1018 = vector.shape_cast %mul3A_1011 : vector<16xf32> to vector<1x1x16xf32>
        tpu.vector_store %arg15[%swap3A_1013, %swap3A_1014, %swap3A_1015], %swap3A_1018 {strides = array<i32>} : memref<2x64x128xf32, #tpu.memory_space<vmem>>, vector<1x1x16xf32>,
        %add3A_1019 = arith.constant 16 : i32
        %add3A_1020 = arith.addi %squeeze3A_992, %add3A_1019 : i32
        %get3A_1021 = arith.index_cast %add3A_1020 : i32 to index
        %get3A_1022 = tpu.vector_load %arg9[%get3A_1021] {strides = array<i32>} : memref<64000xf32, #tpu.memory_space<vmem>>, vector<16xf32>,
        %get3A_1023 = vector.shape_cast %get3A_1022 : vector<16xf32> to vector<16xf32>
        %get3A_1024 = arith.index_cast %rem3A_380 : i32 to index
        %get3A_1025 = arith.index_cast %add3A_987 : i32 to index
        %get3A_1026 = arith.constant 16 : index
        %get3A_1027 = tpu.vector_load %arg14[%get3A_1024, %get3A_1025, %get3A_1026] {strides = array<i32>} : memref<4x64x128xf32, #tpu.memory_space<vmem>>, vector<1x1x16xf32>,
        %get3A_1028 = vector.shape_cast %get3A_1027 : vector<1x1x16xf32> to vector<16xf32>
        %mul3A_1029 = arith.mulf %get3A_1023, %broadcast_in_dim3A_990 : vector<16xf32>
        %swap3A_1030 = arith.constant 1 : i32
        %swap3A_1031 = arith.index_cast %swap3A_1030 : i32 to index
        %swap3A_1032 = arith.index_cast %add3A_987 : i32 to index
        %swap3A_1033 = arith.constant 16 : index
        %swap3A_1034 = tpu.vector_load %arg15[%swap3A_1031, %swap3A_1032, %swap3A_1033] {strides = array<i32>} : memref<2x64x128xf32, #tpu.memory_space<vmem>>, vector<1x1x16xf32>,
        %swap3A_1035 = vector.shape_cast %swap3A_1034 : vector<1x1x16xf32> to vector<16xf32>
        %swap3A_1036 = vector.shape_cast %mul3A_1029 : vector<16xf32> to vector<1x1x16xf32>
        tpu.vector_store %arg15[%swap3A_1031, %swap3A_1032, %swap3A_1033], %swap3A_1036 {strides = array<i32>} : memref<2x64x128xf32, #tpu.memory_space<vmem>>, vector<1x1x16xf32>,
        %mul3A_1037 = arith.mulf %get3A_1028, %broadcast_in_dim3A_990 : vector<16xf32>
        %swap3A_1038 = arith.constant 1 : i32
        %swap3A_1039 = arith.index_cast %swap3A_1038 : i32 to index
        %swap3A_1040 = arith.index_cast %add3A_987 : i32 to index
        %swap3A_1041 = arith.constant 80 : index
        %swap3A_1042 = tpu.vector_load %arg15[%swap3A_1039, %swap3A_1040, %swap3A_1041] {strides = array<i32>} : memref<2x64x128xf32, #tpu.memory_space<vmem>>, vector<1x1x16xf32>,
        %swap3A_1043 = vector.shape_cast %swap3A_1042 : vector<1x1x16xf32> to vector<16xf32>
        %swap3A_1044 = vector.shape_cast %mul3A_1037 : vector<16xf32> to vector<1x1x16xf32>
        tpu.vector_store %arg15[%swap3A_1039, %swap3A_1040, %swap3A_1041], %swap3A_1044 {strides = array<i32>} : memref<2x64x128xf32, #tpu.memory_space<vmem>>, vector<1x1x16xf32>,
        %add3A_1045 = arith.constant 32 : i32
        %add3A_1046 = arith.addi %squeeze3A_992, %add3A_1045 : i32
        %get3A_1047 = arith.index_cast %add3A_1046 : i32 to index
        %get3A_1048 = tpu.vector_load %arg9[%get3A_1047] {strides = array<i32>} : memref<64000xf32, #tpu.memory_space<vmem>>, vector<16xf32>,
        %get3A_1049 = vector.shape_cast %get3A_1048 : vector<16xf32> to vector<16xf32>
        %get3A_1050 = arith.index_cast %rem3A_380 : i32 to index
        %get3A_1051 = arith.index_cast %add3A_987 : i32 to index
        %get3A_1052 = arith.constant 32 : index
        %get3A_1053 = tpu.vector_load %arg14[%get3A_1050, %get3A_1051, %get3A_1052] {strides = array<i32>} : memref<4x64x128xf32, #tpu.memory_space<vmem>>, vector<1x1x16xf32>,
        %get3A_1054 = vector.shape_cast %get3A_1053 : vector<1x1x16xf32> to vector<16xf32>
        %mul3A_1055 = arith.mulf %get3A_1049, %broadcast_in_dim3A_990 : vector<16xf32>
        %swap3A_1056 = arith.constant 1 : i32
        %swap3A_1057 = arith.index_cast %swap3A_1056 : i32 to index
        %swap3A_1058 = arith.index_cast %add3A_987 : i32 to index
        %swap3A_1059 = arith.constant 32 : index
        %swap3A_1060 = tpu.vector_load %arg15[%swap3A_1057, %swap3A_1058, %swap3A_1059] {strides = array<i32>} : memref<2x64x128xf32, #tpu.memory_space<vmem>>, vector<1x1x16xf32>,
        %swap3A_1061 = vector.shape_cast %swap3A_1060 : vector<1x1x16xf32> to vector<16xf32>
        %swap3A_1062 = vector.shape_cast %mul3A_1055 : vector<16xf32> to vector<1x1x16xf32>
        tpu.vector_store %arg15[%swap3A_1057, %swap3A_1058, %swap3A_1059], %swap3A_1062 {strides = array<i32>} : memref<2x64x128xf32, #tpu.memory_space<vmem>>, vector<1x1x16xf32>,
        %mul3A_1063 = arith.mulf %get3A_1054, %broadcast_in_dim3A_990 : vector<16xf32>
        %swap3A_1064 = arith.constant 1 : i32
        %swap3A_1065 = arith.index_cast %swap3A_1064 : i32 to index
        %swap3A_1066 = arith.index_cast %add3A_987 : i32 to index
        %swap3A_1067 = arith.constant 96 : index
        %swap3A_1068 = tpu.vector_load %arg15[%swap3A_1065, %swap3A_1066, %swap3A_1067] {strides = array<i32>} : memref<2x64x128xf32, #tpu.memory_space<vmem>>, vector<1x1x16xf32>,
        %swap3A_1069 = vector.shape_cast %swap3A_1068 : vector<1x1x16xf32> to vector<16xf32>
        %swap3A_1070 = vector.shape_cast %mul3A_1063 : vector<16xf32> to vector<1x1x16xf32>
        tpu.vector_store %arg15[%swap3A_1065, %swap3A_1066, %swap3A_1067], %swap3A_1070 {strides = array<i32>} : memref<2x64x128xf32, #tpu.memory_space<vmem>>, vector<1x1x16xf32>,
        %add3A_1071 = arith.constant 48 : i32
        %add3A_1072 = arith.addi %squeeze3A_992, %add3A_1071 : i32
        %get3A_1073 = arith.index_cast %add3A_1072 : i32 to index
        %get3A_1074 = tpu.vector_load %arg9[%get3A_1073] {strides = array<i32>} : memref<64000xf32, #tpu.memory_space<vmem>>, vector<16xf32>,
        %get3A_1075 = vector.shape_cast %get3A_1074 : vector<16xf32> to vector<16xf32>
        %get3A_1076 = arith.index_cast %rem3A_380 : i32 to index
        %get3A_1077 = arith.index_cast %add3A_987 : i32 to index
        %get3A_1078 = arith.constant 48 : index
        %get3A_1079 = tpu.vector_load %arg14[%get3A_1076, %get3A_1077, %get3A_1078] {strides = array<i32>} : memref<4x64x128xf32, #tpu.memory_space<vmem>>, vector<1x1x16xf32>,
        %get3A_1080 = vector.shape_cast %get3A_1079 : vector<1x1x16xf32> to vector<16xf32>
        %mul3A_1081 = arith.mulf %get3A_1075, %broadcast_in_dim3A_990 : vector<16xf32>
        %swap3A_1082 = arith.constant 1 : i32
        %swap3A_1083 = arith.index_cast %swap3A_1082 : i32 to index
        %swap3A_1084 = arith.index_cast %add3A_987 : i32 to index
        %swap3A_1085 = arith.constant 48 : index
        %swap3A_1086 = tpu.vector_load %arg15[%swap3A_1083, %swap3A_1084, %swap3A_1085] {strides = array<i32>} : memref<2x64x128xf32, #tpu.memory_space<vmem>>, vector<1x1x16xf32>,
        %swap3A_1087 = vector.shape_cast %swap3A_1086 : vector<1x1x16xf32> to vector<16xf32>
        %swap3A_1088 = vector.shape_cast %mul3A_1081 : vector<16xf32> to vector<1x1x16xf32>
        tpu.vector_store %arg15[%swap3A_1083, %swap3A_1084, %swap3A_1085], %swap3A_1088 {strides = array<i32>} : memref<2x64x128xf32, #tpu.memory_space<vmem>>, vector<1x1x16xf32>,
        %mul3A_1089 = arith.mulf %get3A_1080, %broadcast_in_dim3A_990 : vector<16xf32>
        %swap3A_1090 = arith.constant 1 : i32
        %swap3A_1091 = arith.index_cast %swap3A_1090 : i32 to index
        %swap3A_1092 = arith.index_cast %add3A_987 : i32 to index
        %swap3A_1093 = arith.constant 112 : index
        %swap3A_1094 = tpu.vector_load %arg15[%swap3A_1091, %swap3A_1092, %swap3A_1093] {strides = array<i32>} : memref<2x64x128xf32, #tpu.memory_space<vmem>>, vector<1x1x16xf32>,
        %swap3A_1095 = vector.shape_cast %swap3A_1094 : vector<1x1x16xf32> to vector<16xf32>
        %swap3A_1096 = vector.shape_cast %mul3A_1089 : vector<16xf32> to vector<1x1x16xf32>
        tpu.vector_store %arg15[%swap3A_1091, %swap3A_1092, %swap3A_1093], %swap3A_1096 {strides = array<i32>} : memref<2x64x128xf32, #tpu.memory_space<vmem>>, vector<1x1x16xf32>,
        %mul3A_1097 = arith.constant 16 : i32
        %mul3A_1098 = arith.muli %scan3A_404, %mul3A_1097 : i32
        %add3A_1099 = arith.constant 6 : i32
        %add3A_1100 = arith.addi %mul3A_1098, %add3A_1099 : i32
        %slice3A_1101 = vector.extract_strided_slice %get3A_414 {offsets = [6], sizes = [1], strides = [1]} : vector<16xf32> to vector<1xf32>
        %squeeze3A_1102 = vector.extract %slice3A_1101[0] : f32 from vector<1xf32>
        %broadcast_in_dim3A_1103 = vector.broadcast %squeeze3A_1102 : f32 to vector<16xf32>
        %slice3A_1104 = vector.extract_strided_slice %mul3A_422 {offsets = [6], sizes = [1], strides = [1]} : vector<16xi32> to vector<1xi32>
        %squeeze3A_1105 = vector.extract %slice3A_1104[0] : i32 from vector<1xi32>
        %add3A_1106 = arith.constant 0 : i32
        %add3A_1107 = arith.addi %squeeze3A_1105, %add3A_1106 : i32
        %get3A_1108 = arith.index_cast %add3A_1107 : i32 to index
        %get3A_1109 = tpu.vector_load %arg9[%get3A_1108] {strides = array<i32>} : memref<64000xf32, #tpu.memory_space<vmem>>, vector<16xf32>,
        %get3A_1110 = vector.shape_cast %get3A_1109 : vector<16xf32> to vector<16xf32>
        %get3A_1111 = arith.index_cast %rem3A_380 : i32 to index
        %get3A_1112 = arith.index_cast %add3A_1100 : i32 to index
        %get3A_1113 = arith.constant 0 : index
        %get3A_1114 = tpu.vector_load %arg14[%get3A_1111, %get3A_1112, %get3A_1113] {strides = array<i32>} : memref<4x64x128xf32, #tpu.memory_space<vmem>>, vector<1x1x16xf32>,
        %get3A_1115 = vector.shape_cast %get3A_1114 : vector<1x1x16xf32> to vector<16xf32>
        %mul3A_1116 = arith.mulf %get3A_1110, %broadcast_in_dim3A_1103 : vector<16xf32>
        %swap3A_1117 = arith.constant 1 : i32
        %swap3A_1118 = arith.index_cast %swap3A_1117 : i32 to index
        %swap3A_1119 = arith.index_cast %add3A_1100 : i32 to index
        %swap3A_1120 = arith.constant 0 : index
        %swap3A_1121 = tpu.vector_load %arg15[%swap3A_1118, %swap3A_1119, %swap3A_1120] {strides = array<i32>} : memref<2x64x128xf32, #tpu.memory_space<vmem>>, vector<1x1x16xf32>,
        %swap3A_1122 = vector.shape_cast %swap3A_1121 : vector<1x1x16xf32> to vector<16xf32>
        %swap3A_1123 = vector.shape_cast %mul3A_1116 : vector<16xf32> to vector<1x1x16xf32>
        tpu.vector_store %arg15[%swap3A_1118, %swap3A_1119, %swap3A_1120], %swap3A_1123 {strides = array<i32>} : memref<2x64x128xf32, #tpu.memory_space<vmem>>, vector<1x1x16xf32>,
        %mul3A_1124 = arith.mulf %get3A_1115, %broadcast_in_dim3A_1103 : vector<16xf32>
        %swap3A_1125 = arith.constant 1 : i32
        %swap3A_1126 = arith.index_cast %swap3A_1125 : i32 to index
        %swap3A_1127 = arith.index_cast %add3A_1100 : i32 to index
        %swap3A_1128 = arith.constant 64 : index
        %swap3A_1129 = tpu.vector_load %arg15[%swap3A_1126, %swap3A_1127, %swap3A_1128] {strides = array<i32>} : memref<2x64x128xf32, #tpu.memory_space<vmem>>, vector<1x1x16xf32>,
        %swap3A_1130 = vector.shape_cast %swap3A_1129 : vector<1x1x16xf32> to vector<16xf32>
        %swap3A_1131 = vector.shape_cast %mul3A_1124 : vector<16xf32> to vector<1x1x16xf32>
        tpu.vector_store %arg15[%swap3A_1126, %swap3A_1127, %swap3A_1128], %swap3A_1131 {strides = array<i32>} : memref<2x64x128xf32, #tpu.memory_space<vmem>>, vector<1x1x16xf32>,
        %add3A_1132 = arith.constant 16 : i32
        %add3A_1133 = arith.addi %squeeze3A_1105, %add3A_1132 : i32
        %get3A_1134 = arith.index_cast %add3A_1133 : i32 to index
        %get3A_1135 = tpu.vector_load %arg9[%get3A_1134] {strides = array<i32>} : memref<64000xf32, #tpu.memory_space<vmem>>, vector<16xf32>,
        %get3A_1136 = vector.shape_cast %get3A_1135 : vector<16xf32> to vector<16xf32>
        %get3A_1137 = arith.index_cast %rem3A_380 : i32 to index
        %get3A_1138 = arith.index_cast %add3A_1100 : i32 to index
        %get3A_1139 = arith.constant 16 : index
        %get3A_1140 = tpu.vector_load %arg14[%get3A_1137, %get3A_1138, %get3A_1139] {strides = array<i32>} : memref<4x64x128xf32, #tpu.memory_space<vmem>>, vector<1x1x16xf32>,
        %get3A_1141 = vector.shape_cast %get3A_1140 : vector<1x1x16xf32> to vector<16xf32>
        %mul3A_1142 = arith.mulf %get3A_1136, %broadcast_in_dim3A_1103 : vector<16xf32>
        %swap3A_1143 = arith.constant 1 : i32
        %swap3A_1144 = arith.index_cast %swap3A_1143 : i32 to index
        %swap3A_1145 = arith.index_cast %add3A_1100 : i32 to index
        %swap3A_1146 = arith.constant 16 : index
        %swap3A_1147 = tpu.vector_load %arg15[%swap3A_1144, %swap3A_1145, %swap3A_1146] {strides = array<i32>} : memref<2x64x128xf32, #tpu.memory_space<vmem>>, vector<1x1x16xf32>,
        %swap3A_1148 = vector.shape_cast %swap3A_1147 : vector<1x1x16xf32> to vector<16xf32>
        %swap3A_1149 = vector.shape_cast %mul3A_1142 : vector<16xf32> to vector<1x1x16xf32>
        tpu.vector_store %arg15[%swap3A_1144, %swap3A_1145, %swap3A_1146], %swap3A_1149 {strides = array<i32>} : memref<2x64x128xf32, #tpu.memory_space<vmem>>, vector<1x1x16xf32>,
        %mul3A_1150 = arith.mulf %get3A_1141, %broadcast_in_dim3A_1103 : vector<16xf32>
        %swap3A_1151 = arith.constant 1 : i32
        %swap3A_1152 = arith.index_cast %swap3A_1151 : i32 to index
        %swap3A_1153 = arith.index_cast %add3A_1100 : i32 to index
        %swap3A_1154 = arith.constant 80 : index
        %swap3A_1155 = tpu.vector_load %arg15[%swap3A_1152, %swap3A_1153, %swap3A_1154] {strides = array<i32>} : memref<2x64x128xf32, #tpu.memory_space<vmem>>, vector<1x1x16xf32>,
        %swap3A_1156 = vector.shape_cast %swap3A_1155 : vector<1x1x16xf32> to vector<16xf32>
        %swap3A_1157 = vector.shape_cast %mul3A_1150 : vector<16xf32> to vector<1x1x16xf32>
        tpu.vector_store %arg15[%swap3A_1152, %swap3A_1153, %swap3A_1154], %swap3A_1157 {strides = array<i32>} : memref<2x64x128xf32, #tpu.memory_space<vmem>>, vector<1x1x16xf32>,
        %add3A_1158 = arith.constant 32 : i32
        %add3A_1159 = arith.addi %squeeze3A_1105, %add3A_1158 : i32
        %get3A_1160 = arith.index_cast %add3A_1159 : i32 to index
        %get3A_1161 = tpu.vector_load %arg9[%get3A_1160] {strides = array<i32>} : memref<64000xf32, #tpu.memory_space<vmem>>, vector<16xf32>,
        %get3A_1162 = vector.shape_cast %get3A_1161 : vector<16xf32> to vector<16xf32>
        %get3A_1163 = arith.index_cast %rem3A_380 : i32 to index
        %get3A_1164 = arith.index_cast %add3A_1100 : i32 to index
        %get3A_1165 = arith.constant 32 : index
        %get3A_1166 = tpu.vector_load %arg14[%get3A_1163, %get3A_1164, %get3A_1165] {strides = array<i32>} : memref<4x64x128xf32, #tpu.memory_space<vmem>>, vector<1x1x16xf32>,
        %get3A_1167 = vector.shape_cast %get3A_1166 : vector<1x1x16xf32> to vector<16xf32>
        %mul3A_1168 = arith.mulf %get3A_1162, %broadcast_in_dim3A_1103 : vector<16xf32>
        %swap3A_1169 = arith.constant 1 : i32
        %swap3A_1170 = arith.index_cast %swap3A_1169 : i32 to index
        %swap3A_1171 = arith.index_cast %add3A_1100 : i32 to index
        %swap3A_1172 = arith.constant 32 : index
        %swap3A_1173 = tpu.vector_load %arg15[%swap3A_1170, %swap3A_1171, %swap3A_1172] {strides = array<i32>} : memref<2x64x128xf32, #tpu.memory_space<vmem>>, vector<1x1x16xf32>,
        %swap3A_1174 = vector.shape_cast %swap3A_1173 : vector<1x1x16xf32> to vector<16xf32>
        %swap3A_1175 = vector.shape_cast %mul3A_1168 : vector<16xf32> to vector<1x1x16xf32>
        tpu.vector_store %arg15[%swap3A_1170, %swap3A_1171, %swap3A_1172], %swap3A_1175 {strides = array<i32>} : memref<2x64x128xf32, #tpu.memory_space<vmem>>, vector<1x1x16xf32>,
        %mul3A_1176 = arith.mulf %get3A_1167, %broadcast_in_dim3A_1103 : vector<16xf32>
        %swap3A_1177 = arith.constant 1 : i32
        %swap3A_1178 = arith.index_cast %swap3A_1177 : i32 to index
        %swap3A_1179 = arith.index_cast %add3A_1100 : i32 to index
        %swap3A_1180 = arith.constant 96 : index
        %swap3A_1181 = tpu.vector_load %arg15[%swap3A_1178, %swap3A_1179, %swap3A_1180] {strides = array<i32>} : memref<2x64x128xf32, #tpu.memory_space<vmem>>, vector<1x1x16xf32>,
        %swap3A_1182 = vector.shape_cast %swap3A_1181 : vector<1x1x16xf32> to vector<16xf32>
        %swap3A_1183 = vector.shape_cast %mul3A_1176 : vector<16xf32> to vector<1x1x16xf32>
        tpu.vector_store %arg15[%swap3A_1178, %swap3A_1179, %swap3A_1180], %swap3A_1183 {strides = array<i32>} : memref<2x64x128xf32, #tpu.memory_space<vmem>>, vector<1x1x16xf32>,
        %add3A_1184 = arith.constant 48 : i32
        %add3A_1185 = arith.addi %squeeze3A_1105, %add3A_1184 : i32
        %get3A_1186 = arith.index_cast %add3A_1185 : i32 to index
        %get3A_1187 = tpu.vector_load %arg9[%get3A_1186] {strides = array<i32>} : memref<64000xf32, #tpu.memory_space<vmem>>, vector<16xf32>,
        %get3A_1188 = vector.shape_cast %get3A_1187 : vector<16xf32> to vector<16xf32>
        %get3A_1189 = arith.index_cast %rem3A_380 : i32 to index
        %get3A_1190 = arith.index_cast %add3A_1100 : i32 to index
        %get3A_1191 = arith.constant 48 : index
        %get3A_1192 = tpu.vector_load %arg14[%get3A_1189, %get3A_1190, %get3A_1191] {strides = array<i32>} : memref<4x64x128xf32, #tpu.memory_space<vmem>>, vector<1x1x16xf32>,
        %get3A_1193 = vector.shape_cast %get3A_1192 : vector<1x1x16xf32> to vector<16xf32>
        %mul3A_1194 = arith.mulf %get3A_1188, %broadcast_in_dim3A_1103 : vector<16xf32>
        %swap3A_1195 = arith.constant 1 : i32
        %swap3A_1196 = arith.index_cast %swap3A_1195 : i32 to index
        %swap3A_1197 = arith.index_cast %add3A_1100 : i32 to index
        %swap3A_1198 = arith.constant 48 : index
        %swap3A_1199 = tpu.vector_load %arg15[%swap3A_1196, %swap3A_1197, %swap3A_1198] {strides = array<i32>} : memref<2x64x128xf32, #tpu.memory_space<vmem>>, vector<1x1x16xf32>,
        %swap3A_1200 = vector.shape_cast %swap3A_1199 : vector<1x1x16xf32> to vector<16xf32>
        %swap3A_1201 = vector.shape_cast %mul3A_1194 : vector<16xf32> to vector<1x1x16xf32>
        tpu.vector_store %arg15[%swap3A_1196, %swap3A_1197, %swap3A_1198], %swap3A_1201 {strides = array<i32>} : memref<2x64x128xf32, #tpu.memory_space<vmem>>, vector<1x1x16xf32>,
        %mul3A_1202 = arith.mulf %get3A_1193, %broadcast_in_dim3A_1103 : vector<16xf32>
        %swap3A_1203 = arith.constant 1 : i32
        %swap3A_1204 = arith.index_cast %swap3A_1203 : i32 to index
        %swap3A_1205 = arith.index_cast %add3A_1100 : i32 to index
        %swap3A_1206 = arith.constant 112 : index
        %swap3A_1207 = tpu.vector_load %arg15[%swap3A_1204, %swap3A_1205, %swap3A_1206] {strides = array<i32>} : memref<2x64x128xf32, #tpu.memory_space<vmem>>, vector<1x1x16xf32>,
        %swap3A_1208 = vector.shape_cast %swap3A_1207 : vector<1x1x16xf32> to vector<16xf32>
        %swap3A_1209 = vector.shape_cast %mul3A_1202 : vector<16xf32> to vector<1x1x16xf32>
        tpu.vector_store %arg15[%swap3A_1204, %swap3A_1205, %swap3A_1206], %swap3A_1209 {strides = array<i32>} : memref<2x64x128xf32, #tpu.memory_space<vmem>>, vector<1x1x16xf32>,
        %mul3A_1210 = arith.constant 16 : i32
        %mul3A_1211 = arith.muli %scan3A_404, %mul3A_1210 : i32
        %add3A_1212 = arith.constant 7 : i32
        %add3A_1213 = arith.addi %mul3A_1211, %add3A_1212 : i32
        %slice3A_1214 = vector.extract_strided_slice %get3A_414 {offsets = [7], sizes = [1], strides = [1]} : vector<16xf32> to vector<1xf32>
        %squeeze3A_1215 = vector.extract %slice3A_1214[0] : f32 from vector<1xf32>
        %broadcast_in_dim3A_1216 = vector.broadcast %squeeze3A_1215 : f32 to vector<16xf32>
        %slice3A_1217 = vector.extract_strided_slice %mul3A_422 {offsets = [7], sizes = [1], strides = [1]} : vector<16xi32> to vector<1xi32>
        %squeeze3A_1218 = vector.extract %slice3A_1217[0] : i32 from vector<1xi32>
        %add3A_1219 = arith.constant 0 : i32
        %add3A_1220 = arith.addi %squeeze3A_1218, %add3A_1219 : i32
        %get3A_1221 = arith.index_cast %add3A_1220 : i32 to index
        %get3A_1222 = tpu.vector_load %arg9[%get3A_1221] {strides = array<i32>} : memref<64000xf32, #tpu.memory_space<vmem>>, vector<16xf32>,
        %get3A_1223 = vector.shape_cast %get3A_1222 : vector<16xf32> to vector<16xf32>
        %get3A_1224 = arith.index_cast %rem3A_380 : i32 to index
        %get3A_1225 = arith.index_cast %add3A_1213 : i32 to index
        %get3A_1226 = arith.constant 0 : index
        %get3A_1227 = tpu.vector_load %arg14[%get3A_1224, %get3A_1225, %get3A_1226] {strides = array<i32>} : memref<4x64x128xf32, #tpu.memory_space<vmem>>, vector<1x1x16xf32>,
        %get3A_1228 = vector.shape_cast %get3A_1227 : vector<1x1x16xf32> to vector<16xf32>
        %mul3A_1229 = arith.mulf %get3A_1223, %broadcast_in_dim3A_1216 : vector<16xf32>
        %swap3A_1230 = arith.constant 1 : i32
        %swap3A_1231 = arith.index_cast %swap3A_1230 : i32 to index
        %swap3A_1232 = arith.index_cast %add3A_1213 : i32 to index
        %swap3A_1233 = arith.constant 0 : index
        %swap3A_1234 = tpu.vector_load %arg15[%swap3A_1231, %swap3A_1232, %swap3A_1233] {strides = array<i32>} : memref<2x64x128xf32, #tpu.memory_space<vmem>>, vector<1x1x16xf32>,
        %swap3A_1235 = vector.shape_cast %swap3A_1234 : vector<1x1x16xf32> to vector<16xf32>
        %swap3A_1236 = vector.shape_cast %mul3A_1229 : vector<16xf32> to vector<1x1x16xf32>
        tpu.vector_store %arg15[%swap3A_1231, %swap3A_1232, %swap3A_1233], %swap3A_1236 {strides = array<i32>} : memref<2x64x128xf32, #tpu.memory_space<vmem>>, vector<1x1x16xf32>,
        %mul3A_1237 = arith.mulf %get3A_1228, %broadcast_in_dim3A_1216 : vector<16xf32>
        %swap3A_1238 = arith.constant 1 : i32
        %swap3A_1239 = arith.index_cast %swap3A_1238 : i32 to index
        %swap3A_1240 = arith.index_cast %add3A_1213 : i32 to index
        %swap3A_1241 = arith.constant 64 : index
        %swap3A_1242 = tpu.vector_load %arg15[%swap3A_1239, %swap3A_1240, %swap3A_1241] {strides = array<i32>} : memref<2x64x128xf32, #tpu.memory_space<vmem>>, vector<1x1x16xf32>,
        %swap3A_1243 = vector.shape_cast %swap3A_1242 : vector<1x1x16xf32> to vector<16xf32>
        %swap3A_1244 = vector.shape_cast %mul3A_1237 : vector<16xf32> to vector<1x1x16xf32>
        tpu.vector_store %arg15[%swap3A_1239, %swap3A_1240, %swap3A_1241], %swap3A_1244 {strides = array<i32>} : memref<2x64x128xf32, #tpu.memory_space<vmem>>, vector<1x1x16xf32>,
        %add3A_1245 = arith.constant 16 : i32
        %add3A_1246 = arith.addi %squeeze3A_1218, %add3A_1245 : i32
        %get3A_1247 = arith.index_cast %add3A_1246 : i32 to index
        %get3A_1248 = tpu.vector_load %arg9[%get3A_1247] {strides = array<i32>} : memref<64000xf32, #tpu.memory_space<vmem>>, vector<16xf32>,
        %get3A_1249 = vector.shape_cast %get3A_1248 : vector<16xf32> to vector<16xf32>
        %get3A_1250 = arith.index_cast %rem3A_380 : i32 to index
        %get3A_1251 = arith.index_cast %add3A_1213 : i32 to index
        %get3A_1252 = arith.constant 16 : index
        %get3A_1253 = tpu.vector_load %arg14[%get3A_1250, %get3A_1251, %get3A_1252] {strides = array<i32>} : memref<4x64x128xf32, #tpu.memory_space<vmem>>, vector<1x1x16xf32>,
        %get3A_1254 = vector.shape_cast %get3A_1253 : vector<1x1x16xf32> to vector<16xf32>
        %mul3A_1255 = arith.mulf %get3A_1249, %broadcast_in_dim3A_1216 : vector<16xf32>
        %swap3A_1256 = arith.constant 1 : i32
        %swap3A_1257 = arith.index_cast %swap3A_1256 : i32 to index
        %swap3A_1258 = arith.index_cast %add3A_1213 : i32 to index
        %swap3A_1259 = arith.constant 16 : index
        %swap3A_1260 = tpu.vector_load %arg15[%swap3A_1257, %swap3A_1258, %swap3A_1259] {strides = array<i32>} : memref<2x64x128xf32, #tpu.memory_space<vmem>>, vector<1x1x16xf32>,
        %swap3A_1261 = vector.shape_cast %swap3A_1260 : vector<1x1x16xf32> to vector<16xf32>
        %swap3A_1262 = vector.shape_cast %mul3A_1255 : vector<16xf32> to vector<1x1x16xf32>
        tpu.vector_store %arg15[%swap3A_1257, %swap3A_1258, %swap3A_1259], %swap3A_1262 {strides = array<i32>} : memref<2x64x128xf32, #tpu.memory_space<vmem>>, vector<1x1x16xf32>,
        %mul3A_1263 = arith.mulf %get3A_1254, %broadcast_in_dim3A_1216 : vector<16xf32>
        %swap3A_1264 = arith.constant 1 : i32
        %swap3A_1265 = arith.index_cast %swap3A_1264 : i32 to index
        %swap3A_1266 = arith.index_cast %add3A_1213 : i32 to index
        %swap3A_1267 = arith.constant 80 : index
        %swap3A_1268 = tpu.vector_load %arg15[%swap3A_1265, %swap3A_1266, %swap3A_1267] {strides = array<i32>} : memref<2x64x128xf32, #tpu.memory_space<vmem>>, vector<1x1x16xf32>,
        %swap3A_1269 = vector.shape_cast %swap3A_1268 : vector<1x1x16xf32> to vector<16xf32>
        %swap3A_1270 = vector.shape_cast %mul3A_1263 : vector<16xf32> to vector<1x1x16xf32>
        tpu.vector_store %arg15[%swap3A_1265, %swap3A_1266, %swap3A_1267], %swap3A_1270 {strides = array<i32>} : memref<2x64x128xf32, #tpu.memory_space<vmem>>, vector<1x1x16xf32>,
        %add3A_1271 = arith.constant 32 : i32
        %add3A_1272 = arith.addi %squeeze3A_1218, %add3A_1271 : i32
        %get3A_1273 = arith.index_cast %add3A_1272 : i32 to index
        %get3A_1274 = tpu.vector_load %arg9[%get3A_1273] {strides = array<i32>} : memref<64000xf32, #tpu.memory_space<vmem>>, vector<16xf32>,
        %get3A_1275 = vector.shape_cast %get3A_1274 : vector<16xf32> to vector<16xf32>
        %get3A_1276 = arith.index_cast %rem3A_380 : i32 to index
        %get3A_1277 = arith.index_cast %add3A_1213 : i32 to index
        %get3A_1278 = arith.constant 32 : index
        %get3A_1279 = tpu.vector_load %arg14[%get3A_1276, %get3A_1277, %get3A_1278] {strides = array<i32>} : memref<4x64x128xf32, #tpu.memory_space<vmem>>, vector<1x1x16xf32>,
        %get3A_1280 = vector.shape_cast %get3A_1279 : vector<1x1x16xf32> to vector<16xf32>
        %mul3A_1281 = arith.mulf %get3A_1275, %broadcast_in_dim3A_1216 : vector<16xf32>
        %swap3A_1282 = arith.constant 1 : i32
        %swap3A_1283 = arith.index_cast %swap3A_1282 : i32 to index
        %swap3A_1284 = arith.index_cast %add3A_1213 : i32 to index
        %swap3A_1285 = arith.constant 32 : index
        %swap3A_1286 = tpu.vector_load %arg15[%swap3A_1283, %swap3A_1284, %swap3A_1285] {strides = array<i32>} : memref<2x64x128xf32, #tpu.memory_space<vmem>>, vector<1x1x16xf32>,
        %swap3A_1287 = vector.shape_cast %swap3A_1286 : vector<1x1x16xf32> to vector<16xf32>
        %swap3A_1288 = vector.shape_cast %mul3A_1281 : vector<16xf32> to vector<1x1x16xf32>
        tpu.vector_store %arg15[%swap3A_1283, %swap3A_1284, %swap3A_1285], %swap3A_1288 {strides = array<i32>} : memref<2x64x128xf32, #tpu.memory_space<vmem>>, vector<1x1x16xf32>,
        %mul3A_1289 = arith.mulf %get3A_1280, %broadcast_in_dim3A_1216 : vector<16xf32>
        %swap3A_1290 = arith.constant 1 : i32
        %swap3A_1291 = arith.index_cast %swap3A_1290 : i32 to index
        %swap3A_1292 = arith.index_cast %add3A_1213 : i32 to index
        %swap3A_1293 = arith.constant 96 : index
        %swap3A_1294 = tpu.vector_load %arg15[%swap3A_1291, %swap3A_1292, %swap3A_1293] {strides = array<i32>} : memref<2x64x128xf32, #tpu.memory_space<vmem>>, vector<1x1x16xf32>,
        %swap3A_1295 = vector.shape_cast %swap3A_1294 : vector<1x1x16xf32> to vector<16xf32>
        %swap3A_1296 = vector.shape_cast %mul3A_1289 : vector<16xf32> to vector<1x1x16xf32>
        tpu.vector_store %arg15[%swap3A_1291, %swap3A_1292, %swap3A_1293], %swap3A_1296 {strides = array<i32>} : memref<2x64x128xf32, #tpu.memory_space<vmem>>, vector<1x1x16xf32>,
        %add3A_1297 = arith.constant 48 : i32
        %add3A_1298 = arith.addi %squeeze3A_1218, %add3A_1297 : i32
        %get3A_1299 = arith.index_cast %add3A_1298 : i32 to index
        %get3A_1300 = tpu.vector_load %arg9[%get3A_1299] {strides = array<i32>} : memref<64000xf32, #tpu.memory_space<vmem>>, vector<16xf32>,
        %get3A_1301 = vector.shape_cast %get3A_1300 : vector<16xf32> to vector<16xf32>
        %get3A_1302 = arith.index_cast %rem3A_380 : i32 to index
        %get3A_1303 = arith.index_cast %add3A_1213 : i32 to index
        %get3A_1304 = arith.constant 48 : index
        %get3A_1305 = tpu.vector_load %arg14[%get3A_1302, %get3A_1303, %get3A_1304] {strides = array<i32>} : memref<4x64x128xf32, #tpu.memory_space<vmem>>, vector<1x1x16xf32>,
        %get3A_1306 = vector.shape_cast %get3A_1305 : vector<1x1x16xf32> to vector<16xf32>
        %mul3A_1307 = arith.mulf %get3A_1301, %broadcast_in_dim3A_1216 : vector<16xf32>
        %swap3A_1308 = arith.constant 1 : i32
        %swap3A_1309 = arith.index_cast %swap3A_1308 : i32 to index
        %swap3A_1310 = arith.index_cast %add3A_1213 : i32 to index
        %swap3A_1311 = arith.constant 48 : index
        %swap3A_1312 = tpu.vector_load %arg15[%swap3A_1309, %swap3A_1310, %swap3A_1311] {strides = array<i32>} : memref<2x64x128xf32, #tpu.memory_space<vmem>>, vector<1x1x16xf32>,
        %swap3A_1313 = vector.shape_cast %swap3A_1312 : vector<1x1x16xf32> to vector<16xf32>
        %swap3A_1314 = vector.shape_cast %mul3A_1307 : vector<16xf32> to vector<1x1x16xf32>
        tpu.vector_store %arg15[%swap3A_1309, %swap3A_1310, %swap3A_1311], %swap3A_1314 {strides = array<i32>} : memref<2x64x128xf32, #tpu.memory_space<vmem>>, vector<1x1x16xf32>,
        %mul3A_1315 = arith.mulf %get3A_1306, %broadcast_in_dim3A_1216 : vector<16xf32>
        %swap3A_1316 = arith.constant 1 : i32
        %swap3A_1317 = arith.index_cast %swap3A_1316 : i32 to index
        %swap3A_1318 = arith.index_cast %add3A_1213 : i32 to index
        %swap3A_1319 = arith.constant 112 : index
        %swap3A_1320 = tpu.vector_load %arg15[%swap3A_1317, %swap3A_1318, %swap3A_1319] {strides = array<i32>} : memref<2x64x128xf32, #tpu.memory_space<vmem>>, vector<1x1x16xf32>,
        %swap3A_1321 = vector.shape_cast %swap3A_1320 : vector<1x1x16xf32> to vector<16xf32>
        %swap3A_1322 = vector.shape_cast %mul3A_1315 : vector<16xf32> to vector<1x1x16xf32>
        tpu.vector_store %arg15[%swap3A_1317, %swap3A_1318, %swap3A_1319], %swap3A_1322 {strides = array<i32>} : memref<2x64x128xf32, #tpu.memory_space<vmem>>, vector<1x1x16xf32>,
        %mul3A_1323 = arith.constant 16 : i32
        %mul3A_1324 = arith.muli %scan3A_404, %mul3A_1323 : i32
        %add3A_1325 = arith.constant 8 : i32
        %add3A_1326 = arith.addi %mul3A_1324, %add3A_1325 : i32
        %slice3A_1327 = vector.extract_strided_slice %get3A_414 {offsets = [8], sizes = [1], strides = [1]} : vector<16xf32> to vector<1xf32>
        %squeeze3A_1328 = vector.extract %slice3A_1327[0] : f32 from vector<1xf32>
        %broadcast_in_dim3A_1329 = vector.broadcast %squeeze3A_1328 : f32 to vector<16xf32>
        %slice3A_1330 = vector.extract_strided_slice %mul3A_422 {offsets = [8], sizes = [1], strides = [1]} : vector<16xi32> to vector<1xi32>
        %squeeze3A_1331 = vector.extract %slice3A_1330[0] : i32 from vector<1xi32>
        %add3A_1332 = arith.constant 0 : i32
        %add3A_1333 = arith.addi %squeeze3A_1331, %add3A_1332 : i32
        %get3A_1334 = arith.index_cast %add3A_1333 : i32 to index
        %get3A_1335 = tpu.vector_load %arg9[%get3A_1334] {strides = array<i32>} : memref<64000xf32, #tpu.memory_space<vmem>>, vector<16xf32>,
        %get3A_1336 = vector.shape_cast %get3A_1335 : vector<16xf32> to vector<16xf32>
        %get3A_1337 = arith.index_cast %rem3A_380 : i32 to index
        %get3A_1338 = arith.index_cast %add3A_1326 : i32 to index
        %get3A_1339 = arith.constant 0 : index
        %get3A_1340 = tpu.vector_load %arg14[%get3A_1337, %get3A_1338, %get3A_1339] {strides = array<i32>} : memref<4x64x128xf32, #tpu.memory_space<vmem>>, vector<1x1x16xf32>,
        %get3A_1341 = vector.shape_cast %get3A_1340 : vector<1x1x16xf32> to vector<16xf32>
        %mul3A_1342 = arith.mulf %get3A_1336, %broadcast_in_dim3A_1329 : vector<16xf32>
        %swap3A_1343 = arith.constant 1 : i32
        %swap3A_1344 = arith.index_cast %swap3A_1343 : i32 to index
        %swap3A_1345 = arith.index_cast %add3A_1326 : i32 to index
        %swap3A_1346 = arith.constant 0 : index
        %swap3A_1347 = tpu.vector_load %arg15[%swap3A_1344, %swap3A_1345, %swap3A_1346] {strides = array<i32>} : memref<2x64x128xf32, #tpu.memory_space<vmem>>, vector<1x1x16xf32>,
        %swap3A_1348 = vector.shape_cast %swap3A_1347 : vector<1x1x16xf32> to vector<16xf32>
        %swap3A_1349 = vector.shape_cast %mul3A_1342 : vector<16xf32> to vector<1x1x16xf32>
        tpu.vector_store %arg15[%swap3A_1344, %swap3A_1345, %swap3A_1346], %swap3A_1349 {strides = array<i32>} : memref<2x64x128xf32, #tpu.memory_space<vmem>>, vector<1x1x16xf32>,
        %mul3A_1350 = arith.mulf %get3A_1341, %broadcast_in_dim3A_1329 : vector<16xf32>
        %swap3A_1351 = arith.constant 1 : i32
        %swap3A_1352 = arith.index_cast %swap3A_1351 : i32 to index
        %swap3A_1353 = arith.index_cast %add3A_1326 : i32 to index
        %swap3A_1354 = arith.constant 64 : index
        %swap3A_1355 = tpu.vector_load %arg15[%swap3A_1352, %swap3A_1353, %swap3A_1354] {strides = array<i32>} : memref<2x64x128xf32, #tpu.memory_space<vmem>>, vector<1x1x16xf32>,
        %swap3A_1356 = vector.shape_cast %swap3A_1355 : vector<1x1x16xf32> to vector<16xf32>
        %swap3A_1357 = vector.shape_cast %mul3A_1350 : vector<16xf32> to vector<1x1x16xf32>
        tpu.vector_store %arg15[%swap3A_1352, %swap3A_1353, %swap3A_1354], %swap3A_1357 {strides = array<i32>} : memref<2x64x128xf32, #tpu.memory_space<vmem>>, vector<1x1x16xf32>,
        %add3A_1358 = arith.constant 16 : i32
        %add3A_1359 = arith.addi %squeeze3A_1331, %add3A_1358 : i32
        %get3A_1360 = arith.index_cast %add3A_1359 : i32 to index
        %get3A_1361 = tpu.vector_load %arg9[%get3A_1360] {strides = array<i32>} : memref<64000xf32, #tpu.memory_space<vmem>>, vector<16xf32>,
        %get3A_1362 = vector.shape_cast %get3A_1361 : vector<16xf32> to vector<16xf32>
        %get3A_1363 = arith.index_cast %rem3A_380 : i32 to index
        %get3A_1364 = arith.index_cast %add3A_1326 : i32 to index
        %get3A_1365 = arith.constant 16 : index
        %get3A_1366 = tpu.vector_load %arg14[%get3A_1363, %get3A_1364, %get3A_1365] {strides = array<i32>} : memref<4x64x128xf32, #tpu.memory_space<vmem>>, vector<1x1x16xf32>,
        %get3A_1367 = vector.shape_cast %get3A_1366 : vector<1x1x16xf32> to vector<16xf32>
        %mul3A_1368 = arith.mulf %get3A_1362, %broadcast_in_dim3A_1329 : vector<16xf32>
        %swap3A_1369 = arith.constant 1 : i32
        %swap3A_1370 = arith.index_cast %swap3A_1369 : i32 to index
        %swap3A_1371 = arith.index_cast %add3A_1326 : i32 to index
        %swap3A_1372 = arith.constant 16 : index
        %swap3A_1373 = tpu.vector_load %arg15[%swap3A_1370, %swap3A_1371, %swap3A_1372] {strides = array<i32>} : memref<2x64x128xf32, #tpu.memory_space<vmem>>, vector<1x1x16xf32>,
        %swap3A_1374 = vector.shape_cast %swap3A_1373 : vector<1x1x16xf32> to vector<16xf32>
        %swap3A_1375 = vector.shape_cast %mul3A_1368 : vector<16xf32> to vector<1x1x16xf32>
        tpu.vector_store %arg15[%swap3A_1370, %swap3A_1371, %swap3A_1372], %swap3A_1375 {strides = array<i32>} : memref<2x64x128xf32, #tpu.memory_space<vmem>>, vector<1x1x16xf32>,
        %mul3A_1376 = arith.mulf %get3A_1367, %broadcast_in_dim3A_1329 : vector<16xf32>
        %swap3A_1377 = arith.constant 1 : i32
        %swap3A_1378 = arith.index_cast %swap3A_1377 : i32 to index
        %swap3A_1379 = arith.index_cast %add3A_1326 : i32 to index
        %swap3A_1380 = arith.constant 80 : index
        %swap3A_1381 = tpu.vector_load %arg15[%swap3A_1378, %swap3A_1379, %swap3A_1380] {strides = array<i32>} : memref<2x64x128xf32, #tpu.memory_space<vmem>>, vector<1x1x16xf32>,
        %swap3A_1382 = vector.shape_cast %swap3A_1381 : vector<1x1x16xf32> to vector<16xf32>
        %swap3A_1383 = vector.shape_cast %mul3A_1376 : vector<16xf32> to vector<1x1x16xf32>
        tpu.vector_store %arg15[%swap3A_1378, %swap3A_1379, %swap3A_1380], %swap3A_1383 {strides = array<i32>} : memref<2x64x128xf32, #tpu.memory_space<vmem>>, vector<1x1x16xf32>,
        %add3A_1384 = arith.constant 32 : i32
        %add3A_1385 = arith.addi %squeeze3A_1331, %add3A_1384 : i32
        %get3A_1386 = arith.index_cast %add3A_1385 : i32 to index
        %get3A_1387 = tpu.vector_load %arg9[%get3A_1386] {strides = array<i32>} : memref<64000xf32, #tpu.memory_space<vmem>>, vector<16xf32>,
        %get3A_1388 = vector.shape_cast %get3A_1387 : vector<16xf32> to vector<16xf32>
        %get3A_1389 = arith.index_cast %rem3A_380 : i32 to index
        %get3A_1390 = arith.index_cast %add3A_1326 : i32 to index
        %get3A_1391 = arith.constant 32 : index
        %get3A_1392 = tpu.vector_load %arg14[%get3A_1389, %get3A_1390, %get3A_1391] {strides = array<i32>} : memref<4x64x128xf32, #tpu.memory_space<vmem>>, vector<1x1x16xf32>,
        %get3A_1393 = vector.shape_cast %get3A_1392 : vector<1x1x16xf32> to vector<16xf32>
        %mul3A_1394 = arith.mulf %get3A_1388, %broadcast_in_dim3A_1329 : vector<16xf32>
        %swap3A_1395 = arith.constant 1 : i32
        %swap3A_1396 = arith.index_cast %swap3A_1395 : i32 to index
        %swap3A_1397 = arith.index_cast %add3A_1326 : i32 to index
        %swap3A_1398 = arith.constant 32 : index
        %swap3A_1399 = tpu.vector_load %arg15[%swap3A_1396, %swap3A_1397, %swap3A_1398] {strides = array<i32>} : memref<2x64x128xf32, #tpu.memory_space<vmem>>, vector<1x1x16xf32>,
        %swap3A_1400 = vector.shape_cast %swap3A_1399 : vector<1x1x16xf32> to vector<16xf32>
        %swap3A_1401 = vector.shape_cast %mul3A_1394 : vector<16xf32> to vector<1x1x16xf32>
        tpu.vector_store %arg15[%swap3A_1396, %swap3A_1397, %swap3A_1398], %swap3A_1401 {strides = array<i32>} : memref<2x64x128xf32, #tpu.memory_space<vmem>>, vector<1x1x16xf32>,
        %mul3A_1402 = arith.mulf %get3A_1393, %broadcast_in_dim3A_1329 : vector<16xf32>
        %swap3A_1403 = arith.constant 1 : i32
        %swap3A_1404 = arith.index_cast %swap3A_1403 : i32 to index
        %swap3A_1405 = arith.index_cast %add3A_1326 : i32 to index
        %swap3A_1406 = arith.constant 96 : index
        %swap3A_1407 = tpu.vector_load %arg15[%swap3A_1404, %swap3A_1405, %swap3A_1406] {strides = array<i32>} : memref<2x64x128xf32, #tpu.memory_space<vmem>>, vector<1x1x16xf32>,
        %swap3A_1408 = vector.shape_cast %swap3A_1407 : vector<1x1x16xf32> to vector<16xf32>
        %swap3A_1409 = vector.shape_cast %mul3A_1402 : vector<16xf32> to vector<1x1x16xf32>
        tpu.vector_store %arg15[%swap3A_1404, %swap3A_1405, %swap3A_1406], %swap3A_1409 {strides = array<i32>} : memref<2x64x128xf32, #tpu.memory_space<vmem>>, vector<1x1x16xf32>,
        %add3A_1410 = arith.constant 48 : i32
        %add3A_1411 = arith.addi %squeeze3A_1331, %add3A_1410 : i32
        %get3A_1412 = arith.index_cast %add3A_1411 : i32 to index
        %get3A_1413 = tpu.vector_load %arg9[%get3A_1412] {strides = array<i32>} : memref<64000xf32, #tpu.memory_space<vmem>>, vector<16xf32>,
        %get3A_1414 = vector.shape_cast %get3A_1413 : vector<16xf32> to vector<16xf32>
        %get3A_1415 = arith.index_cast %rem3A_380 : i32 to index
        %get3A_1416 = arith.index_cast %add3A_1326 : i32 to index
        %get3A_1417 = arith.constant 48 : index
        %get3A_1418 = tpu.vector_load %arg14[%get3A_1415, %get3A_1416, %get3A_1417] {strides = array<i32>} : memref<4x64x128xf32, #tpu.memory_space<vmem>>, vector<1x1x16xf32>,
        %get3A_1419 = vector.shape_cast %get3A_1418 : vector<1x1x16xf32> to vector<16xf32>
        %mul3A_1420 = arith.mulf %get3A_1414, %broadcast_in_dim3A_1329 : vector<16xf32>
        %swap3A_1421 = arith.constant 1 : i32
        %swap3A_1422 = arith.index_cast %swap3A_1421 : i32 to index
        %swap3A_1423 = arith.index_cast %add3A_1326 : i32 to index
        %swap3A_1424 = arith.constant 48 : index
        %swap3A_1425 = tpu.vector_load %arg15[%swap3A_1422, %swap3A_1423, %swap3A_1424] {strides = array<i32>} : memref<2x64x128xf32, #tpu.memory_space<vmem>>, vector<1x1x16xf32>,
        %swap3A_1426 = vector.shape_cast %swap3A_1425 : vector<1x1x16xf32> to vector<16xf32>
        %swap3A_1427 = vector.shape_cast %mul3A_1420 : vector<16xf32> to vector<1x1x16xf32>
        tpu.vector_store %arg15[%swap3A_1422, %swap3A_1423, %swap3A_1424], %swap3A_1427 {strides = array<i32>} : memref<2x64x128xf32, #tpu.memory_space<vmem>>, vector<1x1x16xf32>,
        %mul3A_1428 = arith.mulf %get3A_1419, %broadcast_in_dim3A_1329 : vector<16xf32>
        %swap3A_1429 = arith.constant 1 : i32
        %swap3A_1430 = arith.index_cast %swap3A_1429 : i32 to index
        %swap3A_1431 = arith.index_cast %add3A_1326 : i32 to index
        %swap3A_1432 = arith.constant 112 : index
        %swap3A_1433 = tpu.vector_load %arg15[%swap3A_1430, %swap3A_1431, %swap3A_1432] {strides = array<i32>} : memref<2x64x128xf32, #tpu.memory_space<vmem>>, vector<1x1x16xf32>,
        %swap3A_1434 = vector.shape_cast %swap3A_1433 : vector<1x1x16xf32> to vector<16xf32>
        %swap3A_1435 = vector.shape_cast %mul3A_1428 : vector<16xf32> to vector<1x1x16xf32>
        tpu.vector_store %arg15[%swap3A_1430, %swap3A_1431, %swap3A_1432], %swap3A_1435 {strides = array<i32>} : memref<2x64x128xf32, #tpu.memory_space<vmem>>, vector<1x1x16xf32>,
        %mul3A_1436 = arith.constant 16 : i32
        %mul3A_1437 = arith.muli %scan3A_404, %mul3A_1436 : i32
        %add3A_1438 = arith.constant 9 : i32
        %add3A_1439 = arith.addi %mul3A_1437, %add3A_1438 : i32
        %slice3A_1440 = vector.extract_strided_slice %get3A_414 {offsets = [9], sizes = [1], strides = [1]} : vector<16xf32> to vector<1xf32>
        %squeeze3A_1441 = vector.extract %slice3A_1440[0] : f32 from vector<1xf32>
        %broadcast_in_dim3A_1442 = vector.broadcast %squeeze3A_1441 : f32 to vector<16xf32>
        %slice3A_1443 = vector.extract_strided_slice %mul3A_422 {offsets = [9], sizes = [1], strides = [1]} : vector<16xi32> to vector<1xi32>
        %squeeze3A_1444 = vector.extract %slice3A_1443[0] : i32 from vector<1xi32>
        %add3A_1445 = arith.constant 0 : i32
        %add3A_1446 = arith.addi %squeeze3A_1444, %add3A_1445 : i32
        %get3A_1447 = arith.index_cast %add3A_1446 : i32 to index
        %get3A_1448 = tpu.vector_load %arg9[%get3A_1447] {strides = array<i32>} : memref<64000xf32, #tpu.memory_space<vmem>>, vector<16xf32>,
        %get3A_1449 = vector.shape_cast %get3A_1448 : vector<16xf32> to vector<16xf32>
        %get3A_1450 = arith.index_cast %rem3A_380 : i32 to index
        %get3A_1451 = arith.index_cast %add3A_1439 : i32 to index
        %get3A_1452 = arith.constant 0 : index
        %get3A_1453 = tpu.vector_load %arg14[%get3A_1450, %get3A_1451, %get3A_1452] {strides = array<i32>} : memref<4x64x128xf32, #tpu.memory_space<vmem>>, vector<1x1x16xf32>,
        %get3A_1454 = vector.shape_cast %get3A_1453 : vector<1x1x16xf32> to vector<16xf32>
        %mul3A_1455 = arith.mulf %get3A_1449, %broadcast_in_dim3A_1442 : vector<16xf32>
        %swap3A_1456 = arith.constant 1 : i32
        %swap3A_1457 = arith.index_cast %swap3A_1456 : i32 to index
        %swap3A_1458 = arith.index_cast %add3A_1439 : i32 to index
        %swap3A_1459 = arith.constant 0 : index
        %swap3A_1460 = tpu.vector_load %arg15[%swap3A_1457, %swap3A_1458, %swap3A_1459] {strides = array<i32>} : memref<2x64x128xf32, #tpu.memory_space<vmem>>, vector<1x1x16xf32>,
        %swap3A_1461 = vector.shape_cast %swap3A_1460 : vector<1x1x16xf32> to vector<16xf32>
        %swap3A_1462 = vector.shape_cast %mul3A_1455 : vector<16xf32> to vector<1x1x16xf32>
        tpu.vector_store %arg15[%swap3A_1457, %swap3A_1458, %swap3A_1459], %swap3A_1462 {strides = array<i32>} : memref<2x64x128xf32, #tpu.memory_space<vmem>>, vector<1x1x16xf32>,
        %mul3A_1463 = arith.mulf %get3A_1454, %broadcast_in_dim3A_1442 : vector<16xf32>
        %swap3A_1464 = arith.constant 1 : i32
        %swap3A_1465 = arith.index_cast %swap3A_1464 : i32 to index
        %swap3A_1466 = arith.index_cast %add3A_1439 : i32 to index
        %swap3A_1467 = arith.constant 64 : index
        %swap3A_1468 = tpu.vector_load %arg15[%swap3A_1465, %swap3A_1466, %swap3A_1467] {strides = array<i32>} : memref<2x64x128xf32, #tpu.memory_space<vmem>>, vector<1x1x16xf32>,
        %swap3A_1469 = vector.shape_cast %swap3A_1468 : vector<1x1x16xf32> to vector<16xf32>
        %swap3A_1470 = vector.shape_cast %mul3A_1463 : vector<16xf32> to vector<1x1x16xf32>
        tpu.vector_store %arg15[%swap3A_1465, %swap3A_1466, %swap3A_1467], %swap3A_1470 {strides = array<i32>} : memref<2x64x128xf32, #tpu.memory_space<vmem>>, vector<1x1x16xf32>,
        %add3A_1471 = arith.constant 16 : i32
        %add3A_1472 = arith.addi %squeeze3A_1444, %add3A_1471 : i32
        %get3A_1473 = arith.index_cast %add3A_1472 : i32 to index
        %get3A_1474 = tpu.vector_load %arg9[%get3A_1473] {strides = array<i32>} : memref<64000xf32, #tpu.memory_space<vmem>>, vector<16xf32>,
        %get3A_1475 = vector.shape_cast %get3A_1474 : vector<16xf32> to vector<16xf32>
        %get3A_1476 = arith.index_cast %rem3A_380 : i32 to index
        %get3A_1477 = arith.index_cast %add3A_1439 : i32 to index
        %get3A_1478 = arith.constant 16 : index
        %get3A_1479 = tpu.vector_load %arg14[%get3A_1476, %get3A_1477, %get3A_1478] {strides = array<i32>} : memref<4x64x128xf32, #tpu.memory_space<vmem>>, vector<1x1x16xf32>,
        %get3A_1480 = vector.shape_cast %get3A_1479 : vector<1x1x16xf32> to vector<16xf32>
        %mul3A_1481 = arith.mulf %get3A_1475, %broadcast_in_dim3A_1442 : vector<16xf32>
        %swap3A_1482 = arith.constant 1 : i32
        %swap3A_1483 = arith.index_cast %swap3A_1482 : i32 to index
        %swap3A_1484 = arith.index_cast %add3A_1439 : i32 to index
        %swap3A_1485 = arith.constant 16 : index
        %swap3A_1486 = tpu.vector_load %arg15[%swap3A_1483, %swap3A_1484, %swap3A_1485] {strides = array<i32>} : memref<2x64x128xf32, #tpu.memory_space<vmem>>, vector<1x1x16xf32>,
        %swap3A_1487 = vector.shape_cast %swap3A_1486 : vector<1x1x16xf32> to vector<16xf32>
        %swap3A_1488 = vector.shape_cast %mul3A_1481 : vector<16xf32> to vector<1x1x16xf32>
        tpu.vector_store %arg15[%swap3A_1483, %swap3A_1484, %swap3A_1485], %swap3A_1488 {strides = array<i32>} : memref<2x64x128xf32, #tpu.memory_space<vmem>>, vector<1x1x16xf32>,
        %mul3A_1489 = arith.mulf %get3A_1480, %broadcast_in_dim3A_1442 : vector<16xf32>
        %swap3A_1490 = arith.constant 1 : i32
        %swap3A_1491 = arith.index_cast %swap3A_1490 : i32 to index
        %swap3A_1492 = arith.index_cast %add3A_1439 : i32 to index
        %swap3A_1493 = arith.constant 80 : index
        %swap3A_1494 = tpu.vector_load %arg15[%swap3A_1491, %swap3A_1492, %swap3A_1493] {strides = array<i32>} : memref<2x64x128xf32, #tpu.memory_space<vmem>>, vector<1x1x16xf32>,
        %swap3A_1495 = vector.shape_cast %swap3A_1494 : vector<1x1x16xf32> to vector<16xf32>
        %swap3A_1496 = vector.shape_cast %mul3A_1489 : vector<16xf32> to vector<1x1x16xf32>
        tpu.vector_store %arg15[%swap3A_1491, %swap3A_1492, %swap3A_1493], %swap3A_1496 {strides = array<i32>} : memref<2x64x128xf32, #tpu.memory_space<vmem>>, vector<1x1x16xf32>,
        %add3A_1497 = arith.constant 32 : i32
        %add3A_1498 = arith.addi %squeeze3A_1444, %add3A_1497 : i32
        %get3A_1499 = arith.index_cast %add3A_1498 : i32 to index
        %get3A_1500 = tpu.vector_load %arg9[%get3A_1499] {strides = array<i32>} : memref<64000xf32, #tpu.memory_space<vmem>>, vector<16xf32>,
        %get3A_1501 = vector.shape_cast %get3A_1500 : vector<16xf32> to vector<16xf32>
        %get3A_1502 = arith.index_cast %rem3A_380 : i32 to index
        %get3A_1503 = arith.index_cast %add3A_1439 : i32 to index
        %get3A_1504 = arith.constant 32 : index
        %get3A_1505 = tpu.vector_load %arg14[%get3A_1502, %get3A_1503, %get3A_1504] {strides = array<i32>} : memref<4x64x128xf32, #tpu.memory_space<vmem>>, vector<1x1x16xf32>,
        %get3A_1506 = vector.shape_cast %get3A_1505 : vector<1x1x16xf32> to vector<16xf32>
        %mul3A_1507 = arith.mulf %get3A_1501, %broadcast_in_dim3A_1442 : vector<16xf32>
        %swap3A_1508 = arith.constant 1 : i32
        %swap3A_1509 = arith.index_cast %swap3A_1508 : i32 to index
        %swap3A_1510 = arith.index_cast %add3A_1439 : i32 to index
        %swap3A_1511 = arith.constant 32 : index
        %swap3A_1512 = tpu.vector_load %arg15[%swap3A_1509, %swap3A_1510, %swap3A_1511] {strides = array<i32>} : memref<2x64x128xf32, #tpu.memory_space<vmem>>, vector<1x1x16xf32>,
        %swap3A_1513 = vector.shape_cast %swap3A_1512 : vector<1x1x16xf32> to vector<16xf32>
        %swap3A_1514 = vector.shape_cast %mul3A_1507 : vector<16xf32> to vector<1x1x16xf32>
        tpu.vector_store %arg15[%swap3A_1509, %swap3A_1510, %swap3A_1511], %swap3A_1514 {strides = array<i32>} : memref<2x64x128xf32, #tpu.memory_space<vmem>>, vector<1x1x16xf32>,
        %mul3A_1515 = arith.mulf %get3A_1506, %broadcast_in_dim3A_1442 : vector<16xf32>
        %swap3A_1516 = arith.constant 1 : i32
        %swap3A_1517 = arith.index_cast %swap3A_1516 : i32 to index
        %swap3A_1518 = arith.index_cast %add3A_1439 : i32 to index
        %swap3A_1519 = arith.constant 96 : index
        %swap3A_1520 = tpu.vector_load %arg15[%swap3A_1517, %swap3A_1518, %swap3A_1519] {strides = array<i32>} : memref<2x64x128xf32, #tpu.memory_space<vmem>>, vector<1x1x16xf32>,
        %swap3A_1521 = vector.shape_cast %swap3A_1520 : vector<1x1x16xf32> to vector<16xf32>
        %swap3A_1522 = vector.shape_cast %mul3A_1515 : vector<16xf32> to vector<1x1x16xf32>
        tpu.vector_store %arg15[%swap3A_1517, %swap3A_1518, %swap3A_1519], %swap3A_1522 {strides = array<i32>} : memref<2x64x128xf32, #tpu.memory_space<vmem>>, vector<1x1x16xf32>,
        %add3A_1523 = arith.constant 48 : i32
        %add3A_1524 = arith.addi %squeeze3A_1444, %add3A_1523 : i32
        %get3A_1525 = arith.index_cast %add3A_1524 : i32 to index
        %get3A_1526 = tpu.vector_load %arg9[%get3A_1525] {strides = array<i32>} : memref<64000xf32, #tpu.memory_space<vmem>>, vector<16xf32>,
        %get3A_1527 = vector.shape_cast %get3A_1526 : vector<16xf32> to vector<16xf32>
        %get3A_1528 = arith.index_cast %rem3A_380 : i32 to index
        %get3A_1529 = arith.index_cast %add3A_1439 : i32 to index
        %get3A_1530 = arith.constant 48 : index
        %get3A_1531 = tpu.vector_load %arg14[%get3A_1528, %get3A_1529, %get3A_1530] {strides = array<i32>} : memref<4x64x128xf32, #tpu.memory_space<vmem>>, vector<1x1x16xf32>,
        %get3A_1532 = vector.shape_cast %get3A_1531 : vector<1x1x16xf32> to vector<16xf32>
        %mul3A_1533 = arith.mulf %get3A_1527, %broadcast_in_dim3A_1442 : vector<16xf32>
        %swap3A_1534 = arith.constant 1 : i32
        %swap3A_1535 = arith.index_cast %swap3A_1534 : i32 to index
        %swap3A_1536 = arith.index_cast %add3A_1439 : i32 to index
        %swap3A_1537 = arith.constant 48 : index
        %swap3A_1538 = tpu.vector_load %arg15[%swap3A_1535, %swap3A_1536, %swap3A_1537] {strides = array<i32>} : memref<2x64x128xf32, #tpu.memory_space<vmem>>, vector<1x1x16xf32>,
        %swap3A_1539 = vector.shape_cast %swap3A_1538 : vector<1x1x16xf32> to vector<16xf32>
        %swap3A_1540 = vector.shape_cast %mul3A_1533 : vector<16xf32> to vector<1x1x16xf32>
        tpu.vector_store %arg15[%swap3A_1535, %swap3A_1536, %swap3A_1537], %swap3A_1540 {strides = array<i32>} : memref<2x64x128xf32, #tpu.memory_space<vmem>>, vector<1x1x16xf32>,
        %mul3A_1541 = arith.mulf %get3A_1532, %broadcast_in_dim3A_1442 : vector<16xf32>
        %swap3A_1542 = arith.constant 1 : i32
        %swap3A_1543 = arith.index_cast %swap3A_1542 : i32 to index
        %swap3A_1544 = arith.index_cast %add3A_1439 : i32 to index
        %swap3A_1545 = arith.constant 112 : index
        %swap3A_1546 = tpu.vector_load %arg15[%swap3A_1543, %swap3A_1544, %swap3A_1545] {strides = array<i32>} : memref<2x64x128xf32, #tpu.memory_space<vmem>>, vector<1x1x16xf32>,
        %swap3A_1547 = vector.shape_cast %swap3A_1546 : vector<1x1x16xf32> to vector<16xf32>
        %swap3A_1548 = vector.shape_cast %mul3A_1541 : vector<16xf32> to vector<1x1x16xf32>
        tpu.vector_store %arg15[%swap3A_1543, %swap3A_1544, %swap3A_1545], %swap3A_1548 {strides = array<i32>} : memref<2x64x128xf32, #tpu.memory_space<vmem>>, vector<1x1x16xf32>,
        %mul3A_1549 = arith.constant 16 : i32
        %mul3A_1550 = arith.muli %scan3A_404, %mul3A_1549 : i32
        %add3A_1551 = arith.constant 10 : i32
        %add3A_1552 = arith.addi %mul3A_1550, %add3A_1551 : i32
        %slice3A_1553 = vector.extract_strided_slice %get3A_414 {offsets = [10], sizes = [1], strides = [1]} : vector<16xf32> to vector<1xf32>
        %squeeze3A_1554 = vector.extract %slice3A_1553[0] : f32 from vector<1xf32>
        %broadcast_in_dim3A_1555 = vector.broadcast %squeeze3A_1554 : f32 to vector<16xf32>
        %slice3A_1556 = vector.extract_strided_slice %mul3A_422 {offsets = [10], sizes = [1], strides = [1]} : vector<16xi32> to vector<1xi32>
        %squeeze3A_1557 = vector.extract %slice3A_1556[0] : i32 from vector<1xi32>
        %add3A_1558 = arith.constant 0 : i32
        %add3A_1559 = arith.addi %squeeze3A_1557, %add3A_1558 : i32
        %get3A_1560 = arith.index_cast %add3A_1559 : i32 to index
        %get3A_1561 = tpu.vector_load %arg9[%get3A_1560] {strides = array<i32>} : memref<64000xf32, #tpu.memory_space<vmem>>, vector<16xf32>,
        %get3A_1562 = vector.shape_cast %get3A_1561 : vector<16xf32> to vector<16xf32>
        %get3A_1563 = arith.index_cast %rem3A_380 : i32 to index
        %get3A_1564 = arith.index_cast %add3A_1552 : i32 to index
        %get3A_1565 = arith.constant 0 : index
        %get3A_1566 = tpu.vector_load %arg14[%get3A_1563, %get3A_1564, %get3A_1565] {strides = array<i32>} : memref<4x64x128xf32, #tpu.memory_space<vmem>>, vector<1x1x16xf32>,
        %get3A_1567 = vector.shape_cast %get3A_1566 : vector<1x1x16xf32> to vector<16xf32>
        %mul3A_1568 = arith.mulf %get3A_1562, %broadcast_in_dim3A_1555 : vector<16xf32>
        %swap3A_1569 = arith.constant 1 : i32
        %swap3A_1570 = arith.index_cast %swap3A_1569 : i32 to index
        %swap3A_1571 = arith.index_cast %add3A_1552 : i32 to index
        %swap3A_1572 = arith.constant 0 : index
        %swap3A_1573 = tpu.vector_load %arg15[%swap3A_1570, %swap3A_1571, %swap3A_1572] {strides = array<i32>} : memref<2x64x128xf32, #tpu.memory_space<vmem>>, vector<1x1x16xf32>,
        %swap3A_1574 = vector.shape_cast %swap3A_1573 : vector<1x1x16xf32> to vector<16xf32>
        %swap3A_1575 = vector.shape_cast %mul3A_1568 : vector<16xf32> to vector<1x1x16xf32>
        tpu.vector_store %arg15[%swap3A_1570, %swap3A_1571, %swap3A_1572], %swap3A_1575 {strides = array<i32>} : memref<2x64x128xf32, #tpu.memory_space<vmem>>, vector<1x1x16xf32>,
        %mul3A_1576 = arith.mulf %get3A_1567, %broadcast_in_dim3A_1555 : vector<16xf32>
        %swap3A_1577 = arith.constant 1 : i32
        %swap3A_1578 = arith.index_cast %swap3A_1577 : i32 to index
        %swap3A_1579 = arith.index_cast %add3A_1552 : i32 to index
        %swap3A_1580 = arith.constant 64 : index
        %swap3A_1581 = tpu.vector_load %arg15[%swap3A_1578, %swap3A_1579, %swap3A_1580] {strides = array<i32>} : memref<2x64x128xf32, #tpu.memory_space<vmem>>, vector<1x1x16xf32>,
        %swap3A_1582 = vector.shape_cast %swap3A_1581 : vector<1x1x16xf32> to vector<16xf32>
        %swap3A_1583 = vector.shape_cast %mul3A_1576 : vector<16xf32> to vector<1x1x16xf32>
        tpu.vector_store %arg15[%swap3A_1578, %swap3A_1579, %swap3A_1580], %swap3A_1583 {strides = array<i32>} : memref<2x64x128xf32, #tpu.memory_space<vmem>>, vector<1x1x16xf32>,
        %add3A_1584 = arith.constant 16 : i32
        %add3A_1585 = arith.addi %squeeze3A_1557, %add3A_1584 : i32
        %get3A_1586 = arith.index_cast %add3A_1585 : i32 to index
        %get3A_1587 = tpu.vector_load %arg9[%get3A_1586] {strides = array<i32>} : memref<64000xf32, #tpu.memory_space<vmem>>, vector<16xf32>,
        %get3A_1588 = vector.shape_cast %get3A_1587 : vector<16xf32> to vector<16xf32>
        %get3A_1589 = arith.index_cast %rem3A_380 : i32 to index
        %get3A_1590 = arith.index_cast %add3A_1552 : i32 to index
        %get3A_1591 = arith.constant 16 : index
        %get3A_1592 = tpu.vector_load %arg14[%get3A_1589, %get3A_1590, %get3A_1591] {strides = array<i32>} : memref<4x64x128xf32, #tpu.memory_space<vmem>>, vector<1x1x16xf32>,
        %get3A_1593 = vector.shape_cast %get3A_1592 : vector<1x1x16xf32> to vector<16xf32>
        %mul3A_1594 = arith.mulf %get3A_1588, %broadcast_in_dim3A_1555 : vector<16xf32>
        %swap3A_1595 = arith.constant 1 : i32
        %swap3A_1596 = arith.index_cast %swap3A_1595 : i32 to index
        %swap3A_1597 = arith.index_cast %add3A_1552 : i32 to index
        %swap3A_1598 = arith.constant 16 : index
        %swap3A_1599 = tpu.vector_load %arg15[%swap3A_1596, %swap3A_1597, %swap3A_1598] {strides = array<i32>} : memref<2x64x128xf32, #tpu.memory_space<vmem>>, vector<1x1x16xf32>,
        %swap3A_1600 = vector.shape_cast %swap3A_1599 : vector<1x1x16xf32> to vector<16xf32>
        %swap3A_1601 = vector.shape_cast %mul3A_1594 : vector<16xf32> to vector<1x1x16xf32>
        tpu.vector_store %arg15[%swap3A_1596, %swap3A_1597, %swap3A_1598], %swap3A_1601 {strides = array<i32>} : memref<2x64x128xf32, #tpu.memory_space<vmem>>, vector<1x1x16xf32>,
        %mul3A_1602 = arith.mulf %get3A_1593, %broadcast_in_dim3A_1555 : vector<16xf32>
        %swap3A_1603 = arith.constant 1 : i32
        %swap3A_1604 = arith.index_cast %swap3A_1603 : i32 to index
        %swap3A_1605 = arith.index_cast %add3A_1552 : i32 to index
        %swap3A_1606 = arith.constant 80 : index
        %swap3A_1607 = tpu.vector_load %arg15[%swap3A_1604, %swap3A_1605, %swap3A_1606] {strides = array<i32>} : memref<2x64x128xf32, #tpu.memory_space<vmem>>, vector<1x1x16xf32>,
        %swap3A_1608 = vector.shape_cast %swap3A_1607 : vector<1x1x16xf32> to vector<16xf32>
        %swap3A_1609 = vector.shape_cast %mul3A_1602 : vector<16xf32> to vector<1x1x16xf32>
        tpu.vector_store %arg15[%swap3A_1604, %swap3A_1605, %swap3A_1606], %swap3A_1609 {strides = array<i32>} : memref<2x64x128xf32, #tpu.memory_space<vmem>>, vector<1x1x16xf32>,
        %add3A_1610 = arith.constant 32 : i32
        %add3A_1611 = arith.addi %squeeze3A_1557, %add3A_1610 : i32
        %get3A_1612 = arith.index_cast %add3A_1611 : i32 to index
        %get3A_1613 = tpu.vector_load %arg9[%get3A_1612] {strides = array<i32>} : memref<64000xf32, #tpu.memory_space<vmem>>, vector<16xf32>,
        %get3A_1614 = vector.shape_cast %get3A_1613 : vector<16xf32> to vector<16xf32>
        %get3A_1615 = arith.index_cast %rem3A_380 : i32 to index
        %get3A_1616 = arith.index_cast %add3A_1552 : i32 to index
        %get3A_1617 = arith.constant 32 : index
        %get3A_1618 = tpu.vector_load %arg14[%get3A_1615, %get3A_1616, %get3A_1617] {strides = array<i32>} : memref<4x64x128xf32, #tpu.memory_space<vmem>>, vector<1x1x16xf32>,
        %get3A_1619 = vector.shape_cast %get3A_1618 : vector<1x1x16xf32> to vector<16xf32>
        %mul3A_1620 = arith.mulf %get3A_1614, %broadcast_in_dim3A_1555 : vector<16xf32>
        %swap3A_1621 = arith.constant 1 : i32
        %swap3A_1622 = arith.index_cast %swap3A_1621 : i32 to index
        %swap3A_1623 = arith.index_cast %add3A_1552 : i32 to index
        %swap3A_1624 = arith.constant 32 : index
        %swap3A_1625 = tpu.vector_load %arg15[%swap3A_1622, %swap3A_1623, %swap3A_1624] {strides = array<i32>} : memref<2x64x128xf32, #tpu.memory_space<vmem>>, vector<1x1x16xf32>,
        %swap3A_1626 = vector.shape_cast %swap3A_1625 : vector<1x1x16xf32> to vector<16xf32>
        %swap3A_1627 = vector.shape_cast %mul3A_1620 : vector<16xf32> to vector<1x1x16xf32>
        tpu.vector_store %arg15[%swap3A_1622, %swap3A_1623, %swap3A_1624], %swap3A_1627 {strides = array<i32>} : memref<2x64x128xf32, #tpu.memory_space<vmem>>, vector<1x1x16xf32>,
        %mul3A_1628 = arith.mulf %get3A_1619, %broadcast_in_dim3A_1555 : vector<16xf32>
        %swap3A_1629 = arith.constant 1 : i32
        %swap3A_1630 = arith.index_cast %swap3A_1629 : i32 to index
        %swap3A_1631 = arith.index_cast %add3A_1552 : i32 to index
        %swap3A_1632 = arith.constant 96 : index
        %swap3A_1633 = tpu.vector_load %arg15[%swap3A_1630, %swap3A_1631, %swap3A_1632] {strides = array<i32>} : memref<2x64x128xf32, #tpu.memory_space<vmem>>, vector<1x1x16xf32>,
        %swap3A_1634 = vector.shape_cast %swap3A_1633 : vector<1x1x16xf32> to vector<16xf32>
        %swap3A_1635 = vector.shape_cast %mul3A_1628 : vector<16xf32> to vector<1x1x16xf32>
        tpu.vector_store %arg15[%swap3A_1630, %swap3A_1631, %swap3A_1632], %swap3A_1635 {strides = array<i32>} : memref<2x64x128xf32, #tpu.memory_space<vmem>>, vector<1x1x16xf32>,
        %add3A_1636 = arith.constant 48 : i32
        %add3A_1637 = arith.addi %squeeze3A_1557, %add3A_1636 : i32
        %get3A_1638 = arith.index_cast %add3A_1637 : i32 to index
        %get3A_1639 = tpu.vector_load %arg9[%get3A_1638] {strides = array<i32>} : memref<64000xf32, #tpu.memory_space<vmem>>, vector<16xf32>,
        %get3A_1640 = vector.shape_cast %get3A_1639 : vector<16xf32> to vector<16xf32>
        %get3A_1641 = arith.index_cast %rem3A_380 : i32 to index
        %get3A_1642 = arith.index_cast %add3A_1552 : i32 to index
        %get3A_1643 = arith.constant 48 : index
        %get3A_1644 = tpu.vector_load %arg14[%get3A_1641, %get3A_1642, %get3A_1643] {strides = array<i32>} : memref<4x64x128xf32, #tpu.memory_space<vmem>>, vector<1x1x16xf32>,
        %get3A_1645 = vector.shape_cast %get3A_1644 : vector<1x1x16xf32> to vector<16xf32>
        %mul3A_1646 = arith.mulf %get3A_1640, %broadcast_in_dim3A_1555 : vector<16xf32>
        %swap3A_1647 = arith.constant 1 : i32
        %swap3A_1648 = arith.index_cast %swap3A_1647 : i32 to index
        %swap3A_1649 = arith.index_cast %add3A_1552 : i32 to index
        %swap3A_1650 = arith.constant 48 : index
        %swap3A_1651 = tpu.vector_load %arg15[%swap3A_1648, %swap3A_1649, %swap3A_1650] {strides = array<i32>} : memref<2x64x128xf32, #tpu.memory_space<vmem>>, vector<1x1x16xf32>,
        %swap3A_1652 = vector.shape_cast %swap3A_1651 : vector<1x1x16xf32> to vector<16xf32>
        %swap3A_1653 = vector.shape_cast %mul3A_1646 : vector<16xf32> to vector<1x1x16xf32>
        tpu.vector_store %arg15[%swap3A_1648, %swap3A_1649, %swap3A_1650], %swap3A_1653 {strides = array<i32>} : memref<2x64x128xf32, #tpu.memory_space<vmem>>, vector<1x1x16xf32>,
        %mul3A_1654 = arith.mulf %get3A_1645, %broadcast_in_dim3A_1555 : vector<16xf32>
        %swap3A_1655 = arith.constant 1 : i32
        %swap3A_1656 = arith.index_cast %swap3A_1655 : i32 to index
        %swap3A_1657 = arith.index_cast %add3A_1552 : i32 to index
        %swap3A_1658 = arith.constant 112 : index
        %swap3A_1659 = tpu.vector_load %arg15[%swap3A_1656, %swap3A_1657, %swap3A_1658] {strides = array<i32>} : memref<2x64x128xf32, #tpu.memory_space<vmem>>, vector<1x1x16xf32>,
        %swap3A_1660 = vector.shape_cast %swap3A_1659 : vector<1x1x16xf32> to vector<16xf32>
        %swap3A_1661 = vector.shape_cast %mul3A_1654 : vector<16xf32> to vector<1x1x16xf32>
        tpu.vector_store %arg15[%swap3A_1656, %swap3A_1657, %swap3A_1658], %swap3A_1661 {strides = array<i32>} : memref<2x64x128xf32, #tpu.memory_space<vmem>>, vector<1x1x16xf32>,
        %mul3A_1662 = arith.constant 16 : i32
        %mul3A_1663 = arith.muli %scan3A_404, %mul3A_1662 : i32
        %add3A_1664 = arith.constant 11 : i32
        %add3A_1665 = arith.addi %mul3A_1663, %add3A_1664 : i32
        %slice3A_1666 = vector.extract_strided_slice %get3A_414 {offsets = [11], sizes = [1], strides = [1]} : vector<16xf32> to vector<1xf32>
        %squeeze3A_1667 = vector.extract %slice3A_1666[0] : f32 from vector<1xf32>
        %broadcast_in_dim3A_1668 = vector.broadcast %squeeze3A_1667 : f32 to vector<16xf32>
        %slice3A_1669 = vector.extract_strided_slice %mul3A_422 {offsets = [11], sizes = [1], strides = [1]} : vector<16xi32> to vector<1xi32>
        %squeeze3A_1670 = vector.extract %slice3A_1669[0] : i32 from vector<1xi32>
        %add3A_1671 = arith.constant 0 : i32
        %add3A_1672 = arith.addi %squeeze3A_1670, %add3A_1671 : i32
        %get3A_1673 = arith.index_cast %add3A_1672 : i32 to index
        %get3A_1674 = tpu.vector_load %arg9[%get3A_1673] {strides = array<i32>} : memref<64000xf32, #tpu.memory_space<vmem>>, vector<16xf32>,
        %get3A_1675 = vector.shape_cast %get3A_1674 : vector<16xf32> to vector<16xf32>
        %get3A_1676 = arith.index_cast %rem3A_380 : i32 to index
        %get3A_1677 = arith.index_cast %add3A_1665 : i32 to index
        %get3A_1678 = arith.constant 0 : index
        %get3A_1679 = tpu.vector_load %arg14[%get3A_1676, %get3A_1677, %get3A_1678] {strides = array<i32>} : memref<4x64x128xf32, #tpu.memory_space<vmem>>, vector<1x1x16xf32>,
        %get3A_1680 = vector.shape_cast %get3A_1679 : vector<1x1x16xf32> to vector<16xf32>
        %mul3A_1681 = arith.mulf %get3A_1675, %broadcast_in_dim3A_1668 : vector<16xf32>
        %swap3A_1682 = arith.constant 1 : i32
        %swap3A_1683 = arith.index_cast %swap3A_1682 : i32 to index
        %swap3A_1684 = arith.index_cast %add3A_1665 : i32 to index
        %swap3A_1685 = arith.constant 0 : index
        %swap3A_1686 = tpu.vector_load %arg15[%swap3A_1683, %swap3A_1684, %swap3A_1685] {strides = array<i32>} : memref<2x64x128xf32, #tpu.memory_space<vmem>>, vector<1x1x16xf32>,
        %swap3A_1687 = vector.shape_cast %swap3A_1686 : vector<1x1x16xf32> to vector<16xf32>
        %swap3A_1688 = vector.shape_cast %mul3A_1681 : vector<16xf32> to vector<1x1x16xf32>
        tpu.vector_store %arg15[%swap3A_1683, %swap3A_1684, %swap3A_1685], %swap3A_1688 {strides = array<i32>} : memref<2x64x128xf32, #tpu.memory_space<vmem>>, vector<1x1x16xf32>,
        %mul3A_1689 = arith.mulf %get3A_1680, %broadcast_in_dim3A_1668 : vector<16xf32>
        %swap3A_1690 = arith.constant 1 : i32
        %swap3A_1691 = arith.index_cast %swap3A_1690 : i32 to index
        %swap3A_1692 = arith.index_cast %add3A_1665 : i32 to index
        %swap3A_1693 = arith.constant 64 : index
        %swap3A_1694 = tpu.vector_load %arg15[%swap3A_1691, %swap3A_1692, %swap3A_1693] {strides = array<i32>} : memref<2x64x128xf32, #tpu.memory_space<vmem>>, vector<1x1x16xf32>,
        %swap3A_1695 = vector.shape_cast %swap3A_1694 : vector<1x1x16xf32> to vector<16xf32>
        %swap3A_1696 = vector.shape_cast %mul3A_1689 : vector<16xf32> to vector<1x1x16xf32>
        tpu.vector_store %arg15[%swap3A_1691, %swap3A_1692, %swap3A_1693], %swap3A_1696 {strides = array<i32>} : memref<2x64x128xf32, #tpu.memory_space<vmem>>, vector<1x1x16xf32>,
        %add3A_1697 = arith.constant 16 : i32
        %add3A_1698 = arith.addi %squeeze3A_1670, %add3A_1697 : i32
        %get3A_1699 = arith.index_cast %add3A_1698 : i32 to index
        %get3A_1700 = tpu.vector_load %arg9[%get3A_1699] {strides = array<i32>} : memref<64000xf32, #tpu.memory_space<vmem>>, vector<16xf32>,
        %get3A_1701 = vector.shape_cast %get3A_1700 : vector<16xf32> to vector<16xf32>
        %get3A_1702 = arith.index_cast %rem3A_380 : i32 to index
        %get3A_1703 = arith.index_cast %add3A_1665 : i32 to index
        %get3A_1704 = arith.constant 16 : index
        %get3A_1705 = tpu.vector_load %arg14[%get3A_1702, %get3A_1703, %get3A_1704] {strides = array<i32>} : memref<4x64x128xf32, #tpu.memory_space<vmem>>, vector<1x1x16xf32>,
        %get3A_1706 = vector.shape_cast %get3A_1705 : vector<1x1x16xf32> to vector<16xf32>
        %mul3A_1707 = arith.mulf %get3A_1701, %broadcast_in_dim3A_1668 : vector<16xf32>
        %swap3A_1708 = arith.constant 1 : i32
        %swap3A_1709 = arith.index_cast %swap3A_1708 : i32 to index
        %swap3A_1710 = arith.index_cast %add3A_1665 : i32 to index
        %swap3A_1711 = arith.constant 16 : index
        %swap3A_1712 = tpu.vector_load %arg15[%swap3A_1709, %swap3A_1710, %swap3A_1711] {strides = array<i32>} : memref<2x64x128xf32, #tpu.memory_space<vmem>>, vector<1x1x16xf32>,
        %swap3A_1713 = vector.shape_cast %swap3A_1712 : vector<1x1x16xf32> to vector<16xf32>
        %swap3A_1714 = vector.shape_cast %mul3A_1707 : vector<16xf32> to vector<1x1x16xf32>
        tpu.vector_store %arg15[%swap3A_1709, %swap3A_1710, %swap3A_1711], %swap3A_1714 {strides = array<i32>} : memref<2x64x128xf32, #tpu.memory_space<vmem>>, vector<1x1x16xf32>,
        %mul3A_1715 = arith.mulf %get3A_1706, %broadcast_in_dim3A_1668 : vector<16xf32>
        %swap3A_1716 = arith.constant 1 : i32
        %swap3A_1717 = arith.index_cast %swap3A_1716 : i32 to index
        %swap3A_1718 = arith.index_cast %add3A_1665 : i32 to index
        %swap3A_1719 = arith.constant 80 : index
        %swap3A_1720 = tpu.vector_load %arg15[%swap3A_1717, %swap3A_1718, %swap3A_1719] {strides = array<i32>} : memref<2x64x128xf32, #tpu.memory_space<vmem>>, vector<1x1x16xf32>,
        %swap3A_1721 = vector.shape_cast %swap3A_1720 : vector<1x1x16xf32> to vector<16xf32>
        %swap3A_1722 = vector.shape_cast %mul3A_1715 : vector<16xf32> to vector<1x1x16xf32>
        tpu.vector_store %arg15[%swap3A_1717, %swap3A_1718, %swap3A_1719], %swap3A_1722 {strides = array<i32>} : memref<2x64x128xf32, #tpu.memory_space<vmem>>, vector<1x1x16xf32>,
        %add3A_1723 = arith.constant 32 : i32
        %add3A_1724 = arith.addi %squeeze3A_1670, %add3A_1723 : i32
        %get3A_1725 = arith.index_cast %add3A_1724 : i32 to index
        %get3A_1726 = tpu.vector_load %arg9[%get3A_1725] {strides = array<i32>} : memref<64000xf32, #tpu.memory_space<vmem>>, vector<16xf32>,
        %get3A_1727 = vector.shape_cast %get3A_1726 : vector<16xf32> to vector<16xf32>
        %get3A_1728 = arith.index_cast %rem3A_380 : i32 to index
        %get3A_1729 = arith.index_cast %add3A_1665 : i32 to index
        %get3A_1730 = arith.constant 32 : index
        %get3A_1731 = tpu.vector_load %arg14[%get3A_1728, %get3A_1729, %get3A_1730] {strides = array<i32>} : memref<4x64x128xf32, #tpu.memory_space<vmem>>, vector<1x1x16xf32>,
        %get3A_1732 = vector.shape_cast %get3A_1731 : vector<1x1x16xf32> to vector<16xf32>
        %mul3A_1733 = arith.mulf %get3A_1727, %broadcast_in_dim3A_1668 : vector<16xf32>
        %swap3A_1734 = arith.constant 1 : i32
        %swap3A_1735 = arith.index_cast %swap3A_1734 : i32 to index
        %swap3A_1736 = arith.index_cast %add3A_1665 : i32 to index
        %swap3A_1737 = arith.constant 32 : index
        %swap3A_1738 = tpu.vector_load %arg15[%swap3A_1735, %swap3A_1736, %swap3A_1737] {strides = array<i32>} : memref<2x64x128xf32, #tpu.memory_space<vmem>>, vector<1x1x16xf32>,
        %swap3A_1739 = vector.shape_cast %swap3A_1738 : vector<1x1x16xf32> to vector<16xf32>
        %swap3A_1740 = vector.shape_cast %mul3A_1733 : vector<16xf32> to vector<1x1x16xf32>
        tpu.vector_store %arg15[%swap3A_1735, %swap3A_1736, %swap3A_1737], %swap3A_1740 {strides = array<i32>} : memref<2x64x128xf32, #tpu.memory_space<vmem>>, vector<1x1x16xf32>,
        %mul3A_1741 = arith.mulf %get3A_1732, %broadcast_in_dim3A_1668 : vector<16xf32>
        %swap3A_1742 = arith.constant 1 : i32
        %swap3A_1743 = arith.index_cast %swap3A_1742 : i32 to index
        %swap3A_1744 = arith.index_cast %add3A_1665 : i32 to index
        %swap3A_1745 = arith.constant 96 : index
        %swap3A_1746 = tpu.vector_load %arg15[%swap3A_1743, %swap3A_1744, %swap3A_1745] {strides = array<i32>} : memref<2x64x128xf32, #tpu.memory_space<vmem>>, vector<1x1x16xf32>,
        %swap3A_1747 = vector.shape_cast %swap3A_1746 : vector<1x1x16xf32> to vector<16xf32>
        %swap3A_1748 = vector.shape_cast %mul3A_1741 : vector<16xf32> to vector<1x1x16xf32>
        tpu.vector_store %arg15[%swap3A_1743, %swap3A_1744, %swap3A_1745], %swap3A_1748 {strides = array<i32>} : memref<2x64x128xf32, #tpu.memory_space<vmem>>, vector<1x1x16xf32>,
        %add3A_1749 = arith.constant 48 : i32
        %add3A_1750 = arith.addi %squeeze3A_1670, %add3A_1749 : i32
        %get3A_1751 = arith.index_cast %add3A_1750 : i32 to index
        %get3A_1752 = tpu.vector_load %arg9[%get3A_1751] {strides = array<i32>} : memref<64000xf32, #tpu.memory_space<vmem>>, vector<16xf32>,
        %get3A_1753 = vector.shape_cast %get3A_1752 : vector<16xf32> to vector<16xf32>
        %get3A_1754 = arith.index_cast %rem3A_380 : i32 to index
        %get3A_1755 = arith.index_cast %add3A_1665 : i32 to index
        %get3A_1756 = arith.constant 48 : index
        %get3A_1757 = tpu.vector_load %arg14[%get3A_1754, %get3A_1755, %get3A_1756] {strides = array<i32>} : memref<4x64x128xf32, #tpu.memory_space<vmem>>, vector<1x1x16xf32>,
        %get3A_1758 = vector.shape_cast %get3A_1757 : vector<1x1x16xf32> to vector<16xf32>
        %mul3A_1759 = arith.mulf %get3A_1753, %broadcast_in_dim3A_1668 : vector<16xf32>
        %swap3A_1760 = arith.constant 1 : i32
        %swap3A_1761 = arith.index_cast %swap3A_1760 : i32 to index
        %swap3A_1762 = arith.index_cast %add3A_1665 : i32 to index
        %swap3A_1763 = arith.constant 48 : index
        %swap3A_1764 = tpu.vector_load %arg15[%swap3A_1761, %swap3A_1762, %swap3A_1763] {strides = array<i32>} : memref<2x64x128xf32, #tpu.memory_space<vmem>>, vector<1x1x16xf32>,
        %swap3A_1765 = vector.shape_cast %swap3A_1764 : vector<1x1x16xf32> to vector<16xf32>
        %swap3A_1766 = vector.shape_cast %mul3A_1759 : vector<16xf32> to vector<1x1x16xf32>
        tpu.vector_store %arg15[%swap3A_1761, %swap3A_1762, %swap3A_1763], %swap3A_1766 {strides = array<i32>} : memref<2x64x128xf32, #tpu.memory_space<vmem>>, vector<1x1x16xf32>,
        %mul3A_1767 = arith.mulf %get3A_1758, %broadcast_in_dim3A_1668 : vector<16xf32>
        %swap3A_1768 = arith.constant 1 : i32
        %swap3A_1769 = arith.index_cast %swap3A_1768 : i32 to index
        %swap3A_1770 = arith.index_cast %add3A_1665 : i32 to index
        %swap3A_1771 = arith.constant 112 : index
        %swap3A_1772 = tpu.vector_load %arg15[%swap3A_1769, %swap3A_1770, %swap3A_1771] {strides = array<i32>} : memref<2x64x128xf32, #tpu.memory_space<vmem>>, vector<1x1x16xf32>,
        %swap3A_1773 = vector.shape_cast %swap3A_1772 : vector<1x1x16xf32> to vector<16xf32>
        %swap3A_1774 = vector.shape_cast %mul3A_1767 : vector<16xf32> to vector<1x1x16xf32>
        tpu.vector_store %arg15[%swap3A_1769, %swap3A_1770, %swap3A_1771], %swap3A_1774 {strides = array<i32>} : memref<2x64x128xf32, #tpu.memory_space<vmem>>, vector<1x1x16xf32>,
        %mul3A_1775 = arith.constant 16 : i32
        %mul3A_1776 = arith.muli %scan3A_404, %mul3A_1775 : i32
        %add3A_1777 = arith.constant 12 : i32
        %add3A_1778 = arith.addi %mul3A_1776, %add3A_1777 : i32
        %slice3A_1779 = vector.extract_strided_slice %get3A_414 {offsets = [12], sizes = [1], strides = [1]} : vector<16xf32> to vector<1xf32>
        %squeeze3A_1780 = vector.extract %slice3A_1779[0] : f32 from vector<1xf32>
        %broadcast_in_dim3A_1781 = vector.broadcast %squeeze3A_1780 : f32 to vector<16xf32>
        %slice3A_1782 = vector.extract_strided_slice %mul3A_422 {offsets = [12], sizes = [1], strides = [1]} : vector<16xi32> to vector<1xi32>
        %squeeze3A_1783 = vector.extract %slice3A_1782[0] : i32 from vector<1xi32>
        %add3A_1784 = arith.constant 0 : i32
        %add3A_1785 = arith.addi %squeeze3A_1783, %add3A_1784 : i32
        %get3A_1786 = arith.index_cast %add3A_1785 : i32 to index
        %get3A_1787 = tpu.vector_load %arg9[%get3A_1786] {strides = array<i32>} : memref<64000xf32, #tpu.memory_space<vmem>>, vector<16xf32>,
        %get3A_1788 = vector.shape_cast %get3A_1787 : vector<16xf32> to vector<16xf32>
        %get3A_1789 = arith.index_cast %rem3A_380 : i32 to index
        %get3A_1790 = arith.index_cast %add3A_1778 : i32 to index
        %get3A_1791 = arith.constant 0 : index
        %get3A_1792 = tpu.vector_load %arg14[%get3A_1789, %get3A_1790, %get3A_1791] {strides = array<i32>} : memref<4x64x128xf32, #tpu.memory_space<vmem>>, vector<1x1x16xf32>,
        %get3A_1793 = vector.shape_cast %get3A_1792 : vector<1x1x16xf32> to vector<16xf32>
        %mul3A_1794 = arith.mulf %get3A_1788, %broadcast_in_dim3A_1781 : vector<16xf32>
        %swap3A_1795 = arith.constant 1 : i32
        %swap3A_1796 = arith.index_cast %swap3A_1795 : i32 to index
        %swap3A_1797 = arith.index_cast %add3A_1778 : i32 to index
        %swap3A_1798 = arith.constant 0 : index
        %swap3A_1799 = tpu.vector_load %arg15[%swap3A_1796, %swap3A_1797, %swap3A_1798] {strides = array<i32>} : memref<2x64x128xf32, #tpu.memory_space<vmem>>, vector<1x1x16xf32>,
        %swap3A_1800 = vector.shape_cast %swap3A_1799 : vector<1x1x16xf32> to vector<16xf32>
        %swap3A_1801 = vector.shape_cast %mul3A_1794 : vector<16xf32> to vector<1x1x16xf32>
        tpu.vector_store %arg15[%swap3A_1796, %swap3A_1797, %swap3A_1798], %swap3A_1801 {strides = array<i32>} : memref<2x64x128xf32, #tpu.memory_space<vmem>>, vector<1x1x16xf32>,
        %mul3A_1802 = arith.mulf %get3A_1793, %broadcast_in_dim3A_1781 : vector<16xf32>
        %swap3A_1803 = arith.constant 1 : i32
        %swap3A_1804 = arith.index_cast %swap3A_1803 : i32 to index
        %swap3A_1805 = arith.index_cast %add3A_1778 : i32 to index
        %swap3A_1806 = arith.constant 64 : index
        %swap3A_1807 = tpu.vector_load %arg15[%swap3A_1804, %swap3A_1805, %swap3A_1806] {strides = array<i32>} : memref<2x64x128xf32, #tpu.memory_space<vmem>>, vector<1x1x16xf32>,
        %swap3A_1808 = vector.shape_cast %swap3A_1807 : vector<1x1x16xf32> to vector<16xf32>
        %swap3A_1809 = vector.shape_cast %mul3A_1802 : vector<16xf32> to vector<1x1x16xf32>
        tpu.vector_store %arg15[%swap3A_1804, %swap3A_1805, %swap3A_1806], %swap3A_1809 {strides = array<i32>} : memref<2x64x128xf32, #tpu.memory_space<vmem>>, vector<1x1x16xf32>,
        %add3A_1810 = arith.constant 16 : i32
        %add3A_1811 = arith.addi %squeeze3A_1783, %add3A_1810 : i32
        %get3A_1812 = arith.index_cast %add3A_1811 : i32 to index
        %get3A_1813 = tpu.vector_load %arg9[%get3A_1812] {strides = array<i32>} : memref<64000xf32, #tpu.memory_space<vmem>>, vector<16xf32>,
        %get3A_1814 = vector.shape_cast %get3A_1813 : vector<16xf32> to vector<16xf32>
        %get3A_1815 = arith.index_cast %rem3A_380 : i32 to index
        %get3A_1816 = arith.index_cast %add3A_1778 : i32 to index
        %get3A_1817 = arith.constant 16 : index
        %get3A_1818 = tpu.vector_load %arg14[%get3A_1815, %get3A_1816, %get3A_1817] {strides = array<i32>} : memref<4x64x128xf32, #tpu.memory_space<vmem>>, vector<1x1x16xf32>,
        %get3A_1819 = vector.shape_cast %get3A_1818 : vector<1x1x16xf32> to vector<16xf32>
        %mul3A_1820 = arith.mulf %get3A_1814, %broadcast_in_dim3A_1781 : vector<16xf32>
        %swap3A_1821 = arith.constant 1 : i32
        %swap3A_1822 = arith.index_cast %swap3A_1821 : i32 to index
        %swap3A_1823 = arith.index_cast %add3A_1778 : i32 to index
        %swap3A_1824 = arith.constant 16 : index
        %swap3A_1825 = tpu.vector_load %arg15[%swap3A_1822, %swap3A_1823, %swap3A_1824] {strides = array<i32>} : memref<2x64x128xf32, #tpu.memory_space<vmem>>, vector<1x1x16xf32>,
        %swap3A_1826 = vector.shape_cast %swap3A_1825 : vector<1x1x16xf32> to vector<16xf32>
        %swap3A_1827 = vector.shape_cast %mul3A_1820 : vector<16xf32> to vector<1x1x16xf32>
        tpu.vector_store %arg15[%swap3A_1822, %swap3A_1823, %swap3A_1824], %swap3A_1827 {strides = array<i32>} : memref<2x64x128xf32, #tpu.memory_space<vmem>>, vector<1x1x16xf32>,
        %mul3A_1828 = arith.mulf %get3A_1819, %broadcast_in_dim3A_1781 : vector<16xf32>
        %swap3A_1829 = arith.constant 1 : i32
        %swap3A_1830 = arith.index_cast %swap3A_1829 : i32 to index
        %swap3A_1831 = arith.index_cast %add3A_1778 : i32 to index
        %swap3A_1832 = arith.constant 80 : index
        %swap3A_1833 = tpu.vector_load %arg15[%swap3A_1830, %swap3A_1831, %swap3A_1832] {strides = array<i32>} : memref<2x64x128xf32, #tpu.memory_space<vmem>>, vector<1x1x16xf32>,
        %swap3A_1834 = vector.shape_cast %swap3A_1833 : vector<1x1x16xf32> to vector<16xf32>
        %swap3A_1835 = vector.shape_cast %mul3A_1828 : vector<16xf32> to vector<1x1x16xf32>
        tpu.vector_store %arg15[%swap3A_1830, %swap3A_1831, %swap3A_1832], %swap3A_1835 {strides = array<i32>} : memref<2x64x128xf32, #tpu.memory_space<vmem>>, vector<1x1x16xf32>,
        %add3A_1836 = arith.constant 32 : i32
        %add3A_1837 = arith.addi %squeeze3A_1783, %add3A_1836 : i32
        %get3A_1838 = arith.index_cast %add3A_1837 : i32 to index
        %get3A_1839 = tpu.vector_load %arg9[%get3A_1838] {strides = array<i32>} : memref<64000xf32, #tpu.memory_space<vmem>>, vector<16xf32>,
        %get3A_1840 = vector.shape_cast %get3A_1839 : vector<16xf32> to vector<16xf32>
        %get3A_1841 = arith.index_cast %rem3A_380 : i32 to index
        %get3A_1842 = arith.index_cast %add3A_1778 : i32 to index
        %get3A_1843 = arith.constant 32 : index
        %get3A_1844 = tpu.vector_load %arg14[%get3A_1841, %get3A_1842, %get3A_1843] {strides = array<i32>} : memref<4x64x128xf32, #tpu.memory_space<vmem>>, vector<1x1x16xf32>,
        %get3A_1845 = vector.shape_cast %get3A_1844 : vector<1x1x16xf32> to vector<16xf32>
        %mul3A_1846 = arith.mulf %get3A_1840, %broadcast_in_dim3A_1781 : vector<16xf32>
        %swap3A_1847 = arith.constant 1 : i32
        %swap3A_1848 = arith.index_cast %swap3A_1847 : i32 to index
        %swap3A_1849 = arith.index_cast %add3A_1778 : i32 to index
        %swap3A_1850 = arith.constant 32 : index
        %swap3A_1851 = tpu.vector_load %arg15[%swap3A_1848, %swap3A_1849, %swap3A_1850] {strides = array<i32>} : memref<2x64x128xf32, #tpu.memory_space<vmem>>, vector<1x1x16xf32>,
        %swap3A_1852 = vector.shape_cast %swap3A_1851 : vector<1x1x16xf32> to vector<16xf32>
        %swap3A_1853 = vector.shape_cast %mul3A_1846 : vector<16xf32> to vector<1x1x16xf32>
        tpu.vector_store %arg15[%swap3A_1848, %swap3A_1849, %swap3A_1850], %swap3A_1853 {strides = array<i32>} : memref<2x64x128xf32, #tpu.memory_space<vmem>>, vector<1x1x16xf32>,
        %mul3A_1854 = arith.mulf %get3A_1845, %broadcast_in_dim3A_1781 : vector<16xf32>
        %swap3A_1855 = arith.constant 1 : i32
        %swap3A_1856 = arith.index_cast %swap3A_1855 : i32 to index
        %swap3A_1857 = arith.index_cast %add3A_1778 : i32 to index
        %swap3A_1858 = arith.constant 96 : index
        %swap3A_1859 = tpu.vector_load %arg15[%swap3A_1856, %swap3A_1857, %swap3A_1858] {strides = array<i32>} : memref<2x64x128xf32, #tpu.memory_space<vmem>>, vector<1x1x16xf32>,
        %swap3A_1860 = vector.shape_cast %swap3A_1859 : vector<1x1x16xf32> to vector<16xf32>
        %swap3A_1861 = vector.shape_cast %mul3A_1854 : vector<16xf32> to vector<1x1x16xf32>
        tpu.vector_store %arg15[%swap3A_1856, %swap3A_1857, %swap3A_1858], %swap3A_1861 {strides = array<i32>} : memref<2x64x128xf32, #tpu.memory_space<vmem>>, vector<1x1x16xf32>,
        %add3A_1862 = arith.constant 48 : i32
        %add3A_1863 = arith.addi %squeeze3A_1783, %add3A_1862 : i32
        %get3A_1864 = arith.index_cast %add3A_1863 : i32 to index
        %get3A_1865 = tpu.vector_load %arg9[%get3A_1864] {strides = array<i32>} : memref<64000xf32, #tpu.memory_space<vmem>>, vector<16xf32>,
        %get3A_1866 = vector.shape_cast %get3A_1865 : vector<16xf32> to vector<16xf32>
        %get3A_1867 = arith.index_cast %rem3A_380 : i32 to index
        %get3A_1868 = arith.index_cast %add3A_1778 : i32 to index
        %get3A_1869 = arith.constant 48 : index
        %get3A_1870 = tpu.vector_load %arg14[%get3A_1867, %get3A_1868, %get3A_1869] {strides = array<i32>} : memref<4x64x128xf32, #tpu.memory_space<vmem>>, vector<1x1x16xf32>,
        %get3A_1871 = vector.shape_cast %get3A_1870 : vector<1x1x16xf32> to vector<16xf32>
        %mul3A_1872 = arith.mulf %get3A_1866, %broadcast_in_dim3A_1781 : vector<16xf32>
        %swap3A_1873 = arith.constant 1 : i32
        %swap3A_1874 = arith.index_cast %swap3A_1873 : i32 to index
        %swap3A_1875 = arith.index_cast %add3A_1778 : i32 to index
        %swap3A_1876 = arith.constant 48 : index
        %swap3A_1877 = tpu.vector_load %arg15[%swap3A_1874, %swap3A_1875, %swap3A_1876] {strides = array<i32>} : memref<2x64x128xf32, #tpu.memory_space<vmem>>, vector<1x1x16xf32>,
        %swap3A_1878 = vector.shape_cast %swap3A_1877 : vector<1x1x16xf32> to vector<16xf32>
        %swap3A_1879 = vector.shape_cast %mul3A_1872 : vector<16xf32> to vector<1x1x16xf32>
        tpu.vector_store %arg15[%swap3A_1874, %swap3A_1875, %swap3A_1876], %swap3A_1879 {strides = array<i32>} : memref<2x64x128xf32, #tpu.memory_space<vmem>>, vector<1x1x16xf32>,
        %mul3A_1880 = arith.mulf %get3A_1871, %broadcast_in_dim3A_1781 : vector<16xf32>
        %swap3A_1881 = arith.constant 1 : i32
        %swap3A_1882 = arith.index_cast %swap3A_1881 : i32 to index
        %swap3A_1883 = arith.index_cast %add3A_1778 : i32 to index
        %swap3A_1884 = arith.constant 112 : index
        %swap3A_1885 = tpu.vector_load %arg15[%swap3A_1882, %swap3A_1883, %swap3A_1884] {strides = array<i32>} : memref<2x64x128xf32, #tpu.memory_space<vmem>>, vector<1x1x16xf32>,
        %swap3A_1886 = vector.shape_cast %swap3A_1885 : vector<1x1x16xf32> to vector<16xf32>
        %swap3A_1887 = vector.shape_cast %mul3A_1880 : vector<16xf32> to vector<1x1x16xf32>
        tpu.vector_store %arg15[%swap3A_1882, %swap3A_1883, %swap3A_1884], %swap3A_1887 {strides = array<i32>} : memref<2x64x128xf32, #tpu.memory_space<vmem>>, vector<1x1x16xf32>,
        %mul3A_1888 = arith.constant 16 : i32
        %mul3A_1889 = arith.muli %scan3A_404, %mul3A_1888 : i32
        %add3A_1890 = arith.constant 13 : i32
        %add3A_1891 = arith.addi %mul3A_1889, %add3A_1890 : i32
        %slice3A_1892 = vector.extract_strided_slice %get3A_414 {offsets = [13], sizes = [1], strides = [1]} : vector<16xf32> to vector<1xf32>
        %squeeze3A_1893 = vector.extract %slice3A_1892[0] : f32 from vector<1xf32>
        %broadcast_in_dim3A_1894 = vector.broadcast %squeeze3A_1893 : f32 to vector<16xf32>
        %slice3A_1895 = vector.extract_strided_slice %mul3A_422 {offsets = [13], sizes = [1], strides = [1]} : vector<16xi32> to vector<1xi32>
        %squeeze3A_1896 = vector.extract %slice3A_1895[0] : i32 from vector<1xi32>
        %add3A_1897 = arith.constant 0 : i32
        %add3A_1898 = arith.addi %squeeze3A_1896, %add3A_1897 : i32
        %get3A_1899 = arith.index_cast %add3A_1898 : i32 to index
        %get3A_1900 = tpu.vector_load %arg9[%get3A_1899] {strides = array<i32>} : memref<64000xf32, #tpu.memory_space<vmem>>, vector<16xf32>,
        %get3A_1901 = vector.shape_cast %get3A_1900 : vector<16xf32> to vector<16xf32>
        %get3A_1902 = arith.index_cast %rem3A_380 : i32 to index
        %get3A_1903 = arith.index_cast %add3A_1891 : i32 to index
        %get3A_1904 = arith.constant 0 : index
        %get3A_1905 = tpu.vector_load %arg14[%get3A_1902, %get3A_1903, %get3A_1904] {strides = array<i32>} : memref<4x64x128xf32, #tpu.memory_space<vmem>>, vector<1x1x16xf32>,
        %get3A_1906 = vector.shape_cast %get3A_1905 : vector<1x1x16xf32> to vector<16xf32>
        %mul3A_1907 = arith.mulf %get3A_1901, %broadcast_in_dim3A_1894 : vector<16xf32>
        %swap3A_1908 = arith.constant 1 : i32
        %swap3A_1909 = arith.index_cast %swap3A_1908 : i32 to index
        %swap3A_1910 = arith.index_cast %add3A_1891 : i32 to index
        %swap3A_1911 = arith.constant 0 : index
        %swap3A_1912 = tpu.vector_load %arg15[%swap3A_1909, %swap3A_1910, %swap3A_1911] {strides = array<i32>} : memref<2x64x128xf32, #tpu.memory_space<vmem>>, vector<1x1x16xf32>,
        %swap3A_1913 = vector.shape_cast %swap3A_1912 : vector<1x1x16xf32> to vector<16xf32>
        %swap3A_1914 = vector.shape_cast %mul3A_1907 : vector<16xf32> to vector<1x1x16xf32>
        tpu.vector_store %arg15[%swap3A_1909, %swap3A_1910, %swap3A_1911], %swap3A_1914 {strides = array<i32>} : memref<2x64x128xf32, #tpu.memory_space<vmem>>, vector<1x1x16xf32>,
        %mul3A_1915 = arith.mulf %get3A_1906, %broadcast_in_dim3A_1894 : vector<16xf32>
        %swap3A_1916 = arith.constant 1 : i32
        %swap3A_1917 = arith.index_cast %swap3A_1916 : i32 to index
        %swap3A_1918 = arith.index_cast %add3A_1891 : i32 to index
        %swap3A_1919 = arith.constant 64 : index
        %swap3A_1920 = tpu.vector_load %arg15[%swap3A_1917, %swap3A_1918, %swap3A_1919] {strides = array<i32>} : memref<2x64x128xf32, #tpu.memory_space<vmem>>, vector<1x1x16xf32>,
        %swap3A_1921 = vector.shape_cast %swap3A_1920 : vector<1x1x16xf32> to vector<16xf32>
        %swap3A_1922 = vector.shape_cast %mul3A_1915 : vector<16xf32> to vector<1x1x16xf32>
        tpu.vector_store %arg15[%swap3A_1917, %swap3A_1918, %swap3A_1919], %swap3A_1922 {strides = array<i32>} : memref<2x64x128xf32, #tpu.memory_space<vmem>>, vector<1x1x16xf32>,
        %add3A_1923 = arith.constant 16 : i32
        %add3A_1924 = arith.addi %squeeze3A_1896, %add3A_1923 : i32
        %get3A_1925 = arith.index_cast %add3A_1924 : i32 to index
        %get3A_1926 = tpu.vector_load %arg9[%get3A_1925] {strides = array<i32>} : memref<64000xf32, #tpu.memory_space<vmem>>, vector<16xf32>,
        %get3A_1927 = vector.shape_cast %get3A_1926 : vector<16xf32> to vector<16xf32>
        %get3A_1928 = arith.index_cast %rem3A_380 : i32 to index
        %get3A_1929 = arith.index_cast %add3A_1891 : i32 to index
        %get3A_1930 = arith.constant 16 : index
        %get3A_1931 = tpu.vector_load %arg14[%get3A_1928, %get3A_1929, %get3A_1930] {strides = array<i32>} : memref<4x64x128xf32, #tpu.memory_space<vmem>>, vector<1x1x16xf32>,
        %get3A_1932 = vector.shape_cast %get3A_1931 : vector<1x1x16xf32> to vector<16xf32>
        %mul3A_1933 = arith.mulf %get3A_1927, %broadcast_in_dim3A_1894 : vector<16xf32>
        %swap3A_1934 = arith.constant 1 : i32
        %swap3A_1935 = arith.index_cast %swap3A_1934 : i32 to index
        %swap3A_1936 = arith.index_cast %add3A_1891 : i32 to index
        %swap3A_1937 = arith.constant 16 : index
        %swap3A_1938 = tpu.vector_load %arg15[%swap3A_1935, %swap3A_1936, %swap3A_1937] {strides = array<i32>} : memref<2x64x128xf32, #tpu.memory_space<vmem>>, vector<1x1x16xf32>,
        %swap3A_1939 = vector.shape_cast %swap3A_1938 : vector<1x1x16xf32> to vector<16xf32>
        %swap3A_1940 = vector.shape_cast %mul3A_1933 : vector<16xf32> to vector<1x1x16xf32>
        tpu.vector_store %arg15[%swap3A_1935, %swap3A_1936, %swap3A_1937], %swap3A_1940 {strides = array<i32>} : memref<2x64x128xf32, #tpu.memory_space<vmem>>, vector<1x1x16xf32>,
        %mul3A_1941 = arith.mulf %get3A_1932, %broadcast_in_dim3A_1894 : vector<16xf32>
        %swap3A_1942 = arith.constant 1 : i32
        %swap3A_1943 = arith.index_cast %swap3A_1942 : i32 to index
        %swap3A_1944 = arith.index_cast %add3A_1891 : i32 to index
        %swap3A_1945 = arith.constant 80 : index
        %swap3A_1946 = tpu.vector_load %arg15[%swap3A_1943, %swap3A_1944, %swap3A_1945] {strides = array<i32>} : memref<2x64x128xf32, #tpu.memory_space<vmem>>, vector<1x1x16xf32>,
        %swap3A_1947 = vector.shape_cast %swap3A_1946 : vector<1x1x16xf32> to vector<16xf32>
        %swap3A_1948 = vector.shape_cast %mul3A_1941 : vector<16xf32> to vector<1x1x16xf32>
        tpu.vector_store %arg15[%swap3A_1943, %swap3A_1944, %swap3A_1945], %swap3A_1948 {strides = array<i32>} : memref<2x64x128xf32, #tpu.memory_space<vmem>>, vector<1x1x16xf32>,
        %add3A_1949 = arith.constant 32 : i32
        %add3A_1950 = arith.addi %squeeze3A_1896, %add3A_1949 : i32
        %get3A_1951 = arith.index_cast %add3A_1950 : i32 to index
        %get3A_1952 = tpu.vector_load %arg9[%get3A_1951] {strides = array<i32>} : memref<64000xf32, #tpu.memory_space<vmem>>, vector<16xf32>,
        %get3A_1953 = vector.shape_cast %get3A_1952 : vector<16xf32> to vector<16xf32>
        %get3A_1954 = arith.index_cast %rem3A_380 : i32 to index
        %get3A_1955 = arith.index_cast %add3A_1891 : i32 to index
        %get3A_1956 = arith.constant 32 : index
        %get3A_1957 = tpu.vector_load %arg14[%get3A_1954, %get3A_1955, %get3A_1956] {strides = array<i32>} : memref<4x64x128xf32, #tpu.memory_space<vmem>>, vector<1x1x16xf32>,
        %get3A_1958 = vector.shape_cast %get3A_1957 : vector<1x1x16xf32> to vector<16xf32>
        %mul3A_1959 = arith.mulf %get3A_1953, %broadcast_in_dim3A_1894 : vector<16xf32>
        %swap3A_1960 = arith.constant 1 : i32
        %swap3A_1961 = arith.index_cast %swap3A_1960 : i32 to index
        %swap3A_1962 = arith.index_cast %add3A_1891 : i32 to index
        %swap3A_1963 = arith.constant 32 : index
        %swap3A_1964 = tpu.vector_load %arg15[%swap3A_1961, %swap3A_1962, %swap3A_1963] {strides = array<i32>} : memref<2x64x128xf32, #tpu.memory_space<vmem>>, vector<1x1x16xf32>,
        %swap3A_1965 = vector.shape_cast %swap3A_1964 : vector<1x1x16xf32> to vector<16xf32>
        %swap3A_1966 = vector.shape_cast %mul3A_1959 : vector<16xf32> to vector<1x1x16xf32>
        tpu.vector_store %arg15[%swap3A_1961, %swap3A_1962, %swap3A_1963], %swap3A_1966 {strides = array<i32>} : memref<2x64x128xf32, #tpu.memory_space<vmem>>, vector<1x1x16xf32>,
        %mul3A_1967 = arith.mulf %get3A_1958, %broadcast_in_dim3A_1894 : vector<16xf32>
        %swap3A_1968 = arith.constant 1 : i32
        %swap3A_1969 = arith.index_cast %swap3A_1968 : i32 to index
        %swap3A_1970 = arith.index_cast %add3A_1891 : i32 to index
        %swap3A_1971 = arith.constant 96 : index
        %swap3A_1972 = tpu.vector_load %arg15[%swap3A_1969, %swap3A_1970, %swap3A_1971] {strides = array<i32>} : memref<2x64x128xf32, #tpu.memory_space<vmem>>, vector<1x1x16xf32>,
        %swap3A_1973 = vector.shape_cast %swap3A_1972 : vector<1x1x16xf32> to vector<16xf32>
        %swap3A_1974 = vector.shape_cast %mul3A_1967 : vector<16xf32> to vector<1x1x16xf32>
        tpu.vector_store %arg15[%swap3A_1969, %swap3A_1970, %swap3A_1971], %swap3A_1974 {strides = array<i32>} : memref<2x64x128xf32, #tpu.memory_space<vmem>>, vector<1x1x16xf32>,
        %add3A_1975 = arith.constant 48 : i32
        %add3A_1976 = arith.addi %squeeze3A_1896, %add3A_1975 : i32
        %get3A_1977 = arith.index_cast %add3A_1976 : i32 to index
        %get3A_1978 = tpu.vector_load %arg9[%get3A_1977] {strides = array<i32>} : memref<64000xf32, #tpu.memory_space<vmem>>, vector<16xf32>,
        %get3A_1979 = vector.shape_cast %get3A_1978 : vector<16xf32> to vector<16xf32>
        %get3A_1980 = arith.index_cast %rem3A_380 : i32 to index
        %get3A_1981 = arith.index_cast %add3A_1891 : i32 to index
        %get3A_1982 = arith.constant 48 : index
        %get3A_1983 = tpu.vector_load %arg14[%get3A_1980, %get3A_1981, %get3A_1982] {strides = array<i32>} : memref<4x64x128xf32, #tpu.memory_space<vmem>>, vector<1x1x16xf32>,
        %get3A_1984 = vector.shape_cast %get3A_1983 : vector<1x1x16xf32> to vector<16xf32>
        %mul3A_1985 = arith.mulf %get3A_1979, %broadcast_in_dim3A_1894 : vector<16xf32>
        %swap3A_1986 = arith.constant 1 : i32
        %swap3A_1987 = arith.index_cast %swap3A_1986 : i32 to index
        %swap3A_1988 = arith.index_cast %add3A_1891 : i32 to index
        %swap3A_1989 = arith.constant 48 : index
        %swap3A_1990 = tpu.vector_load %arg15[%swap3A_1987, %swap3A_1988, %swap3A_1989] {strides = array<i32>} : memref<2x64x128xf32, #tpu.memory_space<vmem>>, vector<1x1x16xf32>,
        %swap3A_1991 = vector.shape_cast %swap3A_1990 : vector<1x1x16xf32> to vector<16xf32>
        %swap3A_1992 = vector.shape_cast %mul3A_1985 : vector<16xf32> to vector<1x1x16xf32>
        tpu.vector_store %arg15[%swap3A_1987, %swap3A_1988, %swap3A_1989], %swap3A_1992 {strides = array<i32>} : memref<2x64x128xf32, #tpu.memory_space<vmem>>, vector<1x1x16xf32>,
        %mul3A_1993 = arith.mulf %get3A_1984, %broadcast_in_dim3A_1894 : vector<16xf32>
        %swap3A_1994 = arith.constant 1 : i32
        %swap3A_1995 = arith.index_cast %swap3A_1994 : i32 to index
        %swap3A_1996 = arith.index_cast %add3A_1891 : i32 to index
        %swap3A_1997 = arith.constant 112 : index
        %swap3A_1998 = tpu.vector_load %arg15[%swap3A_1995, %swap3A_1996, %swap3A_1997] {strides = array<i32>} : memref<2x64x128xf32, #tpu.memory_space<vmem>>, vector<1x1x16xf32>,
        %swap3A_1999 = vector.shape_cast %swap3A_1998 : vector<1x1x16xf32> to vector<16xf32>
        %swap3A_2000 = vector.shape_cast %mul3A_1993 : vector<16xf32> to vector<1x1x16xf32>
        tpu.vector_store %arg15[%swap3A_1995, %swap3A_1996, %swap3A_1997], %swap3A_2000 {strides = array<i32>} : memref<2x64x128xf32, #tpu.memory_space<vmem>>, vector<1x1x16xf32>,
        %mul3A_2001 = arith.constant 16 : i32
        %mul3A_2002 = arith.muli %scan3A_404, %mul3A_2001 : i32
        %add3A_2003 = arith.constant 14 : i32
        %add3A_2004 = arith.addi %mul3A_2002, %add3A_2003 : i32
        %slice3A_2005 = vector.extract_strided_slice %get3A_414 {offsets = [14], sizes = [1], strides = [1]} : vector<16xf32> to vector<1xf32>
        %squeeze3A_2006 = vector.extract %slice3A_2005[0] : f32 from vector<1xf32>
        %broadcast_in_dim3A_2007 = vector.broadcast %squeeze3A_2006 : f32 to vector<16xf32>
        %slice3A_2008 = vector.extract_strided_slice %mul3A_422 {offsets = [14], sizes = [1], strides = [1]} : vector<16xi32> to vector<1xi32>
        %squeeze3A_2009 = vector.extract %slice3A_2008[0] : i32 from vector<1xi32>
        %add3A_2010 = arith.constant 0 : i32
        %add3A_2011 = arith.addi %squeeze3A_2009, %add3A_2010 : i32
        %get3A_2012 = arith.index_cast %add3A_2011 : i32 to index
        %get3A_2013 = tpu.vector_load %arg9[%get3A_2012] {strides = array<i32>} : memref<64000xf32, #tpu.memory_space<vmem>>, vector<16xf32>,
        %get3A_2014 = vector.shape_cast %get3A_2013 : vector<16xf32> to vector<16xf32>
        %get3A_2015 = arith.index_cast %rem3A_380 : i32 to index
        %get3A_2016 = arith.index_cast %add3A_2004 : i32 to index
        %get3A_2017 = arith.constant 0 : index
        %get3A_2018 = tpu.vector_load %arg14[%get3A_2015, %get3A_2016, %get3A_2017] {strides = array<i32>} : memref<4x64x128xf32, #tpu.memory_space<vmem>>, vector<1x1x16xf32>,
        %get3A_2019 = vector.shape_cast %get3A_2018 : vector<1x1x16xf32> to vector<16xf32>
        %mul3A_2020 = arith.mulf %get3A_2014, %broadcast_in_dim3A_2007 : vector<16xf32>
        %swap3A_2021 = arith.constant 1 : i32
        %swap3A_2022 = arith.index_cast %swap3A_2021 : i32 to index
        %swap3A_2023 = arith.index_cast %add3A_2004 : i32 to index
        %swap3A_2024 = arith.constant 0 : index
        %swap3A_2025 = tpu.vector_load %arg15[%swap3A_2022, %swap3A_2023, %swap3A_2024] {strides = array<i32>} : memref<2x64x128xf32, #tpu.memory_space<vmem>>, vector<1x1x16xf32>,
        %swap3A_2026 = vector.shape_cast %swap3A_2025 : vector<1x1x16xf32> to vector<16xf32>
        %swap3A_2027 = vector.shape_cast %mul3A_2020 : vector<16xf32> to vector<1x1x16xf32>
        tpu.vector_store %arg15[%swap3A_2022, %swap3A_2023, %swap3A_2024], %swap3A_2027 {strides = array<i32>} : memref<2x64x128xf32, #tpu.memory_space<vmem>>, vector<1x1x16xf32>,
        %mul3A_2028 = arith.mulf %get3A_2019, %broadcast_in_dim3A_2007 : vector<16xf32>
        %swap3A_2029 = arith.constant 1 : i32
        %swap3A_2030 = arith.index_cast %swap3A_2029 : i32 to index
        %swap3A_2031 = arith.index_cast %add3A_2004 : i32 to index
        %swap3A_2032 = arith.constant 64 : index
        %swap3A_2033 = tpu.vector_load %arg15[%swap3A_2030, %swap3A_2031, %swap3A_2032] {strides = array<i32>} : memref<2x64x128xf32, #tpu.memory_space<vmem>>, vector<1x1x16xf32>,
        %swap3A_2034 = vector.shape_cast %swap3A_2033 : vector<1x1x16xf32> to vector<16xf32>
        %swap3A_2035 = vector.shape_cast %mul3A_2028 : vector<16xf32> to vector<1x1x16xf32>
        tpu.vector_store %arg15[%swap3A_2030, %swap3A_2031, %swap3A_2032], %swap3A_2035 {strides = array<i32>} : memref<2x64x128xf32, #tpu.memory_space<vmem>>, vector<1x1x16xf32>,
        %add3A_2036 = arith.constant 16 : i32
        %add3A_2037 = arith.addi %squeeze3A_2009, %add3A_2036 : i32
        %get3A_2038 = arith.index_cast %add3A_2037 : i32 to index
        %get3A_2039 = tpu.vector_load %arg9[%get3A_2038] {strides = array<i32>} : memref<64000xf32, #tpu.memory_space<vmem>>, vector<16xf32>,
        %get3A_2040 = vector.shape_cast %get3A_2039 : vector<16xf32> to vector<16xf32>
        %get3A_2041 = arith.index_cast %rem3A_380 : i32 to index
        %get3A_2042 = arith.index_cast %add3A_2004 : i32 to index
        %get3A_2043 = arith.constant 16 : index
        %get3A_2044 = tpu.vector_load %arg14[%get3A_2041, %get3A_2042, %get3A_2043] {strides = array<i32>} : memref<4x64x128xf32, #tpu.memory_space<vmem>>, vector<1x1x16xf32>,
        %get3A_2045 = vector.shape_cast %get3A_2044 : vector<1x1x16xf32> to vector<16xf32>
        %mul3A_2046 = arith.mulf %get3A_2040, %broadcast_in_dim3A_2007 : vector<16xf32>
        %swap3A_2047 = arith.constant 1 : i32
        %swap3A_2048 = arith.index_cast %swap3A_2047 : i32 to index
        %swap3A_2049 = arith.index_cast %add3A_2004 : i32 to index
        %swap3A_2050 = arith.constant 16 : index
        %swap3A_2051 = tpu.vector_load %arg15[%swap3A_2048, %swap3A_2049, %swap3A_2050] {strides = array<i32>} : memref<2x64x128xf32, #tpu.memory_space<vmem>>, vector<1x1x16xf32>,
        %swap3A_2052 = vector.shape_cast %swap3A_2051 : vector<1x1x16xf32> to vector<16xf32>
        %swap3A_2053 = vector.shape_cast %mul3A_2046 : vector<16xf32> to vector<1x1x16xf32>
        tpu.vector_store %arg15[%swap3A_2048, %swap3A_2049, %swap3A_2050], %swap3A_2053 {strides = array<i32>} : memref<2x64x128xf32, #tpu.memory_space<vmem>>, vector<1x1x16xf32>,
        %mul3A_2054 = arith.mulf %get3A_2045, %broadcast_in_dim3A_2007 : vector<16xf32>
        %swap3A_2055 = arith.constant 1 : i32
        %swap3A_2056 = arith.index_cast %swap3A_2055 : i32 to index
        %swap3A_2057 = arith.index_cast %add3A_2004 : i32 to index
        %swap3A_2058 = arith.constant 80 : index
        %swap3A_2059 = tpu.vector_load %arg15[%swap3A_2056, %swap3A_2057, %swap3A_2058] {strides = array<i32>} : memref<2x64x128xf32, #tpu.memory_space<vmem>>, vector<1x1x16xf32>,
        %swap3A_2060 = vector.shape_cast %swap3A_2059 : vector<1x1x16xf32> to vector<16xf32>
        %swap3A_2061 = vector.shape_cast %mul3A_2054 : vector<16xf32> to vector<1x1x16xf32>
        tpu.vector_store %arg15[%swap3A_2056, %swap3A_2057, %swap3A_2058], %swap3A_2061 {strides = array<i32>} : memref<2x64x128xf32, #tpu.memory_space<vmem>>, vector<1x1x16xf32>,
        %add3A_2062 = arith.constant 32 : i32
        %add3A_2063 = arith.addi %squeeze3A_2009, %add3A_2062 : i32
        %get3A_2064 = arith.index_cast %add3A_2063 : i32 to index
        %get3A_2065 = tpu.vector_load %arg9[%get3A_2064] {strides = array<i32>} : memref<64000xf32, #tpu.memory_space<vmem>>, vector<16xf32>,
        %get3A_2066 = vector.shape_cast %get3A_2065 : vector<16xf32> to vector<16xf32>
        %get3A_2067 = arith.index_cast %rem3A_380 : i32 to index
        %get3A_2068 = arith.index_cast %add3A_2004 : i32 to index
        %get3A_2069 = arith.constant 32 : index
        %get3A_2070 = tpu.vector_load %arg14[%get3A_2067, %get3A_2068, %get3A_2069] {strides = array<i32>} : memref<4x64x128xf32, #tpu.memory_space<vmem>>, vector<1x1x16xf32>,
        %get3A_2071 = vector.shape_cast %get3A_2070 : vector<1x1x16xf32> to vector<16xf32>
        %mul3A_2072 = arith.mulf %get3A_2066, %broadcast_in_dim3A_2007 : vector<16xf32>
        %swap3A_2073 = arith.constant 1 : i32
        %swap3A_2074 = arith.index_cast %swap3A_2073 : i32 to index
        %swap3A_2075 = arith.index_cast %add3A_2004 : i32 to index
        %swap3A_2076 = arith.constant 32 : index
        %swap3A_2077 = tpu.vector_load %arg15[%swap3A_2074, %swap3A_2075, %swap3A_2076] {strides = array<i32>} : memref<2x64x128xf32, #tpu.memory_space<vmem>>, vector<1x1x16xf32>,
        %swap3A_2078 = vector.shape_cast %swap3A_2077 : vector<1x1x16xf32> to vector<16xf32>
        %swap3A_2079 = vector.shape_cast %mul3A_2072 : vector<16xf32> to vector<1x1x16xf32>
        tpu.vector_store %arg15[%swap3A_2074, %swap3A_2075, %swap3A_2076], %swap3A_2079 {strides = array<i32>} : memref<2x64x128xf32, #tpu.memory_space<vmem>>, vector<1x1x16xf32>,
        %mul3A_2080 = arith.mulf %get3A_2071, %broadcast_in_dim3A_2007 : vector<16xf32>
        %swap3A_2081 = arith.constant 1 : i32
        %swap3A_2082 = arith.index_cast %swap3A_2081 : i32 to index
        %swap3A_2083 = arith.index_cast %add3A_2004 : i32 to index
        %swap3A_2084 = arith.constant 96 : index
        %swap3A_2085 = tpu.vector_load %arg15[%swap3A_2082, %swap3A_2083, %swap3A_2084] {strides = array<i32>} : memref<2x64x128xf32, #tpu.memory_space<vmem>>, vector<1x1x16xf32>,
        %swap3A_2086 = vector.shape_cast %swap3A_2085 : vector<1x1x16xf32> to vector<16xf32>
        %swap3A_2087 = vector.shape_cast %mul3A_2080 : vector<16xf32> to vector<1x1x16xf32>
        tpu.vector_store %arg15[%swap3A_2082, %swap3A_2083, %swap3A_2084], %swap3A_2087 {strides = array<i32>} : memref<2x64x128xf32, #tpu.memory_space<vmem>>, vector<1x1x16xf32>,
        %add3A_2088 = arith.constant 48 : i32
        %add3A_2089 = arith.addi %squeeze3A_2009, %add3A_2088 : i32
        %get3A_2090 = arith.index_cast %add3A_2089 : i32 to index
        %get3A_2091 = tpu.vector_load %arg9[%get3A_2090] {strides = array<i32>} : memref<64000xf32, #tpu.memory_space<vmem>>, vector<16xf32>,
        %get3A_2092 = vector.shape_cast %get3A_2091 : vector<16xf32> to vector<16xf32>
        %get3A_2093 = arith.index_cast %rem3A_380 : i32 to index
        %get3A_2094 = arith.index_cast %add3A_2004 : i32 to index
        %get3A_2095 = arith.constant 48 : index
        %get3A_2096 = tpu.vector_load %arg14[%get3A_2093, %get3A_2094, %get3A_2095] {strides = array<i32>} : memref<4x64x128xf32, #tpu.memory_space<vmem>>, vector<1x1x16xf32>,
        %get3A_2097 = vector.shape_cast %get3A_2096 : vector<1x1x16xf32> to vector<16xf32>
        %mul3A_2098 = arith.mulf %get3A_2092, %broadcast_in_dim3A_2007 : vector<16xf32>
        %swap3A_2099 = arith.constant 1 : i32
        %swap3A_2100 = arith.index_cast %swap3A_2099 : i32 to index
        %swap3A_2101 = arith.index_cast %add3A_2004 : i32 to index
        %swap3A_2102 = arith.constant 48 : index
        %swap3A_2103 = tpu.vector_load %arg15[%swap3A_2100, %swap3A_2101, %swap3A_2102] {strides = array<i32>} : memref<2x64x128xf32, #tpu.memory_space<vmem>>, vector<1x1x16xf32>,
        %swap3A_2104 = vector.shape_cast %swap3A_2103 : vector<1x1x16xf32> to vector<16xf32>
        %swap3A_2105 = vector.shape_cast %mul3A_2098 : vector<16xf32> to vector<1x1x16xf32>
        tpu.vector_store %arg15[%swap3A_2100, %swap3A_2101, %swap3A_2102], %swap3A_2105 {strides = array<i32>} : memref<2x64x128xf32, #tpu.memory_space<vmem>>, vector<1x1x16xf32>,
        %mul3A_2106 = arith.mulf %get3A_2097, %broadcast_in_dim3A_2007 : vector<16xf32>
        %swap3A_2107 = arith.constant 1 : i32
        %swap3A_2108 = arith.index_cast %swap3A_2107 : i32 to index
        %swap3A_2109 = arith.index_cast %add3A_2004 : i32 to index
        %swap3A_2110 = arith.constant 112 : index
        %swap3A_2111 = tpu.vector_load %arg15[%swap3A_2108, %swap3A_2109, %swap3A_2110] {strides = array<i32>} : memref<2x64x128xf32, #tpu.memory_space<vmem>>, vector<1x1x16xf32>,
        %swap3A_2112 = vector.shape_cast %swap3A_2111 : vector<1x1x16xf32> to vector<16xf32>
        %swap3A_2113 = vector.shape_cast %mul3A_2106 : vector<16xf32> to vector<1x1x16xf32>
        tpu.vector_store %arg15[%swap3A_2108, %swap3A_2109, %swap3A_2110], %swap3A_2113 {strides = array<i32>} : memref<2x64x128xf32, #tpu.memory_space<vmem>>, vector<1x1x16xf32>,
        %mul3A_2114 = arith.constant 16 : i32
        %mul3A_2115 = arith.muli %scan3A_404, %mul3A_2114 : i32
        %add3A_2116 = arith.constant 15 : i32
        %add3A_2117 = arith.addi %mul3A_2115, %add3A_2116 : i32
        %slice3A_2118 = vector.extract_strided_slice %get3A_414 {offsets = [15], sizes = [1], strides = [1]} : vector<16xf32> to vector<1xf32>
        %squeeze3A_2119 = vector.extract %slice3A_2118[0] : f32 from vector<1xf32>
        %broadcast_in_dim3A_2120 = vector.broadcast %squeeze3A_2119 : f32 to vector<16xf32>
        %slice3A_2121 = vector.extract_strided_slice %mul3A_422 {offsets = [15], sizes = [1], strides = [1]} : vector<16xi32> to vector<1xi32>
        %squeeze3A_2122 = vector.extract %slice3A_2121[0] : i32 from vector<1xi32>
        %add3A_2123 = arith.constant 0 : i32
        %add3A_2124 = arith.addi %squeeze3A_2122, %add3A_2123 : i32
        %get3A_2125 = arith.index_cast %add3A_2124 : i32 to index
        %get3A_2126 = tpu.vector_load %arg9[%get3A_2125] {strides = array<i32>} : memref<64000xf32, #tpu.memory_space<vmem>>, vector<16xf32>,
        %get3A_2127 = vector.shape_cast %get3A_2126 : vector<16xf32> to vector<16xf32>
        %get3A_2128 = arith.index_cast %rem3A_380 : i32 to index
        %get3A_2129 = arith.index_cast %add3A_2117 : i32 to index
        %get3A_2130 = arith.constant 0 : index
        %get3A_2131 = tpu.vector_load %arg14[%get3A_2128, %get3A_2129, %get3A_2130] {strides = array<i32>} : memref<4x64x128xf32, #tpu.memory_space<vmem>>, vector<1x1x16xf32>,
        %get3A_2132 = vector.shape_cast %get3A_2131 : vector<1x1x16xf32> to vector<16xf32>
        %mul3A_2133 = arith.mulf %get3A_2127, %broadcast_in_dim3A_2120 : vector<16xf32>
        %swap3A_2134 = arith.constant 1 : i32
        %swap3A_2135 = arith.index_cast %swap3A_2134 : i32 to index
        %swap3A_2136 = arith.index_cast %add3A_2117 : i32 to index
        %swap3A_2137 = arith.constant 0 : index
        %swap3A_2138 = tpu.vector_load %arg15[%swap3A_2135, %swap3A_2136, %swap3A_2137] {strides = array<i32>} : memref<2x64x128xf32, #tpu.memory_space<vmem>>, vector<1x1x16xf32>,
        %swap3A_2139 = vector.shape_cast %swap3A_2138 : vector<1x1x16xf32> to vector<16xf32>
        %swap3A_2140 = vector.shape_cast %mul3A_2133 : vector<16xf32> to vector<1x1x16xf32>
        tpu.vector_store %arg15[%swap3A_2135, %swap3A_2136, %swap3A_2137], %swap3A_2140 {strides = array<i32>} : memref<2x64x128xf32, #tpu.memory_space<vmem>>, vector<1x1x16xf32>,
        %mul3A_2141 = arith.mulf %get3A_2132, %broadcast_in_dim3A_2120 : vector<16xf32>
        %swap3A_2142 = arith.constant 1 : i32
        %swap3A_2143 = arith.index_cast %swap3A_2142 : i32 to index
        %swap3A_2144 = arith.index_cast %add3A_2117 : i32 to index
        %swap3A_2145 = arith.constant 64 : index
        %swap3A_2146 = tpu.vector_load %arg15[%swap3A_2143, %swap3A_2144, %swap3A_2145] {strides = array<i32>} : memref<2x64x128xf32, #tpu.memory_space<vmem>>, vector<1x1x16xf32>,
        %swap3A_2147 = vector.shape_cast %swap3A_2146 : vector<1x1x16xf32> to vector<16xf32>
        %swap3A_2148 = vector.shape_cast %mul3A_2141 : vector<16xf32> to vector<1x1x16xf32>
        tpu.vector_store %arg15[%swap3A_2143, %swap3A_2144, %swap3A_2145], %swap3A_2148 {strides = array<i32>} : memref<2x64x128xf32, #tpu.memory_space<vmem>>, vector<1x1x16xf32>,
        %add3A_2149 = arith.constant 16 : i32
        %add3A_2150 = arith.addi %squeeze3A_2122, %add3A_2149 : i32
        %get3A_2151 = arith.index_cast %add3A_2150 : i32 to index
        %get3A_2152 = tpu.vector_load %arg9[%get3A_2151] {strides = array<i32>} : memref<64000xf32, #tpu.memory_space<vmem>>, vector<16xf32>,
        %get3A_2153 = vector.shape_cast %get3A_2152 : vector<16xf32> to vector<16xf32>
        %get3A_2154 = arith.index_cast %rem3A_380 : i32 to index
        %get3A_2155 = arith.index_cast %add3A_2117 : i32 to index
        %get3A_2156 = arith.constant 16 : index
        %get3A_2157 = tpu.vector_load %arg14[%get3A_2154, %get3A_2155, %get3A_2156] {strides = array<i32>} : memref<4x64x128xf32, #tpu.memory_space<vmem>>, vector<1x1x16xf32>,
        %get3A_2158 = vector.shape_cast %get3A_2157 : vector<1x1x16xf32> to vector<16xf32>
        %mul3A_2159 = arith.mulf %get3A_2153, %broadcast_in_dim3A_2120 : vector<16xf32>
        %swap3A_2160 = arith.constant 1 : i32
        %swap3A_2161 = arith.index_cast %swap3A_2160 : i32 to index
        %swap3A_2162 = arith.index_cast %add3A_2117 : i32 to index
        %swap3A_2163 = arith.constant 16 : index
        %swap3A_2164 = tpu.vector_load %arg15[%swap3A_2161, %swap3A_2162, %swap3A_2163] {strides = array<i32>} : memref<2x64x128xf32, #tpu.memory_space<vmem>>, vector<1x1x16xf32>,
        %swap3A_2165 = vector.shape_cast %swap3A_2164 : vector<1x1x16xf32> to vector<16xf32>
        %swap3A_2166 = vector.shape_cast %mul3A_2159 : vector<16xf32> to vector<1x1x16xf32>
        tpu.vector_store %arg15[%swap3A_2161, %swap3A_2162, %swap3A_2163], %swap3A_2166 {strides = array<i32>} : memref<2x64x128xf32, #tpu.memory_space<vmem>>, vector<1x1x16xf32>,
        %mul3A_2167 = arith.mulf %get3A_2158, %broadcast_in_dim3A_2120 : vector<16xf32>
        %swap3A_2168 = arith.constant 1 : i32
        %swap3A_2169 = arith.index_cast %swap3A_2168 : i32 to index
        %swap3A_2170 = arith.index_cast %add3A_2117 : i32 to index
        %swap3A_2171 = arith.constant 80 : index
        %swap3A_2172 = tpu.vector_load %arg15[%swap3A_2169, %swap3A_2170, %swap3A_2171] {strides = array<i32>} : memref<2x64x128xf32, #tpu.memory_space<vmem>>, vector<1x1x16xf32>,
        %swap3A_2173 = vector.shape_cast %swap3A_2172 : vector<1x1x16xf32> to vector<16xf32>
        %swap3A_2174 = vector.shape_cast %mul3A_2167 : vector<16xf32> to vector<1x1x16xf32>
        tpu.vector_store %arg15[%swap3A_2169, %swap3A_2170, %swap3A_2171], %swap3A_2174 {strides = array<i32>} : memref<2x64x128xf32, #tpu.memory_space<vmem>>, vector<1x1x16xf32>,
        %add3A_2175 = arith.constant 32 : i32
        %add3A_2176 = arith.addi %squeeze3A_2122, %add3A_2175 : i32
        %get3A_2177 = arith.index_cast %add3A_2176 : i32 to index
        %get3A_2178 = tpu.vector_load %arg9[%get3A_2177] {strides = array<i32>} : memref<64000xf32, #tpu.memory_space<vmem>>, vector<16xf32>,
        %get3A_2179 = vector.shape_cast %get3A_2178 : vector<16xf32> to vector<16xf32>
        %get3A_2180 = arith.index_cast %rem3A_380 : i32 to index
        %get3A_2181 = arith.index_cast %add3A_2117 : i32 to index
        %get3A_2182 = arith.constant 32 : index
        %get3A_2183 = tpu.vector_load %arg14[%get3A_2180, %get3A_2181, %get3A_2182] {strides = array<i32>} : memref<4x64x128xf32, #tpu.memory_space<vmem>>, vector<1x1x16xf32>,
        %get3A_2184 = vector.shape_cast %get3A_2183 : vector<1x1x16xf32> to vector<16xf32>
        %mul3A_2185 = arith.mulf %get3A_2179, %broadcast_in_dim3A_2120 : vector<16xf32>
        %swap3A_2186 = arith.constant 1 : i32
        %swap3A_2187 = arith.index_cast %swap3A_2186 : i32 to index
        %swap3A_2188 = arith.index_cast %add3A_2117 : i32 to index
        %swap3A_2189 = arith.constant 32 : index
        %swap3A_2190 = tpu.vector_load %arg15[%swap3A_2187, %swap3A_2188, %swap3A_2189] {strides = array<i32>} : memref<2x64x128xf32, #tpu.memory_space<vmem>>, vector<1x1x16xf32>,
        %swap3A_2191 = vector.shape_cast %swap3A_2190 : vector<1x1x16xf32> to vector<16xf32>
        %swap3A_2192 = vector.shape_cast %mul3A_2185 : vector<16xf32> to vector<1x1x16xf32>
        tpu.vector_store %arg15[%swap3A_2187, %swap3A_2188, %swap3A_2189], %swap3A_2192 {strides = array<i32>} : memref<2x64x128xf32, #tpu.memory_space<vmem>>, vector<1x1x16xf32>,
        %mul3A_2193 = arith.mulf %get3A_2184, %broadcast_in_dim3A_2120 : vector<16xf32>
        %swap3A_2194 = arith.constant 1 : i32
        %swap3A_2195 = arith.index_cast %swap3A_2194 : i32 to index
        %swap3A_2196 = arith.index_cast %add3A_2117 : i32 to index
        %swap3A_2197 = arith.constant 96 : index
        %swap3A_2198 = tpu.vector_load %arg15[%swap3A_2195, %swap3A_2196, %swap3A_2197] {strides = array<i32>} : memref<2x64x128xf32, #tpu.memory_space<vmem>>, vector<1x1x16xf32>,
        %swap3A_2199 = vector.shape_cast %swap3A_2198 : vector<1x1x16xf32> to vector<16xf32>
        %swap3A_2200 = vector.shape_cast %mul3A_2193 : vector<16xf32> to vector<1x1x16xf32>
        tpu.vector_store %arg15[%swap3A_2195, %swap3A_2196, %swap3A_2197], %swap3A_2200 {strides = array<i32>} : memref<2x64x128xf32, #tpu.memory_space<vmem>>, vector<1x1x16xf32>,
        %add3A_2201 = arith.constant 48 : i32
        %add3A_2202 = arith.addi %squeeze3A_2122, %add3A_2201 : i32
        %get3A_2203 = arith.index_cast %add3A_2202 : i32 to index
        %get3A_2204 = tpu.vector_load %arg9[%get3A_2203] {strides = array<i32>} : memref<64000xf32, #tpu.memory_space<vmem>>, vector<16xf32>,
        %get3A_2205 = vector.shape_cast %get3A_2204 : vector<16xf32> to vector<16xf32>
        %get3A_2206 = arith.index_cast %rem3A_380 : i32 to index
        %get3A_2207 = arith.index_cast %add3A_2117 : i32 to index
        %get3A_2208 = arith.constant 48 : index
        %get3A_2209 = tpu.vector_load %arg14[%get3A_2206, %get3A_2207, %get3A_2208] {strides = array<i32>} : memref<4x64x128xf32, #tpu.memory_space<vmem>>, vector<1x1x16xf32>,
        %get3A_2210 = vector.shape_cast %get3A_2209 : vector<1x1x16xf32> to vector<16xf32>
        %mul3A_2211 = arith.mulf %get3A_2205, %broadcast_in_dim3A_2120 : vector<16xf32>
        %swap3A_2212 = arith.constant 1 : i32
        %swap3A_2213 = arith.index_cast %swap3A_2212 : i32 to index
        %swap3A_2214 = arith.index_cast %add3A_2117 : i32 to index
        %swap3A_2215 = arith.constant 48 : index
        %swap3A_2216 = tpu.vector_load %arg15[%swap3A_2213, %swap3A_2214, %swap3A_2215] {strides = array<i32>} : memref<2x64x128xf32, #tpu.memory_space<vmem>>, vector<1x1x16xf32>,
        %swap3A_2217 = vector.shape_cast %swap3A_2216 : vector<1x1x16xf32> to vector<16xf32>
        %swap3A_2218 = vector.shape_cast %mul3A_2211 : vector<16xf32> to vector<1x1x16xf32>
        tpu.vector_store %arg15[%swap3A_2213, %swap3A_2214, %swap3A_2215], %swap3A_2218 {strides = array<i32>} : memref<2x64x128xf32, #tpu.memory_space<vmem>>, vector<1x1x16xf32>,
        %mul3A_2219 = arith.mulf %get3A_2210, %broadcast_in_dim3A_2120 : vector<16xf32>
        %swap3A_2220 = arith.constant 1 : i32
        %swap3A_2221 = arith.index_cast %swap3A_2220 : i32 to index
        %swap3A_2222 = arith.index_cast %add3A_2117 : i32 to index
        %swap3A_2223 = arith.constant 112 : index
        %swap3A_2224 = tpu.vector_load %arg15[%swap3A_2221, %swap3A_2222, %swap3A_2223] {strides = array<i32>} : memref<2x64x128xf32, #tpu.memory_space<vmem>>, vector<1x1x16xf32>,
        %swap3A_2225 = vector.shape_cast %swap3A_2224 : vector<1x1x16xf32> to vector<16xf32>
        %swap3A_2226 = vector.shape_cast %mul3A_2219 : vector<16xf32> to vector<1x1x16xf32>
        tpu.vector_store %arg15[%swap3A_2221, %swap3A_2222, %swap3A_2223], %swap3A_2226 {strides = array<i32>} : memref<2x64x128xf32, #tpu.memory_space<vmem>>, vector<1x1x16xf32>,
      }
      %scan3A_385 = arith.constant 4 : i32
      %add3A_386 = arith.addi %mul3A_2, %select_n3A_322 : i32
      %mul3A_387 = arith.constant 64 : i32
      %mul3A_388 = arith.muli %rem3A_324, %mul3A_387 : i32
      %dma_start3A_389 = arith.constant 1 : i32
      %dma_start3A_390 = arith.constant 0 : i32
      %dma_start3A_391 = arith.constant 0 : i32
      %dma_start3A_392 = tpu.memref_slice %arg15[%dma_start3A_389, %dma_start3A_390, %dma_start3A_391] : memref<2x64x128xf32, #tpu.memory_space<vmem>> -> memref<1x64x128xf32, #tpu.memory_space<vmem>>
      %dma_start3A_393 = tpu.memref_squeeze %dma_start3A_392 : memref<1x64x128xf32, #tpu.memory_space<vmem>> -> memref<64x128xf32, #tpu.memory_space<vmem>>
      %dma_start3A_394 = arith.constant 0 : i32
      %dma_start3A_395 = tpu.memref_slice %arg8[%add3A_386, %mul3A_388, %dma_start3A_394] : memref<1024x256x128xf32, #tpu.memory_space<hbm>> -> memref<1x64x128xf32, #tpu.memory_space<hbm>>
      %dma_start3A_396 = tpu.memref_squeeze %dma_start3A_395 : memref<1x64x128xf32, #tpu.memory_space<hbm>> -> memref<64x128xf32, #tpu.memory_space<hbm>>
      %dma_start3A_397 = arith.constant 0 : i32
      %dma_start3A_398 = tpu.memref_slice %arg8[%add3A_386, %mul3A_388, %dma_start3A_397] : memref<1024x256x128xf32, #tpu.memory_space<hbm>> -> memref<1x64x128xf32, #tpu.memory_space<hbm>>
      %dma_start3A_399 = tpu.memref_squeeze %dma_start3A_398 : memref<1x64x128xf32, #tpu.memory_space<hbm>> -> memref<64x128xf32, #tpu.memory_space<hbm>>
      %dma_start3A_400 = arith.constant 0 : i32
      %dma_start3A_401 = arith.constant 0 : i32
      %dma_start3A_402 = tpu.memref_slice %arg15[%dma_start3A_389, %dma_start3A_400, %dma_start3A_401] : memref<2x64x128xf32, #tpu.memory_space<vmem>> -> memref<1x64x128xf32, #tpu.memory_space<vmem>>
      %dma_start3A_403 = tpu.memref_squeeze %dma_start3A_402 : memref<1x64x128xf32, #tpu.memory_space<vmem>> -> memref<64x128xf32, #tpu.memory_space<vmem>>
      tpu.enqueue_dma source(%dma_start3A_403 : memref<64x128xf32, #tpu.memory_space<vmem>>) target(%dma_start3A_399 : memref<64x128xf32, #tpu.memory_space<hbm>>) target_semaphore(%arg19 : memref<!tpu.dma_semaphore, #tpu.memory_space<semaphore_mem>>)
    }
    %scan3A_159 = arith.constant 64 : i32
    %dma_wait3A_160 = arith.constant 0 : i32
    %dma_wait3A_161 = arith.constant 0 : i32
    %dma_wait3A_162 = arith.constant 0 : i32
    %dma_wait3A_163 = arith.constant 0 : i32
    %dma_wait3A_164 = tpu.memref_slice %arg15[%dma_wait3A_160, %dma_wait3A_162, %dma_wait3A_163] : memref<2x64x128xf32, #tpu.memory_space<vmem>> -> memref<1x64x128xf32, #tpu.memory_space<vmem>>
    %dma_wait3A_165 = tpu.memref_squeeze %dma_wait3A_164 : memref<1x64x128xf32, #tpu.memory_space<vmem>> -> memref<64x128xf32, #tpu.memory_space<vmem>>
    %dma_wait3A_166 = arith.constant 0 : i32
    %dma_wait3A_167 = arith.constant 0 : i32
    %dma_wait3A_168 = tpu.memref_slice %arg8[%dma_wait3A_161, %dma_wait3A_166, %dma_wait3A_167] : memref<1024x256x128xf32, #tpu.memory_space<hbm>> -> memref<1x64x128xf32, #tpu.memory_space<hbm>>
    %dma_wait3A_169 = tpu.memref_squeeze %dma_wait3A_168 : memref<1x64x128xf32, #tpu.memory_space<hbm>> -> memref<64x128xf32, #tpu.memory_space<hbm>>
    %dma_wait3A_170 = arith.constant 0 : i32
    %dma_wait3A_171 = arith.constant 0 : i32
    %dma_wait3A_172 = tpu.memref_slice %arg8[%dma_wait3A_161, %dma_wait3A_170, %dma_wait3A_171] : memref<1024x256x128xf32, #tpu.memory_space<hbm>> -> memref<1x64x128xf32, #tpu.memory_space<hbm>>
    %dma_wait3A_173 = tpu.memref_squeeze %dma_wait3A_172 : memref<1x64x128xf32, #tpu.memory_space<hbm>> -> memref<64x128xf32, #tpu.memory_space<hbm>>
    %dma_wait3A_174 = arith.constant 0 : i32
    %dma_wait3A_175 = arith.constant 0 : i32
    %dma_wait3A_176 = tpu.memref_slice %arg15[%dma_wait3A_160, %dma_wait3A_174, %dma_wait3A_175] : memref<2x64x128xf32, #tpu.memory_space<vmem>> -> memref<1x64x128xf32, #tpu.memory_space<vmem>>
    %dma_wait3A_177 = tpu.memref_squeeze %dma_wait3A_176 : memref<1x64x128xf32, #tpu.memory_space<vmem>> -> memref<64x128xf32, #tpu.memory_space<vmem>>
    tpu.wait_dma2 semaphore(%arg18 : memref<!tpu.dma_semaphore, #tpu.memory_space<semaphore_mem>>) src(%dma_wait3A_177 : memref<64x128xf32, #tpu.memory_space<vmem>>) dst(%dma_wait3A_173 : memref<64x128xf32, #tpu.memory_space<hbm>>)
    %dma_wait3A_178 = arith.constant 1 : i32
    %dma_wait3A_179 = arith.constant 0 : i32
    %dma_wait3A_180 = arith.constant 0 : i32
    %dma_wait3A_181 = arith.constant 0 : i32
    %dma_wait3A_182 = tpu.memref_slice %arg15[%dma_wait3A_178, %dma_wait3A_180, %dma_wait3A_181] : memref<2x64x128xf32, #tpu.memory_space<vmem>> -> memref<1x64x128xf32, #tpu.memory_space<vmem>>
    %dma_wait3A_183 = tpu.memref_squeeze %dma_wait3A_182 : memref<1x64x128xf32, #tpu.memory_space<vmem>> -> memref<64x128xf32, #tpu.memory_space<vmem>>
    %dma_wait3A_184 = arith.constant 0 : i32
    %dma_wait3A_185 = arith.constant 0 : i32
    %dma_wait3A_186 = tpu.memref_slice %arg8[%dma_wait3A_179, %dma_wait3A_184, %dma_wait3A_185] : memref<1024x256x128xf32, #tpu.memory_space<hbm>> -> memref<1x64x128xf32, #tpu.memory_space<hbm>>
    %dma_wait3A_187 = tpu.memref_squeeze %dma_wait3A_186 : memref<1x64x128xf32, #tpu.memory_space<hbm>> -> memref<64x128xf32, #tpu.memory_space<hbm>>
    %dma_wait3A_188 = arith.constant 0 : i32
    %dma_wait3A_189 = arith.constant 0 : i32
    %dma_wait3A_190 = tpu.memref_slice %arg8[%dma_wait3A_179, %dma_wait3A_188, %dma_wait3A_189] : memref<1024x256x128xf32, #tpu.memory_space<hbm>> -> memref<1x64x128xf32, #tpu.memory_space<hbm>>
    %dma_wait3A_191 = tpu.memref_squeeze %dma_wait3A_190 : memref<1x64x128xf32, #tpu.memory_space<hbm>> -> memref<64x128xf32, #tpu.memory_space<hbm>>
    %dma_wait3A_192 = arith.constant 0 : i32
    %dma_wait3A_193 = arith.constant 0 : i32
    %dma_wait3A_194 = tpu.memref_slice %arg15[%dma_wait3A_178, %dma_wait3A_192, %dma_wait3A_193] : memref<2x64x128xf32, #tpu.memory_space<vmem>> -> memref<1x64x128xf32, #tpu.memory_space<vmem>>
    %dma_wait3A_195 = tpu.memref_squeeze %dma_wait3A_194 : memref<1x64x128xf32, #tpu.memory_space<vmem>> -> memref<64x128xf32, #tpu.memory_space<vmem>>
    tpu.wait_dma2 semaphore(%arg19 : memref<!tpu.dma_semaphore, #tpu.memory_space<semaphore_mem>>) src(%dma_wait3A_195 : memref<64x128xf32, #tpu.memory_space<vmem>>) dst(%dma_wait3A_191 : memref<64x128xf32, #tpu.memory_space<hbm>>)
    return
  }
}

</mosaic_0001>

<sc_bundles>
// kernel: _sc_call.3.cloned.1.call-start
scs
__scs_entry_jumppad:
0x0: {  	(pc) =	sbr.rel $0x88, $3  }
0x1: {  	(tag) =	ssettag $0x0;
	lr =	simm.s32 $0x1  }
0x2: {  	[smem:$0x3F9B] =	sst lr;
	_ =	strace $0xD0000000  }
0x3: {  	_ = 	snop  }
0x4: {  	_ = 	snop  }
0x5: {  	_ = 	snop  }
0x6: {  	_ = 	snop  }
0x7: {  	_ = 	snop  }
__scs_overlays_trampoline_lowered:
0x8: {  	[smem:$0x3FAA] =	sst s0  }
0x9: {  	[smem:$0x3FAB] =	sst s1  }
0xa: {  	[smem:$0x3FAC] =	sst s2  }
0xb: {  	[smem:$0x3FAD] =	sst s3  }
0xc: {  	[smem:$0x3FAE] =	sst s4  }
0xd: {  	[smem:$0x3FAF] =	sst s5  }
0xe: {  	[smem:$0x3FB0] =	sst s6  }
0xf: {  	[smem:$0x3FB1] =	sst s7  }
0x10: {  	[smem:$0x3FB2] =	sst s8  }
0x11: {  	[smem:$0x3FB3] =	sst s9;
	s0 =	simm.s32 @!p0 $0x0  }
0x12: {  	s1 =	sld [smem:$0x3F99];
	s0 =	simm.s32 @p0 $0x1  }
0x13: {  	[smem:$0x3FB4] =	sst s0;
	s0 =	simm.s32 @!p1 $0x0  }
0x14: {  	s2 =	sld [smem:$0x3F98];
	s0 =	simm.s32 @p1 $0x1  }
0x15: {  	[smem:$0x3FB5] =	sst s0;
	s0 =	simm.s32 @!p2 $0x0  }
0x16: {  	s3 =	sld [smem:$0x3FDB];
	s0 =	simm.s32 @p2 $0x1  }
0x17: {  	s4 =	simm.s32 $0x1BF5;
	[smem:$0x3FB7] =	sst s0  }
0x18: {  	s0 =	sld [smem:$0x3F9A];
	_ =	swait.ge [sflag:s4], $0x0  }
0x19: {  	s7 =	sld [smem:$0x3F9B]  }
0x1a: {  	s8 =	sadd.s32 $0xFFFFE003, lr  }
0x1b: {  	s9 =	sadd.s32 $0xFFFFFEF7, lr;
	s5 =	simm.s32 $0xFFFFFFFF;
	p2 =	slt.u32 s8, $0xFFFFF086  }
0x1c: {  	p1 =	slt.u32 s9, $0xF7A;
	s5 =	simm.s32 @!p2 $0x0  }
0x1d: {  	s5 =	simm.s32 @p1 $0x1;
	p0 =	seq.s32 s7, s2  }
0x1e: {  	s7 =	smul.u32 @!p0 $0xF7A, s2;
	p2 =	seq.s32 @!p0 s5, $0x0  }
0x1f: {  	s9 =	smul.u32 $0xF7A, s1;
	s8 =	simm.s32 @!p0 $0x1BF5;
	p2 =	por !p2, p0  }
0x20: {  	[sflag:s8] =	ssyncset.s32 @!p0 $0xFFFFF086;
	s6 =	sadd.s32 @!p0 s3, s7;
	s7 =	simm.s32 @!p0 $0x108  }
0x21: {  	s3 =	sadd.s32 s3, s9;
	s6 =	sadd.s32 @!p0 $0x88, s6;
	s7 =	simm.s32 @p2 $0x1082  }
0x22: {  	[simem:s7], [sflag:s8] =	dma.local @!p0 [hbm:s6], $0xF7A  }
0x23: {  	s9 =	sor.u32 $0xD0000000, s2;
	s6 =	simm.s32 $0x108;
	_ =	swait.ge @!p0 [sflag:s8], $0x0  }
0x24: {  	s3 =	sadd.s32 $0x88, s3;
	s6 =	simm.s32 @!p1 $0x1082;
	[sflag:s4] =	ssyncset.s32 $0xFFFFF086  }
0x25: {  	[simem:s6], [sflag:s4] =	dma.local [hbm:s3], $0xF7A  }
0x26: {  	[smem:$0x3F9B] =	sst s1;
	(tag) =	ssettag s2;
	_ =	strace s9  }
0x27: {  	s1 =	sld [smem:$0x3FAB]  }
0x28: {  	s2 =	sld [smem:$0x3FAC]  }
0x29: {  	s4 =	sld [smem:$0x3FAE]  }
0x2a: {  	p0 =	seq.s32 s5, $0x0;
	s5 =	sld [smem:$0x3FAF]  }
0x2b: {  	s6 =	sld [smem:$0x3FB0]  }
0x2c: {  	s7 =	sld [smem:$0x3FB1]  }
0x2d: {  	s3 =	simm.s32 $0x108;
	s8 =	sld [smem:$0x3FB2]  }
0x2e: {  	s3 =	simm.s32 @!p0 $0x1082;
	s9 =	sld [smem:$0x3FB3]  }
0x2f: {  	lr =	sadd.s32 s0, s3;
	s0 =	sld [smem:$0x3FAA]  }
0x30: {  	s3 =	sld [smem:$0x3FAD]  }
0x31: {  	[smem:$0x3FB6] =	sst s10  }
0x32: {  	s10 =	sld [smem:$0x3FB4];
	_ =	sdelay $0x3  }
0x33: {  	p0 =	seq.s32 s10, $0x1;
	s10 =	sld [smem:$0x3FB6];
	_ =	sdelay $0x3  }
0x34: {  	[smem:$0x3FB6] =	sst s10  }
0x35: {  	s10 =	sld [smem:$0x3FB5];
	_ =	sdelay $0x3  }
0x36: {  	p1 =	seq.s32 s10, $0x1;
	s10 =	sld [smem:$0x3FB6];
	_ =	sdelay $0x3  }
0x37: {  	[smem:$0x3FB6] =	sst s10  }
0x38: {  	s10 =	sld [smem:$0x3FB7]  }
0x39: {  	_ = 	snop;
	(pc) =	sbr.ind lr, $3  }
0x3a: {  	_ = 	snop  }
0x3b: {  	_ = 	snop  }
0x3c: {  	p2 =	seq.s32 s10, $0x1;
	s10 =	sld [smem:$0x3FB6]  }
0x3d: {  	_ =	shalt  }
0x3e: {  	_ =	shalt  }
0x3f: {  	_ =	shalt  }
0x40: {  	_ =	shalt  }
0x41: {  	_ =	shalt  }
0x42: {  	_ =	shalt  }
0x43: {  	_ =	shalt  }
0x44: {  	_ =	shalt  }
0x45: {  	_ =	shalt  }
0x46: {  	_ =	shalt  }
0x47: {  	_ =	shalt  }
0x48: {  	_ =	shalt  }
0x49: {  	_ =	shalt  }
0x4a: {  	_ =	shalt  }
0x4b: {  	_ =	shalt  }
0x4c: {  	_ =	shalt  }
0x4d: {  	_ =	shalt  }
0x4e: {  	_ =	shalt  }
0x4f: {  	_ =	shalt  }
0x50: {  	_ =	shalt  }
0x51: {  	_ =	shalt  }
0x52: {  	_ =	shalt  }
0x53: {  	_ =	shalt  }
0x54: {  	_ =	shalt  }
0x55: {  	_ =	shalt  }
0x56: {  	_ =	shalt  }
0x57: {  	_ =	shalt  }
0x58: {  	_ =	shalt  }
0x59: {  	_ =	shalt  }
0x5a: {  	_ =	shalt  }
0x5b: {  	_ =	shalt  }
0x5c: {  	_ =	shalt  }
0x5d: {  	_ =	shalt  }
0x5e: {  	_ =	shalt  }
0x5f: {  	_ =	shalt  }
0x60: {  	_ =	shalt  }
0x61: {  	_ =	shalt  }
0x62: {  	_ =	shalt  }
0x63: {  	_ =	shalt  }
0x64: {  	_ =	shalt  }
0x65: {  	_ =	shalt  }
0x66: {  	_ =	shalt  }
0x67: {  	_ =	shalt  }
0x68: {  	_ =	shalt  }
0x69: {  	_ =	shalt  }
0x6a: {  	_ =	shalt  }
0x6b: {  	_ =	shalt  }
0x6c: {  	_ =	shalt  }
0x6d: {  	_ =	shalt  }
0x6e: {  	_ =	shalt  }
0x6f: {  	_ =	shalt  }
0x70: {  	_ =	shalt  }
0x71: {  	_ =	shalt  }
0x72: {  	_ =	shalt  }
0x73: {  	_ =	shalt  }
0x74: {  	_ =	shalt  }
0x75: {  	_ =	shalt  }
0x76: {  	_ =	shalt  }
0x77: {  	_ =	shalt  }
0x78: {  	_ =	shalt  }
0x79: {  	_ =	shalt  }
0x7a: {  	_ =	shalt  }
0x7b: {  	_ =	shalt  }
0x7c: {  	_ =	shalt  }
0x7d: {  	_ =	shalt  }
0x7e: {  	_ =	shalt  }
0x7f: {  	_ =	shalt  }
0x80: {  	_ =	shalt  }
0x81: {  	_ =	shalt  }
0x82: {  	_ =	shalt  }
0x83: {  	_ =	shalt  }
0x84: {  	_ =	shalt  }
0x85: {  	_ =	shalt  }
0x86: {  	_ =	shalt  }
0x87: {  	_ =	shalt  }
.Lfunc_end0:
.L_simem_size_0:
called_computation_lowered:
.L_overlay_start_0:
0x88: {  	s2 =	sld [smem:$0x3FD9]  }
0x89: {  	s3 =	sld [smem:$0x3FFE];
	_ =	sdelay $0x1  }
0x8a: {  	s1 =	srdreg.scid  }
0x8b: {  	s0 =	sand.u32 $0x1, s1  }
0x8c: {  	s18 =	sshll.u32 s0, $0xA;
	s2 =	sadd.s32 s3, s2  }
0x8d: {  	s2 =	sadd.s32 s2, s18  }
0x8e: {  	[smem:$0x3FC2] =	sst s2  }
0x8f: {  	_ = 	snop  }
0x90: {  	s2 =	sld [smem:$0x3FC9]  }
0x91: {  	s19 =	sld [smem:$0x3FC8]  }
0x92: {  	s4 =	sld [smem:$0x3FC7]  }
0x93: {  	s5 =	sld [smem:$0x3FC6]  }
0x94: {  	s6 =	sld [smem:$0x3FC5]  }
0x95: {  	s7 =	sld [smem:$0x3FC4]  }
0x96: {  	s8 =	sld [smem:$0x3FD0];
	(tm) =	ssettm $0x1  }
0x97: {  	s9 =	sld [smem:$0x3FFB];
	_ =	sdelay $0x3  }
0x98: {  	_ =	strace s9  }
0x99: {  	s9 =	sld [smem:$0x3FFC];
	_ =	sdelay $0x3  }
0x9a: {  	_ =	strace s9  }
0x9b: {  	s9 =	sld [smem:$0x3FFD];
	_ =	sdelay $0x3  }
0x9c: {  	_ =	strace s9  }
0x9d: {  	_ =	strace $0x8FFFFFFF  }
0x9e: {  	s20 =	sld [smem:$0x3FDB];
	_ =	sdelay $0x1  }
0x9f: {  	s10 =	simm.s32 $_scs_section_size  }
0xa0: {  	s11 =	simm.s32 $_size__tile_overlayer_lowered;
	s12 =	simm.s32 $_tile_overlayer_lowered  }
0xa1: {  	s23 =	simm.s32 $0x1BFF;
	s22 =	sshll.u32 s12, $0x1;
	s9 =	sadd.s32 s10, s20  }
0xa2: {  	s13 =	simm.s32 $0x0;
	s21 =	sshll.u32 s11, $0x1;
	s11 =	sadd.s32 s22, s9  }
0xa3: {  	[timem:s13], [sflag:s23] =	dma.local [hbm:s11], s21  }
0xa4: {  	_ =	swait.ge [sflag:s23], s21  }
0xa5: {  	s10 =	ssub.s32 $0x0, s21;
	[sflag:s23] =	ssyncset.done $0x0  }
0xa6: {  	[sflag:s23] =	ssyncadd.s32 s10;
	_ =	sdelay $0x1  }
0xa7: {  	s24 =	simm.s32 $0x1B8B  }
0xa8: {  	_ =	swait.ge [sflag:s24], $0x1  }
0xa9: {  	[sflag:s24] =	ssyncset.done $0x0  }
0xaa: {  	s25 =	simm.s32 $0x1B8E;
	[sflag:s24] =	ssyncadd.s32 $0xFFFFFFFF  }
0xab: {  	s26 =	simm.s32 $execute0_lowered;
	[smem:$0x3FD2] =	sst s25  }
0xac: {  	s10 =	sshll.u32 s26, $0x1;
	_ =	strace $0x80000046;
	[dreg:$0x1] =	wrdreg $0xFFFFFFFF  }
0xad: {  	s28 =	simm.s32 $_size_execute0_lowered;
	s9 =	sadd.s32 s9, s10;
	[dreg:$0x0] =	wrdreg $0x0  }
0xae: {  	s10 =	sshll.u32 s28, $0x1;
	[dreg:$0x2] =	wrdreg s9  }
0xaf: {  	[dreg:$0x3] =	wrdreg s10  }
0xb0: {  	[dreg:$0x4] =	wrdreg $0xC0  }
0xb1: {  	_ =	task [dreg:s13], $0x5FFFF  }
0xb2: {  	[dreg:$0x1] =	wrdreg $0xFFFFFFFF  }
0xb3: {  	[dreg:$0x0] =	wrdreg $0x60  }
0xb4: {  	[dreg:$0x2] =	wrdreg s2  }
0xb5: {  	[dreg:$0x3] =	wrdreg s19  }
0xb6: {  	[dreg:$0x4] =	wrdreg s4  }
0xb7: {  	[dreg:$0x5] =	wrdreg s5  }
0xb8: {  	[dreg:$0x6] =	wrdreg s6  }
0xb9: {  	[dreg:$0x7] =	wrdreg s7  }
0xba: {  	[dreg:$0x8] =	wrdreg s8  }
0xbb: {  	[dreg:$0x9] =	wrdreg $0x9  }
0xbc: {  	_ =	task.clear_ibuf [dreg:s13], $0xAFFFF;
	_ =	strace $0x90000046  }
0xbd: {  	s29 =	simm.s32 $0x9;
	_ =	strace $0x80000048  }
0xbe: {  	_ =	swait.ge [sflag:s29], $0x1  }
0xbf: {  	[sflag:s29] =	ssyncadd.s32 $0xFFFFFFFF  }
0xc0: {  	_ =	strace $0x90000048  }
0xc1: {  	_ =	sfence  }
0xc2: {  	s30 =	sld [smem:$0x0];
	_ =	sdelay $0x2  }
0xc3: {  	s31 =	sshll.u32 s1, $0xD;
	s1 =	sshrl.u32 s1, $0x2  }
0xc4: {  	s3 =	sand.u32 $0x4000, s31;
	s1 =	sadd.s32 s1, s30  }
0xc5: {  	s0 =	sor.u32 s3, s0;
	s1 =	sshll.u32 s1, $0x11  }
0xc6: {  	s0 =	sor.u32 s1, s0  }
0xc7: {  	s0 =	sadd.s32 $0x8F2B, s0  }
0xc8: {  	[sflag:s0] =	ssyncadd.remote.s32 $0x1  }
0xc9: {  	_ =	sfence.sel $0xFFFF  }
0xca: {  	[dreg:$0x0] =	wrdreg $0xFFFFFFFF;
	(pc) =	sbr.abs _section_cstart, $3  }
0xcb: {  	[dreg:$0x1] =	wrdreg $0xFFFFFFFF  }
0xcc: {  	_ =	task.clear_ibuf [dreg:s13], $0x2FFFF;
	_ =	strace $0x9FFFFFFF  }
0xcd: {  	(tm) =	ssettm $0x7FFFFFFF  }
tec
execute0_lowered:
.L_overlay_start_1:
0x0: {  	(tag) =	ssettag $0x1  }
0x1: {  	s0 =	rddreg [dreg:$0x0]  }
0x2: {  	s3 =	rddreg [dreg:$0x2]  }
0x3: {  	s1 =	rddreg [dreg:$0x3]  }
0x4: {  	s4 =	rddreg [dreg:$0x4]  }
0x5: {  	s6 =	rddreg [dreg:$0x5]  }
0x6: {  	s7 =	rddreg [dreg:$0x6]  }
0x7: {  	s2 =	srdreg.scid;
	s8 =	stileid.u32  }
0x8: {  	s12 =	simm.s32 $0x5;
	s17 =	simm.s32 $0x2;
	s21 =	simm.s32 $0x40  }
0x9: {  	s28 =	simm.s32 $0x1;
	s29 =	simm.s32 $0x1AA80;
	s2 =	sand.u32 $0x1, s2  }
0xa: {  	s9 =	sshll.u32 s8, $0x6;
	s5 =	ssub.s32 $0x2, s2;
	s2 =	sshll.u32 s2, $0x5  }
0xb: {  	s30 =	simm.s32 $0x1CA80;
	s31 =	simm.s32 $0x3;
	s9 =	sor.u32 s2, s9  }
0xc: {  	s8 =	simm.s32 $0x0;
	s10 =	sshrl.u32 s5, $0x1;
	s25 =	sshrl.u32 s9, $0x3  }
0xd: {  	v0 =	vlaneseq.u32;
	[smem:$0x7FF] =	sst s8;
	s24 =	ssub.s32 s5, s10;
	s1 =	sadd.s32 s1, s25  }
0xe: {  	v1 =	vshrl.u32 v0, $0x3;
	_ =	strace $0x80000047;
	s26 =	smax.u32 s24, $0x1;
	[dreg:$0x8] =	wrdreg s1  }
0xf: {  	vm0 =	vmmov $0xffff;
	v0 =	vand.u32 $0x7, v0;
	v1 =	vmul.u32 $0x8, v1;
	s2 =	simm.s32 $0x4;
	s5 =	simm.s32 $0x0;
	[dreg:$0x9] =	wrdreg s26  }
.LBB2_1:
0x10: {  	s1 =	rddreg [dreg:$0x1]  }
0x11: {  	[tilespmem:s8], [sflag:$0x5] =	stream.linear.gather [hbm4b:s1+s8], $0xFA00, $0x38;
	[tilespmem:$0x1EA80] =	vst v63  }
0x12: {  	_ =	swait.ge [sflag:s12], $0xFA00  }
0x13: {  	[sflag:s12] =	ssyncset.done $0x0  }
0x14: {  	s10 =	simm.s32 $0xFA00;
	s13 =	rddreg [dreg:$0x8];
	[sflag:s12] =	ssyncadd.s32 $0xFFFF0600  }
0x15: {  	[tilespmem:s10], [sflag:$0x5] =	stream.linear.gather [hbm4b:s13+s8], $0x20, $0x38;
	[tilespmem:$0x1EA80] =	vst v63  }
0x16: {  	_ =	swait.ge [sflag:s12], $0x20  }
0x17: {  	[sflag:s12] =	ssyncset.done $0x0  }
0x18: {  	[sflag:s12] =	ssyncadd.s32 $0xFFFFFFE0  }
0x19: {  	v2 =	vld.msk [tilespmem:$0xFA00], $0xff;
	_ =	sdelay $0x4  }
0x1a: {  	v3 =	vshll.u32 v2, $0x1  }
0x1b: {  	v2 =	vand.u32 $0x7, v2;
	v3 =	vand.u32 $0xFFFFFFF0, v3  }
0x1c: {  	v2 =	vor.u32 v2, v3  }
0x1d: {  	v2 =	vperm.xlane v2, v0;
	_ =	sdelay $0x1  }
0x1e: {  	v2 =	vadd.s32 v1, v2;
	_ =	sdelay $0x3  }
0x1f: {  	s14 =	simm.s32 $0xFA80  }
0x20: {  	[tilespmem:s14], [sflag:$0x2] =	stream.indirect_vreg.gather [hbm4b:s4+s8], $0x80, v2, vm0, $0xb8;
	[tilespmem:$0x1EA80] =	vst v63  }
0x21: {  	v2 =	vld.msk [tilespmem:$0xFA00], $0xff;
	_ =	sdelay $0x4  }
0x22: {  	v3 =	vshll.u32 v2, $0x1  }
0x23: {  	v2 =	vand.u32 $0x7, v2;
	v3 =	vand.u32 $0xFFFFFFF0, v3  }
0x24: {  	v2 =	vor.u32 v2, v3  }
0x25: {  	v2 =	vperm.xlane v2, v0;
	_ =	sdelay $0x1  }
0x26: {  	v2 =	vadd.s32 v1, v2;
	_ =	sdelay $0x3  }
0x27: {  	s15 =	simm.s32 $0x10A80  }
0x28: {  	[tilespmem:s15], [sflag:$0x2] =	stream.indirect_vreg.gather [hbm4b:s6+s8], $0x80, v2, vm0, $0xb8;
	[tilespmem:$0x1EA80] =	vst v63  }
0x29: {  	v2 =	vld.msk [tilespmem:$0xFA00], $0xff;
	_ =	sdelay $0x4  }
0x2a: {  	v3 =	vshll.u32 v2, $0x1  }
0x2b: {  	v2 =	vand.u32 $0x7, v2;
	v3 =	vand.u32 $0xFFFFFFF0, v3  }
0x2c: {  	v2 =	vor.u32 v2, v3  }
0x2d: {  	v2 =	vperm.xlane v2, v0;
	_ =	sdelay $0x1  }
0x2e: {  	v2 =	vadd.s32 v1, v2;
	_ =	sdelay $0x3  }
0x2f: {  	s16 =	simm.s32 $0x11A80  }
0x30: {  	[tilespmem:s16], [sflag:$0x2] =	stream.indirect_vreg.gather [hbm4b:s3+s8], $0x80, v2, vm0, $0xb8;
	[tilespmem:$0x1EA80] =	vst v63  }
0x31: {  	_ =	swait.ge [sflag:s17], $0x800  }
0x32: {  	[sflag:s17] =	ssyncset.done $0x0  }
0x33: {  	[sflag:s17] =	ssyncadd.s32 $0xFFFFF800  }
0x34: {  	_ =	swait.ge [sflag:s17], $0x800  }
0x35: {  	[sflag:s17] =	ssyncset.done $0x0  }
0x36: {  	[sflag:s17] =	ssyncadd.s32 $0xFFFFF800  }
0x37: {  	_ =	swait.ge [sflag:s17], $0x800  }
0x38: {  	[sflag:s17] =	ssyncset.done $0x0  }
0x39: {  	[sflag:s17] =	ssyncadd.s32 $0xFFFFF800  }
0x3a: {  	v2 =	vld.msk [tilespmem:$0xFA08], $0xff;
	_ =	sdelay $0x4  }
0x3b: {  	v3 =	vshll.u32 v2, $0x1  }
0x3c: {  	v2 =	vand.u32 $0x7, v2;
	v3 =	vand.u32 $0xFFFFFFF0, v3  }
0x3d: {  	v2 =	vor.u32 v2, v3  }
0x3e: {  	v2 =	vperm.xlane v2, v0;
	_ =	sdelay $0x1  }
0x3f: {  	v2 =	vadd.s32 v1, v2;
	_ =	sdelay $0x3  }
0x40: {  	s18 =	simm.s32 $0x10280  }
0x41: {  	[tilespmem:s18], [sflag:$0x2] =	stream.indirect_vreg.gather [hbm4b:s4+s8], $0x80, v2, vm0, $0xb8;
	[tilespmem:$0x1EA80] =	vst v63  }
0x42: {  	v2 =	vld.msk [tilespmem:$0xFA08], $0xff;
	_ =	sdelay $0x4  }
0x43: {  	v3 =	vshll.u32 v2, $0x1  }
0x44: {  	v2 =	vand.u32 $0x7, v2;
	v3 =	vand.u32 $0xFFFFFFF0, v3  }
0x45: {  	v2 =	vor.u32 v2, v3  }
0x46: {  	v2 =	vperm.xlane v2, v0;
	_ =	sdelay $0x1  }
0x47: {  	v2 =	vadd.s32 v1, v2;
	_ =	sdelay $0x3  }
0x48: {  	s19 =	simm.s32 $0x11280  }
0x49: {  	[tilespmem:s19], [sflag:$0x2] =	stream.indirect_vreg.gather [hbm4b:s6+s8], $0x80, v2, vm0, $0xb8;
	[tilespmem:$0x1EA80] =	vst v63  }
0x4a: {  	v2 =	vld.msk [tilespmem:$0xFA08], $0xff;
	_ =	sdelay $0x4  }
0x4b: {  	v3 =	vshll.u32 v2, $0x1  }
0x4c: {  	v2 =	vand.u32 $0x7, v2;
	v3 =	vand.u32 $0xFFFFFFF0, v3  }
0x4d: {  	v2 =	vor.u32 v2, v3  }
0x4e: {  	v2 =	vperm.xlane v2, v0;
	_ =	sdelay $0x1  }
0x4f: {  	v2 =	vadd.s32 v1, v2;
	_ =	sdelay $0x3  }
0x50: {  	s20 =	simm.s32 $0x12280  }
0x51: {  	[tilespmem:s20], [sflag:$0x2] =	stream.indirect_vreg.gather [hbm4b:s3+s8], $0x80, v2, vm0, $0xb8;
	[tilespmem:$0x1EA80] =	vst v63  }
0x52: {  	s22 =	simm.s32 $0x12A80;
	s23 =	simm.s32 $0x10AC0  }
0x53: {  	[tilespmem:s22], [sflag:$0x1] =	stream.indirect.gather [hbm4b:s0+s21], $0x80, s15, s21, $0xb8;
	[tilespmem:$0x1EA80] =	vst v63  }
0x54: {  	s24 =	simm.s32 $0x14A80;
	s25 =	simm.s32 $0x10E80;
	s26 =	simm.s32 $0x16A80  }
0x55: {  	[tilespmem:s24], [sflag:$0x1] =	stream.indirect.gather [hbm4b:s0+s21], $0x80, s23, s21, $0xb8;
	[tilespmem:$0x1EA80] =	vst v63  }
0x56: {  	p0 =	por $0x0, $0x0;
	s1 =	simm.s32 $0x0;
	s13 =	simm.s32 $0x0  }
0x57: {  	[tilespmem:s26], [sflag:$0x1] =	stream.indirect.gather [hbm4b:s0+s21], $0x80, s25, s21, $0xb8;
	[tilespmem:$0x1EA80] =	vst v63  }
.LBB2_2:
0x58: {  	s14 =	sshrl.u32 s1, $0xB;
	s18 =	simm.s32 $0x1  }
0x59: {  	s20 =	sshrl.u32 s13, $0x1;
	s23 =	sshll.u32 s13, $0x1;
	p1 =	seq.s32 s13, $0x3F  }
0x5a: {  	s19 =	sand.u32 $0x1, s14;
	s18 =	simm.s32 @!p0 $0x0;
	s22 =	sand.u32 $0x7, s20  }
0x5b: {  	s24 =	sadd.s32 @!p1 $0x3, s23;
	s14 =	sshll.u32 s19, $0xD;
	s16 =	sshll.u32 s18, $0xC  }
0x5c: {  	s10 =	sshll.u32 s22, $0x9;
	s19 =	sshll.u32 s19, $0xB;
	s25 =	sshll.u32 @!p1 s24, $0x9  }
0x5d: {  	s26 =	sshll.u32 @!p1 s24, $0x6;
	s15 =	sshll.u32 @!p1 s24, $0x5;
	s24 =	sshll.u32 @!p1 s24, $0xD  }
0x5e: {  	s11 =	sshll.u32 s18, $0xA;
	s14 =	sor.u32 s16, s14;
	s25 =	sand.u32 @!p1 $0x400, s25  }
0x5f: {  	s26 =	sand.u32 @!p1 $0x800, s26;
	s15 =	sand.u32 @!p1 $0x380, s15;
	s24 =	sand.u32 @!p1 $0x6000, s24  }
0x60: {  	s14 =	sor.u32 s10, s14;
	s25 =	sor.u32 @!p1 s25, s26;
	s24 =	sadd.s32 @!p1 $0x12A80, s24  }
0x61: {  	s16 =	sshrl.u32 s14, $0x2;
	s15 =	sor.u32 @!p1 s15, s25;
	s25 =	simm.s32 @!p1 $0x40  }
0x62: {  	s14 =	sadd.s32 $0xFAC0, s16;
	s16 =	sadd.s32 $0x11AC0, s16;
	s15 =	sadd.s32 @!p1 $0x10AC0, s15  }
0x63: {  	[tilespmem:s24], [sflag:$0x1] =	stream.indirect.gather @!p1 [hbm4b:s0+s25], $0x80, s15, s25, $0xb8;
	[tilespmem:$0x1EA80] =	vst v63  }
0x64: {  	s15 =	sshll.u32 s18, $0xE;
	s24 =	sor.u32 s11, s19;
	s25 =	sshll.u32 s22, $0x7  }
0x65: {  	p1 =	seq.s32 s13, $0x0;
	_ =	swait.ge [sflag:s28], $0x2000;
	s19 =	sor.u32 s25, s24  }
0x66: {  	s22 =	simm.s32 @!p1 $0x3;
	[sflag:s28] =	ssyncset.done $0x0;
	s11 =	sadd.s32 $0xFA80, s19  }
0x67: {  	s18 =	sadd.s32 $0x14A80, s15;
	s24 =	sor.u32 $0x12E80, s15;
	[sflag:s28] =	ssyncadd.s32 $0xFFFFE000;
	v3 =	vmov s11  }
0x68: {  	s10 =	sadd.s32 $0x11A80, s19;
	s19 =	sand.u32 $0x2, s23;
	_ =	swait.ge @!p1 [sflag:s22], $0x2000  }
0x69: {  	s25 =	simm.s32 $0x0;
	s26 =	sshll.u32 s19, $0xD;
	[sflag:s22] =	ssyncset.done @!p1 $0x0  }
0x6a: {  	v2 =	vmov s10;
	[sflag:s22] =	ssyncadd.s32 @!p1 $0xFFFFE000;
	s22 =	sadd.s32 $0x12A80, s26;
	s26 =	simm.s32 $0x1AE80  }
.LBB2_3:
0x6b: {  	s10 =	sshra.s32 s25, $0x2  }
0x6c: {  	v4 =	vld.idx.msk [tilespmem:v3+s10+$0x0 ss:$0x1], $0xffff;
	_ =	sdelay $0x4  }
0x6d: {  	v5 =	vshll.u32 v4, $0x6  }
0x6e: {  	(v2sf) =	vpush v5, $0x0;
	_ =	sdelay $0xc  }
0x6f: {  	v4 =	vld.idx.msk [tilespmem:v2+s10+$0x0 ss:$0x1], $0xffff;
	_ =	sdelay $0x1  }
0x70: {  	v7 =	vld [tilespmem:s24+$0xFFFFFC00];
	s11 =	spop (v2sf)  }
0x71: {  	v6 =	vld [tilespmem:s11+$0x0];
	_ =	sdelay $0x1  }
0x72: {  	v8 =	vbroadcast v4, $0x0;
	_ =	sdelay $0x1  }
0x73: {  	v7 =	vmul.f32 v7, v8  }
0x74: {  	v6 =	vmul.f32 v6, v8  }
0x75: {  	[tilespmem:s26+$0xFFFFFC40] =	vst v7  }
0x76: {  	[tilespmem:s26+$0xFFFFFC00] =	vst v6  }
0x77: {  	v6 =	vld [tilespmem:s11+$0x10]  }
0x78: {  	v7 =	vld [tilespmem:s24+$0xFFFFFC10];
	_ =	sdelay $0x3  }
0x79: {  	v6 =	vmul.f32 v6, v8  }
0x7a: {  	v7 =	vmul.f32 v7, v8  }
0x7b: {  	[tilespmem:s26+$0xFFFFFC10] =	vst v6  }
0x7c: {  	[tilespmem:s26+$0xFFFFFC50] =	vst v7  }
0x7d: {  	v6 =	vld [tilespmem:s11+$0x20]  }
0x7e: {  	v7 =	vld [tilespmem:s24+$0xFFFFFC20]  }
0x7f: {  	(v2sf) =	vpush v5, $0x1;
	_ =	sdelay $0x2  }
0x80: {  	v6 =	vmul.f32 v6, v8  }
0x81: {  	v7 =	vmul.f32 v7, v8  }
0x82: {  	[tilespmem:s26+$0xFFFFFC20] =	vst v6  }
0x83: {  	[tilespmem:s26+$0xFFFFFC60] =	vst v7  }
0x84: {  	v6 =	vld [tilespmem:s11+$0x30]  }
0x85: {  	v7 =	vld [tilespmem:s24+$0xFFFFFC30];
	_ =	sdelay $0x3  }
0x86: {  	v6 =	vmul.f32 v6, v8  }
0x87: {  	v7 =	vmul.f32 v7, v8  }
0x88: {  	[tilespmem:s26+$0xFFFFFC30] =	vst v6  }
0x89: {  	s15 =	spop (v2sf);
	[tilespmem:s26+$0xFFFFFC70] =	vst v7  }
0x8a: {  	v6 =	vld [tilespmem:s15+$0x0]  }
0x8b: {  	v7 =	vld [tilespmem:s24+$0xFFFFFC80];
	_ =	sdelay $0x1  }
0x8c: {  	v49 =	vbroadcast v4, $0x1;
	_ =	sdelay $0x1  }
0x8d: {  	v6 =	vmul.f32 v6, v49  }
0x8e: {  	v7 =	vmul.f32 v7, v49  }
0x8f: {  	[tilespmem:s26+$0xFFFFFC80] =	vst v6  }
0x90: {  	[tilespmem:s26+$0xFFFFFCC0] =	vst v7  }
0x91: {  	v6 =	vld [tilespmem:s15+$0x10]  }
0x92: {  	v7 =	vld [tilespmem:s24+$0xFFFFFC90];
	_ =	sdelay $0x3  }
0x93: {  	v6 =	vmul.f32 v6, v49  }
0x94: {  	v7 =	vmul.f32 v7, v49  }
0x95: {  	[tilespmem:s26+$0xFFFFFC90] =	vst v6  }
0x96: {  	[tilespmem:s26+$0xFFFFFCD0] =	vst v7  }
0x97: {  	v6 =	vld [tilespmem:s15+$0x20]  }
0x98: {  	v7 =	vld [tilespmem:s24+$0xFFFFFCA0]  }
0x99: {  	(v2sf) =	vpush v5, $0x2;
	_ =	sdelay $0x2  }
0x9a: {  	v6 =	vmul.f32 v6, v49  }
0x9b: {  	v7 =	vmul.f32 v7, v49  }
0x9c: {  	[tilespmem:s26+$0xFFFFFCA0] =	vst v6  }
0x9d: {  	[tilespmem:s26+$0xFFFFFCE0] =	vst v7  }
0x9e: {  	v6 =	vld [tilespmem:s15+$0x30]  }
0x9f: {  	v7 =	vld [tilespmem:s24+$0xFFFFFCB0];
	_ =	sdelay $0x3  }
0xa0: {  	v6 =	vmul.f32 v6, v49  }
0xa1: {  	v7 =	vmul.f32 v7, v49  }
0xa2: {  	[tilespmem:s26+$0xFFFFFCB0] =	vst v6  }
0xa3: {  	s11 =	spop (v2sf);
	[tilespmem:s26+$0xFFFFFCF0] =	vst v7  }
0xa4: {  	v6 =	vld [tilespmem:s11+$0x0]  }
0xa5: {  	v7 =	vld [tilespmem:s24+$0xFFFFFD00];
	_ =	sdelay $0x1  }
0xa6: {  	v50 =	vbroadcast v4, $0x2;
	_ =	sdelay $0x1  }
0xa7: {  	v6 =	vmul.f32 v6, v50  }
0xa8: {  	v7 =	vmul.f32 v7, v50  }
0xa9: {  	[tilespmem:s26+$0xFFFFFD00] =	vst v6  }
0xaa: {  	[tilespmem:s26+$0xFFFFFD40] =	vst v7  }
0xab: {  	v6 =	vld [tilespmem:s11+$0x10]  }
0xac: {  	v7 =	vld [tilespmem:s24+$0xFFFFFD10];
	_ =	sdelay $0x3  }
0xad: {  	v6 =	vmul.f32 v6, v50  }
0xae: {  	v7 =	vmul.f32 v7, v50  }
0xaf: {  	[tilespmem:s26+$0xFFFFFD10] =	vst v6  }
0xb0: {  	[tilespmem:s26+$0xFFFFFD50] =	vst v7  }
0xb1: {  	v6 =	vld [tilespmem:s11+$0x20]  }
0xb2: {  	v7 =	vld [tilespmem:s24+$0xFFFFFD20]  }
0xb3: {  	(v2sf) =	vpush v5, $0x3;
	_ =	sdelay $0x2  }
0xb4: {  	v6 =	vmul.f32 v6, v50  }
0xb5: {  	v7 =	vmul.f32 v7, v50  }
0xb6: {  	[tilespmem:s26+$0xFFFFFD20] =	vst v6  }
0xb7: {  	[tilespmem:s26+$0xFFFFFD60] =	vst v7  }
0xb8: {  	v6 =	vld [tilespmem:s11+$0x30]  }
0xb9: {  	v7 =	vld [tilespmem:s24+$0xFFFFFD30];
	_ =	sdelay $0x3  }
0xba: {  	v6 =	vmul.f32 v6, v50  }
0xbb: {  	v7 =	vmul.f32 v7, v50  }
0xbc: {  	[tilespmem:s26+$0xFFFFFD30] =	vst v6  }
0xbd: {  	s15 =	spop (v2sf);
	[tilespmem:s26+$0xFFFFFD70] =	vst v7  }
0xbe: {  	v6 =	vld [tilespmem:s15+$0x0]  }
0xbf: {  	v7 =	vld [tilespmem:s24+$0xFFFFFD80];
	_ =	sdelay $0x1  }
0xc0: {  	v51 =	vbroadcast v4, $0x3;
	_ =	sdelay $0x1  }
0xc1: {  	v6 =	vmul.f32 v6, v51  }
0xc2: {  	v7 =	vmul.f32 v7, v51  }
0xc3: {  	[tilespmem:s26+$0xFFFFFD80] =	vst v6  }
0xc4: {  	[tilespmem:s26+$0xFFFFFDC0] =	vst v7  }
0xc5: {  	v6 =	vld [tilespmem:s15+$0x10]  }
0xc6: {  	v7 =	vld [tilespmem:s24+$0xFFFFFD90];
	_ =	sdelay $0x3  }
0xc7: {  	v6 =	vmul.f32 v6, v51  }
0xc8: {  	v7 =	vmul.f32 v7, v51  }
0xc9: {  	[tilespmem:s26+$0xFFFFFD90] =	vst v6  }
0xca: {  	[tilespmem:s26+$0xFFFFFDD0] =	vst v7  }
0xcb: {  	v6 =	vld [tilespmem:s15+$0x20]  }
0xcc: {  	v7 =	vld [tilespmem:s24+$0xFFFFFDA0]  }
0xcd: {  	(v2sf) =	vpush v5, $0x4;
	_ =	sdelay $0x2  }
0xce: {  	v6 =	vmul.f32 v6, v51  }
0xcf: {  	v7 =	vmul.f32 v7, v51  }
0xd0: {  	[tilespmem:s26+$0xFFFFFDA0] =	vst v6  }
0xd1: {  	[tilespmem:s26+$0xFFFFFDE0] =	vst v7  }
0xd2: {  	v6 =	vld [tilespmem:s15+$0x30]  }
0xd3: {  	v7 =	vld [tilespmem:s24+$0xFFFFFDB0];
	_ =	sdelay $0x3  }
0xd4: {  	v6 =	vmul.f32 v6, v51  }
0xd5: {  	v7 =	vmul.f32 v7, v51  }
0xd6: {  	[tilespmem:s26+$0xFFFFFDB0] =	vst v6  }
0xd7: {  	s11 =	spop (v2sf);
	[tilespmem:s26+$0xFFFFFDF0] =	vst v7  }
0xd8: {  	v6 =	vld [tilespmem:s11+$0x0]  }
0xd9: {  	v7 =	vld [tilespmem:s24+$0xFFFFFE00];
	_ =	sdelay $0x1  }
0xda: {  	v52 =	vbroadcast v4, $0x4;
	_ =	sdelay $0x1  }
0xdb: {  	v6 =	vmul.f32 v6, v52  }
0xdc: {  	v7 =	vmul.f32 v7, v52  }
0xdd: {  	[tilespmem:s26+$0xFFFFFE00] =	vst v6  }
0xde: {  	[tilespmem:s26+$0xFFFFFE40] =	vst v7  }
0xdf: {  	v6 =	vld [tilespmem:s11+$0x10]  }
0xe0: {  	v7 =	vld [tilespmem:s24+$0xFFFFFE10];
	_ =	sdelay $0x3  }
0xe1: {  	v6 =	vmul.f32 v6, v52  }
0xe2: {  	v7 =	vmul.f32 v7, v52  }
0xe3: {  	[tilespmem:s26+$0xFFFFFE10] =	vst v6  }
0xe4: {  	[tilespmem:s26+$0xFFFFFE50] =	vst v7  }
0xe5: {  	v6 =	vld [tilespmem:s11+$0x20]  }
0xe6: {  	v7 =	vld [tilespmem:s24+$0xFFFFFE20]  }
0xe7: {  	(v2sf) =	vpush v5, $0x5;
	_ =	sdelay $0x2  }
0xe8: {  	v6 =	vmul.f32 v6, v52  }
0xe9: {  	v7 =	vmul.f32 v7, v52  }
0xea: {  	[tilespmem:s26+$0xFFFFFE20] =	vst v6  }
0xeb: {  	[tilespmem:s26+$0xFFFFFE60] =	vst v7  }
0xec: {  	v6 =	vld [tilespmem:s11+$0x30]  }
0xed: {  	v7 =	vld [tilespmem:s24+$0xFFFFFE30];
	_ =	sdelay $0x3  }
0xee: {  	v6 =	vmul.f32 v6, v52  }
0xef: {  	v7 =	vmul.f32 v7, v52  }
0xf0: {  	[tilespmem:s26+$0xFFFFFE30] =	vst v6  }
0xf1: {  	s15 =	spop (v2sf);
	[tilespmem:s26+$0xFFFFFE70] =	vst v7  }
0xf2: {  	v6 =	vld [tilespmem:s15+$0x0]  }
0xf3: {  	v7 =	vld [tilespmem:s24+$0xFFFFFE80];
	_ =	sdelay $0x1  }
0xf4: {  	v53 =	vbroadcast v4, $0x5;
	_ =	sdelay $0x1  }
0xf5: {  	v6 =	vmul.f32 v6, v53  }
0xf6: {  	v7 =	vmul.f32 v7, v53  }
0xf7: {  	[tilespmem:s26+$0xFFFFFE80] =	vst v6  }
0xf8: {  	[tilespmem:s26+$0xFFFFFEC0] =	vst v7  }
0xf9: {  	v6 =	vld [tilespmem:s15+$0x10]  }
0xfa: {  	v7 =	vld [tilespmem:s24+$0xFFFFFE90];
	_ =	sdelay $0x3  }
0xfb: {  	v6 =	vmul.f32 v6, v53  }
0xfc: {  	v7 =	vmul.f32 v7, v53  }
0xfd: {  	[tilespmem:s26+$0xFFFFFE90] =	vst v6  }
0xfe: {  	[tilespmem:s26+$0xFFFFFED0] =	vst v7  }
0xff: {  	v6 =	vld [tilespmem:s15+$0x20]  }
0x100: {  	v7 =	vld [tilespmem:s24+$0xFFFFFEA0]  }
0x101: {  	(v2sf) =	vpush v5, $0x6;
	_ =	sdelay $0x2  }
0x102: {  	v6 =	vmul.f32 v6, v53  }
0x103: {  	v7 =	vmul.f32 v7, v53  }
0x104: {  	[tilespmem:s26+$0xFFFFFEA0] =	vst v6  }
0x105: {  	[tilespmem:s26+$0xFFFFFEE0] =	vst v7  }
0x106: {  	v6 =	vld [tilespmem:s15+$0x30]  }
0x107: {  	v7 =	vld [tilespmem:s24+$0xFFFFFEB0];
	_ =	sdelay $0x3  }
0x108: {  	v6 =	vmul.f32 v6, v53  }
0x109: {  	v7 =	vmul.f32 v7, v53  }
0x10a: {  	[tilespmem:s26+$0xFFFFFEB0] =	vst v6  }
0x10b: {  	s11 =	spop (v2sf);
	[tilespmem:s26+$0xFFFFFEF0] =	vst v7  }
0x10c: {  	v6 =	vld [tilespmem:s11+$0x0]  }
0x10d: {  	v7 =	vld [tilespmem:s24+$0xFFFFFF00];
	_ =	sdelay $0x1  }
0x10e: {  	v54 =	vbroadcast v4, $0x6;
	_ =	sdelay $0x1  }
0x10f: {  	v6 =	vmul.f32 v6, v54  }
0x110: {  	v7 =	vmul.f32 v7, v54  }
0x111: {  	[tilespmem:s26+$0xFFFFFF00] =	vst v6  }
0x112: {  	[tilespmem:s26+$0xFFFFFF40] =	vst v7  }
0x113: {  	v6 =	vld [tilespmem:s11+$0x10]  }
0x114: {  	v7 =	vld [tilespmem:s24+$0xFFFFFF10];
	_ =	sdelay $0x3  }
0x115: {  	v6 =	vmul.f32 v6, v54  }
0x116: {  	v7 =	vmul.f32 v7, v54  }
0x117: {  	[tilespmem:s26+$0xFFFFFF10] =	vst v6  }
0x118: {  	[tilespmem:s26+$0xFFFFFF50] =	vst v7  }
0x119: {  	v6 =	vld [tilespmem:s11+$0x20]  }
0x11a: {  	v7 =	vld [tilespmem:s24+$0xFFFFFF20]  }
0x11b: {  	(v2sf) =	vpush v5, $0x7;
	_ =	sdelay $0x2  }
0x11c: {  	v6 =	vmul.f32 v6, v54  }
0x11d: {  	v7 =	vmul.f32 v7, v54  }
0x11e: {  	[tilespmem:s26+$0xFFFFFF20] =	vst v6  }
0x11f: {  	[tilespmem:s26+$0xFFFFFF60] =	vst v7  }
0x120: {  	v6 =	vld [tilespmem:s11+$0x30]  }
0x121: {  	v7 =	vld [tilespmem:s24+$0xFFFFFF30];
	_ =	sdelay $0x3  }
0x122: {  	v6 =	vmul.f32 v6, v54  }
0x123: {  	v7 =	vmul.f32 v7, v54  }
0x124: {  	[tilespmem:s26+$0xFFFFFF30] =	vst v6  }
0x125: {  	s15 =	spop (v2sf);
	[tilespmem:s26+$0xFFFFFF70] =	vst v7  }
0x126: {  	v6 =	vld [tilespmem:s15+$0x0]  }
0x127: {  	v7 =	vld [tilespmem:s24+$0xFFFFFF80];
	_ =	sdelay $0x1  }
0x128: {  	v55 =	vbroadcast v4, $0x7;
	_ =	sdelay $0x1  }
0x129: {  	v6 =	vmul.f32 v6, v55  }
0x12a: {  	v7 =	vmul.f32 v7, v55  }
0x12b: {  	[tilespmem:s26+$0xFFFFFF80] =	vst v6  }
0x12c: {  	[tilespmem:s26+$0xFFFFFFC0] =	vst v7  }
0x12d: {  	v6 =	vld [tilespmem:s15+$0x10]  }
0x12e: {  	v7 =	vld [tilespmem:s24+$0xFFFFFF90];
	_ =	sdelay $0x3  }
0x12f: {  	v6 =	vmul.f32 v6, v55  }
0x130: {  	v7 =	vmul.f32 v7, v55  }
0x131: {  	[tilespmem:s26+$0xFFFFFF90] =	vst v6  }
0x132: {  	[tilespmem:s26+$0xFFFFFFD0] =	vst v7  }
0x133: {  	v6 =	vld [tilespmem:s15+$0x20]  }
0x134: {  	v7 =	vld [tilespmem:s24+$0xFFFFFFA0]  }
0x135: {  	(v2sf) =	vpush v5, $0x8;
	_ =	sdelay $0x2  }
0x136: {  	v6 =	vmul.f32 v6, v55  }
0x137: {  	v7 =	vmul.f32 v7, v55  }
0x138: {  	[tilespmem:s26+$0xFFFFFFA0] =	vst v6  }
0x139: {  	[tilespmem:s26+$0xFFFFFFE0] =	vst v7  }
0x13a: {  	v6 =	vld [tilespmem:s15+$0x30]  }
0x13b: {  	v7 =	vld [tilespmem:s24+$0xFFFFFFB0];
	_ =	sdelay $0x3  }
0x13c: {  	v6 =	vmul.f32 v6, v55  }
0x13d: {  	v7 =	vmul.f32 v7, v55  }
0x13e: {  	[tilespmem:s26+$0xFFFFFFB0] =	vst v6  }
0x13f: {  	s11 =	spop (v2sf);
	[tilespmem:s26+$0xFFFFFFF0] =	vst v7  }
0x140: {  	v6 =	vld [tilespmem:s11+$0x0]  }
0x141: {  	v7 =	vld [tilespmem:s24+$0x0];
	_ =	sdelay $0x1  }
0x142: {  	v56 =	vbroadcast v4, $0x8;
	_ =	sdelay $0x1  }
0x143: {  	v6 =	vmul.f32 v6, v56  }
0x144: {  	v7 =	vmul.f32 v7, v56  }
0x145: {  	[tilespmem:s26+$0x0] =	vst v6  }
0x146: {  	[tilespmem:s26+$0x40] =	vst v7  }
0x147: {  	v6 =	vld [tilespmem:s11+$0x10]  }
0x148: {  	v7 =	vld [tilespmem:s24+$0x10];
	_ =	sdelay $0x3  }
0x149: {  	v6 =	vmul.f32 v6, v56  }
0x14a: {  	v7 =	vmul.f32 v7, v56  }
0x14b: {  	[tilespmem:s26+$0x10] =	vst v6  }
0x14c: {  	[tilespmem:s26+$0x50] =	vst v7  }
0x14d: {  	v6 =	vld [tilespmem:s11+$0x20]  }
0x14e: {  	v7 =	vld [tilespmem:s24+$0x20]  }
0x14f: {  	(v2sf) =	vpush v5, $0x9;
	_ =	sdelay $0x2  }
0x150: {  	v6 =	vmul.f32 v6, v56  }
0x151: {  	v7 =	vmul.f32 v7, v56  }
0x152: {  	[tilespmem:s26+$0x20] =	vst v6  }
0x153: {  	[tilespmem:s26+$0x60] =	vst v7  }
0x154: {  	v6 =	vld [tilespmem:s11+$0x30]  }
0x155: {  	v7 =	vld [tilespmem:s24+$0x30];
	_ =	sdelay $0x3  }
0x156: {  	v6 =	vmul.f32 v6, v56  }
0x157: {  	v7 =	vmul.f32 v7, v56  }
0x158: {  	[tilespmem:s26+$0x30] =	vst v6  }
0x159: {  	s15 =	spop (v2sf);
	[tilespmem:s26+$0x70] =	vst v7  }
0x15a: {  	v6 =	vld [tilespmem:s15+$0x0]  }
0x15b: {  	v7 =	vld [tilespmem:s24+$0x80];
	_ =	sdelay $0x1  }
0x15c: {  	v57 =	vbroadcast v4, $0x9;
	_ =	sdelay $0x1  }
0x15d: {  	v6 =	vmul.f32 v6, v57  }
0x15e: {  	v7 =	vmul.f32 v7, v57  }
0x15f: {  	[tilespmem:s26+$0x80] =	vst v6  }
0x160: {  	[tilespmem:s26+$0xC0] =	vst v7  }
0x161: {  	v6 =	vld [tilespmem:s15+$0x10]  }
0x162: {  	v7 =	vld [tilespmem:s24+$0x90];
	_ =	sdelay $0x3  }
0x163: {  	v6 =	vmul.f32 v6, v57  }
0x164: {  	v7 =	vmul.f32 v7, v57  }
0x165: {  	[tilespmem:s26+$0x90] =	vst v6  }
0x166: {  	[tilespmem:s26+$0xD0] =	vst v7  }
0x167: {  	v6 =	vld [tilespmem:s15+$0x20]  }
0x168: {  	v7 =	vld [tilespmem:s24+$0xA0]  }
0x169: {  	(v2sf) =	vpush v5, $0xA;
	_ =	sdelay $0x2  }
0x16a: {  	v6 =	vmul.f32 v6, v57  }
0x16b: {  	v7 =	vmul.f32 v7, v57  }
0x16c: {  	[tilespmem:s26+$0xA0] =	vst v6  }
0x16d: {  	[tilespmem:s26+$0xE0] =	vst v7  }
0x16e: {  	v6 =	vld [tilespmem:s15+$0x30]  }
0x16f: {  	v7 =	vld [tilespmem:s24+$0xB0];
	_ =	sdelay $0x3  }
0x170: {  	v6 =	vmul.f32 v6, v57  }
0x171: {  	v7 =	vmul.f32 v7, v57  }
0x172: {  	[tilespmem:s26+$0xB0] =	vst v6  }
0x173: {  	s11 =	spop (v2sf);
	[tilespmem:s26+$0xF0] =	vst v7  }
0x174: {  	v6 =	vld [tilespmem:s11+$0x0]  }
0x175: {  	v7 =	vld [tilespmem:s24+$0x100];
	_ =	sdelay $0x1  }
0x176: {  	v58 =	vbroadcast v4, $0xA;
	_ =	sdelay $0x1  }
0x177: {  	v6 =	vmul.f32 v6, v58  }
0x178: {  	v7 =	vmul.f32 v7, v58  }
0x179: {  	[tilespmem:s26+$0x100] =	vst v6  }
0x17a: {  	[tilespmem:s26+$0x140] =	vst v7  }
0x17b: {  	v6 =	vld [tilespmem:s11+$0x10]  }
0x17c: {  	v7 =	vld [tilespmem:s24+$0x110];
	_ =	sdelay $0x3  }
0x17d: {  	v6 =	vmul.f32 v6, v58  }
0x17e: {  	v7 =	vmul.f32 v7, v58  }
0x17f: {  	[tilespmem:s26+$0x110] =	vst v6  }
0x180: {  	[tilespmem:s26+$0x150] =	vst v7  }
0x181: {  	v6 =	vld [tilespmem:s11+$0x20]  }
0x182: {  	v7 =	vld [tilespmem:s24+$0x120]  }
0x183: {  	(v2sf) =	vpush v5, $0xB;
	_ =	sdelay $0x2  }
0x184: {  	v6 =	vmul.f32 v6, v58  }
0x185: {  	v7 =	vmul.f32 v7, v58  }
0x186: {  	[tilespmem:s26+$0x120] =	vst v6  }
0x187: {  	[tilespmem:s26+$0x160] =	vst v7  }
0x188: {  	v6 =	vld [tilespmem:s11+$0x30]  }
0x189: {  	v7 =	vld [tilespmem:s24+$0x130];
	_ =	sdelay $0x3  }
0x18a: {  	v6 =	vmul.f32 v6, v58  }
0x18b: {  	v7 =	vmul.f32 v7, v58  }
0x18c: {  	[tilespmem:s26+$0x130] =	vst v6  }
0x18d: {  	s15 =	spop (v2sf);
	[tilespmem:s26+$0x170] =	vst v7  }
0x18e: {  	v6 =	vld [tilespmem:s15+$0x0]  }
0x18f: {  	v7 =	vld [tilespmem:s24+$0x180];
	_ =	sdelay $0x1  }
0x190: {  	v59 =	vbroadcast v4, $0xB;
	_ =	sdelay $0x1  }
0x191: {  	v6 =	vmul.f32 v6, v59  }
0x192: {  	v7 =	vmul.f32 v7, v59  }
0x193: {  	[tilespmem:s26+$0x180] =	vst v6  }
0x194: {  	[tilespmem:s26+$0x1C0] =	vst v7  }
0x195: {  	v6 =	vld [tilespmem:s15+$0x10]  }
0x196: {  	v7 =	vld [tilespmem:s24+$0x190];
	_ =	sdelay $0x3  }
0x197: {  	v6 =	vmul.f32 v6, v59  }
0x198: {  	v7 =	vmul.f32 v7, v59  }
0x199: {  	[tilespmem:s26+$0x190] =	vst v6  }
0x19a: {  	[tilespmem:s26+$0x1D0] =	vst v7  }
0x19b: {  	v6 =	vld [tilespmem:s15+$0x20]  }
0x19c: {  	v7 =	vld [tilespmem:s24+$0x1A0]  }
0x19d: {  	(v2sf) =	vpush v5, $0xC;
	_ =	sdelay $0x2  }
0x19e: {  	v6 =	vmul.f32 v6, v59  }
0x19f: {  	v7 =	vmul.f32 v7, v59  }
0x1a0: {  	[tilespmem:s26+$0x1A0] =	vst v6  }
0x1a1: {  	[tilespmem:s26+$0x1E0] =	vst v7  }
0x1a2: {  	v6 =	vld [tilespmem:s15+$0x30]  }
0x1a3: {  	v7 =	vld [tilespmem:s24+$0x1B0];
	_ =	sdelay $0x3  }
0x1a4: {  	v6 =	vmul.f32 v6, v59  }
0x1a5: {  	v7 =	vmul.f32 v7, v59  }
0x1a6: {  	[tilespmem:s26+$0x1B0] =	vst v6  }
0x1a7: {  	s11 =	spop (v2sf);
	[tilespmem:s26+$0x1F0] =	vst v7  }
0x1a8: {  	v6 =	vld [tilespmem:s11+$0x0]  }
0x1a9: {  	v7 =	vld [tilespmem:s24+$0x200];
	_ =	sdelay $0x1  }
0x1aa: {  	v60 =	vbroadcast v4, $0xC;
	_ =	sdelay $0x1  }
0x1ab: {  	v6 =	vmul.f32 v6, v60  }
0x1ac: {  	v7 =	vmul.f32 v7, v60  }
0x1ad: {  	[tilespmem:s26+$0x200] =	vst v6  }
0x1ae: {  	[tilespmem:s26+$0x240] =	vst v7  }
0x1af: {  	v6 =	vld [tilespmem:s11+$0x10]  }
0x1b0: {  	v7 =	vld [tilespmem:s24+$0x210];
	_ =	sdelay $0x3  }
0x1b1: {  	v6 =	vmul.f32 v6, v60  }
0x1b2: {  	v7 =	vmul.f32 v7, v60  }
0x1b3: {  	[tilespmem:s26+$0x210] =	vst v6  }
0x1b4: {  	[tilespmem:s26+$0x250] =	vst v7  }
0x1b5: {  	v6 =	vld [tilespmem:s11+$0x20]  }
0x1b6: {  	v7 =	vld [tilespmem:s24+$0x220]  }
0x1b7: {  	(v2sf) =	vpush v5, $0xD;
	_ =	sdelay $0x2  }
0x1b8: {  	v6 =	vmul.f32 v6, v60  }
0x1b9: {  	v7 =	vmul.f32 v7, v60  }
0x1ba: {  	[tilespmem:s26+$0x220] =	vst v6  }
0x1bb: {  	[tilespmem:s26+$0x260] =	vst v7  }
0x1bc: {  	v6 =	vld [tilespmem:s11+$0x30]  }
0x1bd: {  	v7 =	vld [tilespmem:s24+$0x230];
	_ =	sdelay $0x3  }
0x1be: {  	v6 =	vmul.f32 v6, v60  }
0x1bf: {  	v7 =	vmul.f32 v7, v60  }
0x1c0: {  	[tilespmem:s26+$0x230] =	vst v6  }
0x1c1: {  	s15 =	spop (v2sf);
	[tilespmem:s26+$0x270] =	vst v7  }
0x1c2: {  	v6 =	vld [tilespmem:s15+$0x0]  }
0x1c3: {  	v7 =	vld [tilespmem:s24+$0x280];
	_ =	sdelay $0x1  }
0x1c4: {  	v61 =	vbroadcast v4, $0xD;
	_ =	sdelay $0x1  }
0x1c5: {  	v6 =	vmul.f32 v6, v61  }
0x1c6: {  	v7 =	vmul.f32 v7, v61  }
0x1c7: {  	[tilespmem:s26+$0x280] =	vst v6  }
0x1c8: {  	[tilespmem:s26+$0x2C0] =	vst v7  }
0x1c9: {  	v6 =	vld [tilespmem:s15+$0x10]  }
0x1ca: {  	v7 =	vld [tilespmem:s24+$0x290];
	_ =	sdelay $0x3  }
0x1cb: {  	v6 =	vmul.f32 v6, v61  }
0x1cc: {  	v7 =	vmul.f32 v7, v61  }
0x1cd: {  	[tilespmem:s26+$0x290] =	vst v6  }
0x1ce: {  	[tilespmem:s26+$0x2D0] =	vst v7  }
0x1cf: {  	v6 =	vld [tilespmem:s15+$0x20]  }
0x1d0: {  	v7 =	vld [tilespmem:s24+$0x2A0]  }
0x1d1: {  	(v2sf) =	vpush v5, $0xE;
	_ =	sdelay $0x2  }
0x1d2: {  	v6 =	vmul.f32 v6, v61  }
0x1d3: {  	v7 =	vmul.f32 v7, v61  }
0x1d4: {  	[tilespmem:s26+$0x2A0] =	vst v6  }
0x1d5: {  	[tilespmem:s26+$0x2E0] =	vst v7  }
0x1d6: {  	v6 =	vld [tilespmem:s15+$0x30]  }
0x1d7: {  	v7 =	vld [tilespmem:s24+$0x2B0];
	_ =	sdelay $0x3  }
0x1d8: {  	v6 =	vmul.f32 v6, v61  }
0x1d9: {  	v7 =	vmul.f32 v7, v61  }
0x1da: {  	[tilespmem:s26+$0x2B0] =	vst v6  }
0x1db: {  	s11 =	spop (v2sf);
	[tilespmem:s26+$0x2F0] =	vst v7  }
0x1dc: {  	v6 =	vld [tilespmem:s11+$0x0]  }
0x1dd: {  	v7 =	vld [tilespmem:s24+$0x300];
	_ =	sdelay $0x1  }
0x1de: {  	v62 =	vbroadcast v4, $0xE;
	_ =	sdelay $0x1  }
0x1df: {  	v6 =	vmul.f32 v6, v62  }
0x1e0: {  	v7 =	vmul.f32 v7, v62  }
0x1e1: {  	[tilespmem:s26+$0x300] =	vst v6  }
0x1e2: {  	[tilespmem:s26+$0x340] =	vst v7  }
0x1e3: {  	v6 =	vld [tilespmem:s11+$0x10]  }
0x1e4: {  	v7 =	vld [tilespmem:s24+$0x310];
	_ =	sdelay $0x3  }
0x1e5: {  	v6 =	vmul.f32 v6, v62  }
0x1e6: {  	v7 =	vmul.f32 v7, v62  }
0x1e7: {  	[tilespmem:s26+$0x310] =	vst v6  }
0x1e8: {  	[tilespmem:s26+$0x350] =	vst v7  }
0x1e9: {  	v6 =	vld [tilespmem:s11+$0x20]  }
0x1ea: {  	v7 =	vld [tilespmem:s24+$0x320]  }
0x1eb: {  	(v2sf) =	vpush v5, $0xF;
	_ =	sdelay $0x2  }
0x1ec: {  	v5 =	vmul.f32 v6, v62  }
0x1ed: {  	v63 =	vmul.f32 v7, v62  }
0x1ee: {  	[tilespmem:s26+$0x320] =	vst v5  }
0x1ef: {  	[tilespmem:s26+$0x360] =	vst v63  }
0x1f0: {  	v5 =	vld [tilespmem:s11+$0x30]  }
0x1f1: {  	v6 =	vld [tilespmem:s24+$0x330];
	_ =	sdelay $0x3  }
0x1f2: {  	v5 =	vmul.f32 v5, v62  }
0x1f3: {  	v6 =	vmul.f32 v6, v62  }
0x1f4: {  	[tilespmem:s26+$0x330] =	vst v5  }
0x1f5: {  	s15 =	spop (v2sf);
	[tilespmem:s26+$0x370] =	vst v6  }
0x1f6: {  	v5 =	vld [tilespmem:s15+$0x0]  }
0x1f7: {  	v6 =	vld [tilespmem:s24+$0x380];
	_ =	sdelay $0x1  }
0x1f8: {  	v4 =	vbroadcast v4, $0xF;
	_ =	sdelay $0x1  }
0x1f9: {  	v5 =	vmul.f32 v5, v4  }
0x1fa: {  	v6 =	vmul.f32 v6, v4  }
0x1fb: {  	[tilespmem:s26+$0x380] =	vst v5  }
0x1fc: {  	[tilespmem:s26+$0x3C0] =	vst v6  }
0x1fd: {  	v5 =	vld [tilespmem:s15+$0x10]  }
0x1fe: {  	v6 =	vld [tilespmem:s24+$0x390];
	_ =	sdelay $0x3  }
0x1ff: {  	v5 =	vmul.f32 v5, v4  }
0x200: {  	v6 =	vmul.f32 v6, v4  }
0x201: {  	[tilespmem:s26+$0x390] =	vst v5  }
0x202: {  	[tilespmem:s26+$0x3D0] =	vst v6  }
0x203: {  	v5 =	vld [tilespmem:s15+$0x20]  }
0x204: {  	v6 =	vld [tilespmem:s24+$0x3A0];
	_ =	sdelay $0x3  }
0x205: {  	v5 =	vmul.f32 v5, v4  }
0x206: {  	v6 =	vmul.f32 v6, v4  }
0x207: {  	[tilespmem:s26+$0x3A0] =	vst v5  }
0x208: {  	[tilespmem:s26+$0x3E0] =	vst v6  }
0x209: {  	v5 =	vld [tilespmem:s15+$0x30]  }
0x20a: {  	v6 =	vld [tilespmem:s24+$0x3B0];
	_ =	sdelay $0x1  }
0x20b: {  	p2 =	sne.s32 s25, $0xC0  }
.Ltmp0:
0x20c: {  	_ = 	snop;
	(pc) =	sbr.rel @p2 .LBB2_3-.Ltmp0, $4  }
0x20d: {  	v5 =	vmul.f32 v5, v4  }
0x20e: {  	v4 =	vmul.f32 v6, v4  }
0x20f: {  	[tilespmem:s26+$0x3B0] =	vst v5  }
0x210: {  	s25 =	sadd.s32 $0x40, s25;
	s24 =	sadd.s32 $0x800, s24;
	[tilespmem:s26+$0x3F0] =	vst v4;
	s26 =	sadd.s32 $0x800, s26  }
0x211: {  	p2 =	slt.u32 s13, $0x3E  }
.Ltmp1:
0x212: {  	_ = 	snop;
	(pc) =	sbr.rel @!p2 .LBB2_5-.Ltmp1, $4  }
0x213: {  	s10 =	sor.u32 s9, s20;
	s11 =	sshll.u32 s19, $0xA  }
0x214: {  	s20 =	sshll.u32 s10, $0xC;
	s26 =	sadd.s32 s7, s11  }
0x215: {  	s10 =	sadd.s32 s20, s26  }
0x216: {  	[hbm4b:s10+s8] =	stream.linear.scatter [tilespmem:s29], [sflag:$0x3], $0x2000, $0x38;
	[tilespmem:$0x1EA80] =	vst v63  }
0x217: {  	s23 =	sadd.s32 $0x4, s23  }
0x218: {  	p2 =	slt.u32 s13, $0xE;
	s24 =	sand.u32 $0x1E, s23  }
0x219: {  	p3 =	sne.s32 @!p2 s24, $0x0  }
0x21a: {  	p2 =	por p2, p3  }
.Ltmp2:
0x21b: {  	_ = 	snop;
	(pc) =	sbr.rel @p2 .LBB2_8-.Ltmp2, $1  }
0x21c: {  	_ =	sdelay $0x3  }
0x21d: {  	_ =	swait.ge [sflag:s17], $0x800  }
0x21e: {  	[sflag:s17] =	ssyncset.done $0x0  }
0x21f: {  	[sflag:s17] =	ssyncadd.s32 $0xFFFFF800  }
0x220: {  	_ =	swait.ge [sflag:s17], $0x800  }
.Ltmp3:
0x221: {  	[sflag:s17] =	ssyncset.done $0x0;
	(pc) =	sbr.rel .LBB2_9-.Ltmp3, $4  }
0x222: {  	[sflag:s17] =	ssyncadd.s32 $0xFFFFF800  }
0x223: {  	_ =	swait.ge [sflag:s17], $0x800  }
0x224: {  	[sflag:s17] =	ssyncset.done $0x0  }
0x225: {  	[sflag:s17] =	ssyncadd.s32 $0xFFFFF800  }
.LBB2_5:
.Ltmp4:
0x226: {  	(pc) =	sbr.rel .LBB2_10-.Ltmp4, $4  }
0x227: {  	_ = 	snop  }
0x228: {  	_ =	swait.ge [sflag:s28], $0x2000  }
0x229: {  	[sflag:s28] =	ssyncset.done $0x0  }
0x22a: {  	[sflag:s28] =	ssyncadd.s32 $0xFFFFE000  }
.LBB2_8:
0x22b: {  	p2 =	sgt.u32 s13, $0x2D  }
0x22c: {  	p3 =	sne.s32 @!p2 s24, $0x10  }
0x22d: {  	p2 =	por p3, p2  }
0x22e: {  	s10 =	sshrl.u32 @!p2 s23, $0x5  }
0x22f: {  	s10 =	sadd.s32 @!p2 $0x1, s10  }
0x230: {  	s11 =	sshll.u32 @!p2 s10, $0x3  }
0x231: {  	v2 =	vld.msk @!p2 [tilespmem:s11+$0xFA00], $0xff;
	_ =	sdelay $0x4  }
0x232: {  	v3 =	vshll.u32 @!p2 v2, $0x1  }
0x233: {  	v4 =	vlaneseq.u32 @!p2;
	v2 =	vand.u32 @!p2 $0x7, v2;
	v3 =	vand.u32 @!p2 $0xFFFFFFF0, v3  }
0x234: {  	v2 =	vor.u32 @!p2 v2, v3;
	v3 =	vand.u32 @!p2 $0x7, v4;
	v4 =	vshrl.u32 @!p2 v4, $0x3  }
0x235: {  	v2 =	vperm.xlane @!p2 v2, v3;
	v4 =	vmul.u32 @!p2 $0x8, v4;
	_ =	sdelay $0x1  }
0x236: {  	v2 =	vadd.s32 @!p2 v4, v2;
	_ =	sdelay $0x1  }
0x237: {  	s10 =	sshll.u32 @!p2 s10, $0xB  }
0x238: {  	s10 =	sand.u32 @!p2 $0x800, s10  }
0x239: {  	vm1 =	vmmov @!p2 $0xffff;
	s24 =	simm.s32 @!p2 $0x0;
	s15 =	sadd.s32 @!p2 $0xFA80, s10  }
0x23a: {  	[tilespmem:s15], [sflag:$0x2] =	stream.indirect_vreg.gather @!p2 [hbm4b:s4+s24], $0x80, v2, vm1, $0xb8;
	[tilespmem:$0x1EA80] =	vst v63  }
0x23b: {  	v2 =	vld.msk @!p2 [tilespmem:s11+$0xFA00], $0xff;
	_ =	sdelay $0x4  }
0x23c: {  	v5 =	vshll.u32 @!p2 v2, $0x1  }
0x23d: {  	v2 =	vand.u32 @!p2 $0x7, v2;
	v5 =	vand.u32 @!p2 $0xFFFFFFF0, v5  }
0x23e: {  	v2 =	vor.u32 @!p2 v2, v5  }
0x23f: {  	v2 =	vperm.xlane @!p2 v2, v3;
	_ =	sdelay $0x1  }
0x240: {  	v2 =	vadd.s32 @!p2 v4, v2;
	_ =	sdelay $0x3  }
0x241: {  	s15 =	sadd.s32 @!p2 $0x10A80, s10  }
0x242: {  	[tilespmem:s15], [sflag:$0x2] =	stream.indirect_vreg.gather @!p2 [hbm4b:s6+s24], $0x80, v2, vm1, $0xb8;
	[tilespmem:$0x1EA80] =	vst v63  }
0x243: {  	v2 =	vld.msk @!p2 [tilespmem:s11+$0xFA00], $0xff;
	_ =	sdelay $0x4  }
0x244: {  	v5 =	vshll.u32 @!p2 v2, $0x1  }
0x245: {  	v2 =	vand.u32 @!p2 $0x7, v2;
	v5 =	vand.u32 @!p2 $0xFFFFFFF0, v5  }
0x246: {  	v2 =	vor.u32 @!p2 v2, v5  }
0x247: {  	v2 =	vperm.xlane @!p2 v2, v3;
	_ =	sdelay $0x1  }
0x248: {  	v2 =	vadd.s32 @!p2 v4, v2;
	_ =	sdelay $0x3  }
0x249: {  	s10 =	sadd.s32 @!p2 $0x11A80, s10  }
0x24a: {  	[tilespmem:s10], [sflag:$0x2] =	stream.indirect_vreg.gather @!p2 [hbm4b:s3+s24], $0x80, v2, vm1, $0xb8;
	[tilespmem:$0x1EA80] =	vst v63  }
.LBB2_9:
0x24b: {  	s10 =	sshll.u32 s23, $0x6  }
0x24c: {  	s11 =	sshll.u32 s23, $0x5;
	s15 =	sshll.u32 s19, $0x9;
	s10 =	sand.u32 $0x800, s10  }
0x24d: {  	s11 =	sand.u32 $0x380, s11;
	s10 =	sor.u32 s15, s10  }
0x24e: {  	s10 =	sadd.s32 s11, s10  }
.Ltmp5:
0x24f: {  	s10 =	sadd.s32 $0x10A80, s10;
	(pc) =	sbr.rel @p1 .LBB2_11-.Ltmp5, $4  }
0x250: {  	[tilespmem:s22], [sflag:$0x1] =	stream.indirect.gather [hbm4b:s0+s21], $0x80, s10, s21, $0xb8;
	[tilespmem:$0x1EA80] =	vst v63  }
0x251: {  	_ =	swait.ge [sflag:s28], $0x2000  }
0x252: {  	[sflag:s28] =	ssyncset.done $0x0  }
0x253: {  	[sflag:s28] =	ssyncadd.s32 $0xFFFFE000  }
.LBB2_10:
0x254: {  	_ =	swait.ge [sflag:s2], $0x2000  }
0x255: {  	[sflag:s2] =	ssyncset.done $0x0  }
0x256: {  	[sflag:s2] =	ssyncadd.s32 $0xFFFFE000  }
.LBB2_11:
0x257: {  	s19 =	sor.u32 $0x1, s19;
	s22 =	simm.s32 $0x0;
	v2 =	vmov s18  }
.LBB2_12:
0x258: {  	v3 =	vld [tilespmem:s14+$0x0];
	_ =	sdelay $0x4  }
0x259: {  	v4 =	vshll.u32 v3, $0x6  }
0x25a: {  	(v2sf) =	vpush v4, $0x0;
	_ =	sdelay $0xc  }
0x25b: {  	v3 =	vld [tilespmem:s16+$0x0]  }
0x25c: {  	s18 =	sshra.s32 s22, $0x2  }
0x25d: {  	v6 =	vld.idx.msk [tilespmem:v2+s18+$0x0 ss:$0x1], $0xffff;
	s10 =	spop (v2sf)  }
0x25e: {  	v5 =	vld [tilespmem:s10+$0x0];
	_ =	sdelay $0x1  }
0x25f: {  	v7 =	vbroadcast v3, $0x0;
	_ =	sdelay $0x1  }
0x260: {  	v6 =	vmul.f32 v6, v7  }
0x261: {  	v5 =	vmul.f32 v5, v7  }
0x262: {  	[tilespmem:s18+$0x1CAC0] =	vst v6  }
0x263: {  	[tilespmem:s18+$0x1CA80] =	vst v5  }
0x264: {  	v5 =	vld [tilespmem:s10+$0x10]  }
0x265: {  	v6 =	vld.idx.msk [tilespmem:v2+s18+$0x10 ss:$0x1], $0xffff;
	_ =	sdelay $0x3  }
0x266: {  	v5 =	vmul.f32 v5, v7  }
0x267: {  	v6 =	vmul.f32 v6, v7  }
0x268: {  	[tilespmem:s18+$0x1CA90] =	vst v5  }
0x269: {  	[tilespmem:s18+$0x1CAD0] =	vst v6  }
0x26a: {  	v5 =	vld [tilespmem:s10+$0x20]  }
0x26b: {  	v6 =	vld.idx.msk [tilespmem:v2+s18+$0x20 ss:$0x1], $0xffff  }
0x26c: {  	(v2sf) =	vpush v4, $0x1;
	_ =	sdelay $0x2  }
0x26d: {  	v5 =	vmul.f32 v5, v7  }
0x26e: {  	v6 =	vmul.f32 v6, v7  }
0x26f: {  	[tilespmem:s18+$0x1CAA0] =	vst v5  }
0x270: {  	[tilespmem:s18+$0x1CAE0] =	vst v6  }
0x271: {  	v5 =	vld [tilespmem:s10+$0x30]  }
0x272: {  	v6 =	vld.idx.msk [tilespmem:v2+s18+$0x30 ss:$0x1], $0xffff;
	_ =	sdelay $0x3  }
0x273: {  	v5 =	vmul.f32 v5, v7  }
0x274: {  	v6 =	vmul.f32 v6, v7  }
0x275: {  	[tilespmem:s18+$0x1CAB0] =	vst v5  }
0x276: {  	s24 =	spop (v2sf);
	[tilespmem:s18+$0x1CAF0] =	vst v6  }
0x277: {  	v5 =	vld [tilespmem:s24+$0x0]  }
0x278: {  	v6 =	vld.idx.msk [tilespmem:v2+s18+$0x80 ss:$0x1], $0xffff;
	_ =	sdelay $0x1  }
0x279: {  	v48 =	vbroadcast v3, $0x1;
	_ =	sdelay $0x1  }
0x27a: {  	v5 =	vmul.f32 v5, v48  }
0x27b: {  	v6 =	vmul.f32 v6, v48  }
0x27c: {  	[tilespmem:s18+$0x1CB00] =	vst v5  }
0x27d: {  	[tilespmem:s18+$0x1CB40] =	vst v6  }
0x27e: {  	v5 =	vld [tilespmem:s24+$0x10]  }
0x27f: {  	v6 =	vld.idx.msk [tilespmem:v2+s18+$0x90 ss:$0x1], $0xffff;
	_ =	sdelay $0x3  }
0x280: {  	v5 =	vmul.f32 v5, v48  }
0x281: {  	v6 =	vmul.f32 v6, v48  }
0x282: {  	[tilespmem:s18+$0x1CB10] =	vst v5  }
0x283: {  	[tilespmem:s18+$0x1CB50] =	vst v6  }
0x284: {  	v5 =	vld [tilespmem:s24+$0x20]  }
0x285: {  	v6 =	vld.idx.msk [tilespmem:v2+s18+$0xA0 ss:$0x1], $0xffff  }
0x286: {  	(v2sf) =	vpush v4, $0x2;
	_ =	sdelay $0x2  }
0x287: {  	v5 =	vmul.f32 v5, v48  }
0x288: {  	v6 =	vmul.f32 v6, v48  }
0x289: {  	[tilespmem:s18+$0x1CB20] =	vst v5  }
0x28a: {  	[tilespmem:s18+$0x1CB60] =	vst v6  }
0x28b: {  	v5 =	vld [tilespmem:s24+$0x30]  }
0x28c: {  	v6 =	vld.idx.msk [tilespmem:v2+s18+$0xB0 ss:$0x1], $0xffff;
	_ =	sdelay $0x3  }
0x28d: {  	v5 =	vmul.f32 v5, v48  }
0x28e: {  	v6 =	vmul.f32 v6, v48  }
0x28f: {  	[tilespmem:s18+$0x1CB30] =	vst v5  }
0x290: {  	s25 =	spop (v2sf);
	[tilespmem:s18+$0x1CB70] =	vst v6  }
0x291: {  	v5 =	vld [tilespmem:s25+$0x0]  }
0x292: {  	v6 =	vld.idx.msk [tilespmem:v2+s18+$0x100 ss:$0x1], $0xffff;
	_ =	sdelay $0x1  }
0x293: {  	v49 =	vbroadcast v3, $0x2;
	_ =	sdelay $0x1  }
0x294: {  	v5 =	vmul.f32 v5, v49  }
0x295: {  	v6 =	vmul.f32 v6, v49  }
0x296: {  	[tilespmem:s18+$0x1CB80] =	vst v5  }
0x297: {  	[tilespmem:s18+$0x1CBC0] =	vst v6  }
0x298: {  	v5 =	vld [tilespmem:s25+$0x10]  }
0x299: {  	v6 =	vld.idx.msk [tilespmem:v2+s18+$0x110 ss:$0x1], $0xffff;
	_ =	sdelay $0x3  }
0x29a: {  	v5 =	vmul.f32 v5, v49  }
0x29b: {  	v6 =	vmul.f32 v6, v49  }
0x29c: {  	[tilespmem:s18+$0x1CB90] =	vst v5  }
0x29d: {  	[tilespmem:s18+$0x1CBD0] =	vst v6  }
0x29e: {  	v5 =	vld [tilespmem:s25+$0x20]  }
0x29f: {  	v6 =	vld.idx.msk [tilespmem:v2+s18+$0x120 ss:$0x1], $0xffff  }
0x2a0: {  	(v2sf) =	vpush v4, $0x3;
	_ =	sdelay $0x2  }
0x2a1: {  	v5 =	vmul.f32 v5, v49  }
0x2a2: {  	v6 =	vmul.f32 v6, v49  }
0x2a3: {  	[tilespmem:s18+$0x1CBA0] =	vst v5  }
0x2a4: {  	[tilespmem:s18+$0x1CBE0] =	vst v6  }
0x2a5: {  	v5 =	vld [tilespmem:s25+$0x30]  }
0x2a6: {  	v6 =	vld.idx.msk [tilespmem:v2+s18+$0x130 ss:$0x1], $0xffff;
	_ =	sdelay $0x3  }
0x2a7: {  	v5 =	vmul.f32 v5, v49  }
0x2a8: {  	v6 =	vmul.f32 v6, v49  }
0x2a9: {  	[tilespmem:s18+$0x1CBB0] =	vst v5  }
0x2aa: {  	s26 =	spop (v2sf);
	[tilespmem:s18+$0x1CBF0] =	vst v6  }
0x2ab: {  	v5 =	vld [tilespmem:s26+$0x0]  }
0x2ac: {  	v6 =	vld.idx.msk [tilespmem:v2+s18+$0x180 ss:$0x1], $0xffff;
	_ =	sdelay $0x1  }
0x2ad: {  	v50 =	vbroadcast v3, $0x3;
	_ =	sdelay $0x1  }
0x2ae: {  	v5 =	vmul.f32 v5, v50  }
0x2af: {  	v6 =	vmul.f32 v6, v50  }
0x2b0: {  	[tilespmem:s18+$0x1CC00] =	vst v5  }
0x2b1: {  	[tilespmem:s18+$0x1CC40] =	vst v6  }
0x2b2: {  	v5 =	vld [tilespmem:s26+$0x10]  }
0x2b3: {  	v6 =	vld.idx.msk [tilespmem:v2+s18+$0x190 ss:$0x1], $0xffff;
	_ =	sdelay $0x3  }
0x2b4: {  	v5 =	vmul.f32 v5, v50  }
0x2b5: {  	v6 =	vmul.f32 v6, v50  }
0x2b6: {  	[tilespmem:s18+$0x1CC10] =	vst v5  }
0x2b7: {  	[tilespmem:s18+$0x1CC50] =	vst v6  }
0x2b8: {  	v5 =	vld [tilespmem:s26+$0x20]  }
0x2b9: {  	v6 =	vld.idx.msk [tilespmem:v2+s18+$0x1A0 ss:$0x1], $0xffff  }
0x2ba: {  	(v2sf) =	vpush v4, $0x4;
	_ =	sdelay $0x2  }
0x2bb: {  	v5 =	vmul.f32 v5, v50  }
0x2bc: {  	v6 =	vmul.f32 v6, v50  }
0x2bd: {  	[tilespmem:s18+$0x1CC20] =	vst v5  }
0x2be: {  	[tilespmem:s18+$0x1CC60] =	vst v6  }
0x2bf: {  	v5 =	vld [tilespmem:s26+$0x30]  }
0x2c0: {  	v6 =	vld.idx.msk [tilespmem:v2+s18+$0x1B0 ss:$0x1], $0xffff;
	_ =	sdelay $0x3  }
0x2c1: {  	v5 =	vmul.f32 v5, v50  }
0x2c2: {  	v6 =	vmul.f32 v6, v50  }
0x2c3: {  	[tilespmem:s18+$0x1CC30] =	vst v5  }
0x2c4: {  	s11 =	spop (v2sf);
	[tilespmem:s18+$0x1CC70] =	vst v6  }
0x2c5: {  	v5 =	vld [tilespmem:s11+$0x0]  }
0x2c6: {  	v6 =	vld.idx.msk [tilespmem:v2+s18+$0x200 ss:$0x1], $0xffff;
	_ =	sdelay $0x1  }
0x2c7: {  	v51 =	vbroadcast v3, $0x4;
	_ =	sdelay $0x1  }
0x2c8: {  	v5 =	vmul.f32 v5, v51  }
0x2c9: {  	v6 =	vmul.f32 v6, v51  }
0x2ca: {  	[tilespmem:s18+$0x1CC80] =	vst v5  }
0x2cb: {  	[tilespmem:s18+$0x1CCC0] =	vst v6  }
0x2cc: {  	v5 =	vld [tilespmem:s11+$0x10]  }
0x2cd: {  	v6 =	vld.idx.msk [tilespmem:v2+s18+$0x210 ss:$0x1], $0xffff;
	_ =	sdelay $0x3  }
0x2ce: {  	v5 =	vmul.f32 v5, v51  }
0x2cf: {  	v6 =	vmul.f32 v6, v51  }
0x2d0: {  	[tilespmem:s18+$0x1CC90] =	vst v5  }
0x2d1: {  	[tilespmem:s18+$0x1CCD0] =	vst v6  }
0x2d2: {  	v5 =	vld [tilespmem:s11+$0x20]  }
0x2d3: {  	v6 =	vld.idx.msk [tilespmem:v2+s18+$0x220 ss:$0x1], $0xffff  }
0x2d4: {  	(v2sf) =	vpush v4, $0x5;
	_ =	sdelay $0x2  }
0x2d5: {  	v5 =	vmul.f32 v5, v51  }
0x2d6: {  	v6 =	vmul.f32 v6, v51  }
0x2d7: {  	[tilespmem:s18+$0x1CCA0] =	vst v5  }
0x2d8: {  	[tilespmem:s18+$0x1CCE0] =	vst v6  }
0x2d9: {  	v5 =	vld [tilespmem:s11+$0x30]  }
0x2da: {  	v6 =	vld.idx.msk [tilespmem:v2+s18+$0x230 ss:$0x1], $0xffff;
	_ =	sdelay $0x3  }
0x2db: {  	v5 =	vmul.f32 v5, v51  }
0x2dc: {  	v6 =	vmul.f32 v6, v51  }
0x2dd: {  	[tilespmem:s18+$0x1CCB0] =	vst v5  }
0x2de: {  	s15 =	spop (v2sf);
	[tilespmem:s18+$0x1CCF0] =	vst v6  }
0x2df: {  	v5 =	vld [tilespmem:s15+$0x0]  }
0x2e0: {  	v6 =	vld.idx.msk [tilespmem:v2+s18+$0x280 ss:$0x1], $0xffff;
	_ =	sdelay $0x1  }
0x2e1: {  	v52 =	vbroadcast v3, $0x5;
	_ =	sdelay $0x1  }
0x2e2: {  	v5 =	vmul.f32 v5, v52  }
0x2e3: {  	v6 =	vmul.f32 v6, v52  }
0x2e4: {  	[tilespmem:s18+$0x1CD00] =	vst v5  }
0x2e5: {  	[tilespmem:s18+$0x1CD40] =	vst v6  }
0x2e6: {  	v5 =	vld [tilespmem:s15+$0x10]  }
0x2e7: {  	v6 =	vld.idx.msk [tilespmem:v2+s18+$0x290 ss:$0x1], $0xffff;
	_ =	sdelay $0x3  }
0x2e8: {  	v5 =	vmul.f32 v5, v52  }
0x2e9: {  	v6 =	vmul.f32 v6, v52  }
0x2ea: {  	[tilespmem:s18+$0x1CD10] =	vst v5  }
0x2eb: {  	[tilespmem:s18+$0x1CD50] =	vst v6  }
0x2ec: {  	v5 =	vld [tilespmem:s15+$0x20]  }
0x2ed: {  	v6 =	vld.idx.msk [tilespmem:v2+s18+$0x2A0 ss:$0x1], $0xffff  }
0x2ee: {  	(v2sf) =	vpush v4, $0x6;
	_ =	sdelay $0x2  }
0x2ef: {  	v5 =	vmul.f32 v5, v52  }
0x2f0: {  	v6 =	vmul.f32 v6, v52  }
0x2f1: {  	[tilespmem:s18+$0x1CD20] =	vst v5  }
0x2f2: {  	[tilespmem:s18+$0x1CD60] =	vst v6  }
0x2f3: {  	v5 =	vld [tilespmem:s15+$0x30]  }
0x2f4: {  	v6 =	vld.idx.msk [tilespmem:v2+s18+$0x2B0 ss:$0x1], $0xffff;
	_ =	sdelay $0x3  }
0x2f5: {  	v5 =	vmul.f32 v5, v52  }
0x2f6: {  	v6 =	vmul.f32 v6, v52  }
0x2f7: {  	[tilespmem:s18+$0x1CD30] =	vst v5  }
0x2f8: {  	s23 =	spop (v2sf);
	[tilespmem:s18+$0x1CD70] =	vst v6  }
0x2f9: {  	v5 =	vld [tilespmem:s23+$0x0]  }
0x2fa: {  	v6 =	vld.idx.msk [tilespmem:v2+s18+$0x300 ss:$0x1], $0xffff;
	_ =	sdelay $0x1  }
0x2fb: {  	v53 =	vbroadcast v3, $0x6;
	_ =	sdelay $0x1  }
0x2fc: {  	v5 =	vmul.f32 v5, v53  }
0x2fd: {  	v6 =	vmul.f32 v6, v53  }
0x2fe: {  	[tilespmem:s18+$0x1CD80] =	vst v5  }
0x2ff: {  	[tilespmem:s18+$0x1CDC0] =	vst v6  }
0x300: {  	v5 =	vld [tilespmem:s23+$0x10]  }
0x301: {  	v6 =	vld.idx.msk [tilespmem:v2+s18+$0x310 ss:$0x1], $0xffff;
	_ =	sdelay $0x3  }
0x302: {  	v5 =	vmul.f32 v5, v53  }
0x303: {  	v6 =	vmul.f32 v6, v53  }
0x304: {  	[tilespmem:s18+$0x1CD90] =	vst v5  }
0x305: {  	[tilespmem:s18+$0x1CDD0] =	vst v6  }
0x306: {  	v5 =	vld [tilespmem:s23+$0x20]  }
0x307: {  	v6 =	vld.idx.msk [tilespmem:v2+s18+$0x320 ss:$0x1], $0xffff  }
0x308: {  	(v2sf) =	vpush v4, $0x7;
	_ =	sdelay $0x2  }
0x309: {  	v5 =	vmul.f32 v5, v53  }
0x30a: {  	v6 =	vmul.f32 v6, v53  }
0x30b: {  	[tilespmem:s18+$0x1CDA0] =	vst v5  }
0x30c: {  	[tilespmem:s18+$0x1CDE0] =	vst v6  }
0x30d: {  	v5 =	vld [tilespmem:s23+$0x30]  }
0x30e: {  	v6 =	vld.idx.msk [tilespmem:v2+s18+$0x330 ss:$0x1], $0xffff;
	_ =	sdelay $0x3  }
0x30f: {  	v5 =	vmul.f32 v5, v53  }
0x310: {  	v6 =	vmul.f32 v6, v53  }
0x311: {  	[tilespmem:s18+$0x1CDB0] =	vst v5  }
0x312: {  	s24 =	spop (v2sf);
	[tilespmem:s18+$0x1CDF0] =	vst v6  }
0x313: {  	v5 =	vld [tilespmem:s24+$0x0]  }
0x314: {  	v6 =	vld.idx.msk [tilespmem:v2+s18+$0x380 ss:$0x1], $0xffff;
	_ =	sdelay $0x1  }
0x315: {  	v54 =	vbroadcast v3, $0x7;
	_ =	sdelay $0x1  }
0x316: {  	v5 =	vmul.f32 v5, v54  }
0x317: {  	v6 =	vmul.f32 v6, v54  }
0x318: {  	[tilespmem:s18+$0x1CE00] =	vst v5  }
0x319: {  	[tilespmem:s18+$0x1CE40] =	vst v6  }
0x31a: {  	v5 =	vld [tilespmem:s24+$0x10]  }
0x31b: {  	v6 =	vld.idx.msk [tilespmem:v2+s18+$0x390 ss:$0x1], $0xffff;
	_ =	sdelay $0x3  }
0x31c: {  	v5 =	vmul.f32 v5, v54  }
0x31d: {  	v6 =	vmul.f32 v6, v54  }
0x31e: {  	[tilespmem:s18+$0x1CE10] =	vst v5  }
0x31f: {  	[tilespmem:s18+$0x1CE50] =	vst v6  }
0x320: {  	v5 =	vld [tilespmem:s24+$0x20]  }
0x321: {  	v6 =	vld.idx.msk [tilespmem:v2+s18+$0x3A0 ss:$0x1], $0xffff  }
0x322: {  	(v2sf) =	vpush v4, $0x8;
	_ =	sdelay $0x2  }
0x323: {  	v5 =	vmul.f32 v5, v54  }
0x324: {  	v6 =	vmul.f32 v6, v54  }
0x325: {  	[tilespmem:s18+$0x1CE20] =	vst v5  }
0x326: {  	[tilespmem:s18+$0x1CE60] =	vst v6  }
0x327: {  	v5 =	vld [tilespmem:s24+$0x30]  }
0x328: {  	v6 =	vld.idx.msk [tilespmem:v2+s18+$0x3B0 ss:$0x1], $0xffff;
	_ =	sdelay $0x3  }
0x329: {  	v5 =	vmul.f32 v5, v54  }
0x32a: {  	v6 =	vmul.f32 v6, v54  }
0x32b: {  	[tilespmem:s18+$0x1CE30] =	vst v5  }
0x32c: {  	s25 =	spop (v2sf);
	[tilespmem:s18+$0x1CE70] =	vst v6  }
0x32d: {  	v5 =	vld [tilespmem:s25+$0x0]  }
0x32e: {  	v6 =	vld.idx.msk [tilespmem:v2+s18+$0x400 ss:$0x1], $0xffff;
	_ =	sdelay $0x1  }
0x32f: {  	v55 =	vbroadcast v3, $0x8;
	_ =	sdelay $0x1  }
0x330: {  	v5 =	vmul.f32 v5, v55  }
0x331: {  	v6 =	vmul.f32 v6, v55  }
0x332: {  	[tilespmem:s18+$0x1CE80] =	vst v5  }
0x333: {  	[tilespmem:s18+$0x1CEC0] =	vst v6  }
0x334: {  	v5 =	vld [tilespmem:s25+$0x10]  }
0x335: {  	v6 =	vld.idx.msk [tilespmem:v2+s18+$0x410 ss:$0x1], $0xffff;
	_ =	sdelay $0x3  }
0x336: {  	v5 =	vmul.f32 v5, v55  }
0x337: {  	v6 =	vmul.f32 v6, v55  }
0x338: {  	[tilespmem:s18+$0x1CE90] =	vst v5  }
0x339: {  	[tilespmem:s18+$0x1CED0] =	vst v6  }
0x33a: {  	v5 =	vld [tilespmem:s25+$0x20]  }
0x33b: {  	v6 =	vld.idx.msk [tilespmem:v2+s18+$0x420 ss:$0x1], $0xffff  }
0x33c: {  	(v2sf) =	vpush v4, $0x9;
	_ =	sdelay $0x2  }
0x33d: {  	v5 =	vmul.f32 v5, v55  }
0x33e: {  	v6 =	vmul.f32 v6, v55  }
0x33f: {  	[tilespmem:s18+$0x1CEA0] =	vst v5  }
0x340: {  	[tilespmem:s18+$0x1CEE0] =	vst v6  }
0x341: {  	v5 =	vld [tilespmem:s25+$0x30]  }
0x342: {  	v6 =	vld.idx.msk [tilespmem:v2+s18+$0x430 ss:$0x1], $0xffff;
	_ =	sdelay $0x3  }
0x343: {  	v5 =	vmul.f32 v5, v55  }
0x344: {  	v6 =	vmul.f32 v6, v55  }
0x345: {  	[tilespmem:s18+$0x1CEB0] =	vst v5  }
0x346: {  	s26 =	spop (v2sf);
	[tilespmem:s18+$0x1CEF0] =	vst v6  }
0x347: {  	v5 =	vld [tilespmem:s26+$0x0]  }
0x348: {  	v6 =	vld.idx.msk [tilespmem:v2+s18+$0x480 ss:$0x1], $0xffff;
	_ =	sdelay $0x1  }
0x349: {  	v56 =	vbroadcast v3, $0x9;
	_ =	sdelay $0x1  }
0x34a: {  	v5 =	vmul.f32 v5, v56  }
0x34b: {  	v6 =	vmul.f32 v6, v56  }
0x34c: {  	[tilespmem:s18+$0x1CF00] =	vst v5  }
0x34d: {  	[tilespmem:s18+$0x1CF40] =	vst v6  }
0x34e: {  	v5 =	vld [tilespmem:s26+$0x10]  }
0x34f: {  	v6 =	vld.idx.msk [tilespmem:v2+s18+$0x490 ss:$0x1], $0xffff;
	_ =	sdelay $0x3  }
0x350: {  	v5 =	vmul.f32 v5, v56  }
0x351: {  	v6 =	vmul.f32 v6, v56  }
0x352: {  	[tilespmem:s18+$0x1CF10] =	vst v5  }
0x353: {  	[tilespmem:s18+$0x1CF50] =	vst v6  }
0x354: {  	v5 =	vld [tilespmem:s26+$0x20]  }
0x355: {  	v6 =	vld.idx.msk [tilespmem:v2+s18+$0x4A0 ss:$0x1], $0xffff  }
0x356: {  	(v2sf) =	vpush v4, $0xA;
	_ =	sdelay $0x2  }
0x357: {  	v5 =	vmul.f32 v5, v56  }
0x358: {  	v6 =	vmul.f32 v6, v56  }
0x359: {  	[tilespmem:s18+$0x1CF20] =	vst v5  }
0x35a: {  	[tilespmem:s18+$0x1CF60] =	vst v6  }
0x35b: {  	v5 =	vld [tilespmem:s26+$0x30]  }
0x35c: {  	v6 =	vld.idx.msk [tilespmem:v2+s18+$0x4B0 ss:$0x1], $0xffff;
	_ =	sdelay $0x3  }
0x35d: {  	v5 =	vmul.f32 v5, v56  }
0x35e: {  	v6 =	vmul.f32 v6, v56  }
0x35f: {  	[tilespmem:s18+$0x1CF30] =	vst v5  }
0x360: {  	s11 =	spop (v2sf);
	[tilespmem:s18+$0x1CF70] =	vst v6  }
0x361: {  	v5 =	vld [tilespmem:s11+$0x0]  }
0x362: {  	v6 =	vld.idx.msk [tilespmem:v2+s18+$0x500 ss:$0x1], $0xffff;
	_ =	sdelay $0x1  }
0x363: {  	v57 =	vbroadcast v3, $0xA;
	_ =	sdelay $0x1  }
0x364: {  	v5 =	vmul.f32 v5, v57  }
0x365: {  	v6 =	vmul.f32 v6, v57  }
0x366: {  	[tilespmem:s18+$0x1CF80] =	vst v5  }
0x367: {  	[tilespmem:s18+$0x1CFC0] =	vst v6  }
0x368: {  	v5 =	vld [tilespmem:s11+$0x10]  }
0x369: {  	v6 =	vld.idx.msk [tilespmem:v2+s18+$0x510 ss:$0x1], $0xffff;
	_ =	sdelay $0x3  }
0x36a: {  	v5 =	vmul.f32 v5, v57  }
0x36b: {  	v6 =	vmul.f32 v6, v57  }
0x36c: {  	[tilespmem:s18+$0x1CF90] =	vst v5  }
0x36d: {  	[tilespmem:s18+$0x1CFD0] =	vst v6  }
0x36e: {  	v5 =	vld [tilespmem:s11+$0x20]  }
0x36f: {  	v6 =	vld.idx.msk [tilespmem:v2+s18+$0x520 ss:$0x1], $0xffff  }
0x370: {  	(v2sf) =	vpush v4, $0xB;
	_ =	sdelay $0x2  }
0x371: {  	v5 =	vmul.f32 v5, v57  }
0x372: {  	v6 =	vmul.f32 v6, v57  }
0x373: {  	[tilespmem:s18+$0x1CFA0] =	vst v5  }
0x374: {  	[tilespmem:s18+$0x1CFE0] =	vst v6  }
0x375: {  	v5 =	vld [tilespmem:s11+$0x30]  }
0x376: {  	v6 =	vld.idx.msk [tilespmem:v2+s18+$0x530 ss:$0x1], $0xffff;
	_ =	sdelay $0x3  }
0x377: {  	v5 =	vmul.f32 v5, v57  }
0x378: {  	v6 =	vmul.f32 v6, v57  }
0x379: {  	[tilespmem:s18+$0x1CFB0] =	vst v5  }
0x37a: {  	s15 =	spop (v2sf);
	[tilespmem:s18+$0x1CFF0] =	vst v6  }
0x37b: {  	v5 =	vld [tilespmem:s15+$0x0]  }
0x37c: {  	v6 =	vld.idx.msk [tilespmem:v2+s18+$0x580 ss:$0x1], $0xffff;
	_ =	sdelay $0x1  }
0x37d: {  	v58 =	vbroadcast v3, $0xB;
	_ =	sdelay $0x1  }
0x37e: {  	v5 =	vmul.f32 v5, v58  }
0x37f: {  	v6 =	vmul.f32 v6, v58  }
0x380: {  	[tilespmem:s18+$0x1D000] =	vst v5  }
0x381: {  	[tilespmem:s18+$0x1D040] =	vst v6  }
0x382: {  	v5 =	vld [tilespmem:s15+$0x10]  }
0x383: {  	v6 =	vld.idx.msk [tilespmem:v2+s18+$0x590 ss:$0x1], $0xffff;
	_ =	sdelay $0x3  }
0x384: {  	v5 =	vmul.f32 v5, v58  }
0x385: {  	v6 =	vmul.f32 v6, v58  }
0x386: {  	[tilespmem:s18+$0x1D010] =	vst v5  }
0x387: {  	[tilespmem:s18+$0x1D050] =	vst v6  }
0x388: {  	v5 =	vld [tilespmem:s15+$0x20]  }
0x389: {  	v6 =	vld.idx.msk [tilespmem:v2+s18+$0x5A0 ss:$0x1], $0xffff  }
0x38a: {  	(v2sf) =	vpush v4, $0xC;
	_ =	sdelay $0x2  }
0x38b: {  	v5 =	vmul.f32 v5, v58  }
0x38c: {  	v6 =	vmul.f32 v6, v58  }
0x38d: {  	[tilespmem:s18+$0x1D020] =	vst v5  }
0x38e: {  	[tilespmem:s18+$0x1D060] =	vst v6  }
0x38f: {  	v5 =	vld [tilespmem:s15+$0x30]  }
0x390: {  	v6 =	vld.idx.msk [tilespmem:v2+s18+$0x5B0 ss:$0x1], $0xffff;
	_ =	sdelay $0x3  }
0x391: {  	v5 =	vmul.f32 v5, v58  }
0x392: {  	v6 =	vmul.f32 v6, v58  }
0x393: {  	[tilespmem:s18+$0x1D030] =	vst v5  }
0x394: {  	s23 =	spop (v2sf);
	[tilespmem:s18+$0x1D070] =	vst v6  }
0x395: {  	v5 =	vld [tilespmem:s23+$0x0]  }
0x396: {  	v6 =	vld.idx.msk [tilespmem:v2+s18+$0x600 ss:$0x1], $0xffff;
	_ =	sdelay $0x1  }
0x397: {  	v59 =	vbroadcast v3, $0xC;
	_ =	sdelay $0x1  }
0x398: {  	v5 =	vmul.f32 v5, v59  }
0x399: {  	v6 =	vmul.f32 v6, v59  }
0x39a: {  	[tilespmem:s18+$0x1D080] =	vst v5  }
0x39b: {  	[tilespmem:s18+$0x1D0C0] =	vst v6  }
0x39c: {  	v5 =	vld [tilespmem:s23+$0x10]  }
0x39d: {  	v6 =	vld.idx.msk [tilespmem:v2+s18+$0x610 ss:$0x1], $0xffff;
	_ =	sdelay $0x3  }
0x39e: {  	v5 =	vmul.f32 v5, v59  }
0x39f: {  	v6 =	vmul.f32 v6, v59  }
0x3a0: {  	[tilespmem:s18+$0x1D090] =	vst v5  }
0x3a1: {  	[tilespmem:s18+$0x1D0D0] =	vst v6  }
0x3a2: {  	v5 =	vld [tilespmem:s23+$0x20]  }
0x3a3: {  	v6 =	vld.idx.msk [tilespmem:v2+s18+$0x620 ss:$0x1], $0xffff  }
0x3a4: {  	(v2sf) =	vpush v4, $0xD;
	_ =	sdelay $0x2  }
0x3a5: {  	v5 =	vmul.f32 v5, v59  }
0x3a6: {  	v6 =	vmul.f32 v6, v59  }
0x3a7: {  	[tilespmem:s18+$0x1D0A0] =	vst v5  }
0x3a8: {  	[tilespmem:s18+$0x1D0E0] =	vst v6  }
0x3a9: {  	v5 =	vld [tilespmem:s23+$0x30]  }
0x3aa: {  	v6 =	vld.idx.msk [tilespmem:v2+s18+$0x630 ss:$0x1], $0xffff;
	_ =	sdelay $0x3  }
0x3ab: {  	v5 =	vmul.f32 v5, v59  }
0x3ac: {  	v6 =	vmul.f32 v6, v59  }
0x3ad: {  	[tilespmem:s18+$0x1D0B0] =	vst v5  }
0x3ae: {  	s24 =	spop (v2sf);
	[tilespmem:s18+$0x1D0F0] =	vst v6  }
0x3af: {  	v5 =	vld [tilespmem:s24+$0x0]  }
0x3b0: {  	v6 =	vld.idx.msk [tilespmem:v2+s18+$0x680 ss:$0x1], $0xffff;
	_ =	sdelay $0x1  }
0x3b1: {  	v60 =	vbroadcast v3, $0xD;
	_ =	sdelay $0x1  }
0x3b2: {  	v5 =	vmul.f32 v5, v60  }
0x3b3: {  	v6 =	vmul.f32 v6, v60  }
0x3b4: {  	[tilespmem:s18+$0x1D100] =	vst v5  }
0x3b5: {  	[tilespmem:s18+$0x1D140] =	vst v6  }
0x3b6: {  	v5 =	vld [tilespmem:s24+$0x10]  }
0x3b7: {  	v6 =	vld.idx.msk [tilespmem:v2+s18+$0x690 ss:$0x1], $0xffff;
	_ =	sdelay $0x3  }
0x3b8: {  	v5 =	vmul.f32 v5, v60  }
0x3b9: {  	v6 =	vmul.f32 v6, v60  }
0x3ba: {  	[tilespmem:s18+$0x1D110] =	vst v5  }
0x3bb: {  	[tilespmem:s18+$0x1D150] =	vst v6  }
0x3bc: {  	v5 =	vld [tilespmem:s24+$0x20]  }
0x3bd: {  	v6 =	vld.idx.msk [tilespmem:v2+s18+$0x6A0 ss:$0x1], $0xffff  }
0x3be: {  	(v2sf) =	vpush v4, $0xE;
	_ =	sdelay $0x2  }
0x3bf: {  	v5 =	vmul.f32 v5, v60  }
0x3c0: {  	v6 =	vmul.f32 v6, v60  }
0x3c1: {  	[tilespmem:s18+$0x1D120] =	vst v5  }
0x3c2: {  	[tilespmem:s18+$0x1D160] =	vst v6  }
0x3c3: {  	v5 =	vld [tilespmem:s24+$0x30]  }
0x3c4: {  	v6 =	vld.idx.msk [tilespmem:v2+s18+$0x6B0 ss:$0x1], $0xffff;
	_ =	sdelay $0x3  }
0x3c5: {  	v5 =	vmul.f32 v5, v60  }
0x3c6: {  	v6 =	vmul.f32 v6, v60  }
0x3c7: {  	[tilespmem:s18+$0x1D130] =	vst v5  }
0x3c8: {  	s25 =	spop (v2sf);
	[tilespmem:s18+$0x1D170] =	vst v6  }
0x3c9: {  	v5 =	vld [tilespmem:s25+$0x0]  }
0x3ca: {  	v6 =	vld.idx.msk [tilespmem:v2+s18+$0x700 ss:$0x1], $0xffff;
	_ =	sdelay $0x1  }
0x3cb: {  	v61 =	vbroadcast v3, $0xE;
	_ =	sdelay $0x1  }
0x3cc: {  	v5 =	vmul.f32 v5, v61  }
0x3cd: {  	v6 =	vmul.f32 v6, v61  }
0x3ce: {  	[tilespmem:s18+$0x1D180] =	vst v5  }
0x3cf: {  	[tilespmem:s18+$0x1D1C0] =	vst v6  }
0x3d0: {  	v5 =	vld [tilespmem:s25+$0x10]  }
0x3d1: {  	v6 =	vld.idx.msk [tilespmem:v2+s18+$0x710 ss:$0x1], $0xffff;
	_ =	sdelay $0x3  }
0x3d2: {  	v5 =	vmul.f32 v5, v61  }
0x3d3: {  	v6 =	vmul.f32 v6, v61  }
0x3d4: {  	[tilespmem:s18+$0x1D190] =	vst v5  }
0x3d5: {  	[tilespmem:s18+$0x1D1D0] =	vst v6  }
0x3d6: {  	v5 =	vld [tilespmem:s25+$0x20]  }
0x3d7: {  	v6 =	vld.idx.msk [tilespmem:v2+s18+$0x720 ss:$0x1], $0xffff  }
0x3d8: {  	(v2sf) =	vpush v4, $0xF;
	_ =	sdelay $0x2  }
0x3d9: {  	v62 =	vmul.f32 v5, v61  }
0x3da: {  	v63 =	vmul.f32 v6, v61  }
0x3db: {  	[tilespmem:s18+$0x1D1A0] =	vst v62  }
0x3dc: {  	[tilespmem:s18+$0x1D1E0] =	vst v63  }
0x3dd: {  	v4 =	vld [tilespmem:s25+$0x30]  }
0x3de: {  	v5 =	vld.idx.msk [tilespmem:v2+s18+$0x730 ss:$0x1], $0xffff;
	_ =	sdelay $0x3  }
0x3df: {  	v4 =	vmul.f32 v4, v61  }
0x3e0: {  	v5 =	vmul.f32 v5, v61  }
0x3e1: {  	[tilespmem:s18+$0x1D1B0] =	vst v4  }
0x3e2: {  	s26 =	spop (v2sf);
	[tilespmem:s18+$0x1D1F0] =	vst v5  }
0x3e3: {  	v4 =	vld [tilespmem:s26+$0x0]  }
0x3e4: {  	v5 =	vld.idx.msk [tilespmem:v2+s18+$0x780 ss:$0x1], $0xffff;
	_ =	sdelay $0x1  }
0x3e5: {  	v3 =	vbroadcast v3, $0xF;
	_ =	sdelay $0x1  }
0x3e6: {  	v4 =	vmul.f32 v4, v3  }
0x3e7: {  	v5 =	vmul.f32 v5, v3  }
0x3e8: {  	[tilespmem:s18+$0x1D200] =	vst v4  }
0x3e9: {  	[tilespmem:s18+$0x1D240] =	vst v5  }
0x3ea: {  	v4 =	vld [tilespmem:s26+$0x10]  }
0x3eb: {  	v5 =	vld.idx.msk [tilespmem:v2+s18+$0x790 ss:$0x1], $0xffff;
	_ =	sdelay $0x3  }
0x3ec: {  	v4 =	vmul.f32 v4, v3  }
0x3ed: {  	v5 =	vmul.f32 v5, v3  }
0x3ee: {  	[tilespmem:s18+$0x1D210] =	vst v4  }
0x3ef: {  	[tilespmem:s18+$0x1D250] =	vst v5  }
0x3f0: {  	v4 =	vld [tilespmem:s26+$0x20]  }
0x3f1: {  	v5 =	vld.idx.msk [tilespmem:v2+s18+$0x7A0 ss:$0x1], $0xffff;
	_ =	sdelay $0x3  }
0x3f2: {  	v4 =	vmul.f32 v4, v3  }
0x3f3: {  	v5 =	vmul.f32 v5, v3  }
0x3f4: {  	[tilespmem:s18+$0x1D220] =	vst v4  }
0x3f5: {  	[tilespmem:s18+$0x1D260] =	vst v5  }
0x3f6: {  	v4 =	vld [tilespmem:s26+$0x30]  }
0x3f7: {  	v5 =	vld.idx.msk [tilespmem:v2+s18+$0x7B0 ss:$0x1], $0xffff;
	_ =	sdelay $0x1  }
0x3f8: {  	p1 =	sne.s32 s22, $0x6000  }
.Ltmp6:
0x3f9: {  	_ = 	snop;
	(pc) =	sbr.rel @p1 .LBB2_12-.Ltmp6, $4  }
0x3fa: {  	v4 =	vmul.f32 v4, v3  }
0x3fb: {  	v3 =	vmul.f32 v5, v3  }
0x3fc: {  	[tilespmem:s18+$0x1D230] =	vst v4  }
0x3fd: {  	s14 =	sadd.s32 $0x10, s14;
	s22 =	sadd.s32 $0x2000, s22;
	s16 =	sadd.s32 $0x10, s16;
	[tilespmem:s18+$0x1D270] =	vst v3  }
0x3fe: {  	s13 =	sadd.s32 $0x1, s13  }
0x3ff: {  	p1 =	sne.s32 s13, $0x40  }
.Ltmp7:
0x400: {  	_ = 	snop;
	(pc) =	sbr.rel @p1 .LBB2_2-.Ltmp7, $4  }
0x401: {  	_ = 	snop  }
0x402: {  	s10 =	sshll.u32 s19, $0xA;
	s11 =	sadd.s32 s7, s20  }
0x403: {  	s1 =	sadd.s32 $0x80, s1;
	p0 =	por !p0, !p0;
	s10 =	sadd.s32 s10, s11  }
0x404: {  	[hbm4b:s10+s8] =	stream.linear.scatter [tilespmem:s30], [sflag:$0x4], $0x2000, $0x38;
	[tilespmem:$0x1EA80] =	vst v63  }
0x405: {  	_ =	swait.ge [sflag:s31], $0x2000  }
0x406: {  	[sflag:s31] =	ssyncset.done $0x0  }
0x407: {  	[sflag:s31] =	ssyncadd.s32 $0xFFFFE000  }
0x408: {  	_ =	swait.ge [sflag:s2], $0x2000  }
0x409: {  	s5 =	sadd.s32 $0x1, s5;
	s1 =	rddreg [dreg:$0x9]  }
0x40a: {  	p0 =	sne.s32 s5, s1  }
.Ltmp8:
0x40b: {  	_ = 	snop;
	(pc) =	sbr.rel @p0 .LBB2_1-.Ltmp8, $3  }
0x40c: {  	_ =	sdelay $0x1  }
0x40d: {  	[sflag:s2] =	ssyncset.done $0x0  }
0x40e: {  	[sflag:s2] =	ssyncadd.s32 $0xFFFFE000  }
0x40f: {  	_ =	sfence.sel $0x180000  }
0x410: {  	[bflag:$0x0] =	sbarrier.arrive $0xFFFF  }
0x411: {  	_ =	strace $0x90000047  }
0x412: {  	s0 =	stileid.u32;
	[bflag:$0x2] =	sbarrier.arrive $0xFFFF  }
0x413: {  	p0 =	sne.s32 s0, $0x0;
	s0 =	rddreg [dreg:$0x7]  }
0x414: {  	s0 =	sadd.s32 @!p0 $0x100000, s0  }
0x415: {  	[sflag:s0] =	ssyncadd.tile.s32 @!p0 $0x1;
	_ =	shalt  }
.Lfunc_end2:
_tile_overlayer_lowered:
.L_overlay_start_2:
0x416: {  	(tag) =	ssettag $0x2  }
0x417: {  	s0 =	rddreg [dreg:$0x0];
	s2 =	stileid.u32  }
0x418: {  	s1 =	rddreg [dreg:$0x1];
	p0 =	sne.s32 s2, $0x0  }
0x419: {  	s3 =	rddreg [dreg:$0x2];
	[bflag:$0x3] =	sbarrier.arrive $0xFFFF;
	s2 =	simm.s32 @!p0 $0x1C05  }
0x41a: {  	[timem:s3], [sflag:s2] =	dma.local @!p0 [hbm:s0], s1  }
0x41b: {  	s0 =	simm.s32 @!p0 $0x5  }
0x41c: {  	_ =	swait.ge @!p0 [sflag:s0], s1  }
0x41d: {  	s1 =	ssub.s32 @!p0 $0x0, s1;
	[sflag:s0] =	ssyncset.done @!p0 $0x0  }
0x41e: {  	[sflag:s0] =	ssyncadd.s32 @!p0 s1  }
0x41f: {  	[bflag:$0x3] =	sbarrier.arrive $0xFFFF  }
0x420: {  	_ =	shalt  }

</sc_bundles>
